<compile_context>
chip_gen: v7x
topology: tpu7x:2x2x1
jax: 0.10.2.dev20260603
libtpu: 0.0.44.dev20260713+nightly
codegen_flags: <defaults>
</compile_context>

<pallas_src>
import functools

import jax
import jax.numpy as jnp
from jax import lax
from jax.experimental import pallas as pl
from jax.experimental.pallas import tpu as pltpu
from jax.experimental.pallas import tpu_sc as plsc

H = 128
NEI = 6
NC, NS = 2, 16
NW = NC * NS
G = 120
LG = H // 16


def _make_gather_sum(n_src, n_dst, chunk):
    assert n_dst % (NW * chunk) == 0
    assert (chunk * NEI) % G == 0
    per_w = n_dst // NW
    n_chunks = per_w // chunk
    R = (chunk * NEI) // G
    rows_per_w = per_w * NEI // G

    def body(table_hbm, idx_hbm, out_hbm, idx_v, rows_v, acc_v, sem):
        wid = lax.axis_index("s") * NC + lax.axis_index("c")
        out_base = wid * per_w
        pltpu.sync_copy(idx_hbm.at[wid], idx_v)

        def chunk_body(ci, carry):
            cps = [
                pltpu.async_copy(
                    table_hbm.at[idx_v.at[ci * R + g]],
                    rows_v.at[pl.ds(g * G, G)],
                    sem,
                )
                for g in range(R)
            ]
            for cp in cps:
                cp.wait()

            def bond_body(j, c2):
                base = j * NEI
                for l in range(LG):
                    s = pl.ds(l * 16, 16)
                    a = rows_v[base, s]
                    for k in range(1, NEI):
                        a = a + rows_v[base + k, s]
                    acc_v[j, s] = a
                return c2

            lax.fori_loop(0, chunk, bond_body, 0)
            pltpu.sync_copy(acc_v, out_hbm.at[pl.ds(out_base + ci * chunk, chunk)])
            return carry

        lax.fori_loop(0, n_chunks, chunk_body, 0)

    return pl.kernel(
        body,
        out_type=jax.ShapeDtypeStruct((n_dst, H), jnp.float32),
        mesh=plsc.VectorSubcoreMesh(
            core_axis_name="c", subcore_axis_name="s",
            num_cores=NC, num_subcores=NS),
        scratch_types=[
            pltpu.VMEM((rows_per_w, G), jnp.int32),
            pltpu.VMEM((chunk * NEI, H), jnp.float32),
            pltpu.VMEM((chunk, H), jnp.float32),
            pltpu.SemaphoreType.DMA,
        ],
        name=f"sc_gather_sum_{n_dst}",
    )


def _tc_input_proj(x, w, bm):
    m, k = x.shape
    n = w.shape[1]

    def body(x_ref, w_ref, pre_ref, msg_ref):
        acc = jnp.dot(x_ref[...], w_ref[...], preferred_element_type=jnp.float32)
        pre_ref[...] = acc
        msg_ref[...] = jnp.maximum(acc, 0.0)

    return pl.pallas_call(
        body,
        grid=(m // bm,),
        in_specs=[
            pl.BlockSpec((bm, k), lambda i: (i, 0)),
            pl.BlockSpec((k, n), lambda i: (0, 0)),
        ],
        out_specs=[
            pl.BlockSpec((bm, n), lambda i: (i, 0)),
            pl.BlockSpec((bm, n), lambda i: (i, 0)),
        ],
        out_shape=[
            jax.ShapeDtypeStruct((m, n), jnp.float32),
            jax.ShapeDtypeStruct((m, n), jnp.float32),
        ],
        name="tc_input_proj",
    )(x, w)


def _tc_layer_update(s, pre, w, bm):
    m, k = s.shape
    n = w.shape[1]

    def body(s_ref, pre_ref, w_ref, out_ref):
        acc = jnp.dot(s_ref[...], w_ref[...], preferred_element_type=jnp.float32)
        out_ref[...] = jnp.maximum(pre_ref[...] + acc, 0.0)

    return pl.pallas_call(
        body,
        grid=(m // bm,),
        in_specs=[
            pl.BlockSpec((bm, k), lambda i: (i, 0)),
            pl.BlockSpec((bm, n), lambda i: (i, 0)),
            pl.BlockSpec((k, n), lambda i: (0, 0)),
        ],
        out_specs=pl.BlockSpec((bm, n), lambda i: (i, 0)),
        out_shape=jax.ShapeDtypeStruct((m, n), jnp.float32),
        name="tc_layer_update",
    )(s, pre, w)


def _tc_readout(fa, na, w_a, w_n, b, bm):
    m = fa.shape[0]
    n = w_a.shape[1]

    def body(fa_ref, na_ref, wa_ref, wn_ref, b_ref, out_ref):
        acc = jnp.dot(fa_ref[...], wa_ref[...], preferred_element_type=jnp.float32)
        acc = acc + jnp.dot(na_ref[...], wn_ref[...], preferred_element_type=jnp.float32)
        out_ref[...] = acc + b_ref[...]

    return pl.pallas_call(
        body,
        grid=(m // bm,),
        in_specs=[
            pl.BlockSpec((bm, fa.shape[1]), lambda i: (i, 0)),
            pl.BlockSpec((bm, na.shape[1]), lambda i: (i, 0)),
            pl.BlockSpec((fa.shape[1], n), lambda i: (0, 0)),
            pl.BlockSpec((na.shape[1], n), lambda i: (0, 0)),
            pl.BlockSpec((1, n), lambda i: (0, 0)),
        ],
        out_specs=pl.BlockSpec((bm, n), lambda i: (i, 0)),
        out_shape=jax.ShapeDtypeStruct((m, n), jnp.float32),
        name="tc_readout",
    )(fa, na, w_a, w_n, b)


def _tc_mol_head(atom3, w_mh, b_mh, w_mo_row, b_mo):
    n_mols, per_mol, h = atom3.shape
    ffn = w_mh.shape[1]

    def body(x_ref, wmh_ref, bmh_ref, wmo_ref, bmo_ref, out_ref):
        pooled = jnp.sum(x_ref[...], axis=1) * (1.0 / per_mol)
        hid = jnp.dot(pooled, wmh_ref[...], preferred_element_type=jnp.float32)
        hid = jnp.maximum(hid + bmh_ref[...], 0.0)
        o = jnp.sum(hid * wmo_ref[...], axis=1, keepdims=True)
        out_ref[...] = o + bmo_ref[...]

    return pl.pallas_call(
        body,
        in_specs=[
            pl.BlockSpec((n_mols, per_mol, h), lambda: (0, 0, 0)),
            pl.BlockSpec((h, ffn), lambda: (0, 0)),
            pl.BlockSpec((1, ffn), lambda: (0, 0)),
            pl.BlockSpec((1, ffn), lambda: (0, 0)),
            pl.BlockSpec((1, 1), lambda: (0, 0)),
        ],
        out_specs=pl.BlockSpec((n_mols, 1), lambda: (0, 0)),
        out_shape=jax.ShapeDtypeStruct((n_mols, 1), jnp.float32),
        name="tc_mol_head",
    )(atom3, w_mh, b_mh, w_mo_row, b_mo)


N_ATOMS = 10000
N_BONDS = 160000
N_ATOMS_PAD = 10240
N_LAYERS = 5
N_MOLS = 200
ATOMS_PER_MOL = 50

_gs_bonds = _make_gather_sum(N_BONDS, N_BONDS, chunk=40)
_gs_atoms = _make_gather_sum(N_BONDS, N_ATOMS_PAD, chunk=80)


def kernel(fatoms, fbonds, agraph, bgraph, W_i, W_h, W_o, b_o, W_mh, b_mh, W_mo, b_mo):
    bond_idx = bgraph.reshape(NW, N_BONDS * NEI // G // NW, G)
    atom_idx = jnp.pad(agraph, ((0, N_ATOMS_PAD - N_ATOMS), (0, 0))).reshape(
        NW, N_ATOMS_PAD * NEI // G // NW, G)

    pre, msg = _tc_input_proj(fbonds, W_i, bm=2000)
    for _ in range(N_LAYERS - 1):
        s = _gs_bonds(msg, bond_idx)
        msg = _tc_layer_update(s, pre, W_h, bm=2000)

    na = _gs_atoms(msg, atom_idx)[:N_ATOMS]
    atom_h = _tc_readout(fatoms, na, W_o[:H], W_o[H:], b_o.reshape(1, H), bm=1000)
    mol_o = _tc_mol_head(
        atom_h.reshape(N_MOLS, ATOMS_PER_MOL, H),
        W_mh, b_mh.reshape(1, -1), W_mo.reshape(1, -1), b_mo.reshape(1, 1))
    return (atom_h, mol_o)

# --- scband reference (transcript-rebuilt; emitter-appended) ---
"""Pipeline reference for scband-gcn-24970939859460 (READ-ONLY COPY).

The authoritative reference and input builder live on the scoring server;
editing this copy changes nothing except your own understanding.
"""

import jax, jax.numpy as jnp
import numpy as np

N_ATOMS = 10000
N_BONDS = 160000
MAX_NEI = 6
H = 128
F_ATOM = 128
F_BOND_IN = 144
FFN = 256
N_LABELS = 1
N_MOLS = 200
ATOMS_PER_MOL = 50
N_LAYERS = 5


def setup_inputs(seed: int = 0) -> dict:
    key = jax.random.key(seed)
    ks = jax.random.split(key, 12)
    fatoms = jax.random.normal(ks[0], (N_ATOMS, F_ATOM), dtype=jnp.float32)
    fbonds = jax.random.normal(ks[1], (N_BONDS, F_BOND_IN), dtype=jnp.float32)
    agraph = jax.random.randint(ks[2], (N_ATOMS, MAX_NEI), 0, N_BONDS, dtype=jnp.int32)
    bgraph = jax.random.randint(ks[3], (N_BONDS, MAX_NEI), 0, N_BONDS, dtype=jnp.int32)
    W_i = jax.random.normal(ks[4], (F_BOND_IN, H), dtype=jnp.float32) * 0.05
    W_h = jax.random.normal(ks[5], (H, H), dtype=jnp.float32) * 0.05
    W_o = jax.random.normal(ks[6], (F_ATOM + H, H), dtype=jnp.float32) * 0.05
    b_o = jnp.zeros((H,), dtype=jnp.float32)
    W_mh = jax.random.normal(ks[7], (H, FFN), dtype=jnp.float32) * 0.05
    b_mh = jnp.zeros((FFN,), dtype=jnp.float32)
    W_mo = jax.random.normal(ks[8], (FFN, N_LABELS), dtype=jnp.float32) * 0.05
    b_mo = jnp.zeros((N_LABELS,), dtype=jnp.float32)
    return {"fatoms": fatoms, "fbonds": fbonds, "agraph": agraph, "bgraph": bgraph,
            "W_i": W_i, "W_h": W_h, "W_o": W_o, "b_o": b_o,
            "W_mh": W_mh, "b_mh": b_mh, "W_mo": W_mo, "b_mo": b_mo}


def reference(fatoms, fbonds, agraph, bgraph, W_i, W_h, W_o, b_o, W_mh, b_mh, W_mo, b_mo):
    # nei_input_h = W_message_i(fbonds); dropout is identity at inference
    nei_input_h = fbonds @ W_i
    message_h = jax.nn.relu(nei_input_h)
    # message passing layers (n_layers - 1 iterations)
    for _ in range(N_LAYERS - 1):
        nei_message_h = jnp.take(message_h, bgraph.reshape(-1), axis=0)
        nei_message_h = nei_message_h.reshape(N_BONDS, MAX_NEI, H).sum(axis=1)
        nei_message_h = nei_message_h @ W_h
        message_h = jax.nn.relu(nei_input_h + nei_message_h)
    # atom-level readout: gather incoming bond messages per atom
    nei_atom = jnp.take(message_h, agraph.reshape(-1), axis=0)
    nei_atom = nei_atom.reshape(N_ATOMS, MAX_NEI, H).sum(axis=1)
    atom_input = jnp.concatenate([fatoms, nei_atom], axis=1)
    atom_h = atom_input @ W_o + b_o
    # aggregate_atoms with agg_func='mean' over uniform scope (st, le) blocks
    mol_h_in = atom_h.reshape(N_MOLS, ATOMS_PER_MOL, H).mean(axis=1)
    # activation == 'ReLU'
    mol_h = jax.nn.relu(mol_h_in @ W_mh + b_mh)
    mol_o = mol_h @ W_mo + b_mo
    return (atom_h, mol_o)

if __name__ == "__main__":
    import jax
    _d = setup_inputs()
    print(jax.jit(kernel)(*tuple(_d.values())))

</pallas_src>

<mosaic_0001>
#map = affine_map<(d0, d1) -> (0, 0)>
#map1 = affine_map<(d0, d1) -> (0, 0, 0)>
module attributes {stable_mosaic.version = 14 : i64} {
  func.func @sc_gather_sum_160000(%arg0: i32, %arg1: i32, %arg2: memref<160000x128xf32, #tpu.memory_space<hbm>>, %arg3: memref<32x250x120xi32, #tpu.memory_space<hbm>>, %arg4: memref<160000x128xf32, #tpu.memory_space<hbm>>, %arg5: memref<250x120xi32, #tpu.memory_space<vmem>>, %arg6: memref<240x128xf32, #tpu.memory_space<vmem>>, %arg7: memref<40x128xf32, #tpu.memory_space<vmem>>, %arg8: memref<!tpu.dma_semaphore, #tpu.memory_space<semaphore_mem>>) attributes {dimension_semantics = [#tpu.dimension_semantics<core_parallel>, #tpu.dimension_semantics<subcore_parallel>], iteration_bounds = array<i64: 2, 16>, scalar_prefetch = 0 : i64, scratch_operands = 4 : i64, tpu.core_type = #tpu.core_type<sc_vector_subcore>, window_params = [{transform_indices = #map}, {transform_indices = #map1}, {transform_indices = #map}]} {
    %mul3A = arith.constant 2 : i32
    %mul3A_0 = arith.muli %arg1, %mul3A : i32
    %add3A = arith.addi %mul3A_0, %arg0 : i32
    %mul3A_1 = arith.constant 5000 : i32
    %mul3A_2 = arith.muli %add3A, %mul3A_1 : i32
    "tpu.region"() ({
      %run_scoped3A = tpu.sem_alloc : memref<!tpu.dma_semaphore, #tpu.memory_space<semaphore_mem>>
      %dma_start3A = arith.constant 0 : i32
      %dma_start3A_8 = arith.constant 0 : i32
      %dma_start3A_9 = tpu.memref_slice %arg3[%add3A, %dma_start3A, %dma_start3A_8] : memref<32x250x120xi32, #tpu.memory_space<hbm>> -> memref<1x250x120xi32, #tpu.memory_space<hbm>>
      %dma_start3A_10 = tpu.memref_squeeze %dma_start3A_9 : memref<1x250x120xi32, #tpu.memory_space<hbm>> -> memref<250x120xi32, #tpu.memory_space<hbm>>
      %dma_start3A_11 = arith.constant 0 : i32
      %dma_start3A_12 = arith.constant 0 : i32
      %dma_start3A_13 = tpu.memref_slice %arg3[%add3A, %dma_start3A_11, %dma_start3A_12] : memref<32x250x120xi32, #tpu.memory_space<hbm>> -> memref<1x250x120xi32, #tpu.memory_space<hbm>>
      %dma_start3A_14 = tpu.memref_squeeze %dma_start3A_13 : memref<1x250x120xi32, #tpu.memory_space<hbm>> -> memref<250x120xi32, #tpu.memory_space<hbm>>
      tpu.enqueue_dma source(%dma_start3A_14 : memref<250x120xi32, #tpu.memory_space<hbm>>) target(%arg5 : memref<250x120xi32, #tpu.memory_space<vmem>>) target_semaphore(%run_scoped3A : memref<!tpu.dma_semaphore, #tpu.memory_space<semaphore_mem>>)
      %dma_wait3A = arith.constant 0 : i32
      %dma_wait3A_15 = arith.constant 0 : i32
      %dma_wait3A_16 = tpu.memref_slice %arg3[%add3A, %dma_wait3A, %dma_wait3A_15] : memref<32x250x120xi32, #tpu.memory_space<hbm>> -> memref<1x250x120xi32, #tpu.memory_space<hbm>>
      %dma_wait3A_17 = tpu.memref_squeeze %dma_wait3A_16 : memref<1x250x120xi32, #tpu.memory_space<hbm>> -> memref<250x120xi32, #tpu.memory_space<hbm>>
      %dma_wait3A_18 = arith.constant 0 : i32
      %dma_wait3A_19 = arith.constant 0 : i32
      %dma_wait3A_20 = tpu.memref_slice %arg3[%add3A, %dma_wait3A_18, %dma_wait3A_19] : memref<32x250x120xi32, #tpu.memory_space<hbm>> -> memref<1x250x120xi32, #tpu.memory_space<hbm>>
      %dma_wait3A_21 = tpu.memref_squeeze %dma_wait3A_20 : memref<1x250x120xi32, #tpu.memory_space<hbm>> -> memref<250x120xi32, #tpu.memory_space<hbm>>
      tpu.wait_dma2 semaphore(%run_scoped3A : memref<!tpu.dma_semaphore, #tpu.memory_space<semaphore_mem>>) src(%dma_wait3A_21 : memref<250x120xi32, #tpu.memory_space<hbm>>) dst(%arg5 : memref<250x120xi32, #tpu.memory_space<vmem>>)
      tpu.yield
    }) : () -> ()
    %scan3A = arith.constant 0 : i32
    %scan3A_3 = arith.constant 0 : i32
    %scan3A_4 = arith.constant 125 : i32
    %scan3A_5 = arith.addi %scan3A_3, %scan3A_4 : i32
    %scan3A_6 = arith.constant 1 : i32
    scf.for %scan3A_8 = %scan3A_3 to %scan3A_5 step %scan3A_6  : i32 {
      %mul3A_9 = arith.constant 2 : i32
      %mul3A_10 = arith.muli %scan3A_8, %mul3A_9 : i32
      %add3A_11 = arith.constant 0 : i32
      %add3A_12 = arith.addi %mul3A_10, %add3A_11 : i32
      %dma_start3A = arith.constant 0 : i32
      %dma_start3A_13 = arith.constant 0 : i32
      %dma_start3A_14 = tpu.memref_slice %arg6[%dma_start3A, %dma_start3A_13] : memref<240x128xf32, #tpu.memory_space<vmem>> -> memref<120x128xf32, #tpu.memory_space<vmem>>
      %dma_start3A_15 = arith.constant 0 : i32
      %dma_start3A_16 = tpu.memref_slice %arg5[%add3A_12, %dma_start3A_15] : memref<250x120xi32, #tpu.memory_space<vmem>> -> memref<1x120xi32, #tpu.memory_space<vmem>>
      %dma_start3A_17 = tpu.memref_squeeze %dma_start3A_16 : memref<1x120xi32, #tpu.memory_space<vmem>> -> memref<120xi32, #tpu.memory_space<vmem>>
      %dma_start3A_18 = arith.constant 0 : i32
      %dma_start3A_19 = arith.constant 0 : i32
      %dma_start3A_20 = tpu.memref_slice %arg2[%dma_start3A_18, %dma_start3A_19] : memref<160000x128xf32, #tpu.memory_space<hbm>> -> memref<160000x128xf32, #tpu.memory_space<hbm>>
      tpu.enqueue_indirect_dma source(%dma_start3A_20 : memref<160000x128xf32, #tpu.memory_space<hbm>>) target(%dma_start3A_14 : memref<120x128xf32, #tpu.memory_space<vmem>>) offsets(%dma_start3A_17 : memref<120xi32, #tpu.memory_space<vmem>>) semaphore(%arg8 : memref<!tpu.dma_semaphore, #tpu.memory_space<semaphore_mem>>)
      %mul3A_21 = arith.constant 2 : i32
      %mul3A_22 = arith.muli %scan3A_8, %mul3A_21 : i32
      %add3A_23 = arith.constant 1 : i32
      %add3A_24 = arith.addi %mul3A_22, %add3A_23 : i32
      %dma_start3A_25 = arith.constant 120 : i32
      %dma_start3A_26 = arith.constant 0 : i32
      %dma_start3A_27 = tpu.memref_slice %arg6[%dma_start3A_25, %dma_start3A_26] : memref<240x128xf32, #tpu.memory_space<vmem>> -> memref<120x128xf32, #tpu.memory_space<vmem>>
      %dma_start3A_28 = arith.constant 0 : i32
      %dma_start3A_29 = tpu.memref_slice %arg5[%add3A_24, %dma_start3A_28] : memref<250x120xi32, #tpu.memory_space<vmem>> -> memref<1x120xi32, #tpu.memory_space<vmem>>
      %dma_start3A_30 = tpu.memref_squeeze %dma_start3A_29 : memref<1x120xi32, #tpu.memory_space<vmem>> -> memref<120xi32, #tpu.memory_space<vmem>>
      %dma_start3A_31 = arith.constant 0 : i32
      %dma_start3A_32 = arith.constant 0 : i32
      %dma_start3A_33 = tpu.memref_slice %arg2[%dma_start3A_31, %dma_start3A_32] : memref<160000x128xf32, #tpu.memory_space<hbm>> -> memref<160000x128xf32, #tpu.memory_space<hbm>>
      tpu.enqueue_indirect_dma source(%dma_start3A_33 : memref<160000x128xf32, #tpu.memory_space<hbm>>) target(%dma_start3A_27 : memref<120x128xf32, #tpu.memory_space<vmem>>) offsets(%dma_start3A_30 : memref<120xi32, #tpu.memory_space<vmem>>) semaphore(%arg8 : memref<!tpu.dma_semaphore, #tpu.memory_space<semaphore_mem>>)
      %dma_wait3A = arith.constant 0 : i32
      %dma_wait3A_34 = arith.constant 0 : i32
      %dma_wait3A_35 = tpu.memref_slice %arg6[%dma_wait3A, %dma_wait3A_34] : memref<240x128xf32, #tpu.memory_space<vmem>> -> memref<120x128xf32, #tpu.memory_space<vmem>>
      %dma_wait3A_36 = arith.constant 0 : i32
      %dma_wait3A_37 = tpu.memref_slice %arg5[%add3A_12, %dma_wait3A_36] : memref<250x120xi32, #tpu.memory_space<vmem>> -> memref<1x120xi32, #tpu.memory_space<vmem>>
      %dma_wait3A_38 = tpu.memref_squeeze %dma_wait3A_37 : memref<1x120xi32, #tpu.memory_space<vmem>> -> memref<120xi32, #tpu.memory_space<vmem>>
      %dma_wait3A_39 = arith.constant 0 : i32
      %dma_wait3A_40 = arith.constant 0 : i32
      %dma_wait3A_41 = tpu.memref_slice %arg2[%dma_wait3A_39, %dma_wait3A_40] : memref<160000x128xf32, #tpu.memory_space<hbm>> -> memref<160000x128xf32, #tpu.memory_space<hbm>>
      tpu.wait_indirect_dma semaphore(%arg8 : memref<!tpu.dma_semaphore, #tpu.memory_space<semaphore_mem>>) src(%dma_wait3A_41 : memref<160000x128xf32, #tpu.memory_space<hbm>>) dst(%dma_wait3A_35 : memref<120x128xf32, #tpu.memory_space<vmem>>)
      %dma_wait3A_42 = arith.constant 120 : i32
      %dma_wait3A_43 = arith.constant 0 : i32
      %dma_wait3A_44 = tpu.memref_slice %arg6[%dma_wait3A_42, %dma_wait3A_43] : memref<240x128xf32, #tpu.memory_space<vmem>> -> memref<120x128xf32, #tpu.memory_space<vmem>>
      %dma_wait3A_45 = arith.constant 0 : i32
      %dma_wait3A_46 = tpu.memref_slice %arg5[%add3A_24, %dma_wait3A_45] : memref<250x120xi32, #tpu.memory_space<vmem>> -> memref<1x120xi32, #tpu.memory_space<vmem>>
      %dma_wait3A_47 = tpu.memref_squeeze %dma_wait3A_46 : memref<1x120xi32, #tpu.memory_space<vmem>> -> memref<120xi32, #tpu.memory_space<vmem>>
      %dma_wait3A_48 = arith.constant 0 : i32
      %dma_wait3A_49 = arith.constant 0 : i32
      %dma_wait3A_50 = tpu.memref_slice %arg2[%dma_wait3A_48, %dma_wait3A_49] : memref<160000x128xf32, #tpu.memory_space<hbm>> -> memref<160000x128xf32, #tpu.memory_space<hbm>>
      tpu.wait_indirect_dma semaphore(%arg8 : memref<!tpu.dma_semaphore, #tpu.memory_space<semaphore_mem>>) src(%dma_wait3A_50 : memref<160000x128xf32, #tpu.memory_space<hbm>>) dst(%dma_wait3A_44 : memref<120x128xf32, #tpu.memory_space<vmem>>)
      %scan3A_51 = arith.constant 0 : i32
      %scan3A_52 = arith.constant 0 : i32
      %scan3A_53 = arith.constant 40 : i32
      %scan3A_54 = arith.addi %scan3A_52, %scan3A_53 : i32
      %scan3A_55 = arith.constant 1 : i32
      scf.for %scan3A_60 = %scan3A_52 to %scan3A_54 step %scan3A_55  : i32 {
        %mul3A_61 = arith.constant 6 : i32
        %mul3A_62 = arith.muli %scan3A_60, %mul3A_61 : i32
        %get3A = arith.index_cast %mul3A_62 : i32 to index
        %get3A_63 = arith.constant 0 : index
        %get3A_64 = tpu.vector_load %arg6[%get3A, %get3A_63] {strides = array<i32>} : memref<240x128xf32, #tpu.memory_space<vmem>>, vector<1x16xf32>,
        %get3A_65 = vector.shape_cast %get3A_64 : vector<1x16xf32> to vector<16xf32>
        %add3A_66 = arith.constant 1 : i32
        %add3A_67 = arith.addi %mul3A_62, %add3A_66 : i32
        %get3A_68 = arith.index_cast %add3A_67 : i32 to index
        %get3A_69 = arith.constant 0 : index
        %get3A_70 = tpu.vector_load %arg6[%get3A_68, %get3A_69] {strides = array<i32>} : memref<240x128xf32, #tpu.memory_space<vmem>>, vector<1x16xf32>,
        %get3A_71 = vector.shape_cast %get3A_70 : vector<1x16xf32> to vector<16xf32>
        %add3A_72 = arith.addf %get3A_65, %get3A_71 : vector<16xf32>
        %add3A_73 = arith.constant 2 : i32
        %add3A_74 = arith.addi %mul3A_62, %add3A_73 : i32
        %get3A_75 = arith.index_cast %add3A_74 : i32 to index
        %get3A_76 = arith.constant 0 : index
        %get3A_77 = tpu.vector_load %arg6[%get3A_75, %get3A_76] {strides = array<i32>} : memref<240x128xf32, #tpu.memory_space<vmem>>, vector<1x16xf32>,
        %get3A_78 = vector.shape_cast %get3A_77 : vector<1x16xf32> to vector<16xf32>
        %add3A_79 = arith.addf %add3A_72, %get3A_78 : vector<16xf32>
        %add3A_80 = arith.constant 3 : i32
        %add3A_81 = arith.addi %mul3A_62, %add3A_80 : i32
        %get3A_82 = arith.index_cast %add3A_81 : i32 to index
        %get3A_83 = arith.constant 0 : index
        %get3A_84 = tpu.vector_load %arg6[%get3A_82, %get3A_83] {strides = array<i32>} : memref<240x128xf32, #tpu.memory_space<vmem>>, vector<1x16xf32>,
        %get3A_85 = vector.shape_cast %get3A_84 : vector<1x16xf32> to vector<16xf32>
        %add3A_86 = arith.addf %add3A_79, %get3A_85 : vector<16xf32>
        %add3A_87 = arith.constant 4 : i32
        %add3A_88 = arith.addi %mul3A_62, %add3A_87 : i32
        %get3A_89 = arith.index_cast %add3A_88 : i32 to index
        %get3A_90 = arith.constant 0 : index
        %get3A_91 = tpu.vector_load %arg6[%get3A_89, %get3A_90] {strides = array<i32>} : memref<240x128xf32, #tpu.memory_space<vmem>>, vector<1x16xf32>,
        %get3A_92 = vector.shape_cast %get3A_91 : vector<1x16xf32> to vector<16xf32>
        %add3A_93 = arith.addf %add3A_86, %get3A_92 : vector<16xf32>
        %add3A_94 = arith.constant 5 : i32
        %add3A_95 = arith.addi %mul3A_62, %add3A_94 : i32
        %get3A_96 = arith.index_cast %add3A_95 : i32 to index
        %get3A_97 = arith.constant 0 : index
        %get3A_98 = tpu.vector_load %arg6[%get3A_96, %get3A_97] {strides = array<i32>} : memref<240x128xf32, #tpu.memory_space<vmem>>, vector<1x16xf32>,
        %get3A_99 = vector.shape_cast %get3A_98 : vector<1x16xf32> to vector<16xf32>
        %add3A_100 = arith.addf %add3A_93, %get3A_99 : vector<16xf32>
        %swap3A = arith.index_cast %scan3A_60 : i32 to index
        %swap3A_101 = arith.constant 0 : index
        %swap3A_102 = tpu.vector_load %arg7[%swap3A, %swap3A_101] {strides = array<i32>} : memref<40x128xf32, #tpu.memory_space<vmem>>, vector<1x16xf32>,
        %swap3A_103 = vector.shape_cast %swap3A_102 : vector<1x16xf32> to vector<16xf32>
        %swap3A_104 = vector.shape_cast %add3A_100 : vector<16xf32> to vector<1x16xf32>
        tpu.vector_store %arg7[%swap3A, %swap3A_101], %swap3A_104 {strides = array<i32>} : memref<40x128xf32, #tpu.memory_space<vmem>>, vector<1x16xf32>,
        %get3A_105 = arith.index_cast %mul3A_62 : i32 to index
        %get3A_106 = arith.constant 16 : index
        %get3A_107 = tpu.vector_load %arg6[%get3A_105, %get3A_106] {strides = array<i32>} : memref<240x128xf32, #tpu.memory_space<vmem>>, vector<1x16xf32>,
        %get3A_108 = vector.shape_cast %get3A_107 : vector<1x16xf32> to vector<16xf32>
        %add3A_109 = arith.constant 1 : i32
        %add3A_110 = arith.addi %mul3A_62, %add3A_109 : i32
        %get3A_111 = arith.index_cast %add3A_110 : i32 to index
        %get3A_112 = arith.constant 16 : index
        %get3A_113 = tpu.vector_load %arg6[%get3A_111, %get3A_112] {strides = array<i32>} : memref<240x128xf32, #tpu.memory_space<vmem>>, vector<1x16xf32>,
        %get3A_114 = vector.shape_cast %get3A_113 : vector<1x16xf32> to vector<16xf32>
        %add3A_115 = arith.addf %get3A_108, %get3A_114 : vector<16xf32>
        %add3A_116 = arith.constant 2 : i32
        %add3A_117 = arith.addi %mul3A_62, %add3A_116 : i32
        %get3A_118 = arith.index_cast %add3A_117 : i32 to index
        %get3A_119 = arith.constant 16 : index
        %get3A_120 = tpu.vector_load %arg6[%get3A_118, %get3A_119] {strides = array<i32>} : memref<240x128xf32, #tpu.memory_space<vmem>>, vector<1x16xf32>,
        %get3A_121 = vector.shape_cast %get3A_120 : vector<1x16xf32> to vector<16xf32>
        %add3A_122 = arith.addf %add3A_115, %get3A_121 : vector<16xf32>
        %add3A_123 = arith.constant 3 : i32
        %add3A_124 = arith.addi %mul3A_62, %add3A_123 : i32
        %get3A_125 = arith.index_cast %add3A_124 : i32 to index
        %get3A_126 = arith.constant 16 : index
        %get3A_127 = tpu.vector_load %arg6[%get3A_125, %get3A_126] {strides = array<i32>} : memref<240x128xf32, #tpu.memory_space<vmem>>, vector<1x16xf32>,
        %get3A_128 = vector.shape_cast %get3A_127 : vector<1x16xf32> to vector<16xf32>
        %add3A_129 = arith.addf %add3A_122, %get3A_128 : vector<16xf32>
        %add3A_130 = arith.constant 4 : i32
        %add3A_131 = arith.addi %mul3A_62, %add3A_130 : i32
        %get3A_132 = arith.index_cast %add3A_131 : i32 to index
        %get3A_133 = arith.constant 16 : index
        %get3A_134 = tpu.vector_load %arg6[%get3A_132, %get3A_133] {strides = array<i32>} : memref<240x128xf32, #tpu.memory_space<vmem>>, vector<1x16xf32>,
        %get3A_135 = vector.shape_cast %get3A_134 : vector<1x16xf32> to vector<16xf32>
        %add3A_136 = arith.addf %add3A_129, %get3A_135 : vector<16xf32>
        %add3A_137 = arith.constant 5 : i32
        %add3A_138 = arith.addi %mul3A_62, %add3A_137 : i32
        %get3A_139 = arith.index_cast %add3A_138 : i32 to index
        %get3A_140 = arith.constant 16 : index
        %get3A_141 = tpu.vector_load %arg6[%get3A_139, %get3A_140] {strides = array<i32>} : memref<240x128xf32, #tpu.memory_space<vmem>>, vector<1x16xf32>,
        %get3A_142 = vector.shape_cast %get3A_141 : vector<1x16xf32> to vector<16xf32>
        %add3A_143 = arith.addf %add3A_136, %get3A_142 : vector<16xf32>
        %swap3A_144 = arith.index_cast %scan3A_60 : i32 to index
        %swap3A_145 = arith.constant 16 : index
        %swap3A_146 = tpu.vector_load %arg7[%swap3A_144, %swap3A_145] {strides = array<i32>} : memref<40x128xf32, #tpu.memory_space<vmem>>, vector<1x16xf32>,
        %swap3A_147 = vector.shape_cast %swap3A_146 : vector<1x16xf32> to vector<16xf32>
        %swap3A_148 = vector.shape_cast %add3A_143 : vector<16xf32> to vector<1x16xf32>
        tpu.vector_store %arg7[%swap3A_144, %swap3A_145], %swap3A_148 {strides = array<i32>} : memref<40x128xf32, #tpu.memory_space<vmem>>, vector<1x16xf32>,
        %get3A_149 = arith.index_cast %mul3A_62 : i32 to index
        %get3A_150 = arith.constant 32 : index
        %get3A_151 = tpu.vector_load %arg6[%get3A_149, %get3A_150] {strides = array<i32>} : memref<240x128xf32, #tpu.memory_space<vmem>>, vector<1x16xf32>,
        %get3A_152 = vector.shape_cast %get3A_151 : vector<1x16xf32> to vector<16xf32>
        %add3A_153 = arith.constant 1 : i32
        %add3A_154 = arith.addi %mul3A_62, %add3A_153 : i32
        %get3A_155 = arith.index_cast %add3A_154 : i32 to index
        %get3A_156 = arith.constant 32 : index
        %get3A_157 = tpu.vector_load %arg6[%get3A_155, %get3A_156] {strides = array<i32>} : memref<240x128xf32, #tpu.memory_space<vmem>>, vector<1x16xf32>,
        %get3A_158 = vector.shape_cast %get3A_157 : vector<1x16xf32> to vector<16xf32>
        %add3A_159 = arith.addf %get3A_152, %get3A_158 : vector<16xf32>
        %add3A_160 = arith.constant 2 : i32
        %add3A_161 = arith.addi %mul3A_62, %add3A_160 : i32
        %get3A_162 = arith.index_cast %add3A_161 : i32 to index
        %get3A_163 = arith.constant 32 : index
        %get3A_164 = tpu.vector_load %arg6[%get3A_162, %get3A_163] {strides = array<i32>} : memref<240x128xf32, #tpu.memory_space<vmem>>, vector<1x16xf32>,
        %get3A_165 = vector.shape_cast %get3A_164 : vector<1x16xf32> to vector<16xf32>
        %add3A_166 = arith.addf %add3A_159, %get3A_165 : vector<16xf32>
        %add3A_167 = arith.constant 3 : i32
        %add3A_168 = arith.addi %mul3A_62, %add3A_167 : i32
        %get3A_169 = arith.index_cast %add3A_168 : i32 to index
        %get3A_170 = arith.constant 32 : index
        %get3A_171 = tpu.vector_load %arg6[%get3A_169, %get3A_170] {strides = array<i32>} : memref<240x128xf32, #tpu.memory_space<vmem>>, vector<1x16xf32>,
        %get3A_172 = vector.shape_cast %get3A_171 : vector<1x16xf32> to vector<16xf32>
        %add3A_173 = arith.addf %add3A_166, %get3A_172 : vector<16xf32>
        %add3A_174 = arith.constant 4 : i32
        %add3A_175 = arith.addi %mul3A_62, %add3A_174 : i32
        %get3A_176 = arith.index_cast %add3A_175 : i32 to index
        %get3A_177 = arith.constant 32 : index
        %get3A_178 = tpu.vector_load %arg6[%get3A_176, %get3A_177] {strides = array<i32>} : memref<240x128xf32, #tpu.memory_space<vmem>>, vector<1x16xf32>,
        %get3A_179 = vector.shape_cast %get3A_178 : vector<1x16xf32> to vector<16xf32>
        %add3A_180 = arith.addf %add3A_173, %get3A_179 : vector<16xf32>
        %add3A_181 = arith.constant 5 : i32
        %add3A_182 = arith.addi %mul3A_62, %add3A_181 : i32
        %get3A_183 = arith.index_cast %add3A_182 : i32 to index
        %get3A_184 = arith.constant 32 : index
        %get3A_185 = tpu.vector_load %arg6[%get3A_183, %get3A_184] {strides = array<i32>} : memref<240x128xf32, #tpu.memory_space<vmem>>, vector<1x16xf32>,
        %get3A_186 = vector.shape_cast %get3A_185 : vector<1x16xf32> to vector<16xf32>
        %add3A_187 = arith.addf %add3A_180, %get3A_186 : vector<16xf32>
        %swap3A_188 = arith.index_cast %scan3A_60 : i32 to index
        %swap3A_189 = arith.constant 32 : index
        %swap3A_190 = tpu.vector_load %arg7[%swap3A_188, %swap3A_189] {strides = array<i32>} : memref<40x128xf32, #tpu.memory_space<vmem>>, vector<1x16xf32>,
        %swap3A_191 = vector.shape_cast %swap3A_190 : vector<1x16xf32> to vector<16xf32>
        %swap3A_192 = vector.shape_cast %add3A_187 : vector<16xf32> to vector<1x16xf32>
        tpu.vector_store %arg7[%swap3A_188, %swap3A_189], %swap3A_192 {strides = array<i32>} : memref<40x128xf32, #tpu.memory_space<vmem>>, vector<1x16xf32>,
        %get3A_193 = arith.index_cast %mul3A_62 : i32 to index
        %get3A_194 = arith.constant 48 : index
        %get3A_195 = tpu.vector_load %arg6[%get3A_193, %get3A_194] {strides = array<i32>} : memref<240x128xf32, #tpu.memory_space<vmem>>, vector<1x16xf32>,
        %get3A_196 = vector.shape_cast %get3A_195 : vector<1x16xf32> to vector<16xf32>
        %add3A_197 = arith.constant 1 : i32
        %add3A_198 = arith.addi %mul3A_62, %add3A_197 : i32
        %get3A_199 = arith.index_cast %add3A_198 : i32 to index
        %get3A_200 = arith.constant 48 : index
        %get3A_201 = tpu.vector_load %arg6[%get3A_199, %get3A_200] {strides = array<i32>} : memref<240x128xf32, #tpu.memory_space<vmem>>, vector<1x16xf32>,
        %get3A_202 = vector.shape_cast %get3A_201 : vector<1x16xf32> to vector<16xf32>
        %add3A_203 = arith.addf %get3A_196, %get3A_202 : vector<16xf32>
        %add3A_204 = arith.constant 2 : i32
        %add3A_205 = arith.addi %mul3A_62, %add3A_204 : i32
        %get3A_206 = arith.index_cast %add3A_205 : i32 to index
        %get3A_207 = arith.constant 48 : index
        %get3A_208 = tpu.vector_load %arg6[%get3A_206, %get3A_207] {strides = array<i32>} : memref<240x128xf32, #tpu.memory_space<vmem>>, vector<1x16xf32>,
        %get3A_209 = vector.shape_cast %get3A_208 : vector<1x16xf32> to vector<16xf32>
        %add3A_210 = arith.addf %add3A_203, %get3A_209 : vector<16xf32>
        %add3A_211 = arith.constant 3 : i32
        %add3A_212 = arith.addi %mul3A_62, %add3A_211 : i32
        %get3A_213 = arith.index_cast %add3A_212 : i32 to index
        %get3A_214 = arith.constant 48 : index
        %get3A_215 = tpu.vector_load %arg6[%get3A_213, %get3A_214] {strides = array<i32>} : memref<240x128xf32, #tpu.memory_space<vmem>>, vector<1x16xf32>,
        %get3A_216 = vector.shape_cast %get3A_215 : vector<1x16xf32> to vector<16xf32>
        %add3A_217 = arith.addf %add3A_210, %get3A_216 : vector<16xf32>
        %add3A_218 = arith.constant 4 : i32
        %add3A_219 = arith.addi %mul3A_62, %add3A_218 : i32
        %get3A_220 = arith.index_cast %add3A_219 : i32 to index
        %get3A_221 = arith.constant 48 : index
        %get3A_222 = tpu.vector_load %arg6[%get3A_220, %get3A_221] {strides = array<i32>} : memref<240x128xf32, #tpu.memory_space<vmem>>, vector<1x16xf32>,
        %get3A_223 = vector.shape_cast %get3A_222 : vector<1x16xf32> to vector<16xf32>
        %add3A_224 = arith.addf %add3A_217, %get3A_223 : vector<16xf32>
        %add3A_225 = arith.constant 5 : i32
        %add3A_226 = arith.addi %mul3A_62, %add3A_225 : i32
        %get3A_227 = arith.index_cast %add3A_226 : i32 to index
        %get3A_228 = arith.constant 48 : index
        %get3A_229 = tpu.vector_load %arg6[%get3A_227, %get3A_228] {strides = array<i32>} : memref<240x128xf32, #tpu.memory_space<vmem>>, vector<1x16xf32>,
        %get3A_230 = vector.shape_cast %get3A_229 : vector<1x16xf32> to vector<16xf32>
        %add3A_231 = arith.addf %add3A_224, %get3A_230 : vector<16xf32>
        %swap3A_232 = arith.index_cast %scan3A_60 : i32 to index
        %swap3A_233 = arith.constant 48 : index
        %swap3A_234 = tpu.vector_load %arg7[%swap3A_232, %swap3A_233] {strides = array<i32>} : memref<40x128xf32, #tpu.memory_space<vmem>>, vector<1x16xf32>,
        %swap3A_235 = vector.shape_cast %swap3A_234 : vector<1x16xf32> to vector<16xf32>
        %swap3A_236 = vector.shape_cast %add3A_231 : vector<16xf32> to vector<1x16xf32>
        tpu.vector_store %arg7[%swap3A_232, %swap3A_233], %swap3A_236 {strides = array<i32>} : memref<40x128xf32, #tpu.memory_space<vmem>>, vector<1x16xf32>,
        %get3A_237 = arith.index_cast %mul3A_62 : i32 to index
        %get3A_238 = arith.constant 64 : index
        %get3A_239 = tpu.vector_load %arg6[%get3A_237, %get3A_238] {strides = array<i32>} : memref<240x128xf32, #tpu.memory_space<vmem>>, vector<1x16xf32>,
        %get3A_240 = vector.shape_cast %get3A_239 : vector<1x16xf32> to vector<16xf32>
        %add3A_241 = arith.constant 1 : i32
        %add3A_242 = arith.addi %mul3A_62, %add3A_241 : i32
        %get3A_243 = arith.index_cast %add3A_242 : i32 to index
        %get3A_244 = arith.constant 64 : index
        %get3A_245 = tpu.vector_load %arg6[%get3A_243, %get3A_244] {strides = array<i32>} : memref<240x128xf32, #tpu.memory_space<vmem>>, vector<1x16xf32>,
        %get3A_246 = vector.shape_cast %get3A_245 : vector<1x16xf32> to vector<16xf32>
        %add3A_247 = arith.addf %get3A_240, %get3A_246 : vector<16xf32>
        %add3A_248 = arith.constant 2 : i32
        %add3A_249 = arith.addi %mul3A_62, %add3A_248 : i32
        %get3A_250 = arith.index_cast %add3A_249 : i32 to index
        %get3A_251 = arith.constant 64 : index
        %get3A_252 = tpu.vector_load %arg6[%get3A_250, %get3A_251] {strides = array<i32>} : memref<240x128xf32, #tpu.memory_space<vmem>>, vector<1x16xf32>,
        %get3A_253 = vector.shape_cast %get3A_252 : vector<1x16xf32> to vector<16xf32>
        %add3A_254 = arith.addf %add3A_247, %get3A_253 : vector<16xf32>
        %add3A_255 = arith.constant 3 : i32
        %add3A_256 = arith.addi %mul3A_62, %add3A_255 : i32
        %get3A_257 = arith.index_cast %add3A_256 : i32 to index
        %get3A_258 = arith.constant 64 : index
        %get3A_259 = tpu.vector_load %arg6[%get3A_257, %get3A_258] {strides = array<i32>} : memref<240x128xf32, #tpu.memory_space<vmem>>, vector<1x16xf32>,
        %get3A_260 = vector.shape_cast %get3A_259 : vector<1x16xf32> to vector<16xf32>
        %add3A_261 = arith.addf %add3A_254, %get3A_260 : vector<16xf32>
        %add3A_262 = arith.constant 4 : i32
        %add3A_263 = arith.addi %mul3A_62, %add3A_262 : i32
        %get3A_264 = arith.index_cast %add3A_263 : i32 to index
        %get3A_265 = arith.constant 64 : index
        %get3A_266 = tpu.vector_load %arg6[%get3A_264, %get3A_265] {strides = array<i32>} : memref<240x128xf32, #tpu.memory_space<vmem>>, vector<1x16xf32>,
        %get3A_267 = vector.shape_cast %get3A_266 : vector<1x16xf32> to vector<16xf32>
        %add3A_268 = arith.addf %add3A_261, %get3A_267 : vector<16xf32>
        %add3A_269 = arith.constant 5 : i32
        %add3A_270 = arith.addi %mul3A_62, %add3A_269 : i32
        %get3A_271 = arith.index_cast %add3A_270 : i32 to index
        %get3A_272 = arith.constant 64 : index
        %get3A_273 = tpu.vector_load %arg6[%get3A_271, %get3A_272] {strides = array<i32>} : memref<240x128xf32, #tpu.memory_space<vmem>>, vector<1x16xf32>,
        %get3A_274 = vector.shape_cast %get3A_273 : vector<1x16xf32> to vector<16xf32>
        %add3A_275 = arith.addf %add3A_268, %get3A_274 : vector<16xf32>
        %swap3A_276 = arith.index_cast %scan3A_60 : i32 to index
        %swap3A_277 = arith.constant 64 : index
        %swap3A_278 = tpu.vector_load %arg7[%swap3A_276, %swap3A_277] {strides = array<i32>} : memref<40x128xf32, #tpu.memory_space<vmem>>, vector<1x16xf32>,
        %swap3A_279 = vector.shape_cast %swap3A_278 : vector<1x16xf32> to vector<16xf32>
        %swap3A_280 = vector.shape_cast %add3A_275 : vector<16xf32> to vector<1x16xf32>
        tpu.vector_store %arg7[%swap3A_276, %swap3A_277], %swap3A_280 {strides = array<i32>} : memref<40x128xf32, #tpu.memory_space<vmem>>, vector<1x16xf32>,
        %get3A_281 = arith.index_cast %mul3A_62 : i32 to index
        %get3A_282 = arith.constant 80 : index
        %get3A_283 = tpu.vector_load %arg6[%get3A_281, %get3A_282] {strides = array<i32>} : memref<240x128xf32, #tpu.memory_space<vmem>>, vector<1x16xf32>,
        %get3A_284 = vector.shape_cast %get3A_283 : vector<1x16xf32> to vector<16xf32>
        %add3A_285 = arith.constant 1 : i32
        %add3A_286 = arith.addi %mul3A_62, %add3A_285 : i32
        %get3A_287 = arith.index_cast %add3A_286 : i32 to index
        %get3A_288 = arith.constant 80 : index
        %get3A_289 = tpu.vector_load %arg6[%get3A_287, %get3A_288] {strides = array<i32>} : memref<240x128xf32, #tpu.memory_space<vmem>>, vector<1x16xf32>,
        %get3A_290 = vector.shape_cast %get3A_289 : vector<1x16xf32> to vector<16xf32>
        %add3A_291 = arith.addf %get3A_284, %get3A_290 : vector<16xf32>
        %add3A_292 = arith.constant 2 : i32
        %add3A_293 = arith.addi %mul3A_62, %add3A_292 : i32
        %get3A_294 = arith.index_cast %add3A_293 : i32 to index
        %get3A_295 = arith.constant 80 : index
        %get3A_296 = tpu.vector_load %arg6[%get3A_294, %get3A_295] {strides = array<i32>} : memref<240x128xf32, #tpu.memory_space<vmem>>, vector<1x16xf32>,
        %get3A_297 = vector.shape_cast %get3A_296 : vector<1x16xf32> to vector<16xf32>
        %add3A_298 = arith.addf %add3A_291, %get3A_297 : vector<16xf32>
        %add3A_299 = arith.constant 3 : i32
        %add3A_300 = arith.addi %mul3A_62, %add3A_299 : i32
        %get3A_301 = arith.index_cast %add3A_300 : i32 to index
        %get3A_302 = arith.constant 80 : index
        %get3A_303 = tpu.vector_load %arg6[%get3A_301, %get3A_302] {strides = array<i32>} : memref<240x128xf32, #tpu.memory_space<vmem>>, vector<1x16xf32>,
        %get3A_304 = vector.shape_cast %get3A_303 : vector<1x16xf32> to vector<16xf32>
        %add3A_305 = arith.addf %add3A_298, %get3A_304 : vector<16xf32>
        %add3A_306 = arith.constant 4 : i32
        %add3A_307 = arith.addi %mul3A_62, %add3A_306 : i32
        %get3A_308 = arith.index_cast %add3A_307 : i32 to index
        %get3A_309 = arith.constant 80 : index
        %get3A_310 = tpu.vector_load %arg6[%get3A_308, %get3A_309] {strides = array<i32>} : memref<240x128xf32, #tpu.memory_space<vmem>>, vector<1x16xf32>,
        %get3A_311 = vector.shape_cast %get3A_310 : vector<1x16xf32> to vector<16xf32>
        %add3A_312 = arith.addf %add3A_305, %get3A_311 : vector<16xf32>
        %add3A_313 = arith.constant 5 : i32
        %add3A_314 = arith.addi %mul3A_62, %add3A_313 : i32
        %get3A_315 = arith.index_cast %add3A_314 : i32 to index
        %get3A_316 = arith.constant 80 : index
        %get3A_317 = tpu.vector_load %arg6[%get3A_315, %get3A_316] {strides = array<i32>} : memref<240x128xf32, #tpu.memory_space<vmem>>, vector<1x16xf32>,
        %get3A_318 = vector.shape_cast %get3A_317 : vector<1x16xf32> to vector<16xf32>
        %add3A_319 = arith.addf %add3A_312, %get3A_318 : vector<16xf32>
        %swap3A_320 = arith.index_cast %scan3A_60 : i32 to index
        %swap3A_321 = arith.constant 80 : index
        %swap3A_322 = tpu.vector_load %arg7[%swap3A_320, %swap3A_321] {strides = array<i32>} : memref<40x128xf32, #tpu.memory_space<vmem>>, vector<1x16xf32>,
        %swap3A_323 = vector.shape_cast %swap3A_322 : vector<1x16xf32> to vector<16xf32>
        %swap3A_324 = vector.shape_cast %add3A_319 : vector<16xf32> to vector<1x16xf32>
        tpu.vector_store %arg7[%swap3A_320, %swap3A_321], %swap3A_324 {strides = array<i32>} : memref<40x128xf32, #tpu.memory_space<vmem>>, vector<1x16xf32>,
        %get3A_325 = arith.index_cast %mul3A_62 : i32 to index
        %get3A_326 = arith.constant 96 : index
        %get3A_327 = tpu.vector_load %arg6[%get3A_325, %get3A_326] {strides = array<i32>} : memref<240x128xf32, #tpu.memory_space<vmem>>, vector<1x16xf32>,
        %get3A_328 = vector.shape_cast %get3A_327 : vector<1x16xf32> to vector<16xf32>
        %add3A_329 = arith.constant 1 : i32
        %add3A_330 = arith.addi %mul3A_62, %add3A_329 : i32
        %get3A_331 = arith.index_cast %add3A_330 : i32 to index
        %get3A_332 = arith.constant 96 : index
        %get3A_333 = tpu.vector_load %arg6[%get3A_331, %get3A_332] {strides = array<i32>} : memref<240x128xf32, #tpu.memory_space<vmem>>, vector<1x16xf32>,
        %get3A_334 = vector.shape_cast %get3A_333 : vector<1x16xf32> to vector<16xf32>
        %add3A_335 = arith.addf %get3A_328, %get3A_334 : vector<16xf32>
        %add3A_336 = arith.constant 2 : i32
        %add3A_337 = arith.addi %mul3A_62, %add3A_336 : i32
        %get3A_338 = arith.index_cast %add3A_337 : i32 to index
        %get3A_339 = arith.constant 96 : index
        %get3A_340 = tpu.vector_load %arg6[%get3A_338, %get3A_339] {strides = array<i32>} : memref<240x128xf32, #tpu.memory_space<vmem>>, vector<1x16xf32>,
        %get3A_341 = vector.shape_cast %get3A_340 : vector<1x16xf32> to vector<16xf32>
        %add3A_342 = arith.addf %add3A_335, %get3A_341 : vector<16xf32>
        %add3A_343 = arith.constant 3 : i32
        %add3A_344 = arith.addi %mul3A_62, %add3A_343 : i32
        %get3A_345 = arith.index_cast %add3A_344 : i32 to index
        %get3A_346 = arith.constant 96 : index
        %get3A_347 = tpu.vector_load %arg6[%get3A_345, %get3A_346] {strides = array<i32>} : memref<240x128xf32, #tpu.memory_space<vmem>>, vector<1x16xf32>,
        %get3A_348 = vector.shape_cast %get3A_347 : vector<1x16xf32> to vector<16xf32>
        %add3A_349 = arith.addf %add3A_342, %get3A_348 : vector<16xf32>
        %add3A_350 = arith.constant 4 : i32
        %add3A_351 = arith.addi %mul3A_62, %add3A_350 : i32
        %get3A_352 = arith.index_cast %add3A_351 : i32 to index
        %get3A_353 = arith.constant 96 : index
        %get3A_354 = tpu.vector_load %arg6[%get3A_352, %get3A_353] {strides = array<i32>} : memref<240x128xf32, #tpu.memory_space<vmem>>, vector<1x16xf32>,
        %get3A_355 = vector.shape_cast %get3A_354 : vector<1x16xf32> to vector<16xf32>
        %add3A_356 = arith.addf %add3A_349, %get3A_355 : vector<16xf32>
        %add3A_357 = arith.constant 5 : i32
        %add3A_358 = arith.addi %mul3A_62, %add3A_357 : i32
        %get3A_359 = arith.index_cast %add3A_358 : i32 to index
        %get3A_360 = arith.constant 96 : index
        %get3A_361 = tpu.vector_load %arg6[%get3A_359, %get3A_360] {strides = array<i32>} : memref<240x128xf32, #tpu.memory_space<vmem>>, vector<1x16xf32>,
        %get3A_362 = vector.shape_cast %get3A_361 : vector<1x16xf32> to vector<16xf32>
        %add3A_363 = arith.addf %add3A_356, %get3A_362 : vector<16xf32>
        %swap3A_364 = arith.index_cast %scan3A_60 : i32 to index
        %swap3A_365 = arith.constant 96 : index
        %swap3A_366 = tpu.vector_load %arg7[%swap3A_364, %swap3A_365] {strides = array<i32>} : memref<40x128xf32, #tpu.memory_space<vmem>>, vector<1x16xf32>,
        %swap3A_367 = vector.shape_cast %swap3A_366 : vector<1x16xf32> to vector<16xf32>
        %swap3A_368 = vector.shape_cast %add3A_363 : vector<16xf32> to vector<1x16xf32>
        tpu.vector_store %arg7[%swap3A_364, %swap3A_365], %swap3A_368 {strides = array<i32>} : memref<40x128xf32, #tpu.memory_space<vmem>>, vector<1x16xf32>,
        %get3A_369 = arith.index_cast %mul3A_62 : i32 to index
        %get3A_370 = arith.constant 112 : index
        %get3A_371 = tpu.vector_load %arg6[%get3A_369, %get3A_370] {strides = array<i32>} : memref<240x128xf32, #tpu.memory_space<vmem>>, vector<1x16xf32>,
        %get3A_372 = vector.shape_cast %get3A_371 : vector<1x16xf32> to vector<16xf32>
        %add3A_373 = arith.constant 1 : i32
        %add3A_374 = arith.addi %mul3A_62, %add3A_373 : i32
        %get3A_375 = arith.index_cast %add3A_374 : i32 to index
        %get3A_376 = arith.constant 112 : index
        %get3A_377 = tpu.vector_load %arg6[%get3A_375, %get3A_376] {strides = array<i32>} : memref<240x128xf32, #tpu.memory_space<vmem>>, vector<1x16xf32>,
        %get3A_378 = vector.shape_cast %get3A_377 : vector<1x16xf32> to vector<16xf32>
        %add3A_379 = arith.addf %get3A_372, %get3A_378 : vector<16xf32>
        %add3A_380 = arith.constant 2 : i32
        %add3A_381 = arith.addi %mul3A_62, %add3A_380 : i32
        %get3A_382 = arith.index_cast %add3A_381 : i32 to index
        %get3A_383 = arith.constant 112 : index
        %get3A_384 = tpu.vector_load %arg6[%get3A_382, %get3A_383] {strides = array<i32>} : memref<240x128xf32, #tpu.memory_space<vmem>>, vector<1x16xf32>,
        %get3A_385 = vector.shape_cast %get3A_384 : vector<1x16xf32> to vector<16xf32>
        %add3A_386 = arith.addf %add3A_379, %get3A_385 : vector<16xf32>
        %add3A_387 = arith.constant 3 : i32
        %add3A_388 = arith.addi %mul3A_62, %add3A_387 : i32
        %get3A_389 = arith.index_cast %add3A_388 : i32 to index
        %get3A_390 = arith.constant 112 : index
        %get3A_391 = tpu.vector_load %arg6[%get3A_389, %get3A_390] {strides = array<i32>} : memref<240x128xf32, #tpu.memory_space<vmem>>, vector<1x16xf32>,
        %get3A_392 = vector.shape_cast %get3A_391 : vector<1x16xf32> to vector<16xf32>
        %add3A_393 = arith.addf %add3A_386, %get3A_392 : vector<16xf32>
        %add3A_394 = arith.constant 4 : i32
        %add3A_395 = arith.addi %mul3A_62, %add3A_394 : i32
        %get3A_396 = arith.index_cast %add3A_395 : i32 to index
        %get3A_397 = arith.constant 112 : index
        %get3A_398 = tpu.vector_load %arg6[%get3A_396, %get3A_397] {strides = array<i32>} : memref<240x128xf32, #tpu.memory_space<vmem>>, vector<1x16xf32>,
        %get3A_399 = vector.shape_cast %get3A_398 : vector<1x16xf32> to vector<16xf32>
        %add3A_400 = arith.addf %add3A_393, %get3A_399 : vector<16xf32>
        %add3A_401 = arith.constant 5 : i32
        %add3A_402 = arith.addi %mul3A_62, %add3A_401 : i32
        %get3A_403 = arith.index_cast %add3A_402 : i32 to index
        %get3A_404 = arith.constant 112 : index
        %get3A_405 = tpu.vector_load %arg6[%get3A_403, %get3A_404] {strides = array<i32>} : memref<240x128xf32, #tpu.memory_space<vmem>>, vector<1x16xf32>,
        %get3A_406 = vector.shape_cast %get3A_405 : vector<1x16xf32> to vector<16xf32>
        %add3A_407 = arith.addf %add3A_400, %get3A_406 : vector<16xf32>
        %swap3A_408 = arith.index_cast %scan3A_60 : i32 to index
        %swap3A_409 = arith.constant 112 : index
        %swap3A_410 = tpu.vector_load %arg7[%swap3A_408, %swap3A_409] {strides = array<i32>} : memref<40x128xf32, #tpu.memory_space<vmem>>, vector<1x16xf32>,
        %swap3A_411 = vector.shape_cast %swap3A_410 : vector<1x16xf32> to vector<16xf32>
        %swap3A_412 = vector.shape_cast %add3A_407 : vector<16xf32> to vector<1x16xf32>
        tpu.vector_store %arg7[%swap3A_408, %swap3A_409], %swap3A_412 {strides = array<i32>} : memref<40x128xf32, #tpu.memory_space<vmem>>, vector<1x16xf32>,
      }
      %scan3A_56 = arith.constant 40 : i32
      %mul3A_57 = arith.constant 40 : i32
      %mul3A_58 = arith.muli %scan3A_8, %mul3A_57 : i32
      %add3A_59 = arith.addi %mul3A_2, %mul3A_58 : i32
      "tpu.region"() ({
        %run_scoped3A = tpu.sem_alloc : memref<!tpu.dma_semaphore, #tpu.memory_space<semaphore_mem>>
        %dma_start3A_60 = arith.constant 0 : i32
        %dma_start3A_61 = tpu.memref_slice %arg4[%add3A_59, %dma_start3A_60] : memref<160000x128xf32, #tpu.memory_space<hbm>> -> memref<40x128xf32, #tpu.memory_space<hbm>>
        %dma_start3A_62 = arith.constant 0 : i32
        %dma_start3A_63 = tpu.memref_slice %arg4[%add3A_59, %dma_start3A_62] : memref<160000x128xf32, #tpu.memory_space<hbm>> -> memref<40x128xf32, #tpu.memory_space<hbm>>
        tpu.enqueue_dma source(%arg7 : memref<40x128xf32, #tpu.memory_space<vmem>>) target(%dma_start3A_63 : memref<40x128xf32, #tpu.memory_space<hbm>>) target_semaphore(%run_scoped3A : memref<!tpu.dma_semaphore, #tpu.memory_space<semaphore_mem>>)
        %dma_wait3A_64 = arith.constant 0 : i32
        %dma_wait3A_65 = tpu.memref_slice %arg4[%add3A_59, %dma_wait3A_64] : memref<160000x128xf32, #tpu.memory_space<hbm>> -> memref<40x128xf32, #tpu.memory_space<hbm>>
        %dma_wait3A_66 = arith.constant 0 : i32
        %dma_wait3A_67 = tpu.memref_slice %arg4[%add3A_59, %dma_wait3A_66] : memref<160000x128xf32, #tpu.memory_space<hbm>> -> memref<40x128xf32, #tpu.memory_space<hbm>>
        tpu.wait_dma2 semaphore(%run_scoped3A : memref<!tpu.dma_semaphore, #tpu.memory_space<semaphore_mem>>) src(%arg7 : memref<40x128xf32, #tpu.memory_space<vmem>>) dst(%dma_wait3A_67 : memref<40x128xf32, #tpu.memory_space<hbm>>)
        tpu.yield
      }) : () -> ()
    }
    %scan3A_7 = arith.constant 125 : i32
    return
  }
}

#map = affine_map<(d0, d1) -> (0, 0)>
#map1 = affine_map<(d0, d1) -> (0, 0, 0)>
module attributes {stable_mosaic.version = 14 : i64} {
  func.func @sc_gather_sum_160000(%arg0: i32, %arg1: i32, %arg2: memref<160000x128xf32, #tpu.memory_space<hbm>>, %arg3: memref<32x250x120xi32, #tpu.memory_space<hbm>>, %arg4: memref<160000x128xf32, #tpu.memory_space<hbm>>, %arg5: memref<250x120xi32, #tpu.memory_space<vmem>>, %arg6: memref<240x128xf32, #tpu.memory_space<vmem>>, %arg7: memref<40x128xf32, #tpu.memory_space<vmem>>, %arg8: memref<!tpu.dma_semaphore, #tpu.memory_space<semaphore_mem>>) attributes {dimension_semantics = [#tpu.dimension_semantics<core_parallel>, #tpu.dimension_semantics<subcore_parallel>], iteration_bounds = array<i64: 2, 16>, scalar_prefetch = 0 : i64, scratch_operands = 4 : i64, tpu.core_type = #tpu.core_type<sc_vector_subcore>, window_params = [{transform_indices = #map}, {transform_indices = #map1}, {transform_indices = #map}]} {
    %mul3A = arith.constant 2 : i32
    %mul3A_0 = arith.muli %arg1, %mul3A : i32
    %add3A = arith.addi %mul3A_0, %arg0 : i32
    %mul3A_1 = arith.constant 5000 : i32
    %mul3A_2 = arith.muli %add3A, %mul3A_1 : i32
    "tpu.region"() ({
      %run_scoped3A = tpu.sem_alloc : memref<!tpu.dma_semaphore, #tpu.memory_space<semaphore_mem>>
      %dma_start3A = arith.constant 0 : i32
      %dma_start3A_8 = arith.constant 0 : i32
      %dma_start3A_9 = tpu.memref_slice %arg3[%add3A, %dma_start3A, %dma_start3A_8] : memref<32x250x120xi32, #tpu.memory_space<hbm>> -> memref<1x250x120xi32, #tpu.memory_space<hbm>>
      %dma_start3A_10 = tpu.memref_squeeze %dma_start3A_9 : memref<1x250x120xi32, #tpu.memory_space<hbm>> -> memref<250x120xi32, #tpu.memory_space<hbm>>
      %dma_start3A_11 = arith.constant 0 : i32
      %dma_start3A_12 = arith.constant 0 : i32
      %dma_start3A_13 = tpu.memref_slice %arg3[%add3A, %dma_start3A_11, %dma_start3A_12] : memref<32x250x120xi32, #tpu.memory_space<hbm>> -> memref<1x250x120xi32, #tpu.memory_space<hbm>>
      %dma_start3A_14 = tpu.memref_squeeze %dma_start3A_13 : memref<1x250x120xi32, #tpu.memory_space<hbm>> -> memref<250x120xi32, #tpu.memory_space<hbm>>
      tpu.enqueue_dma source(%dma_start3A_14 : memref<250x120xi32, #tpu.memory_space<hbm>>) target(%arg5 : memref<250x120xi32, #tpu.memory_space<vmem>>) target_semaphore(%run_scoped3A : memref<!tpu.dma_semaphore, #tpu.memory_space<semaphore_mem>>)
      %dma_wait3A = arith.constant 0 : i32
      %dma_wait3A_15 = arith.constant 0 : i32
      %dma_wait3A_16 = tpu.memref_slice %arg3[%add3A, %dma_wait3A, %dma_wait3A_15] : memref<32x250x120xi32, #tpu.memory_space<hbm>> -> memref<1x250x120xi32, #tpu.memory_space<hbm>>
      %dma_wait3A_17 = tpu.memref_squeeze %dma_wait3A_16 : memref<1x250x120xi32, #tpu.memory_space<hbm>> -> memref<250x120xi32, #tpu.memory_space<hbm>>
      %dma_wait3A_18 = arith.constant 0 : i32
      %dma_wait3A_19 = arith.constant 0 : i32
      %dma_wait3A_20 = tpu.memref_slice %arg3[%add3A, %dma_wait3A_18, %dma_wait3A_19] : memref<32x250x120xi32, #tpu.memory_space<hbm>> -> memref<1x250x120xi32, #tpu.memory_space<hbm>>
      %dma_wait3A_21 = tpu.memref_squeeze %dma_wait3A_20 : memref<1x250x120xi32, #tpu.memory_space<hbm>> -> memref<250x120xi32, #tpu.memory_space<hbm>>
      tpu.wait_dma2 semaphore(%run_scoped3A : memref<!tpu.dma_semaphore, #tpu.memory_space<semaphore_mem>>) src(%dma_wait3A_21 : memref<250x120xi32, #tpu.memory_space<hbm>>) dst(%arg5 : memref<250x120xi32, #tpu.memory_space<vmem>>)
      tpu.yield
    }) : () -> ()
    %scan3A = arith.constant 0 : i32
    %scan3A_3 = arith.constant 0 : i32
    %scan3A_4 = arith.constant 125 : i32
    %scan3A_5 = arith.addi %scan3A_3, %scan3A_4 : i32
    %scan3A_6 = arith.constant 1 : i32
    scf.for %scan3A_8 = %scan3A_3 to %scan3A_5 step %scan3A_6  : i32 {
      %mul3A_9 = arith.constant 2 : i32
      %mul3A_10 = arith.muli %scan3A_8, %mul3A_9 : i32
      %add3A_11 = arith.constant 0 : i32
      %add3A_12 = arith.addi %mul3A_10, %add3A_11 : i32
      %dma_start3A = arith.constant 0 : i32
      %dma_start3A_13 = arith.constant 0 : i32
      %dma_start3A_14 = tpu.memref_slice %arg6[%dma_start3A, %dma_start3A_13] : memref<240x128xf32, #tpu.memory_space<vmem>> -> memref<120x128xf32, #tpu.memory_space<vmem>>
      %dma_start3A_15 = arith.constant 0 : i32
      %dma_start3A_16 = tpu.memref_slice %arg5[%add3A_12, %dma_start3A_15] : memref<250x120xi32, #tpu.memory_space<vmem>> -> memref<1x120xi32, #tpu.memory_space<vmem>>
      %dma_start3A_17 = tpu.memref_squeeze %dma_start3A_16 : memref<1x120xi32, #tpu.memory_space<vmem>> -> memref<120xi32, #tpu.memory_space<vmem>>
      %dma_start3A_18 = arith.constant 0 : i32
      %dma_start3A_19 = arith.constant 0 : i32
      %dma_start3A_20 = tpu.memref_slice %arg2[%dma_start3A_18, %dma_start3A_19] : memref<160000x128xf32, #tpu.memory_space<hbm>> -> memref<160000x128xf32, #tpu.memory_space<hbm>>
      tpu.enqueue_indirect_dma source(%dma_start3A_20 : memref<160000x128xf32, #tpu.memory_space<hbm>>) target(%dma_start3A_14 : memref<120x128xf32, #tpu.memory_space<vmem>>) offsets(%dma_start3A_17 : memref<120xi32, #tpu.memory_space<vmem>>) semaphore(%arg8 : memref<!tpu.dma_semaphore, #tpu.memory_space<semaphore_mem>>)
      %mul3A_21 = arith.constant 2 : i32
      %mul3A_22 = arith.muli %scan3A_8, %mul3A_21 : i32
      %add3A_23 = arith.constant 1 : i32
      %add3A_24 = arith.addi %mul3A_22, %add3A_23 : i32
      %dma_start3A_25 = arith.constant 120 : i32
      %dma_start3A_26 = arith.constant 0 : i32
      %dma_start3A_27 = tpu.memref_slice %arg6[%dma_start3A_25, %dma_start3A_26] : memref<240x128xf32, #tpu.memory_space<vmem>> -> memref<120x128xf32, #tpu.memory_space<vmem>>
      %dma_start3A_28 = arith.constant 0 : i32
      %dma_start3A_29 = tpu.memref_slice %arg5[%add3A_24, %dma_start3A_28] : memref<250x120xi32, #tpu.memory_space<vmem>> -> memref<1x120xi32, #tpu.memory_space<vmem>>
      %dma_start3A_30 = tpu.memref_squeeze %dma_start3A_29 : memref<1x120xi32, #tpu.memory_space<vmem>> -> memref<120xi32, #tpu.memory_space<vmem>>
      %dma_start3A_31 = arith.constant 0 : i32
      %dma_start3A_32 = arith.constant 0 : i32
      %dma_start3A_33 = tpu.memref_slice %arg2[%dma_start3A_31, %dma_start3A_32] : memref<160000x128xf32, #tpu.memory_space<hbm>> -> memref<160000x128xf32, #tpu.memory_space<hbm>>
      tpu.enqueue_indirect_dma source(%dma_start3A_33 : memref<160000x128xf32, #tpu.memory_space<hbm>>) target(%dma_start3A_27 : memref<120x128xf32, #tpu.memory_space<vmem>>) offsets(%dma_start3A_30 : memref<120xi32, #tpu.memory_space<vmem>>) semaphore(%arg8 : memref<!tpu.dma_semaphore, #tpu.memory_space<semaphore_mem>>)
      %dma_wait3A = arith.constant 0 : i32
      %dma_wait3A_34 = arith.constant 0 : i32
      %dma_wait3A_35 = tpu.memref_slice %arg6[%dma_wait3A, %dma_wait3A_34] : memref<240x128xf32, #tpu.memory_space<vmem>> -> memref<120x128xf32, #tpu.memory_space<vmem>>
      %dma_wait3A_36 = arith.constant 0 : i32
      %dma_wait3A_37 = tpu.memref_slice %arg5[%add3A_12, %dma_wait3A_36] : memref<250x120xi32, #tpu.memory_space<vmem>> -> memref<1x120xi32, #tpu.memory_space<vmem>>
      %dma_wait3A_38 = tpu.memref_squeeze %dma_wait3A_37 : memref<1x120xi32, #tpu.memory_space<vmem>> -> memref<120xi32, #tpu.memory_space<vmem>>
      %dma_wait3A_39 = arith.constant 0 : i32
      %dma_wait3A_40 = arith.constant 0 : i32
      %dma_wait3A_41 = tpu.memref_slice %arg2[%dma_wait3A_39, %dma_wait3A_40] : memref<160000x128xf32, #tpu.memory_space<hbm>> -> memref<160000x128xf32, #tpu.memory_space<hbm>>
      tpu.wait_indirect_dma semaphore(%arg8 : memref<!tpu.dma_semaphore, #tpu.memory_space<semaphore_mem>>) src(%dma_wait3A_41 : memref<160000x128xf32, #tpu.memory_space<hbm>>) dst(%dma_wait3A_35 : memref<120x128xf32, #tpu.memory_space<vmem>>)
      %dma_wait3A_42 = arith.constant 120 : i32
      %dma_wait3A_43 = arith.constant 0 : i32
      %dma_wait3A_44 = tpu.memref_slice %arg6[%dma_wait3A_42, %dma_wait3A_43] : memref<240x128xf32, #tpu.memory_space<vmem>> -> memref<120x128xf32, #tpu.memory_space<vmem>>
      %dma_wait3A_45 = arith.constant 0 : i32
      %dma_wait3A_46 = tpu.memref_slice %arg5[%add3A_24, %dma_wait3A_45] : memref<250x120xi32, #tpu.memory_space<vmem>> -> memref<1x120xi32, #tpu.memory_space<vmem>>
      %dma_wait3A_47 = tpu.memref_squeeze %dma_wait3A_46 : memref<1x120xi32, #tpu.memory_space<vmem>> -> memref<120xi32, #tpu.memory_space<vmem>>
      %dma_wait3A_48 = arith.constant 0 : i32
      %dma_wait3A_49 = arith.constant 0 : i32
      %dma_wait3A_50 = tpu.memref_slice %arg2[%dma_wait3A_48, %dma_wait3A_49] : memref<160000x128xf32, #tpu.memory_space<hbm>> -> memref<160000x128xf32, #tpu.memory_space<hbm>>
      tpu.wait_indirect_dma semaphore(%arg8 : memref<!tpu.dma_semaphore, #tpu.memory_space<semaphore_mem>>) src(%dma_wait3A_50 : memref<160000x128xf32, #tpu.memory_space<hbm>>) dst(%dma_wait3A_44 : memref<120x128xf32, #tpu.memory_space<vmem>>)
      %scan3A_51 = arith.constant 0 : i32
      %scan3A_52 = arith.constant 0 : i32
      %scan3A_53 = arith.constant 40 : i32
      %scan3A_54 = arith.addi %scan3A_52, %scan3A_53 : i32
      %scan3A_55 = arith.constant 1 : i32
      scf.for %scan3A_60 = %scan3A_52 to %scan3A_54 step %scan3A_55  : i32 {
        %mul3A_61 = arith.constant 6 : i32
        %mul3A_62 = arith.muli %scan3A_60, %mul3A_61 : i32
        %get3A = arith.index_cast %mul3A_62 : i32 to index
        %get3A_63 = arith.constant 0 : index
        %get3A_64 = tpu.vector_load %arg6[%get3A, %get3A_63] {strides = array<i32>} : memref<240x128xf32, #tpu.memory_space<vmem>>, vector<1x16xf32>,
        %get3A_65 = vector.shape_cast %get3A_64 : vector<1x16xf32> to vector<16xf32>
        %add3A_66 = arith.constant 1 : i32
        %add3A_67 = arith.addi %mul3A_62, %add3A_66 : i32
        %get3A_68 = arith.index_cast %add3A_67 : i32 to index
        %get3A_69 = arith.constant 0 : index
        %get3A_70 = tpu.vector_load %arg6[%get3A_68, %get3A_69] {strides = array<i32>} : memref<240x128xf32, #tpu.memory_space<vmem>>, vector<1x16xf32>,
        %get3A_71 = vector.shape_cast %get3A_70 : vector<1x16xf32> to vector<16xf32>
        %add3A_72 = arith.addf %get3A_65, %get3A_71 : vector<16xf32>
        %add3A_73 = arith.constant 2 : i32
        %add3A_74 = arith.addi %mul3A_62, %add3A_73 : i32
        %get3A_75 = arith.index_cast %add3A_74 : i32 to index
        %get3A_76 = arith.constant 0 : index
        %get3A_77 = tpu.vector_load %arg6[%get3A_75, %get3A_76] {strides = array<i32>} : memref<240x128xf32, #tpu.memory_space<vmem>>, vector<1x16xf32>,
        %get3A_78 = vector.shape_cast %get3A_77 : vector<1x16xf32> to vector<16xf32>
        %add3A_79 = arith.addf %add3A_72, %get3A_78 : vector<16xf32>
        %add3A_80 = arith.constant 3 : i32
        %add3A_81 = arith.addi %mul3A_62, %add3A_80 : i32
        %get3A_82 = arith.index_cast %add3A_81 : i32 to index
        %get3A_83 = arith.constant 0 : index
        %get3A_84 = tpu.vector_load %arg6[%get3A_82, %get3A_83] {strides = array<i32>} : memref<240x128xf32, #tpu.memory_space<vmem>>, vector<1x16xf32>,
        %get3A_85 = vector.shape_cast %get3A_84 : vector<1x16xf32> to vector<16xf32>
        %add3A_86 = arith.addf %add3A_79, %get3A_85 : vector<16xf32>
        %add3A_87 = arith.constant 4 : i32
        %add3A_88 = arith.addi %mul3A_62, %add3A_87 : i32
        %get3A_89 = arith.index_cast %add3A_88 : i32 to index
        %get3A_90 = arith.constant 0 : index
        %get3A_91 = tpu.vector_load %arg6[%get3A_89, %get3A_90] {strides = array<i32>} : memref<240x128xf32, #tpu.memory_space<vmem>>, vector<1x16xf32>,
        %get3A_92 = vector.shape_cast %get3A_91 : vector<1x16xf32> to vector<16xf32>
        %add3A_93 = arith.addf %add3A_86, %get3A_92 : vector<16xf32>
        %add3A_94 = arith.constant 5 : i32
        %add3A_95 = arith.addi %mul3A_62, %add3A_94 : i32
        %get3A_96 = arith.index_cast %add3A_95 : i32 to index
        %get3A_97 = arith.constant 0 : index
        %get3A_98 = tpu.vector_load %arg6[%get3A_96, %get3A_97] {strides = array<i32>} : memref<240x128xf32, #tpu.memory_space<vmem>>, vector<1x16xf32>,
        %get3A_99 = vector.shape_cast %get3A_98 : vector<1x16xf32> to vector<16xf32>
        %add3A_100 = arith.addf %add3A_93, %get3A_99 : vector<16xf32>
        %swap3A = arith.index_cast %scan3A_60 : i32 to index
        %swap3A_101 = arith.constant 0 : index
        %swap3A_102 = tpu.vector_load %arg7[%swap3A, %swap3A_101] {strides = array<i32>} : memref<40x128xf32, #tpu.memory_space<vmem>>, vector<1x16xf32>,
        %swap3A_103 = vector.shape_cast %swap3A_102 : vector<1x16xf32> to vector<16xf32>
        %swap3A_104 = vector.shape_cast %add3A_100 : vector<16xf32> to vector<1x16xf32>
        tpu.vector_store %arg7[%swap3A, %swap3A_101], %swap3A_104 {strides = array<i32>} : memref<40x128xf32, #tpu.memory_space<vmem>>, vector<1x16xf32>,
        %get3A_105 = arith.index_cast %mul3A_62 : i32 to index
        %get3A_106 = arith.constant 16 : index
        %get3A_107 = tpu.vector_load %arg6[%get3A_105, %get3A_106] {strides = array<i32>} : memref<240x128xf32, #tpu.memory_space<vmem>>, vector<1x16xf32>,
        %get3A_108 = vector.shape_cast %get3A_107 : vector<1x16xf32> to vector<16xf32>
        %add3A_109 = arith.constant 1 : i32
        %add3A_110 = arith.addi %mul3A_62, %add3A_109 : i32
        %get3A_111 = arith.index_cast %add3A_110 : i32 to index
        %get3A_112 = arith.constant 16 : index
        %get3A_113 = tpu.vector_load %arg6[%get3A_111, %get3A_112] {strides = array<i32>} : memref<240x128xf32, #tpu.memory_space<vmem>>, vector<1x16xf32>,
        %get3A_114 = vector.shape_cast %get3A_113 : vector<1x16xf32> to vector<16xf32>
        %add3A_115 = arith.addf %get3A_108, %get3A_114 : vector<16xf32>
        %add3A_116 = arith.constant 2 : i32
        %add3A_117 = arith.addi %mul3A_62, %add3A_116 : i32
        %get3A_118 = arith.index_cast %add3A_117 : i32 to index
        %get3A_119 = arith.constant 16 : index
        %get3A_120 = tpu.vector_load %arg6[%get3A_118, %get3A_119] {strides = array<i32>} : memref<240x128xf32, #tpu.memory_space<vmem>>, vector<1x16xf32>,
        %get3A_121 = vector.shape_cast %get3A_120 : vector<1x16xf32> to vector<16xf32>
        %add3A_122 = arith.addf %add3A_115, %get3A_121 : vector<16xf32>
        %add3A_123 = arith.constant 3 : i32
        %add3A_124 = arith.addi %mul3A_62, %add3A_123 : i32
        %get3A_125 = arith.index_cast %add3A_124 : i32 to index
        %get3A_126 = arith.constant 16 : index
        %get3A_127 = tpu.vector_load %arg6[%get3A_125, %get3A_126] {strides = array<i32>} : memref<240x128xf32, #tpu.memory_space<vmem>>, vector<1x16xf32>,
        %get3A_128 = vector.shape_cast %get3A_127 : vector<1x16xf32> to vector<16xf32>
        %add3A_129 = arith.addf %add3A_122, %get3A_128 : vector<16xf32>
        %add3A_130 = arith.constant 4 : i32
        %add3A_131 = arith.addi %mul3A_62, %add3A_130 : i32
        %get3A_132 = arith.index_cast %add3A_131 : i32 to index
        %get3A_133 = arith.constant 16 : index
        %get3A_134 = tpu.vector_load %arg6[%get3A_132, %get3A_133] {strides = array<i32>} : memref<240x128xf32, #tpu.memory_space<vmem>>, vector<1x16xf32>,
        %get3A_135 = vector.shape_cast %get3A_134 : vector<1x16xf32> to vector<16xf32>
        %add3A_136 = arith.addf %add3A_129, %get3A_135 : vector<16xf32>
        %add3A_137 = arith.constant 5 : i32
        %add3A_138 = arith.addi %mul3A_62, %add3A_137 : i32
        %get3A_139 = arith.index_cast %add3A_138 : i32 to index
        %get3A_140 = arith.constant 16 : index
        %get3A_141 = tpu.vector_load %arg6[%get3A_139, %get3A_140] {strides = array<i32>} : memref<240x128xf32, #tpu.memory_space<vmem>>, vector<1x16xf32>,
        %get3A_142 = vector.shape_cast %get3A_141 : vector<1x16xf32> to vector<16xf32>
        %add3A_143 = arith.addf %add3A_136, %get3A_142 : vector<16xf32>
        %swap3A_144 = arith.index_cast %scan3A_60 : i32 to index
        %swap3A_145 = arith.constant 16 : index
        %swap3A_146 = tpu.vector_load %arg7[%swap3A_144, %swap3A_145] {strides = array<i32>} : memref<40x128xf32, #tpu.memory_space<vmem>>, vector<1x16xf32>,
        %swap3A_147 = vector.shape_cast %swap3A_146 : vector<1x16xf32> to vector<16xf32>
        %swap3A_148 = vector.shape_cast %add3A_143 : vector<16xf32> to vector<1x16xf32>
        tpu.vector_store %arg7[%swap3A_144, %swap3A_145], %swap3A_148 {strides = array<i32>} : memref<40x128xf32, #tpu.memory_space<vmem>>, vector<1x16xf32>,
        %get3A_149 = arith.index_cast %mul3A_62 : i32 to index
        %get3A_150 = arith.constant 32 : index
        %get3A_151 = tpu.vector_load %arg6[%get3A_149, %get3A_150] {strides = array<i32>} : memref<240x128xf32, #tpu.memory_space<vmem>>, vector<1x16xf32>,
        %get3A_152 = vector.shape_cast %get3A_151 : vector<1x16xf32> to vector<16xf32>
        %add3A_153 = arith.constant 1 : i32
        %add3A_154 = arith.addi %mul3A_62, %add3A_153 : i32
        %get3A_155 = arith.index_cast %add3A_154 : i32 to index
        %get3A_156 = arith.constant 32 : index
        %get3A_157 = tpu.vector_load %arg6[%get3A_155, %get3A_156] {strides = array<i32>} : memref<240x128xf32, #tpu.memory_space<vmem>>, vector<1x16xf32>,
        %get3A_158 = vector.shape_cast %get3A_157 : vector<1x16xf32> to vector<16xf32>
        %add3A_159 = arith.addf %get3A_152, %get3A_158 : vector<16xf32>
        %add3A_160 = arith.constant 2 : i32
        %add3A_161 = arith.addi %mul3A_62, %add3A_160 : i32
        %get3A_162 = arith.index_cast %add3A_161 : i32 to index
        %get3A_163 = arith.constant 32 : index
        %get3A_164 = tpu.vector_load %arg6[%get3A_162, %get3A_163] {strides = array<i32>} : memref<240x128xf32, #tpu.memory_space<vmem>>, vector<1x16xf32>,
        %get3A_165 = vector.shape_cast %get3A_164 : vector<1x16xf32> to vector<16xf32>
        %add3A_166 = arith.addf %add3A_159, %get3A_165 : vector<16xf32>
        %add3A_167 = arith.constant 3 : i32
        %add3A_168 = arith.addi %mul3A_62, %add3A_167 : i32
        %get3A_169 = arith.index_cast %add3A_168 : i32 to index
        %get3A_170 = arith.constant 32 : index
        %get3A_171 = tpu.vector_load %arg6[%get3A_169, %get3A_170] {strides = array<i32>} : memref<240x128xf32, #tpu.memory_space<vmem>>, vector<1x16xf32>,
        %get3A_172 = vector.shape_cast %get3A_171 : vector<1x16xf32> to vector<16xf32>
        %add3A_173 = arith.addf %add3A_166, %get3A_172 : vector<16xf32>
        %add3A_174 = arith.constant 4 : i32
        %add3A_175 = arith.addi %mul3A_62, %add3A_174 : i32
        %get3A_176 = arith.index_cast %add3A_175 : i32 to index
        %get3A_177 = arith.constant 32 : index
        %get3A_178 = tpu.vector_load %arg6[%get3A_176, %get3A_177] {strides = array<i32>} : memref<240x128xf32, #tpu.memory_space<vmem>>, vector<1x16xf32>,
        %get3A_179 = vector.shape_cast %get3A_178 : vector<1x16xf32> to vector<16xf32>
        %add3A_180 = arith.addf %add3A_173, %get3A_179 : vector<16xf32>
        %add3A_181 = arith.constant 5 : i32
        %add3A_182 = arith.addi %mul3A_62, %add3A_181 : i32
        %get3A_183 = arith.index_cast %add3A_182 : i32 to index
        %get3A_184 = arith.constant 32 : index
        %get3A_185 = tpu.vector_load %arg6[%get3A_183, %get3A_184] {strides = array<i32>} : memref<240x128xf32, #tpu.memory_space<vmem>>, vector<1x16xf32>,
        %get3A_186 = vector.shape_cast %get3A_185 : vector<1x16xf32> to vector<16xf32>
        %add3A_187 = arith.addf %add3A_180, %get3A_186 : vector<16xf32>
        %swap3A_188 = arith.index_cast %scan3A_60 : i32 to index
        %swap3A_189 = arith.constant 32 : index
        %swap3A_190 = tpu.vector_load %arg7[%swap3A_188, %swap3A_189] {strides = array<i32>} : memref<40x128xf32, #tpu.memory_space<vmem>>, vector<1x16xf32>,
        %swap3A_191 = vector.shape_cast %swap3A_190 : vector<1x16xf32> to vector<16xf32>
        %swap3A_192 = vector.shape_cast %add3A_187 : vector<16xf32> to vector<1x16xf32>
        tpu.vector_store %arg7[%swap3A_188, %swap3A_189], %swap3A_192 {strides = array<i32>} : memref<40x128xf32, #tpu.memory_space<vmem>>, vector<1x16xf32>,
        %get3A_193 = arith.index_cast %mul3A_62 : i32 to index
        %get3A_194 = arith.constant 48 : index
        %get3A_195 = tpu.vector_load %arg6[%get3A_193, %get3A_194] {strides = array<i32>} : memref<240x128xf32, #tpu.memory_space<vmem>>, vector<1x16xf32>,
        %get3A_196 = vector.shape_cast %get3A_195 : vector<1x16xf32> to vector<16xf32>
        %add3A_197 = arith.constant 1 : i32
        %add3A_198 = arith.addi %mul3A_62, %add3A_197 : i32
        %get3A_199 = arith.index_cast %add3A_198 : i32 to index
        %get3A_200 = arith.constant 48 : index
        %get3A_201 = tpu.vector_load %arg6[%get3A_199, %get3A_200] {strides = array<i32>} : memref<240x128xf32, #tpu.memory_space<vmem>>, vector<1x16xf32>,
        %get3A_202 = vector.shape_cast %get3A_201 : vector<1x16xf32> to vector<16xf32>
        %add3A_203 = arith.addf %get3A_196, %get3A_202 : vector<16xf32>
        %add3A_204 = arith.constant 2 : i32
        %add3A_205 = arith.addi %mul3A_62, %add3A_204 : i32
        %get3A_206 = arith.index_cast %add3A_205 : i32 to index
        %get3A_207 = arith.constant 48 : index
        %get3A_208 = tpu.vector_load %arg6[%get3A_206, %get3A_207] {strides = array<i32>} : memref<240x128xf32, #tpu.memory_space<vmem>>, vector<1x16xf32>,
        %get3A_209 = vector.shape_cast %get3A_208 : vector<1x16xf32> to vector<16xf32>
        %add3A_210 = arith.addf %add3A_203, %get3A_209 : vector<16xf32>
        %add3A_211 = arith.constant 3 : i32
        %add3A_212 = arith.addi %mul3A_62, %add3A_211 : i32
        %get3A_213 = arith.index_cast %add3A_212 : i32 to index
        %get3A_214 = arith.constant 48 : index
        %get3A_215 = tpu.vector_load %arg6[%get3A_213, %get3A_214] {strides = array<i32>} : memref<240x128xf32, #tpu.memory_space<vmem>>, vector<1x16xf32>,
        %get3A_216 = vector.shape_cast %get3A_215 : vector<1x16xf32> to vector<16xf32>
        %add3A_217 = arith.addf %add3A_210, %get3A_216 : vector<16xf32>
        %add3A_218 = arith.constant 4 : i32
        %add3A_219 = arith.addi %mul3A_62, %add3A_218 : i32
        %get3A_220 = arith.index_cast %add3A_219 : i32 to index
        %get3A_221 = arith.constant 48 : index
        %get3A_222 = tpu.vector_load %arg6[%get3A_220, %get3A_221] {strides = array<i32>} : memref<240x128xf32, #tpu.memory_space<vmem>>, vector<1x16xf32>,
        %get3A_223 = vector.shape_cast %get3A_222 : vector<1x16xf32> to vector<16xf32>
        %add3A_224 = arith.addf %add3A_217, %get3A_223 : vector<16xf32>
        %add3A_225 = arith.constant 5 : i32
        %add3A_226 = arith.addi %mul3A_62, %add3A_225 : i32
        %get3A_227 = arith.index_cast %add3A_226 : i32 to index
        %get3A_228 = arith.constant 48 : index
        %get3A_229 = tpu.vector_load %arg6[%get3A_227, %get3A_228] {strides = array<i32>} : memref<240x128xf32, #tpu.memory_space<vmem>>, vector<1x16xf32>,
        %get3A_230 = vector.shape_cast %get3A_229 : vector<1x16xf32> to vector<16xf32>
        %add3A_231 = arith.addf %add3A_224, %get3A_230 : vector<16xf32>
        %swap3A_232 = arith.index_cast %scan3A_60 : i32 to index
        %swap3A_233 = arith.constant 48 : index
        %swap3A_234 = tpu.vector_load %arg7[%swap3A_232, %swap3A_233] {strides = array<i32>} : memref<40x128xf32, #tpu.memory_space<vmem>>, vector<1x16xf32>,
        %swap3A_235 = vector.shape_cast %swap3A_234 : vector<1x16xf32> to vector<16xf32>
        %swap3A_236 = vector.shape_cast %add3A_231 : vector<16xf32> to vector<1x16xf32>
        tpu.vector_store %arg7[%swap3A_232, %swap3A_233], %swap3A_236 {strides = array<i32>} : memref<40x128xf32, #tpu.memory_space<vmem>>, vector<1x16xf32>,
        %get3A_237 = arith.index_cast %mul3A_62 : i32 to index
        %get3A_238 = arith.constant 64 : index
        %get3A_239 = tpu.vector_load %arg6[%get3A_237, %get3A_238] {strides = array<i32>} : memref<240x128xf32, #tpu.memory_space<vmem>>, vector<1x16xf32>,
        %get3A_240 = vector.shape_cast %get3A_239 : vector<1x16xf32> to vector<16xf32>
        %add3A_241 = arith.constant 1 : i32
        %add3A_242 = arith.addi %mul3A_62, %add3A_241 : i32
        %get3A_243 = arith.index_cast %add3A_242 : i32 to index
        %get3A_244 = arith.constant 64 : index
        %get3A_245 = tpu.vector_load %arg6[%get3A_243, %get3A_244] {strides = array<i32>} : memref<240x128xf32, #tpu.memory_space<vmem>>, vector<1x16xf32>,
        %get3A_246 = vector.shape_cast %get3A_245 : vector<1x16xf32> to vector<16xf32>
        %add3A_247 = arith.addf %get3A_240, %get3A_246 : vector<16xf32>
        %add3A_248 = arith.constant 2 : i32
        %add3A_249 = arith.addi %mul3A_62, %add3A_248 : i32
        %get3A_250 = arith.index_cast %add3A_249 : i32 to index
        %get3A_251 = arith.constant 64 : index
        %get3A_252 = tpu.vector_load %arg6[%get3A_250, %get3A_251] {strides = array<i32>} : memref<240x128xf32, #tpu.memory_space<vmem>>, vector<1x16xf32>,
        %get3A_253 = vector.shape_cast %get3A_252 : vector<1x16xf32> to vector<16xf32>
        %add3A_254 = arith.addf %add3A_247, %get3A_253 : vector<16xf32>
        %add3A_255 = arith.constant 3 : i32
        %add3A_256 = arith.addi %mul3A_62, %add3A_255 : i32
        %get3A_257 = arith.index_cast %add3A_256 : i32 to index
        %get3A_258 = arith.constant 64 : index
        %get3A_259 = tpu.vector_load %arg6[%get3A_257, %get3A_258] {strides = array<i32>} : memref<240x128xf32, #tpu.memory_space<vmem>>, vector<1x16xf32>,
        %get3A_260 = vector.shape_cast %get3A_259 : vector<1x16xf32> to vector<16xf32>
        %add3A_261 = arith.addf %add3A_254, %get3A_260 : vector<16xf32>
        %add3A_262 = arith.constant 4 : i32
        %add3A_263 = arith.addi %mul3A_62, %add3A_262 : i32
        %get3A_264 = arith.index_cast %add3A_263 : i32 to index
        %get3A_265 = arith.constant 64 : index
        %get3A_266 = tpu.vector_load %arg6[%get3A_264, %get3A_265] {strides = array<i32>} : memref<240x128xf32, #tpu.memory_space<vmem>>, vector<1x16xf32>,
        %get3A_267 = vector.shape_cast %get3A_266 : vector<1x16xf32> to vector<16xf32>
        %add3A_268 = arith.addf %add3A_261, %get3A_267 : vector<16xf32>
        %add3A_269 = arith.constant 5 : i32
        %add3A_270 = arith.addi %mul3A_62, %add3A_269 : i32
        %get3A_271 = arith.index_cast %add3A_270 : i32 to index
        %get3A_272 = arith.constant 64 : index
        %get3A_273 = tpu.vector_load %arg6[%get3A_271, %get3A_272] {strides = array<i32>} : memref<240x128xf32, #tpu.memory_space<vmem>>, vector<1x16xf32>,
        %get3A_274 = vector.shape_cast %get3A_273 : vector<1x16xf32> to vector<16xf32>
        %add3A_275 = arith.addf %add3A_268, %get3A_274 : vector<16xf32>
        %swap3A_276 = arith.index_cast %scan3A_60 : i32 to index
        %swap3A_277 = arith.constant 64 : index
        %swap3A_278 = tpu.vector_load %arg7[%swap3A_276, %swap3A_277] {strides = array<i32>} : memref<40x128xf32, #tpu.memory_space<vmem>>, vector<1x16xf32>,
        %swap3A_279 = vector.shape_cast %swap3A_278 : vector<1x16xf32> to vector<16xf32>
        %swap3A_280 = vector.shape_cast %add3A_275 : vector<16xf32> to vector<1x16xf32>
        tpu.vector_store %arg7[%swap3A_276, %swap3A_277], %swap3A_280 {strides = array<i32>} : memref<40x128xf32, #tpu.memory_space<vmem>>, vector<1x16xf32>,
        %get3A_281 = arith.index_cast %mul3A_62 : i32 to index
        %get3A_282 = arith.constant 80 : index
        %get3A_283 = tpu.vector_load %arg6[%get3A_281, %get3A_282] {strides = array<i32>} : memref<240x128xf32, #tpu.memory_space<vmem>>, vector<1x16xf32>,
        %get3A_284 = vector.shape_cast %get3A_283 : vector<1x16xf32> to vector<16xf32>
        %add3A_285 = arith.constant 1 : i32
        %add3A_286 = arith.addi %mul3A_62, %add3A_285 : i32
        %get3A_287 = arith.index_cast %add3A_286 : i32 to index
        %get3A_288 = arith.constant 80 : index
        %get3A_289 = tpu.vector_load %arg6[%get3A_287, %get3A_288] {strides = array<i32>} : memref<240x128xf32, #tpu.memory_space<vmem>>, vector<1x16xf32>,
        %get3A_290 = vector.shape_cast %get3A_289 : vector<1x16xf32> to vector<16xf32>
        %add3A_291 = arith.addf %get3A_284, %get3A_290 : vector<16xf32>
        %add3A_292 = arith.constant 2 : i32
        %add3A_293 = arith.addi %mul3A_62, %add3A_292 : i32
        %get3A_294 = arith.index_cast %add3A_293 : i32 to index
        %get3A_295 = arith.constant 80 : index
        %get3A_296 = tpu.vector_load %arg6[%get3A_294, %get3A_295] {strides = array<i32>} : memref<240x128xf32, #tpu.memory_space<vmem>>, vector<1x16xf32>,
        %get3A_297 = vector.shape_cast %get3A_296 : vector<1x16xf32> to vector<16xf32>
        %add3A_298 = arith.addf %add3A_291, %get3A_297 : vector<16xf32>
        %add3A_299 = arith.constant 3 : i32
        %add3A_300 = arith.addi %mul3A_62, %add3A_299 : i32
        %get3A_301 = arith.index_cast %add3A_300 : i32 to index
        %get3A_302 = arith.constant 80 : index
        %get3A_303 = tpu.vector_load %arg6[%get3A_301, %get3A_302] {strides = array<i32>} : memref<240x128xf32, #tpu.memory_space<vmem>>, vector<1x16xf32>,
        %get3A_304 = vector.shape_cast %get3A_303 : vector<1x16xf32> to vector<16xf32>
        %add3A_305 = arith.addf %add3A_298, %get3A_304 : vector<16xf32>
        %add3A_306 = arith.constant 4 : i32
        %add3A_307 = arith.addi %mul3A_62, %add3A_306 : i32
        %get3A_308 = arith.index_cast %add3A_307 : i32 to index
        %get3A_309 = arith.constant 80 : index
        %get3A_310 = tpu.vector_load %arg6[%get3A_308, %get3A_309] {strides = array<i32>} : memref<240x128xf32, #tpu.memory_space<vmem>>, vector<1x16xf32>,
        %get3A_311 = vector.shape_cast %get3A_310 : vector<1x16xf32> to vector<16xf32>
        %add3A_312 = arith.addf %add3A_305, %get3A_311 : vector<16xf32>
        %add3A_313 = arith.constant 5 : i32
        %add3A_314 = arith.addi %mul3A_62, %add3A_313 : i32
        %get3A_315 = arith.index_cast %add3A_314 : i32 to index
        %get3A_316 = arith.constant 80 : index
        %get3A_317 = tpu.vector_load %arg6[%get3A_315, %get3A_316] {strides = array<i32>} : memref<240x128xf32, #tpu.memory_space<vmem>>, vector<1x16xf32>,
        %get3A_318 = vector.shape_cast %get3A_317 : vector<1x16xf32> to vector<16xf32>
        %add3A_319 = arith.addf %add3A_312, %get3A_318 : vector<16xf32>
        %swap3A_320 = arith.index_cast %scan3A_60 : i32 to index
        %swap3A_321 = arith.constant 80 : index
        %swap3A_322 = tpu.vector_load %arg7[%swap3A_320, %swap3A_321] {strides = array<i32>} : memref<40x128xf32, #tpu.memory_space<vmem>>, vector<1x16xf32>,
        %swap3A_323 = vector.shape_cast %swap3A_322 : vector<1x16xf32> to vector<16xf32>
        %swap3A_324 = vector.shape_cast %add3A_319 : vector<16xf32> to vector<1x16xf32>
        tpu.vector_store %arg7[%swap3A_320, %swap3A_321], %swap3A_324 {strides = array<i32>} : memref<40x128xf32, #tpu.memory_space<vmem>>, vector<1x16xf32>,
        %get3A_325 = arith.index_cast %mul3A_62 : i32 to index
        %get3A_326 = arith.constant 96 : index
        %get3A_327 = tpu.vector_load %arg6[%get3A_325, %get3A_326] {strides = array<i32>} : memref<240x128xf32, #tpu.memory_space<vmem>>, vector<1x16xf32>,
        %get3A_328 = vector.shape_cast %get3A_327 : vector<1x16xf32> to vector<16xf32>
        %add3A_329 = arith.constant 1 : i32
        %add3A_330 = arith.addi %mul3A_62, %add3A_329 : i32
        %get3A_331 = arith.index_cast %add3A_330 : i32 to index
        %get3A_332 = arith.constant 96 : index
        %get3A_333 = tpu.vector_load %arg6[%get3A_331, %get3A_332] {strides = array<i32>} : memref<240x128xf32, #tpu.memory_space<vmem>>, vector<1x16xf32>,
        %get3A_334 = vector.shape_cast %get3A_333 : vector<1x16xf32> to vector<16xf32>
        %add3A_335 = arith.addf %get3A_328, %get3A_334 : vector<16xf32>
        %add3A_336 = arith.constant 2 : i32
        %add3A_337 = arith.addi %mul3A_62, %add3A_336 : i32
        %get3A_338 = arith.index_cast %add3A_337 : i32 to index
        %get3A_339 = arith.constant 96 : index
        %get3A_340 = tpu.vector_load %arg6[%get3A_338, %get3A_339] {strides = array<i32>} : memref<240x128xf32, #tpu.memory_space<vmem>>, vector<1x16xf32>,
        %get3A_341 = vector.shape_cast %get3A_340 : vector<1x16xf32> to vector<16xf32>
        %add3A_342 = arith.addf %add3A_335, %get3A_341 : vector<16xf32>
        %add3A_343 = arith.constant 3 : i32
        %add3A_344 = arith.addi %mul3A_62, %add3A_343 : i32
        %get3A_345 = arith.index_cast %add3A_344 : i32 to index
        %get3A_346 = arith.constant 96 : index
        %get3A_347 = tpu.vector_load %arg6[%get3A_345, %get3A_346] {strides = array<i32>} : memref<240x128xf32, #tpu.memory_space<vmem>>, vector<1x16xf32>,
        %get3A_348 = vector.shape_cast %get3A_347 : vector<1x16xf32> to vector<16xf32>
        %add3A_349 = arith.addf %add3A_342, %get3A_348 : vector<16xf32>
        %add3A_350 = arith.constant 4 : i32
        %add3A_351 = arith.addi %mul3A_62, %add3A_350 : i32
        %get3A_352 = arith.index_cast %add3A_351 : i32 to index
        %get3A_353 = arith.constant 96 : index
        %get3A_354 = tpu.vector_load %arg6[%get3A_352, %get3A_353] {strides = array<i32>} : memref<240x128xf32, #tpu.memory_space<vmem>>, vector<1x16xf32>,
        %get3A_355 = vector.shape_cast %get3A_354 : vector<1x16xf32> to vector<16xf32>
        %add3A_356 = arith.addf %add3A_349, %get3A_355 : vector<16xf32>
        %add3A_357 = arith.constant 5 : i32
        %add3A_358 = arith.addi %mul3A_62, %add3A_357 : i32
        %get3A_359 = arith.index_cast %add3A_358 : i32 to index
        %get3A_360 = arith.constant 96 : index
        %get3A_361 = tpu.vector_load %arg6[%get3A_359, %get3A_360] {strides = array<i32>} : memref<240x128xf32, #tpu.memory_space<vmem>>, vector<1x16xf32>,
        %get3A_362 = vector.shape_cast %get3A_361 : vector<1x16xf32> to vector<16xf32>
        %add3A_363 = arith.addf %add3A_356, %get3A_362 : vector<16xf32>
        %swap3A_364 = arith.index_cast %scan3A_60 : i32 to index
        %swap3A_365 = arith.constant 96 : index
        %swap3A_366 = tpu.vector_load %arg7[%swap3A_364, %swap3A_365] {strides = array<i32>} : memref<40x128xf32, #tpu.memory_space<vmem>>, vector<1x16xf32>,
        %swap3A_367 = vector.shape_cast %swap3A_366 : vector<1x16xf32> to vector<16xf32>
        %swap3A_368 = vector.shape_cast %add3A_363 : vector<16xf32> to vector<1x16xf32>
        tpu.vector_store %arg7[%swap3A_364, %swap3A_365], %swap3A_368 {strides = array<i32>} : memref<40x128xf32, #tpu.memory_space<vmem>>, vector<1x16xf32>,
        %get3A_369 = arith.index_cast %mul3A_62 : i32 to index
        %get3A_370 = arith.constant 112 : index
        %get3A_371 = tpu.vector_load %arg6[%get3A_369, %get3A_370] {strides = array<i32>} : memref<240x128xf32, #tpu.memory_space<vmem>>, vector<1x16xf32>,
        %get3A_372 = vector.shape_cast %get3A_371 : vector<1x16xf32> to vector<16xf32>
        %add3A_373 = arith.constant 1 : i32
        %add3A_374 = arith.addi %mul3A_62, %add3A_373 : i32
        %get3A_375 = arith.index_cast %add3A_374 : i32 to index
        %get3A_376 = arith.constant 112 : index
        %get3A_377 = tpu.vector_load %arg6[%get3A_375, %get3A_376] {strides = array<i32>} : memref<240x128xf32, #tpu.memory_space<vmem>>, vector<1x16xf32>,
        %get3A_378 = vector.shape_cast %get3A_377 : vector<1x16xf32> to vector<16xf32>
        %add3A_379 = arith.addf %get3A_372, %get3A_378 : vector<16xf32>
        %add3A_380 = arith.constant 2 : i32
        %add3A_381 = arith.addi %mul3A_62, %add3A_380 : i32
        %get3A_382 = arith.index_cast %add3A_381 : i32 to index
        %get3A_383 = arith.constant 112 : index
        %get3A_384 = tpu.vector_load %arg6[%get3A_382, %get3A_383] {strides = array<i32>} : memref<240x128xf32, #tpu.memory_space<vmem>>, vector<1x16xf32>,
        %get3A_385 = vector.shape_cast %get3A_384 : vector<1x16xf32> to vector<16xf32>
        %add3A_386 = arith.addf %add3A_379, %get3A_385 : vector<16xf32>
        %add3A_387 = arith.constant 3 : i32
        %add3A_388 = arith.addi %mul3A_62, %add3A_387 : i32
        %get3A_389 = arith.index_cast %add3A_388 : i32 to index
        %get3A_390 = arith.constant 112 : index
        %get3A_391 = tpu.vector_load %arg6[%get3A_389, %get3A_390] {strides = array<i32>} : memref<240x128xf32, #tpu.memory_space<vmem>>, vector<1x16xf32>,
        %get3A_392 = vector.shape_cast %get3A_391 : vector<1x16xf32> to vector<16xf32>
        %add3A_393 = arith.addf %add3A_386, %get3A_392 : vector<16xf32>
        %add3A_394 = arith.constant 4 : i32
        %add3A_395 = arith.addi %mul3A_62, %add3A_394 : i32
        %get3A_396 = arith.index_cast %add3A_395 : i32 to index
        %get3A_397 = arith.constant 112 : index
        %get3A_398 = tpu.vector_load %arg6[%get3A_396, %get3A_397] {strides = array<i32>} : memref<240x128xf32, #tpu.memory_space<vmem>>, vector<1x16xf32>,
        %get3A_399 = vector.shape_cast %get3A_398 : vector<1x16xf32> to vector<16xf32>
        %add3A_400 = arith.addf %add3A_393, %get3A_399 : vector<16xf32>
        %add3A_401 = arith.constant 5 : i32
        %add3A_402 = arith.addi %mul3A_62, %add3A_401 : i32
        %get3A_403 = arith.index_cast %add3A_402 : i32 to index
        %get3A_404 = arith.constant 112 : index
        %get3A_405 = tpu.vector_load %arg6[%get3A_403, %get3A_404] {strides = array<i32>} : memref<240x128xf32, #tpu.memory_space<vmem>>, vector<1x16xf32>,
        %get3A_406 = vector.shape_cast %get3A_405 : vector<1x16xf32> to vector<16xf32>
        %add3A_407 = arith.addf %add3A_400, %get3A_406 : vector<16xf32>
        %swap3A_408 = arith.index_cast %scan3A_60 : i32 to index
        %swap3A_409 = arith.constant 112 : index
        %swap3A_410 = tpu.vector_load %arg7[%swap3A_408, %swap3A_409] {strides = array<i32>} : memref<40x128xf32, #tpu.memory_space<vmem>>, vector<1x16xf32>,
        %swap3A_411 = vector.shape_cast %swap3A_410 : vector<1x16xf32> to vector<16xf32>
        %swap3A_412 = vector.shape_cast %add3A_407 : vector<16xf32> to vector<1x16xf32>
        tpu.vector_store %arg7[%swap3A_408, %swap3A_409], %swap3A_412 {strides = array<i32>} : memref<40x128xf32, #tpu.memory_space<vmem>>, vector<1x16xf32>,
      }
      %scan3A_56 = arith.constant 40 : i32
      %mul3A_57 = arith.constant 40 : i32
      %mul3A_58 = arith.muli %scan3A_8, %mul3A_57 : i32
      %add3A_59 = arith.addi %mul3A_2, %mul3A_58 : i32
      "tpu.region"() ({
        %run_scoped3A = tpu.sem_alloc : memref<!tpu.dma_semaphore, #tpu.memory_space<semaphore_mem>>
        %dma_start3A_60 = arith.constant 0 : i32
        %dma_start3A_61 = tpu.memref_slice %arg4[%add3A_59, %dma_start3A_60] : memref<160000x128xf32, #tpu.memory_space<hbm>> -> memref<40x128xf32, #tpu.memory_space<hbm>>
        %dma_start3A_62 = arith.constant 0 : i32
        %dma_start3A_63 = tpu.memref_slice %arg4[%add3A_59, %dma_start3A_62] : memref<160000x128xf32, #tpu.memory_space<hbm>> -> memref<40x128xf32, #tpu.memory_space<hbm>>
        tpu.enqueue_dma source(%arg7 : memref<40x128xf32, #tpu.memory_space<vmem>>) target(%dma_start3A_63 : memref<40x128xf32, #tpu.memory_space<hbm>>) target_semaphore(%run_scoped3A : memref<!tpu.dma_semaphore, #tpu.memory_space<semaphore_mem>>)
        %dma_wait3A_64 = arith.constant 0 : i32
        %dma_wait3A_65 = tpu.memref_slice %arg4[%add3A_59, %dma_wait3A_64] : memref<160000x128xf32, #tpu.memory_space<hbm>> -> memref<40x128xf32, #tpu.memory_space<hbm>>
        %dma_wait3A_66 = arith.constant 0 : i32
        %dma_wait3A_67 = tpu.memref_slice %arg4[%add3A_59, %dma_wait3A_66] : memref<160000x128xf32, #tpu.memory_space<hbm>> -> memref<40x128xf32, #tpu.memory_space<hbm>>
        tpu.wait_dma2 semaphore(%run_scoped3A : memref<!tpu.dma_semaphore, #tpu.memory_space<semaphore_mem>>) src(%arg7 : memref<40x128xf32, #tpu.memory_space<vmem>>) dst(%dma_wait3A_67 : memref<40x128xf32, #tpu.memory_space<hbm>>)
        tpu.yield
      }) : () -> ()
    }
    %scan3A_7 = arith.constant 125 : i32
    return
  }
}

#map = affine_map<(d0, d1) -> (0, 0)>
#map1 = affine_map<(d0, d1) -> (0, 0, 0)>
module attributes {stable_mosaic.version = 14 : i64} {
  func.func @sc_gather_sum_160000(%arg0: i32, %arg1: i32, %arg2: memref<160000x128xf32, #tpu.memory_space<hbm>>, %arg3: memref<32x250x120xi32, #tpu.memory_space<hbm>>, %arg4: memref<160000x128xf32, #tpu.memory_space<hbm>>, %arg5: memref<250x120xi32, #tpu.memory_space<vmem>>, %arg6: memref<240x128xf32, #tpu.memory_space<vmem>>, %arg7: memref<40x128xf32, #tpu.memory_space<vmem>>, %arg8: memref<!tpu.dma_semaphore, #tpu.memory_space<semaphore_mem>>) attributes {dimension_semantics = [#tpu.dimension_semantics<core_parallel>, #tpu.dimension_semantics<subcore_parallel>], iteration_bounds = array<i64: 2, 16>, scalar_prefetch = 0 : i64, scratch_operands = 4 : i64, tpu.core_type = #tpu.core_type<sc_vector_subcore>, window_params = [{transform_indices = #map}, {transform_indices = #map1}, {transform_indices = #map}]} {
    %mul3A = arith.constant 2 : i32
    %mul3A_0 = arith.muli %arg1, %mul3A : i32
    %add3A = arith.addi %mul3A_0, %arg0 : i32
    %mul3A_1 = arith.constant 5000 : i32
    %mul3A_2 = arith.muli %add3A, %mul3A_1 : i32
    "tpu.region"() ({
      %run_scoped3A = tpu.sem_alloc : memref<!tpu.dma_semaphore, #tpu.memory_space<semaphore_mem>>
      %dma_start3A = arith.constant 0 : i32
      %dma_start3A_8 = arith.constant 0 : i32
      %dma_start3A_9 = tpu.memref_slice %arg3[%add3A, %dma_start3A, %dma_start3A_8] : memref<32x250x120xi32, #tpu.memory_space<hbm>> -> memref<1x250x120xi32, #tpu.memory_space<hbm>>
      %dma_start3A_10 = tpu.memref_squeeze %dma_start3A_9 : memref<1x250x120xi32, #tpu.memory_space<hbm>> -> memref<250x120xi32, #tpu.memory_space<hbm>>
      %dma_start3A_11 = arith.constant 0 : i32
      %dma_start3A_12 = arith.constant 0 : i32
      %dma_start3A_13 = tpu.memref_slice %arg3[%add3A, %dma_start3A_11, %dma_start3A_12] : memref<32x250x120xi32, #tpu.memory_space<hbm>> -> memref<1x250x120xi32, #tpu.memory_space<hbm>>
      %dma_start3A_14 = tpu.memref_squeeze %dma_start3A_13 : memref<1x250x120xi32, #tpu.memory_space<hbm>> -> memref<250x120xi32, #tpu.memory_space<hbm>>
      tpu.enqueue_dma source(%dma_start3A_14 : memref<250x120xi32, #tpu.memory_space<hbm>>) target(%arg5 : memref<250x120xi32, #tpu.memory_space<vmem>>) target_semaphore(%run_scoped3A : memref<!tpu.dma_semaphore, #tpu.memory_space<semaphore_mem>>)
      %dma_wait3A = arith.constant 0 : i32
      %dma_wait3A_15 = arith.constant 0 : i32
      %dma_wait3A_16 = tpu.memref_slice %arg3[%add3A, %dma_wait3A, %dma_wait3A_15] : memref<32x250x120xi32, #tpu.memory_space<hbm>> -> memref<1x250x120xi32, #tpu.memory_space<hbm>>
      %dma_wait3A_17 = tpu.memref_squeeze %dma_wait3A_16 : memref<1x250x120xi32, #tpu.memory_space<hbm>> -> memref<250x120xi32, #tpu.memory_space<hbm>>
      %dma_wait3A_18 = arith.constant 0 : i32
      %dma_wait3A_19 = arith.constant 0 : i32
      %dma_wait3A_20 = tpu.memref_slice %arg3[%add3A, %dma_wait3A_18, %dma_wait3A_19] : memref<32x250x120xi32, #tpu.memory_space<hbm>> -> memref<1x250x120xi32, #tpu.memory_space<hbm>>
      %dma_wait3A_21 = tpu.memref_squeeze %dma_wait3A_20 : memref<1x250x120xi32, #tpu.memory_space<hbm>> -> memref<250x120xi32, #tpu.memory_space<hbm>>
      tpu.wait_dma2 semaphore(%run_scoped3A : memref<!tpu.dma_semaphore, #tpu.memory_space<semaphore_mem>>) src(%dma_wait3A_21 : memref<250x120xi32, #tpu.memory_space<hbm>>) dst(%arg5 : memref<250x120xi32, #tpu.memory_space<vmem>>)
      tpu.yield
    }) : () -> ()
    %scan3A = arith.constant 0 : i32
    %scan3A_3 = arith.constant 0 : i32
    %scan3A_4 = arith.constant 125 : i32
    %scan3A_5 = arith.addi %scan3A_3, %scan3A_4 : i32
    %scan3A_6 = arith.constant 1 : i32
    scf.for %scan3A_8 = %scan3A_3 to %scan3A_5 step %scan3A_6  : i32 {
      %mul3A_9 = arith.constant 2 : i32
      %mul3A_10 = arith.muli %scan3A_8, %mul3A_9 : i32
      %add3A_11 = arith.constant 0 : i32
      %add3A_12 = arith.addi %mul3A_10, %add3A_11 : i32
      %dma_start3A = arith.constant 0 : i32
      %dma_start3A_13 = arith.constant 0 : i32
      %dma_start3A_14 = tpu.memref_slice %arg6[%dma_start3A, %dma_start3A_13] : memref<240x128xf32, #tpu.memory_space<vmem>> -> memref<120x128xf32, #tpu.memory_space<vmem>>
      %dma_start3A_15 = arith.constant 0 : i32
      %dma_start3A_16 = tpu.memref_slice %arg5[%add3A_12, %dma_start3A_15] : memref<250x120xi32, #tpu.memory_space<vmem>> -> memref<1x120xi32, #tpu.memory_space<vmem>>
      %dma_start3A_17 = tpu.memref_squeeze %dma_start3A_16 : memref<1x120xi32, #tpu.memory_space<vmem>> -> memref<120xi32, #tpu.memory_space<vmem>>
      %dma_start3A_18 = arith.constant 0 : i32
      %dma_start3A_19 = arith.constant 0 : i32
      %dma_start3A_20 = tpu.memref_slice %arg2[%dma_start3A_18, %dma_start3A_19] : memref<160000x128xf32, #tpu.memory_space<hbm>> -> memref<160000x128xf32, #tpu.memory_space<hbm>>
      tpu.enqueue_indirect_dma source(%dma_start3A_20 : memref<160000x128xf32, #tpu.memory_space<hbm>>) target(%dma_start3A_14 : memref<120x128xf32, #tpu.memory_space<vmem>>) offsets(%dma_start3A_17 : memref<120xi32, #tpu.memory_space<vmem>>) semaphore(%arg8 : memref<!tpu.dma_semaphore, #tpu.memory_space<semaphore_mem>>)
      %mul3A_21 = arith.constant 2 : i32
      %mul3A_22 = arith.muli %scan3A_8, %mul3A_21 : i32
      %add3A_23 = arith.constant 1 : i32
      %add3A_24 = arith.addi %mul3A_22, %add3A_23 : i32
      %dma_start3A_25 = arith.constant 120 : i32
      %dma_start3A_26 = arith.constant 0 : i32
      %dma_start3A_27 = tpu.memref_slice %arg6[%dma_start3A_25, %dma_start3A_26] : memref<240x128xf32, #tpu.memory_space<vmem>> -> memref<120x128xf32, #tpu.memory_space<vmem>>
      %dma_start3A_28 = arith.constant 0 : i32
      %dma_start3A_29 = tpu.memref_slice %arg5[%add3A_24, %dma_start3A_28] : memref<250x120xi32, #tpu.memory_space<vmem>> -> memref<1x120xi32, #tpu.memory_space<vmem>>
      %dma_start3A_30 = tpu.memref_squeeze %dma_start3A_29 : memref<1x120xi32, #tpu.memory_space<vmem>> -> memref<120xi32, #tpu.memory_space<vmem>>
      %dma_start3A_31 = arith.constant 0 : i32
      %dma_start3A_32 = arith.constant 0 : i32
      %dma_start3A_33 = tpu.memref_slice %arg2[%dma_start3A_31, %dma_start3A_32] : memref<160000x128xf32, #tpu.memory_space<hbm>> -> memref<160000x128xf32, #tpu.memory_space<hbm>>
      tpu.enqueue_indirect_dma source(%dma_start3A_33 : memref<160000x128xf32, #tpu.memory_space<hbm>>) target(%dma_start3A_27 : memref<120x128xf32, #tpu.memory_space<vmem>>) offsets(%dma_start3A_30 : memref<120xi32, #tpu.memory_space<vmem>>) semaphore(%arg8 : memref<!tpu.dma_semaphore, #tpu.memory_space<semaphore_mem>>)
      %dma_wait3A = arith.constant 0 : i32
      %dma_wait3A_34 = arith.constant 0 : i32
      %dma_wait3A_35 = tpu.memref_slice %arg6[%dma_wait3A, %dma_wait3A_34] : memref<240x128xf32, #tpu.memory_space<vmem>> -> memref<120x128xf32, #tpu.memory_space<vmem>>
      %dma_wait3A_36 = arith.constant 0 : i32
      %dma_wait3A_37 = tpu.memref_slice %arg5[%add3A_12, %dma_wait3A_36] : memref<250x120xi32, #tpu.memory_space<vmem>> -> memref<1x120xi32, #tpu.memory_space<vmem>>
      %dma_wait3A_38 = tpu.memref_squeeze %dma_wait3A_37 : memref<1x120xi32, #tpu.memory_space<vmem>> -> memref<120xi32, #tpu.memory_space<vmem>>
      %dma_wait3A_39 = arith.constant 0 : i32
      %dma_wait3A_40 = arith.constant 0 : i32
      %dma_wait3A_41 = tpu.memref_slice %arg2[%dma_wait3A_39, %dma_wait3A_40] : memref<160000x128xf32, #tpu.memory_space<hbm>> -> memref<160000x128xf32, #tpu.memory_space<hbm>>
      tpu.wait_indirect_dma semaphore(%arg8 : memref<!tpu.dma_semaphore, #tpu.memory_space<semaphore_mem>>) src(%dma_wait3A_41 : memref<160000x128xf32, #tpu.memory_space<hbm>>) dst(%dma_wait3A_35 : memref<120x128xf32, #tpu.memory_space<vmem>>)
      %dma_wait3A_42 = arith.constant 120 : i32
      %dma_wait3A_43 = arith.constant 0 : i32
      %dma_wait3A_44 = tpu.memref_slice %arg6[%dma_wait3A_42, %dma_wait3A_43] : memref<240x128xf32, #tpu.memory_space<vmem>> -> memref<120x128xf32, #tpu.memory_space<vmem>>
      %dma_wait3A_45 = arith.constant 0 : i32
      %dma_wait3A_46 = tpu.memref_slice %arg5[%add3A_24, %dma_wait3A_45] : memref<250x120xi32, #tpu.memory_space<vmem>> -> memref<1x120xi32, #tpu.memory_space<vmem>>
      %dma_wait3A_47 = tpu.memref_squeeze %dma_wait3A_46 : memref<1x120xi32, #tpu.memory_space<vmem>> -> memref<120xi32, #tpu.memory_space<vmem>>
      %dma_wait3A_48 = arith.constant 0 : i32
      %dma_wait3A_49 = arith.constant 0 : i32
      %dma_wait3A_50 = tpu.memref_slice %arg2[%dma_wait3A_48, %dma_wait3A_49] : memref<160000x128xf32, #tpu.memory_space<hbm>> -> memref<160000x128xf32, #tpu.memory_space<hbm>>
      tpu.wait_indirect_dma semaphore(%arg8 : memref<!tpu.dma_semaphore, #tpu.memory_space<semaphore_mem>>) src(%dma_wait3A_50 : memref<160000x128xf32, #tpu.memory_space<hbm>>) dst(%dma_wait3A_44 : memref<120x128xf32, #tpu.memory_space<vmem>>)
      %scan3A_51 = arith.constant 0 : i32
      %scan3A_52 = arith.constant 0 : i32
      %scan3A_53 = arith.constant 40 : i32
      %scan3A_54 = arith.addi %scan3A_52, %scan3A_53 : i32
      %scan3A_55 = arith.constant 1 : i32
      scf.for %scan3A_60 = %scan3A_52 to %scan3A_54 step %scan3A_55  : i32 {
        %mul3A_61 = arith.constant 6 : i32
        %mul3A_62 = arith.muli %scan3A_60, %mul3A_61 : i32
        %get3A = arith.index_cast %mul3A_62 : i32 to index
        %get3A_63 = arith.constant 0 : index
        %get3A_64 = tpu.vector_load %arg6[%get3A, %get3A_63] {strides = array<i32>} : memref<240x128xf32, #tpu.memory_space<vmem>>, vector<1x16xf32>,
        %get3A_65 = vector.shape_cast %get3A_64 : vector<1x16xf32> to vector<16xf32>
        %add3A_66 = arith.constant 1 : i32
        %add3A_67 = arith.addi %mul3A_62, %add3A_66 : i32
        %get3A_68 = arith.index_cast %add3A_67 : i32 to index
        %get3A_69 = arith.constant 0 : index
        %get3A_70 = tpu.vector_load %arg6[%get3A_68, %get3A_69] {strides = array<i32>} : memref<240x128xf32, #tpu.memory_space<vmem>>, vector<1x16xf32>,
        %get3A_71 = vector.shape_cast %get3A_70 : vector<1x16xf32> to vector<16xf32>
        %add3A_72 = arith.addf %get3A_65, %get3A_71 : vector<16xf32>
        %add3A_73 = arith.constant 2 : i32
        %add3A_74 = arith.addi %mul3A_62, %add3A_73 : i32
        %get3A_75 = arith.index_cast %add3A_74 : i32 to index
        %get3A_76 = arith.constant 0 : index
        %get3A_77 = tpu.vector_load %arg6[%get3A_75, %get3A_76] {strides = array<i32>} : memref<240x128xf32, #tpu.memory_space<vmem>>, vector<1x16xf32>,
        %get3A_78 = vector.shape_cast %get3A_77 : vector<1x16xf32> to vector<16xf32>
        %add3A_79 = arith.addf %add3A_72, %get3A_78 : vector<16xf32>
        %add3A_80 = arith.constant 3 : i32
        %add3A_81 = arith.addi %mul3A_62, %add3A_80 : i32
        %get3A_82 = arith.index_cast %add3A_81 : i32 to index
        %get3A_83 = arith.constant 0 : index
        %get3A_84 = tpu.vector_load %arg6[%get3A_82, %get3A_83] {strides = array<i32>} : memref<240x128xf32, #tpu.memory_space<vmem>>, vector<1x16xf32>,
        %get3A_85 = vector.shape_cast %get3A_84 : vector<1x16xf32> to vector<16xf32>
        %add3A_86 = arith.addf %add3A_79, %get3A_85 : vector<16xf32>
        %add3A_87 = arith.constant 4 : i32
        %add3A_88 = arith.addi %mul3A_62, %add3A_87 : i32
        %get3A_89 = arith.index_cast %add3A_88 : i32 to index
        %get3A_90 = arith.constant 0 : index
        %get3A_91 = tpu.vector_load %arg6[%get3A_89, %get3A_90] {strides = array<i32>} : memref<240x128xf32, #tpu.memory_space<vmem>>, vector<1x16xf32>,
        %get3A_92 = vector.shape_cast %get3A_91 : vector<1x16xf32> to vector<16xf32>
        %add3A_93 = arith.addf %add3A_86, %get3A_92 : vector<16xf32>
        %add3A_94 = arith.constant 5 : i32
        %add3A_95 = arith.addi %mul3A_62, %add3A_94 : i32
        %get3A_96 = arith.index_cast %add3A_95 : i32 to index
        %get3A_97 = arith.constant 0 : index
        %get3A_98 = tpu.vector_load %arg6[%get3A_96, %get3A_97] {strides = array<i32>} : memref<240x128xf32, #tpu.memory_space<vmem>>, vector<1x16xf32>,
        %get3A_99 = vector.shape_cast %get3A_98 : vector<1x16xf32> to vector<16xf32>
        %add3A_100 = arith.addf %add3A_93, %get3A_99 : vector<16xf32>
        %swap3A = arith.index_cast %scan3A_60 : i32 to index
        %swap3A_101 = arith.constant 0 : index
        %swap3A_102 = tpu.vector_load %arg7[%swap3A, %swap3A_101] {strides = array<i32>} : memref<40x128xf32, #tpu.memory_space<vmem>>, vector<1x16xf32>,
        %swap3A_103 = vector.shape_cast %swap3A_102 : vector<1x16xf32> to vector<16xf32>
        %swap3A_104 = vector.shape_cast %add3A_100 : vector<16xf32> to vector<1x16xf32>
        tpu.vector_store %arg7[%swap3A, %swap3A_101], %swap3A_104 {strides = array<i32>} : memref<40x128xf32, #tpu.memory_space<vmem>>, vector<1x16xf32>,
        %get3A_105 = arith.index_cast %mul3A_62 : i32 to index
        %get3A_106 = arith.constant 16 : index
        %get3A_107 = tpu.vector_load %arg6[%get3A_105, %get3A_106] {strides = array<i32>} : memref<240x128xf32, #tpu.memory_space<vmem>>, vector<1x16xf32>,
        %get3A_108 = vector.shape_cast %get3A_107 : vector<1x16xf32> to vector<16xf32>
        %add3A_109 = arith.constant 1 : i32
        %add3A_110 = arith.addi %mul3A_62, %add3A_109 : i32
        %get3A_111 = arith.index_cast %add3A_110 : i32 to index
        %get3A_112 = arith.constant 16 : index
        %get3A_113 = tpu.vector_load %arg6[%get3A_111, %get3A_112] {strides = array<i32>} : memref<240x128xf32, #tpu.memory_space<vmem>>, vector<1x16xf32>,
        %get3A_114 = vector.shape_cast %get3A_113 : vector<1x16xf32> to vector<16xf32>
        %add3A_115 = arith.addf %get3A_108, %get3A_114 : vector<16xf32>
        %add3A_116 = arith.constant 2 : i32
        %add3A_117 = arith.addi %mul3A_62, %add3A_116 : i32
        %get3A_118 = arith.index_cast %add3A_117 : i32 to index
        %get3A_119 = arith.constant 16 : index
        %get3A_120 = tpu.vector_load %arg6[%get3A_118, %get3A_119] {strides = array<i32>} : memref<240x128xf32, #tpu.memory_space<vmem>>, vector<1x16xf32>,
        %get3A_121 = vector.shape_cast %get3A_120 : vector<1x16xf32> to vector<16xf32>
        %add3A_122 = arith.addf %add3A_115, %get3A_121 : vector<16xf32>
        %add3A_123 = arith.constant 3 : i32
        %add3A_124 = arith.addi %mul3A_62, %add3A_123 : i32
        %get3A_125 = arith.index_cast %add3A_124 : i32 to index
        %get3A_126 = arith.constant 16 : index
        %get3A_127 = tpu.vector_load %arg6[%get3A_125, %get3A_126] {strides = array<i32>} : memref<240x128xf32, #tpu.memory_space<vmem>>, vector<1x16xf32>,
        %get3A_128 = vector.shape_cast %get3A_127 : vector<1x16xf32> to vector<16xf32>
        %add3A_129 = arith.addf %add3A_122, %get3A_128 : vector<16xf32>
        %add3A_130 = arith.constant 4 : i32
        %add3A_131 = arith.addi %mul3A_62, %add3A_130 : i32
        %get3A_132 = arith.index_cast %add3A_131 : i32 to index
        %get3A_133 = arith.constant 16 : index
        %get3A_134 = tpu.vector_load %arg6[%get3A_132, %get3A_133] {strides = array<i32>} : memref<240x128xf32, #tpu.memory_space<vmem>>, vector<1x16xf32>,
        %get3A_135 = vector.shape_cast %get3A_134 : vector<1x16xf32> to vector<16xf32>
        %add3A_136 = arith.addf %add3A_129, %get3A_135 : vector<16xf32>
        %add3A_137 = arith.constant 5 : i32
        %add3A_138 = arith.addi %mul3A_62, %add3A_137 : i32
        %get3A_139 = arith.index_cast %add3A_138 : i32 to index
        %get3A_140 = arith.constant 16 : index
        %get3A_141 = tpu.vector_load %arg6[%get3A_139, %get3A_140] {strides = array<i32>} : memref<240x128xf32, #tpu.memory_space<vmem>>, vector<1x16xf32>,
        %get3A_142 = vector.shape_cast %get3A_141 : vector<1x16xf32> to vector<16xf32>
        %add3A_143 = arith.addf %add3A_136, %get3A_142 : vector<16xf32>
        %swap3A_144 = arith.index_cast %scan3A_60 : i32 to index
        %swap3A_145 = arith.constant 16 : index
        %swap3A_146 = tpu.vector_load %arg7[%swap3A_144, %swap3A_145] {strides = array<i32>} : memref<40x128xf32, #tpu.memory_space<vmem>>, vector<1x16xf32>,
        %swap3A_147 = vector.shape_cast %swap3A_146 : vector<1x16xf32> to vector<16xf32>
        %swap3A_148 = vector.shape_cast %add3A_143 : vector<16xf32> to vector<1x16xf32>
        tpu.vector_store %arg7[%swap3A_144, %swap3A_145], %swap3A_148 {strides = array<i32>} : memref<40x128xf32, #tpu.memory_space<vmem>>, vector<1x16xf32>,
        %get3A_149 = arith.index_cast %mul3A_62 : i32 to index
        %get3A_150 = arith.constant 32 : index
        %get3A_151 = tpu.vector_load %arg6[%get3A_149, %get3A_150] {strides = array<i32>} : memref<240x128xf32, #tpu.memory_space<vmem>>, vector<1x16xf32>,
        %get3A_152 = vector.shape_cast %get3A_151 : vector<1x16xf32> to vector<16xf32>
        %add3A_153 = arith.constant 1 : i32
        %add3A_154 = arith.addi %mul3A_62, %add3A_153 : i32
        %get3A_155 = arith.index_cast %add3A_154 : i32 to index
        %get3A_156 = arith.constant 32 : index
        %get3A_157 = tpu.vector_load %arg6[%get3A_155, %get3A_156] {strides = array<i32>} : memref<240x128xf32, #tpu.memory_space<vmem>>, vector<1x16xf32>,
        %get3A_158 = vector.shape_cast %get3A_157 : vector<1x16xf32> to vector<16xf32>
        %add3A_159 = arith.addf %get3A_152, %get3A_158 : vector<16xf32>
        %add3A_160 = arith.constant 2 : i32
        %add3A_161 = arith.addi %mul3A_62, %add3A_160 : i32
        %get3A_162 = arith.index_cast %add3A_161 : i32 to index
        %get3A_163 = arith.constant 32 : index
        %get3A_164 = tpu.vector_load %arg6[%get3A_162, %get3A_163] {strides = array<i32>} : memref<240x128xf32, #tpu.memory_space<vmem>>, vector<1x16xf32>,
        %get3A_165 = vector.shape_cast %get3A_164 : vector<1x16xf32> to vector<16xf32>
        %add3A_166 = arith.addf %add3A_159, %get3A_165 : vector<16xf32>
        %add3A_167 = arith.constant 3 : i32
        %add3A_168 = arith.addi %mul3A_62, %add3A_167 : i32
        %get3A_169 = arith.index_cast %add3A_168 : i32 to index
        %get3A_170 = arith.constant 32 : index
        %get3A_171 = tpu.vector_load %arg6[%get3A_169, %get3A_170] {strides = array<i32>} : memref<240x128xf32, #tpu.memory_space<vmem>>, vector<1x16xf32>,
        %get3A_172 = vector.shape_cast %get3A_171 : vector<1x16xf32> to vector<16xf32>
        %add3A_173 = arith.addf %add3A_166, %get3A_172 : vector<16xf32>
        %add3A_174 = arith.constant 4 : i32
        %add3A_175 = arith.addi %mul3A_62, %add3A_174 : i32
        %get3A_176 = arith.index_cast %add3A_175 : i32 to index
        %get3A_177 = arith.constant 32 : index
        %get3A_178 = tpu.vector_load %arg6[%get3A_176, %get3A_177] {strides = array<i32>} : memref<240x128xf32, #tpu.memory_space<vmem>>, vector<1x16xf32>,
        %get3A_179 = vector.shape_cast %get3A_178 : vector<1x16xf32> to vector<16xf32>
        %add3A_180 = arith.addf %add3A_173, %get3A_179 : vector<16xf32>
        %add3A_181 = arith.constant 5 : i32
        %add3A_182 = arith.addi %mul3A_62, %add3A_181 : i32
        %get3A_183 = arith.index_cast %add3A_182 : i32 to index
        %get3A_184 = arith.constant 32 : index
        %get3A_185 = tpu.vector_load %arg6[%get3A_183, %get3A_184] {strides = array<i32>} : memref<240x128xf32, #tpu.memory_space<vmem>>, vector<1x16xf32>,
        %get3A_186 = vector.shape_cast %get3A_185 : vector<1x16xf32> to vector<16xf32>
        %add3A_187 = arith.addf %add3A_180, %get3A_186 : vector<16xf32>
        %swap3A_188 = arith.index_cast %scan3A_60 : i32 to index
        %swap3A_189 = arith.constant 32 : index
        %swap3A_190 = tpu.vector_load %arg7[%swap3A_188, %swap3A_189] {strides = array<i32>} : memref<40x128xf32, #tpu.memory_space<vmem>>, vector<1x16xf32>,
        %swap3A_191 = vector.shape_cast %swap3A_190 : vector<1x16xf32> to vector<16xf32>
        %swap3A_192 = vector.shape_cast %add3A_187 : vector<16xf32> to vector<1x16xf32>
        tpu.vector_store %arg7[%swap3A_188, %swap3A_189], %swap3A_192 {strides = array<i32>} : memref<40x128xf32, #tpu.memory_space<vmem>>, vector<1x16xf32>,
        %get3A_193 = arith.index_cast %mul3A_62 : i32 to index
        %get3A_194 = arith.constant 48 : index
        %get3A_195 = tpu.vector_load %arg6[%get3A_193, %get3A_194] {strides = array<i32>} : memref<240x128xf32, #tpu.memory_space<vmem>>, vector<1x16xf32>,
        %get3A_196 = vector.shape_cast %get3A_195 : vector<1x16xf32> to vector<16xf32>
        %add3A_197 = arith.constant 1 : i32
        %add3A_198 = arith.addi %mul3A_62, %add3A_197 : i32
        %get3A_199 = arith.index_cast %add3A_198 : i32 to index
        %get3A_200 = arith.constant 48 : index
        %get3A_201 = tpu.vector_load %arg6[%get3A_199, %get3A_200] {strides = array<i32>} : memref<240x128xf32, #tpu.memory_space<vmem>>, vector<1x16xf32>,
        %get3A_202 = vector.shape_cast %get3A_201 : vector<1x16xf32> to vector<16xf32>
        %add3A_203 = arith.addf %get3A_196, %get3A_202 : vector<16xf32>
        %add3A_204 = arith.constant 2 : i32
        %add3A_205 = arith.addi %mul3A_62, %add3A_204 : i32
        %get3A_206 = arith.index_cast %add3A_205 : i32 to index
        %get3A_207 = arith.constant 48 : index
        %get3A_208 = tpu.vector_load %arg6[%get3A_206, %get3A_207] {strides = array<i32>} : memref<240x128xf32, #tpu.memory_space<vmem>>, vector<1x16xf32>,
        %get3A_209 = vector.shape_cast %get3A_208 : vector<1x16xf32> to vector<16xf32>
        %add3A_210 = arith.addf %add3A_203, %get3A_209 : vector<16xf32>
        %add3A_211 = arith.constant 3 : i32
        %add3A_212 = arith.addi %mul3A_62, %add3A_211 : i32
        %get3A_213 = arith.index_cast %add3A_212 : i32 to index
        %get3A_214 = arith.constant 48 : index
        %get3A_215 = tpu.vector_load %arg6[%get3A_213, %get3A_214] {strides = array<i32>} : memref<240x128xf32, #tpu.memory_space<vmem>>, vector<1x16xf32>,
        %get3A_216 = vector.shape_cast %get3A_215 : vector<1x16xf32> to vector<16xf32>
        %add3A_217 = arith.addf %add3A_210, %get3A_216 : vector<16xf32>
        %add3A_218 = arith.constant 4 : i32
        %add3A_219 = arith.addi %mul3A_62, %add3A_218 : i32
        %get3A_220 = arith.index_cast %add3A_219 : i32 to index
        %get3A_221 = arith.constant 48 : index
        %get3A_222 = tpu.vector_load %arg6[%get3A_220, %get3A_221] {strides = array<i32>} : memref<240x128xf32, #tpu.memory_space<vmem>>, vector<1x16xf32>,
        %get3A_223 = vector.shape_cast %get3A_222 : vector<1x16xf32> to vector<16xf32>
        %add3A_224 = arith.addf %add3A_217, %get3A_223 : vector<16xf32>
        %add3A_225 = arith.constant 5 : i32
        %add3A_226 = arith.addi %mul3A_62, %add3A_225 : i32
        %get3A_227 = arith.index_cast %add3A_226 : i32 to index
        %get3A_228 = arith.constant 48 : index
        %get3A_229 = tpu.vector_load %arg6[%get3A_227, %get3A_228] {strides = array<i32>} : memref<240x128xf32, #tpu.memory_space<vmem>>, vector<1x16xf32>,
        %get3A_230 = vector.shape_cast %get3A_229 : vector<1x16xf32> to vector<16xf32>
        %add3A_231 = arith.addf %add3A_224, %get3A_230 : vector<16xf32>
        %swap3A_232 = arith.index_cast %scan3A_60 : i32 to index
        %swap3A_233 = arith.constant 48 : index
        %swap3A_234 = tpu.vector_load %arg7[%swap3A_232, %swap3A_233] {strides = array<i32>} : memref<40x128xf32, #tpu.memory_space<vmem>>, vector<1x16xf32>,
        %swap3A_235 = vector.shape_cast %swap3A_234 : vector<1x16xf32> to vector<16xf32>
        %swap3A_236 = vector.shape_cast %add3A_231 : vector<16xf32> to vector<1x16xf32>
        tpu.vector_store %arg7[%swap3A_232, %swap3A_233], %swap3A_236 {strides = array<i32>} : memref<40x128xf32, #tpu.memory_space<vmem>>, vector<1x16xf32>,
        %get3A_237 = arith.index_cast %mul3A_62 : i32 to index
        %get3A_238 = arith.constant 64 : index
        %get3A_239 = tpu.vector_load %arg6[%get3A_237, %get3A_238] {strides = array<i32>} : memref<240x128xf32, #tpu.memory_space<vmem>>, vector<1x16xf32>,
        %get3A_240 = vector.shape_cast %get3A_239 : vector<1x16xf32> to vector<16xf32>
        %add3A_241 = arith.constant 1 : i32
        %add3A_242 = arith.addi %mul3A_62, %add3A_241 : i32
        %get3A_243 = arith.index_cast %add3A_242 : i32 to index
        %get3A_244 = arith.constant 64 : index
        %get3A_245 = tpu.vector_load %arg6[%get3A_243, %get3A_244] {strides = array<i32>} : memref<240x128xf32, #tpu.memory_space<vmem>>, vector<1x16xf32>,
        %get3A_246 = vector.shape_cast %get3A_245 : vector<1x16xf32> to vector<16xf32>
        %add3A_247 = arith.addf %get3A_240, %get3A_246 : vector<16xf32>
        %add3A_248 = arith.constant 2 : i32
        %add3A_249 = arith.addi %mul3A_62, %add3A_248 : i32
        %get3A_250 = arith.index_cast %add3A_249 : i32 to index
        %get3A_251 = arith.constant 64 : index
        %get3A_252 = tpu.vector_load %arg6[%get3A_250, %get3A_251] {strides = array<i32>} : memref<240x128xf32, #tpu.memory_space<vmem>>, vector<1x16xf32>,
        %get3A_253 = vector.shape_cast %get3A_252 : vector<1x16xf32> to vector<16xf32>
        %add3A_254 = arith.addf %add3A_247, %get3A_253 : vector<16xf32>
        %add3A_255 = arith.constant 3 : i32
        %add3A_256 = arith.addi %mul3A_62, %add3A_255 : i32
        %get3A_257 = arith.index_cast %add3A_256 : i32 to index
        %get3A_258 = arith.constant 64 : index
        %get3A_259 = tpu.vector_load %arg6[%get3A_257, %get3A_258] {strides = array<i32>} : memref<240x128xf32, #tpu.memory_space<vmem>>, vector<1x16xf32>,
        %get3A_260 = vector.shape_cast %get3A_259 : vector<1x16xf32> to vector<16xf32>
        %add3A_261 = arith.addf %add3A_254, %get3A_260 : vector<16xf32>
        %add3A_262 = arith.constant 4 : i32
        %add3A_263 = arith.addi %mul3A_62, %add3A_262 : i32
        %get3A_264 = arith.index_cast %add3A_263 : i32 to index
        %get3A_265 = arith.constant 64 : index
        %get3A_266 = tpu.vector_load %arg6[%get3A_264, %get3A_265] {strides = array<i32>} : memref<240x128xf32, #tpu.memory_space<vmem>>, vector<1x16xf32>,
        %get3A_267 = vector.shape_cast %get3A_266 : vector<1x16xf32> to vector<16xf32>
        %add3A_268 = arith.addf %add3A_261, %get3A_267 : vector<16xf32>
        %add3A_269 = arith.constant 5 : i32
        %add3A_270 = arith.addi %mul3A_62, %add3A_269 : i32
        %get3A_271 = arith.index_cast %add3A_270 : i32 to index
        %get3A_272 = arith.constant 64 : index
        %get3A_273 = tpu.vector_load %arg6[%get3A_271, %get3A_272] {strides = array<i32>} : memref<240x128xf32, #tpu.memory_space<vmem>>, vector<1x16xf32>,
        %get3A_274 = vector.shape_cast %get3A_273 : vector<1x16xf32> to vector<16xf32>
        %add3A_275 = arith.addf %add3A_268, %get3A_274 : vector<16xf32>
        %swap3A_276 = arith.index_cast %scan3A_60 : i32 to index
        %swap3A_277 = arith.constant 64 : index
        %swap3A_278 = tpu.vector_load %arg7[%swap3A_276, %swap3A_277] {strides = array<i32>} : memref<40x128xf32, #tpu.memory_space<vmem>>, vector<1x16xf32>,
        %swap3A_279 = vector.shape_cast %swap3A_278 : vector<1x16xf32> to vector<16xf32>
        %swap3A_280 = vector.shape_cast %add3A_275 : vector<16xf32> to vector<1x16xf32>
        tpu.vector_store %arg7[%swap3A_276, %swap3A_277], %swap3A_280 {strides = array<i32>} : memref<40x128xf32, #tpu.memory_space<vmem>>, vector<1x16xf32>,
        %get3A_281 = arith.index_cast %mul3A_62 : i32 to index
        %get3A_282 = arith.constant 80 : index
        %get3A_283 = tpu.vector_load %arg6[%get3A_281, %get3A_282] {strides = array<i32>} : memref<240x128xf32, #tpu.memory_space<vmem>>, vector<1x16xf32>,
        %get3A_284 = vector.shape_cast %get3A_283 : vector<1x16xf32> to vector<16xf32>
        %add3A_285 = arith.constant 1 : i32
        %add3A_286 = arith.addi %mul3A_62, %add3A_285 : i32
        %get3A_287 = arith.index_cast %add3A_286 : i32 to index
        %get3A_288 = arith.constant 80 : index
        %get3A_289 = tpu.vector_load %arg6[%get3A_287, %get3A_288] {strides = array<i32>} : memref<240x128xf32, #tpu.memory_space<vmem>>, vector<1x16xf32>,
        %get3A_290 = vector.shape_cast %get3A_289 : vector<1x16xf32> to vector<16xf32>
        %add3A_291 = arith.addf %get3A_284, %get3A_290 : vector<16xf32>
        %add3A_292 = arith.constant 2 : i32
        %add3A_293 = arith.addi %mul3A_62, %add3A_292 : i32
        %get3A_294 = arith.index_cast %add3A_293 : i32 to index
        %get3A_295 = arith.constant 80 : index
        %get3A_296 = tpu.vector_load %arg6[%get3A_294, %get3A_295] {strides = array<i32>} : memref<240x128xf32, #tpu.memory_space<vmem>>, vector<1x16xf32>,
        %get3A_297 = vector.shape_cast %get3A_296 : vector<1x16xf32> to vector<16xf32>
        %add3A_298 = arith.addf %add3A_291, %get3A_297 : vector<16xf32>
        %add3A_299 = arith.constant 3 : i32
        %add3A_300 = arith.addi %mul3A_62, %add3A_299 : i32
        %get3A_301 = arith.index_cast %add3A_300 : i32 to index
        %get3A_302 = arith.constant 80 : index
        %get3A_303 = tpu.vector_load %arg6[%get3A_301, %get3A_302] {strides = array<i32>} : memref<240x128xf32, #tpu.memory_space<vmem>>, vector<1x16xf32>,
        %get3A_304 = vector.shape_cast %get3A_303 : vector<1x16xf32> to vector<16xf32>
        %add3A_305 = arith.addf %add3A_298, %get3A_304 : vector<16xf32>
        %add3A_306 = arith.constant 4 : i32
        %add3A_307 = arith.addi %mul3A_62, %add3A_306 : i32
        %get3A_308 = arith.index_cast %add3A_307 : i32 to index
        %get3A_309 = arith.constant 80 : index
        %get3A_310 = tpu.vector_load %arg6[%get3A_308, %get3A_309] {strides = array<i32>} : memref<240x128xf32, #tpu.memory_space<vmem>>, vector<1x16xf32>,
        %get3A_311 = vector.shape_cast %get3A_310 : vector<1x16xf32> to vector<16xf32>
        %add3A_312 = arith.addf %add3A_305, %get3A_311 : vector<16xf32>
        %add3A_313 = arith.constant 5 : i32
        %add3A_314 = arith.addi %mul3A_62, %add3A_313 : i32
        %get3A_315 = arith.index_cast %add3A_314 : i32 to index
        %get3A_316 = arith.constant 80 : index
        %get3A_317 = tpu.vector_load %arg6[%get3A_315, %get3A_316] {strides = array<i32>} : memref<240x128xf32, #tpu.memory_space<vmem>>, vector<1x16xf32>,
        %get3A_318 = vector.shape_cast %get3A_317 : vector<1x16xf32> to vector<16xf32>
        %add3A_319 = arith.addf %add3A_312, %get3A_318 : vector<16xf32>
        %swap3A_320 = arith.index_cast %scan3A_60 : i32 to index
        %swap3A_321 = arith.constant 80 : index
        %swap3A_322 = tpu.vector_load %arg7[%swap3A_320, %swap3A_321] {strides = array<i32>} : memref<40x128xf32, #tpu.memory_space<vmem>>, vector<1x16xf32>,
        %swap3A_323 = vector.shape_cast %swap3A_322 : vector<1x16xf32> to vector<16xf32>
        %swap3A_324 = vector.shape_cast %add3A_319 : vector<16xf32> to vector<1x16xf32>
        tpu.vector_store %arg7[%swap3A_320, %swap3A_321], %swap3A_324 {strides = array<i32>} : memref<40x128xf32, #tpu.memory_space<vmem>>, vector<1x16xf32>,
        %get3A_325 = arith.index_cast %mul3A_62 : i32 to index
        %get3A_326 = arith.constant 96 : index
        %get3A_327 = tpu.vector_load %arg6[%get3A_325, %get3A_326] {strides = array<i32>} : memref<240x128xf32, #tpu.memory_space<vmem>>, vector<1x16xf32>,
        %get3A_328 = vector.shape_cast %get3A_327 : vector<1x16xf32> to vector<16xf32>
        %add3A_329 = arith.constant 1 : i32
        %add3A_330 = arith.addi %mul3A_62, %add3A_329 : i32
        %get3A_331 = arith.index_cast %add3A_330 : i32 to index
        %get3A_332 = arith.constant 96 : index
        %get3A_333 = tpu.vector_load %arg6[%get3A_331, %get3A_332] {strides = array<i32>} : memref<240x128xf32, #tpu.memory_space<vmem>>, vector<1x16xf32>,
        %get3A_334 = vector.shape_cast %get3A_333 : vector<1x16xf32> to vector<16xf32>
        %add3A_335 = arith.addf %get3A_328, %get3A_334 : vector<16xf32>
        %add3A_336 = arith.constant 2 : i32
        %add3A_337 = arith.addi %mul3A_62, %add3A_336 : i32
        %get3A_338 = arith.index_cast %add3A_337 : i32 to index
        %get3A_339 = arith.constant 96 : index
        %get3A_340 = tpu.vector_load %arg6[%get3A_338, %get3A_339] {strides = array<i32>} : memref<240x128xf32, #tpu.memory_space<vmem>>, vector<1x16xf32>,
        %get3A_341 = vector.shape_cast %get3A_340 : vector<1x16xf32> to vector<16xf32>
        %add3A_342 = arith.addf %add3A_335, %get3A_341 : vector<16xf32>
        %add3A_343 = arith.constant 3 : i32
        %add3A_344 = arith.addi %mul3A_62, %add3A_343 : i32
        %get3A_345 = arith.index_cast %add3A_344 : i32 to index
        %get3A_346 = arith.constant 96 : index
        %get3A_347 = tpu.vector_load %arg6[%get3A_345, %get3A_346] {strides = array<i32>} : memref<240x128xf32, #tpu.memory_space<vmem>>, vector<1x16xf32>,
        %get3A_348 = vector.shape_cast %get3A_347 : vector<1x16xf32> to vector<16xf32>
        %add3A_349 = arith.addf %add3A_342, %get3A_348 : vector<16xf32>
        %add3A_350 = arith.constant 4 : i32
        %add3A_351 = arith.addi %mul3A_62, %add3A_350 : i32
        %get3A_352 = arith.index_cast %add3A_351 : i32 to index
        %get3A_353 = arith.constant 96 : index
        %get3A_354 = tpu.vector_load %arg6[%get3A_352, %get3A_353] {strides = array<i32>} : memref<240x128xf32, #tpu.memory_space<vmem>>, vector<1x16xf32>,
        %get3A_355 = vector.shape_cast %get3A_354 : vector<1x16xf32> to vector<16xf32>
        %add3A_356 = arith.addf %add3A_349, %get3A_355 : vector<16xf32>
        %add3A_357 = arith.constant 5 : i32
        %add3A_358 = arith.addi %mul3A_62, %add3A_357 : i32
        %get3A_359 = arith.index_cast %add3A_358 : i32 to index
        %get3A_360 = arith.constant 96 : index
        %get3A_361 = tpu.vector_load %arg6[%get3A_359, %get3A_360] {strides = array<i32>} : memref<240x128xf32, #tpu.memory_space<vmem>>, vector<1x16xf32>,
        %get3A_362 = vector.shape_cast %get3A_361 : vector<1x16xf32> to vector<16xf32>
        %add3A_363 = arith.addf %add3A_356, %get3A_362 : vector<16xf32>
        %swap3A_364 = arith.index_cast %scan3A_60 : i32 to index
        %swap3A_365 = arith.constant 96 : index
        %swap3A_366 = tpu.vector_load %arg7[%swap3A_364, %swap3A_365] {strides = array<i32>} : memref<40x128xf32, #tpu.memory_space<vmem>>, vector<1x16xf32>,
        %swap3A_367 = vector.shape_cast %swap3A_366 : vector<1x16xf32> to vector<16xf32>
        %swap3A_368 = vector.shape_cast %add3A_363 : vector<16xf32> to vector<1x16xf32>
        tpu.vector_store %arg7[%swap3A_364, %swap3A_365], %swap3A_368 {strides = array<i32>} : memref<40x128xf32, #tpu.memory_space<vmem>>, vector<1x16xf32>,
        %get3A_369 = arith.index_cast %mul3A_62 : i32 to index
        %get3A_370 = arith.constant 112 : index
        %get3A_371 = tpu.vector_load %arg6[%get3A_369, %get3A_370] {strides = array<i32>} : memref<240x128xf32, #tpu.memory_space<vmem>>, vector<1x16xf32>,
        %get3A_372 = vector.shape_cast %get3A_371 : vector<1x16xf32> to vector<16xf32>
        %add3A_373 = arith.constant 1 : i32
        %add3A_374 = arith.addi %mul3A_62, %add3A_373 : i32
        %get3A_375 = arith.index_cast %add3A_374 : i32 to index
        %get3A_376 = arith.constant 112 : index
        %get3A_377 = tpu.vector_load %arg6[%get3A_375, %get3A_376] {strides = array<i32>} : memref<240x128xf32, #tpu.memory_space<vmem>>, vector<1x16xf32>,
        %get3A_378 = vector.shape_cast %get3A_377 : vector<1x16xf32> to vector<16xf32>
        %add3A_379 = arith.addf %get3A_372, %get3A_378 : vector<16xf32>
        %add3A_380 = arith.constant 2 : i32
        %add3A_381 = arith.addi %mul3A_62, %add3A_380 : i32
        %get3A_382 = arith.index_cast %add3A_381 : i32 to index
        %get3A_383 = arith.constant 112 : index
        %get3A_384 = tpu.vector_load %arg6[%get3A_382, %get3A_383] {strides = array<i32>} : memref<240x128xf32, #tpu.memory_space<vmem>>, vector<1x16xf32>,
        %get3A_385 = vector.shape_cast %get3A_384 : vector<1x16xf32> to vector<16xf32>
        %add3A_386 = arith.addf %add3A_379, %get3A_385 : vector<16xf32>
        %add3A_387 = arith.constant 3 : i32
        %add3A_388 = arith.addi %mul3A_62, %add3A_387 : i32
        %get3A_389 = arith.index_cast %add3A_388 : i32 to index
        %get3A_390 = arith.constant 112 : index
        %get3A_391 = tpu.vector_load %arg6[%get3A_389, %get3A_390] {strides = array<i32>} : memref<240x128xf32, #tpu.memory_space<vmem>>, vector<1x16xf32>,
        %get3A_392 = vector.shape_cast %get3A_391 : vector<1x16xf32> to vector<16xf32>
        %add3A_393 = arith.addf %add3A_386, %get3A_392 : vector<16xf32>
        %add3A_394 = arith.constant 4 : i32
        %add3A_395 = arith.addi %mul3A_62, %add3A_394 : i32
        %get3A_396 = arith.index_cast %add3A_395 : i32 to index
        %get3A_397 = arith.constant 112 : index
        %get3A_398 = tpu.vector_load %arg6[%get3A_396, %get3A_397] {strides = array<i32>} : memref<240x128xf32, #tpu.memory_space<vmem>>, vector<1x16xf32>,
        %get3A_399 = vector.shape_cast %get3A_398 : vector<1x16xf32> to vector<16xf32>
        %add3A_400 = arith.addf %add3A_393, %get3A_399 : vector<16xf32>
        %add3A_401 = arith.constant 5 : i32
        %add3A_402 = arith.addi %mul3A_62, %add3A_401 : i32
        %get3A_403 = arith.index_cast %add3A_402 : i32 to index
        %get3A_404 = arith.constant 112 : index
        %get3A_405 = tpu.vector_load %arg6[%get3A_403, %get3A_404] {strides = array<i32>} : memref<240x128xf32, #tpu.memory_space<vmem>>, vector<1x16xf32>,
        %get3A_406 = vector.shape_cast %get3A_405 : vector<1x16xf32> to vector<16xf32>
        %add3A_407 = arith.addf %add3A_400, %get3A_406 : vector<16xf32>
        %swap3A_408 = arith.index_cast %scan3A_60 : i32 to index
        %swap3A_409 = arith.constant 112 : index
        %swap3A_410 = tpu.vector_load %arg7[%swap3A_408, %swap3A_409] {strides = array<i32>} : memref<40x128xf32, #tpu.memory_space<vmem>>, vector<1x16xf32>,
        %swap3A_411 = vector.shape_cast %swap3A_410 : vector<1x16xf32> to vector<16xf32>
        %swap3A_412 = vector.shape_cast %add3A_407 : vector<16xf32> to vector<1x16xf32>
        tpu.vector_store %arg7[%swap3A_408, %swap3A_409], %swap3A_412 {strides = array<i32>} : memref<40x128xf32, #tpu.memory_space<vmem>>, vector<1x16xf32>,
      }
      %scan3A_56 = arith.constant 40 : i32
      %mul3A_57 = arith.constant 40 : i32
      %mul3A_58 = arith.muli %scan3A_8, %mul3A_57 : i32
      %add3A_59 = arith.addi %mul3A_2, %mul3A_58 : i32
      "tpu.region"() ({
        %run_scoped3A = tpu.sem_alloc : memref<!tpu.dma_semaphore, #tpu.memory_space<semaphore_mem>>
        %dma_start3A_60 = arith.constant 0 : i32
        %dma_start3A_61 = tpu.memref_slice %arg4[%add3A_59, %dma_start3A_60] : memref<160000x128xf32, #tpu.memory_space<hbm>> -> memref<40x128xf32, #tpu.memory_space<hbm>>
        %dma_start3A_62 = arith.constant 0 : i32
        %dma_start3A_63 = tpu.memref_slice %arg4[%add3A_59, %dma_start3A_62] : memref<160000x128xf32, #tpu.memory_space<hbm>> -> memref<40x128xf32, #tpu.memory_space<hbm>>
        tpu.enqueue_dma source(%arg7 : memref<40x128xf32, #tpu.memory_space<vmem>>) target(%dma_start3A_63 : memref<40x128xf32, #tpu.memory_space<hbm>>) target_semaphore(%run_scoped3A : memref<!tpu.dma_semaphore, #tpu.memory_space<semaphore_mem>>)
        %dma_wait3A_64 = arith.constant 0 : i32
        %dma_wait3A_65 = tpu.memref_slice %arg4[%add3A_59, %dma_wait3A_64] : memref<160000x128xf32, #tpu.memory_space<hbm>> -> memref<40x128xf32, #tpu.memory_space<hbm>>
        %dma_wait3A_66 = arith.constant 0 : i32
        %dma_wait3A_67 = tpu.memref_slice %arg4[%add3A_59, %dma_wait3A_66] : memref<160000x128xf32, #tpu.memory_space<hbm>> -> memref<40x128xf32, #tpu.memory_space<hbm>>
        tpu.wait_dma2 semaphore(%run_scoped3A : memref<!tpu.dma_semaphore, #tpu.memory_space<semaphore_mem>>) src(%arg7 : memref<40x128xf32, #tpu.memory_space<vmem>>) dst(%dma_wait3A_67 : memref<40x128xf32, #tpu.memory_space<hbm>>)
        tpu.yield
      }) : () -> ()
    }
    %scan3A_7 = arith.constant 125 : i32
    return
  }
}

#map = affine_map<(d0, d1) -> (0, 0)>
#map1 = affine_map<(d0, d1) -> (0, 0, 0)>
module attributes {stable_mosaic.version = 14 : i64} {
  func.func @sc_gather_sum_160000(%arg0: i32, %arg1: i32, %arg2: memref<160000x128xf32, #tpu.memory_space<hbm>>, %arg3: memref<32x250x120xi32, #tpu.memory_space<hbm>>, %arg4: memref<160000x128xf32, #tpu.memory_space<hbm>>, %arg5: memref<250x120xi32, #tpu.memory_space<vmem>>, %arg6: memref<240x128xf32, #tpu.memory_space<vmem>>, %arg7: memref<40x128xf32, #tpu.memory_space<vmem>>, %arg8: memref<!tpu.dma_semaphore, #tpu.memory_space<semaphore_mem>>) attributes {dimension_semantics = [#tpu.dimension_semantics<core_parallel>, #tpu.dimension_semantics<subcore_parallel>], iteration_bounds = array<i64: 2, 16>, scalar_prefetch = 0 : i64, scratch_operands = 4 : i64, tpu.core_type = #tpu.core_type<sc_vector_subcore>, window_params = [{transform_indices = #map}, {transform_indices = #map1}, {transform_indices = #map}]} {
    %mul3A = arith.constant 2 : i32
    %mul3A_0 = arith.muli %arg1, %mul3A : i32
    %add3A = arith.addi %mul3A_0, %arg0 : i32
    %mul3A_1 = arith.constant 5000 : i32
    %mul3A_2 = arith.muli %add3A, %mul3A_1 : i32
    "tpu.region"() ({
      %run_scoped3A = tpu.sem_alloc : memref<!tpu.dma_semaphore, #tpu.memory_space<semaphore_mem>>
      %dma_start3A = arith.constant 0 : i32
      %dma_start3A_8 = arith.constant 0 : i32
      %dma_start3A_9 = tpu.memref_slice %arg3[%add3A, %dma_start3A, %dma_start3A_8] : memref<32x250x120xi32, #tpu.memory_space<hbm>> -> memref<1x250x120xi32, #tpu.memory_space<hbm>>
      %dma_start3A_10 = tpu.memref_squeeze %dma_start3A_9 : memref<1x250x120xi32, #tpu.memory_space<hbm>> -> memref<250x120xi32, #tpu.memory_space<hbm>>
      %dma_start3A_11 = arith.constant 0 : i32
      %dma_start3A_12 = arith.constant 0 : i32
      %dma_start3A_13 = tpu.memref_slice %arg3[%add3A, %dma_start3A_11, %dma_start3A_12] : memref<32x250x120xi32, #tpu.memory_space<hbm>> -> memref<1x250x120xi32, #tpu.memory_space<hbm>>
      %dma_start3A_14 = tpu.memref_squeeze %dma_start3A_13 : memref<1x250x120xi32, #tpu.memory_space<hbm>> -> memref<250x120xi32, #tpu.memory_space<hbm>>
      tpu.enqueue_dma source(%dma_start3A_14 : memref<250x120xi32, #tpu.memory_space<hbm>>) target(%arg5 : memref<250x120xi32, #tpu.memory_space<vmem>>) target_semaphore(%run_scoped3A : memref<!tpu.dma_semaphore, #tpu.memory_space<semaphore_mem>>)
      %dma_wait3A = arith.constant 0 : i32
      %dma_wait3A_15 = arith.constant 0 : i32
      %dma_wait3A_16 = tpu.memref_slice %arg3[%add3A, %dma_wait3A, %dma_wait3A_15] : memref<32x250x120xi32, #tpu.memory_space<hbm>> -> memref<1x250x120xi32, #tpu.memory_space<hbm>>
      %dma_wait3A_17 = tpu.memref_squeeze %dma_wait3A_16 : memref<1x250x120xi32, #tpu.memory_space<hbm>> -> memref<250x120xi32, #tpu.memory_space<hbm>>
      %dma_wait3A_18 = arith.constant 0 : i32
      %dma_wait3A_19 = arith.constant 0 : i32
      %dma_wait3A_20 = tpu.memref_slice %arg3[%add3A, %dma_wait3A_18, %dma_wait3A_19] : memref<32x250x120xi32, #tpu.memory_space<hbm>> -> memref<1x250x120xi32, #tpu.memory_space<hbm>>
      %dma_wait3A_21 = tpu.memref_squeeze %dma_wait3A_20 : memref<1x250x120xi32, #tpu.memory_space<hbm>> -> memref<250x120xi32, #tpu.memory_space<hbm>>
      tpu.wait_dma2 semaphore(%run_scoped3A : memref<!tpu.dma_semaphore, #tpu.memory_space<semaphore_mem>>) src(%dma_wait3A_21 : memref<250x120xi32, #tpu.memory_space<hbm>>) dst(%arg5 : memref<250x120xi32, #tpu.memory_space<vmem>>)
      tpu.yield
    }) : () -> ()
    %scan3A = arith.constant 0 : i32
    %scan3A_3 = arith.constant 0 : i32
    %scan3A_4 = arith.constant 125 : i32
    %scan3A_5 = arith.addi %scan3A_3, %scan3A_4 : i32
    %scan3A_6 = arith.constant 1 : i32
    scf.for %scan3A_8 = %scan3A_3 to %scan3A_5 step %scan3A_6  : i32 {
      %mul3A_9 = arith.constant 2 : i32
      %mul3A_10 = arith.muli %scan3A_8, %mul3A_9 : i32
      %add3A_11 = arith.constant 0 : i32
      %add3A_12 = arith.addi %mul3A_10, %add3A_11 : i32
      %dma_start3A = arith.constant 0 : i32
      %dma_start3A_13 = arith.constant 0 : i32
      %dma_start3A_14 = tpu.memref_slice %arg6[%dma_start3A, %dma_start3A_13] : memref<240x128xf32, #tpu.memory_space<vmem>> -> memref<120x128xf32, #tpu.memory_space<vmem>>
      %dma_start3A_15 = arith.constant 0 : i32
      %dma_start3A_16 = tpu.memref_slice %arg5[%add3A_12, %dma_start3A_15] : memref<250x120xi32, #tpu.memory_space<vmem>> -> memref<1x120xi32, #tpu.memory_space<vmem>>
      %dma_start3A_17 = tpu.memref_squeeze %dma_start3A_16 : memref<1x120xi32, #tpu.memory_space<vmem>> -> memref<120xi32, #tpu.memory_space<vmem>>
      %dma_start3A_18 = arith.constant 0 : i32
      %dma_start3A_19 = arith.constant 0 : i32
      %dma_start3A_20 = tpu.memref_slice %arg2[%dma_start3A_18, %dma_start3A_19] : memref<160000x128xf32, #tpu.memory_space<hbm>> -> memref<160000x128xf32, #tpu.memory_space<hbm>>
      tpu.enqueue_indirect_dma source(%dma_start3A_20 : memref<160000x128xf32, #tpu.memory_space<hbm>>) target(%dma_start3A_14 : memref<120x128xf32, #tpu.memory_space<vmem>>) offsets(%dma_start3A_17 : memref<120xi32, #tpu.memory_space<vmem>>) semaphore(%arg8 : memref<!tpu.dma_semaphore, #tpu.memory_space<semaphore_mem>>)
      %mul3A_21 = arith.constant 2 : i32
      %mul3A_22 = arith.muli %scan3A_8, %mul3A_21 : i32
      %add3A_23 = arith.constant 1 : i32
      %add3A_24 = arith.addi %mul3A_22, %add3A_23 : i32
      %dma_start3A_25 = arith.constant 120 : i32
      %dma_start3A_26 = arith.constant 0 : i32
      %dma_start3A_27 = tpu.memref_slice %arg6[%dma_start3A_25, %dma_start3A_26] : memref<240x128xf32, #tpu.memory_space<vmem>> -> memref<120x128xf32, #tpu.memory_space<vmem>>
      %dma_start3A_28 = arith.constant 0 : i32
      %dma_start3A_29 = tpu.memref_slice %arg5[%add3A_24, %dma_start3A_28] : memref<250x120xi32, #tpu.memory_space<vmem>> -> memref<1x120xi32, #tpu.memory_space<vmem>>
      %dma_start3A_30 = tpu.memref_squeeze %dma_start3A_29 : memref<1x120xi32, #tpu.memory_space<vmem>> -> memref<120xi32, #tpu.memory_space<vmem>>
      %dma_start3A_31 = arith.constant 0 : i32
      %dma_start3A_32 = arith.constant 0 : i32
      %dma_start3A_33 = tpu.memref_slice %arg2[%dma_start3A_31, %dma_start3A_32] : memref<160000x128xf32, #tpu.memory_space<hbm>> -> memref<160000x128xf32, #tpu.memory_space<hbm>>
      tpu.enqueue_indirect_dma source(%dma_start3A_33 : memref<160000x128xf32, #tpu.memory_space<hbm>>) target(%dma_start3A_27 : memref<120x128xf32, #tpu.memory_space<vmem>>) offsets(%dma_start3A_30 : memref<120xi32, #tpu.memory_space<vmem>>) semaphore(%arg8 : memref<!tpu.dma_semaphore, #tpu.memory_space<semaphore_mem>>)
      %dma_wait3A = arith.constant 0 : i32
      %dma_wait3A_34 = arith.constant 0 : i32
      %dma_wait3A_35 = tpu.memref_slice %arg6[%dma_wait3A, %dma_wait3A_34] : memref<240x128xf32, #tpu.memory_space<vmem>> -> memref<120x128xf32, #tpu.memory_space<vmem>>
      %dma_wait3A_36 = arith.constant 0 : i32
      %dma_wait3A_37 = tpu.memref_slice %arg5[%add3A_12, %dma_wait3A_36] : memref<250x120xi32, #tpu.memory_space<vmem>> -> memref<1x120xi32, #tpu.memory_space<vmem>>
      %dma_wait3A_38 = tpu.memref_squeeze %dma_wait3A_37 : memref<1x120xi32, #tpu.memory_space<vmem>> -> memref<120xi32, #tpu.memory_space<vmem>>
      %dma_wait3A_39 = arith.constant 0 : i32
      %dma_wait3A_40 = arith.constant 0 : i32
      %dma_wait3A_41 = tpu.memref_slice %arg2[%dma_wait3A_39, %dma_wait3A_40] : memref<160000x128xf32, #tpu.memory_space<hbm>> -> memref<160000x128xf32, #tpu.memory_space<hbm>>
      tpu.wait_indirect_dma semaphore(%arg8 : memref<!tpu.dma_semaphore, #tpu.memory_space<semaphore_mem>>) src(%dma_wait3A_41 : memref<160000x128xf32, #tpu.memory_space<hbm>>) dst(%dma_wait3A_35 : memref<120x128xf32, #tpu.memory_space<vmem>>)
      %dma_wait3A_42 = arith.constant 120 : i32
      %dma_wait3A_43 = arith.constant 0 : i32
      %dma_wait3A_44 = tpu.memref_slice %arg6[%dma_wait3A_42, %dma_wait3A_43] : memref<240x128xf32, #tpu.memory_space<vmem>> -> memref<120x128xf32, #tpu.memory_space<vmem>>
      %dma_wait3A_45 = arith.constant 0 : i32
      %dma_wait3A_46 = tpu.memref_slice %arg5[%add3A_24, %dma_wait3A_45] : memref<250x120xi32, #tpu.memory_space<vmem>> -> memref<1x120xi32, #tpu.memory_space<vmem>>
      %dma_wait3A_47 = tpu.memref_squeeze %dma_wait3A_46 : memref<1x120xi32, #tpu.memory_space<vmem>> -> memref<120xi32, #tpu.memory_space<vmem>>
      %dma_wait3A_48 = arith.constant 0 : i32
      %dma_wait3A_49 = arith.constant 0 : i32
      %dma_wait3A_50 = tpu.memref_slice %arg2[%dma_wait3A_48, %dma_wait3A_49] : memref<160000x128xf32, #tpu.memory_space<hbm>> -> memref<160000x128xf32, #tpu.memory_space<hbm>>
      tpu.wait_indirect_dma semaphore(%arg8 : memref<!tpu.dma_semaphore, #tpu.memory_space<semaphore_mem>>) src(%dma_wait3A_50 : memref<160000x128xf32, #tpu.memory_space<hbm>>) dst(%dma_wait3A_44 : memref<120x128xf32, #tpu.memory_space<vmem>>)
      %scan3A_51 = arith.constant 0 : i32
      %scan3A_52 = arith.constant 0 : i32
      %scan3A_53 = arith.constant 40 : i32
      %scan3A_54 = arith.addi %scan3A_52, %scan3A_53 : i32
      %scan3A_55 = arith.constant 1 : i32
      scf.for %scan3A_60 = %scan3A_52 to %scan3A_54 step %scan3A_55  : i32 {
        %mul3A_61 = arith.constant 6 : i32
        %mul3A_62 = arith.muli %scan3A_60, %mul3A_61 : i32
        %get3A = arith.index_cast %mul3A_62 : i32 to index
        %get3A_63 = arith.constant 0 : index
        %get3A_64 = tpu.vector_load %arg6[%get3A, %get3A_63] {strides = array<i32>} : memref<240x128xf32, #tpu.memory_space<vmem>>, vector<1x16xf32>,
        %get3A_65 = vector.shape_cast %get3A_64 : vector<1x16xf32> to vector<16xf32>
        %add3A_66 = arith.constant 1 : i32
        %add3A_67 = arith.addi %mul3A_62, %add3A_66 : i32
        %get3A_68 = arith.index_cast %add3A_67 : i32 to index
        %get3A_69 = arith.constant 0 : index
        %get3A_70 = tpu.vector_load %arg6[%get3A_68, %get3A_69] {strides = array<i32>} : memref<240x128xf32, #tpu.memory_space<vmem>>, vector<1x16xf32>,
        %get3A_71 = vector.shape_cast %get3A_70 : vector<1x16xf32> to vector<16xf32>
        %add3A_72 = arith.addf %get3A_65, %get3A_71 : vector<16xf32>
        %add3A_73 = arith.constant 2 : i32
        %add3A_74 = arith.addi %mul3A_62, %add3A_73 : i32
        %get3A_75 = arith.index_cast %add3A_74 : i32 to index
        %get3A_76 = arith.constant 0 : index
        %get3A_77 = tpu.vector_load %arg6[%get3A_75, %get3A_76] {strides = array<i32>} : memref<240x128xf32, #tpu.memory_space<vmem>>, vector<1x16xf32>,
        %get3A_78 = vector.shape_cast %get3A_77 : vector<1x16xf32> to vector<16xf32>
        %add3A_79 = arith.addf %add3A_72, %get3A_78 : vector<16xf32>
        %add3A_80 = arith.constant 3 : i32
        %add3A_81 = arith.addi %mul3A_62, %add3A_80 : i32
        %get3A_82 = arith.index_cast %add3A_81 : i32 to index
        %get3A_83 = arith.constant 0 : index
        %get3A_84 = tpu.vector_load %arg6[%get3A_82, %get3A_83] {strides = array<i32>} : memref<240x128xf32, #tpu.memory_space<vmem>>, vector<1x16xf32>,
        %get3A_85 = vector.shape_cast %get3A_84 : vector<1x16xf32> to vector<16xf32>
        %add3A_86 = arith.addf %add3A_79, %get3A_85 : vector<16xf32>
        %add3A_87 = arith.constant 4 : i32
        %add3A_88 = arith.addi %mul3A_62, %add3A_87 : i32
        %get3A_89 = arith.index_cast %add3A_88 : i32 to index
        %get3A_90 = arith.constant 0 : index
        %get3A_91 = tpu.vector_load %arg6[%get3A_89, %get3A_90] {strides = array<i32>} : memref<240x128xf32, #tpu.memory_space<vmem>>, vector<1x16xf32>,
        %get3A_92 = vector.shape_cast %get3A_91 : vector<1x16xf32> to vector<16xf32>
        %add3A_93 = arith.addf %add3A_86, %get3A_92 : vector<16xf32>
        %add3A_94 = arith.constant 5 : i32
        %add3A_95 = arith.addi %mul3A_62, %add3A_94 : i32
        %get3A_96 = arith.index_cast %add3A_95 : i32 to index
        %get3A_97 = arith.constant 0 : index
        %get3A_98 = tpu.vector_load %arg6[%get3A_96, %get3A_97] {strides = array<i32>} : memref<240x128xf32, #tpu.memory_space<vmem>>, vector<1x16xf32>,
        %get3A_99 = vector.shape_cast %get3A_98 : vector<1x16xf32> to vector<16xf32>
        %add3A_100 = arith.addf %add3A_93, %get3A_99 : vector<16xf32>
        %swap3A = arith.index_cast %scan3A_60 : i32 to index
        %swap3A_101 = arith.constant 0 : index
        %swap3A_102 = tpu.vector_load %arg7[%swap3A, %swap3A_101] {strides = array<i32>} : memref<40x128xf32, #tpu.memory_space<vmem>>, vector<1x16xf32>,
        %swap3A_103 = vector.shape_cast %swap3A_102 : vector<1x16xf32> to vector<16xf32>
        %swap3A_104 = vector.shape_cast %add3A_100 : vector<16xf32> to vector<1x16xf32>
        tpu.vector_store %arg7[%swap3A, %swap3A_101], %swap3A_104 {strides = array<i32>} : memref<40x128xf32, #tpu.memory_space<vmem>>, vector<1x16xf32>,
        %get3A_105 = arith.index_cast %mul3A_62 : i32 to index
        %get3A_106 = arith.constant 16 : index
        %get3A_107 = tpu.vector_load %arg6[%get3A_105, %get3A_106] {strides = array<i32>} : memref<240x128xf32, #tpu.memory_space<vmem>>, vector<1x16xf32>,
        %get3A_108 = vector.shape_cast %get3A_107 : vector<1x16xf32> to vector<16xf32>
        %add3A_109 = arith.constant 1 : i32
        %add3A_110 = arith.addi %mul3A_62, %add3A_109 : i32
        %get3A_111 = arith.index_cast %add3A_110 : i32 to index
        %get3A_112 = arith.constant 16 : index
        %get3A_113 = tpu.vector_load %arg6[%get3A_111, %get3A_112] {strides = array<i32>} : memref<240x128xf32, #tpu.memory_space<vmem>>, vector<1x16xf32>,
        %get3A_114 = vector.shape_cast %get3A_113 : vector<1x16xf32> to vector<16xf32>
        %add3A_115 = arith.addf %get3A_108, %get3A_114 : vector<16xf32>
        %add3A_116 = arith.constant 2 : i32
        %add3A_117 = arith.addi %mul3A_62, %add3A_116 : i32
        %get3A_118 = arith.index_cast %add3A_117 : i32 to index
        %get3A_119 = arith.constant 16 : index
        %get3A_120 = tpu.vector_load %arg6[%get3A_118, %get3A_119] {strides = array<i32>} : memref<240x128xf32, #tpu.memory_space<vmem>>, vector<1x16xf32>,
        %get3A_121 = vector.shape_cast %get3A_120 : vector<1x16xf32> to vector<16xf32>
        %add3A_122 = arith.addf %add3A_115, %get3A_121 : vector<16xf32>
        %add3A_123 = arith.constant 3 : i32
        %add3A_124 = arith.addi %mul3A_62, %add3A_123 : i32
        %get3A_125 = arith.index_cast %add3A_124 : i32 to index
        %get3A_126 = arith.constant 16 : index
        %get3A_127 = tpu.vector_load %arg6[%get3A_125, %get3A_126] {strides = array<i32>} : memref<240x128xf32, #tpu.memory_space<vmem>>, vector<1x16xf32>,
        %get3A_128 = vector.shape_cast %get3A_127 : vector<1x16xf32> to vector<16xf32>
        %add3A_129 = arith.addf %add3A_122, %get3A_128 : vector<16xf32>
        %add3A_130 = arith.constant 4 : i32
        %add3A_131 = arith.addi %mul3A_62, %add3A_130 : i32
        %get3A_132 = arith.index_cast %add3A_131 : i32 to index
        %get3A_133 = arith.constant 16 : index
        %get3A_134 = tpu.vector_load %arg6[%get3A_132, %get3A_133] {strides = array<i32>} : memref<240x128xf32, #tpu.memory_space<vmem>>, vector<1x16xf32>,
        %get3A_135 = vector.shape_cast %get3A_134 : vector<1x16xf32> to vector<16xf32>
        %add3A_136 = arith.addf %add3A_129, %get3A_135 : vector<16xf32>
        %add3A_137 = arith.constant 5 : i32
        %add3A_138 = arith.addi %mul3A_62, %add3A_137 : i32
        %get3A_139 = arith.index_cast %add3A_138 : i32 to index
        %get3A_140 = arith.constant 16 : index
        %get3A_141 = tpu.vector_load %arg6[%get3A_139, %get3A_140] {strides = array<i32>} : memref<240x128xf32, #tpu.memory_space<vmem>>, vector<1x16xf32>,
        %get3A_142 = vector.shape_cast %get3A_141 : vector<1x16xf32> to vector<16xf32>
        %add3A_143 = arith.addf %add3A_136, %get3A_142 : vector<16xf32>
        %swap3A_144 = arith.index_cast %scan3A_60 : i32 to index
        %swap3A_145 = arith.constant 16 : index
        %swap3A_146 = tpu.vector_load %arg7[%swap3A_144, %swap3A_145] {strides = array<i32>} : memref<40x128xf32, #tpu.memory_space<vmem>>, vector<1x16xf32>,
        %swap3A_147 = vector.shape_cast %swap3A_146 : vector<1x16xf32> to vector<16xf32>
        %swap3A_148 = vector.shape_cast %add3A_143 : vector<16xf32> to vector<1x16xf32>
        tpu.vector_store %arg7[%swap3A_144, %swap3A_145], %swap3A_148 {strides = array<i32>} : memref<40x128xf32, #tpu.memory_space<vmem>>, vector<1x16xf32>,
        %get3A_149 = arith.index_cast %mul3A_62 : i32 to index
        %get3A_150 = arith.constant 32 : index
        %get3A_151 = tpu.vector_load %arg6[%get3A_149, %get3A_150] {strides = array<i32>} : memref<240x128xf32, #tpu.memory_space<vmem>>, vector<1x16xf32>,
        %get3A_152 = vector.shape_cast %get3A_151 : vector<1x16xf32> to vector<16xf32>
        %add3A_153 = arith.constant 1 : i32
        %add3A_154 = arith.addi %mul3A_62, %add3A_153 : i32
        %get3A_155 = arith.index_cast %add3A_154 : i32 to index
        %get3A_156 = arith.constant 32 : index
        %get3A_157 = tpu.vector_load %arg6[%get3A_155, %get3A_156] {strides = array<i32>} : memref<240x128xf32, #tpu.memory_space<vmem>>, vector<1x16xf32>,
        %get3A_158 = vector.shape_cast %get3A_157 : vector<1x16xf32> to vector<16xf32>
        %add3A_159 = arith.addf %get3A_152, %get3A_158 : vector<16xf32>
        %add3A_160 = arith.constant 2 : i32
        %add3A_161 = arith.addi %mul3A_62, %add3A_160 : i32
        %get3A_162 = arith.index_cast %add3A_161 : i32 to index
        %get3A_163 = arith.constant 32 : index
        %get3A_164 = tpu.vector_load %arg6[%get3A_162, %get3A_163] {strides = array<i32>} : memref<240x128xf32, #tpu.memory_space<vmem>>, vector<1x16xf32>,
        %get3A_165 = vector.shape_cast %get3A_164 : vector<1x16xf32> to vector<16xf32>
        %add3A_166 = arith.addf %add3A_159, %get3A_165 : vector<16xf32>
        %add3A_167 = arith.constant 3 : i32
        %add3A_168 = arith.addi %mul3A_62, %add3A_167 : i32
        %get3A_169 = arith.index_cast %add3A_168 : i32 to index
        %get3A_170 = arith.constant 32 : index
        %get3A_171 = tpu.vector_load %arg6[%get3A_169, %get3A_170] {strides = array<i32>} : memref<240x128xf32, #tpu.memory_space<vmem>>, vector<1x16xf32>,
        %get3A_172 = vector.shape_cast %get3A_171 : vector<1x16xf32> to vector<16xf32>
        %add3A_173 = arith.addf %add3A_166, %get3A_172 : vector<16xf32>
        %add3A_174 = arith.constant 4 : i32
        %add3A_175 = arith.addi %mul3A_62, %add3A_174 : i32
        %get3A_176 = arith.index_cast %add3A_175 : i32 to index
        %get3A_177 = arith.constant 32 : index
        %get3A_178 = tpu.vector_load %arg6[%get3A_176, %get3A_177] {strides = array<i32>} : memref<240x128xf32, #tpu.memory_space<vmem>>, vector<1x16xf32>,
        %get3A_179 = vector.shape_cast %get3A_178 : vector<1x16xf32> to vector<16xf32>
        %add3A_180 = arith.addf %add3A_173, %get3A_179 : vector<16xf32>
        %add3A_181 = arith.constant 5 : i32
        %add3A_182 = arith.addi %mul3A_62, %add3A_181 : i32
        %get3A_183 = arith.index_cast %add3A_182 : i32 to index
        %get3A_184 = arith.constant 32 : index
        %get3A_185 = tpu.vector_load %arg6[%get3A_183, %get3A_184] {strides = array<i32>} : memref<240x128xf32, #tpu.memory_space<vmem>>, vector<1x16xf32>,
        %get3A_186 = vector.shape_cast %get3A_185 : vector<1x16xf32> to vector<16xf32>
        %add3A_187 = arith.addf %add3A_180, %get3A_186 : vector<16xf32>
        %swap3A_188 = arith.index_cast %scan3A_60 : i32 to index
        %swap3A_189 = arith.constant 32 : index
        %swap3A_190 = tpu.vector_load %arg7[%swap3A_188, %swap3A_189] {strides = array<i32>} : memref<40x128xf32, #tpu.memory_space<vmem>>, vector<1x16xf32>,
        %swap3A_191 = vector.shape_cast %swap3A_190 : vector<1x16xf32> to vector<16xf32>
        %swap3A_192 = vector.shape_cast %add3A_187 : vector<16xf32> to vector<1x16xf32>
        tpu.vector_store %arg7[%swap3A_188, %swap3A_189], %swap3A_192 {strides = array<i32>} : memref<40x128xf32, #tpu.memory_space<vmem>>, vector<1x16xf32>,
        %get3A_193 = arith.index_cast %mul3A_62 : i32 to index
        %get3A_194 = arith.constant 48 : index
        %get3A_195 = tpu.vector_load %arg6[%get3A_193, %get3A_194] {strides = array<i32>} : memref<240x128xf32, #tpu.memory_space<vmem>>, vector<1x16xf32>,
        %get3A_196 = vector.shape_cast %get3A_195 : vector<1x16xf32> to vector<16xf32>
        %add3A_197 = arith.constant 1 : i32
        %add3A_198 = arith.addi %mul3A_62, %add3A_197 : i32
        %get3A_199 = arith.index_cast %add3A_198 : i32 to index
        %get3A_200 = arith.constant 48 : index
        %get3A_201 = tpu.vector_load %arg6[%get3A_199, %get3A_200] {strides = array<i32>} : memref<240x128xf32, #tpu.memory_space<vmem>>, vector<1x16xf32>,
        %get3A_202 = vector.shape_cast %get3A_201 : vector<1x16xf32> to vector<16xf32>
        %add3A_203 = arith.addf %get3A_196, %get3A_202 : vector<16xf32>
        %add3A_204 = arith.constant 2 : i32
        %add3A_205 = arith.addi %mul3A_62, %add3A_204 : i32
        %get3A_206 = arith.index_cast %add3A_205 : i32 to index
        %get3A_207 = arith.constant 48 : index
        %get3A_208 = tpu.vector_load %arg6[%get3A_206, %get3A_207] {strides = array<i32>} : memref<240x128xf32, #tpu.memory_space<vmem>>, vector<1x16xf32>,
        %get3A_209 = vector.shape_cast %get3A_208 : vector<1x16xf32> to vector<16xf32>
        %add3A_210 = arith.addf %add3A_203, %get3A_209 : vector<16xf32>
        %add3A_211 = arith.constant 3 : i32
        %add3A_212 = arith.addi %mul3A_62, %add3A_211 : i32
        %get3A_213 = arith.index_cast %add3A_212 : i32 to index
        %get3A_214 = arith.constant 48 : index
        %get3A_215 = tpu.vector_load %arg6[%get3A_213, %get3A_214] {strides = array<i32>} : memref<240x128xf32, #tpu.memory_space<vmem>>, vector<1x16xf32>,
        %get3A_216 = vector.shape_cast %get3A_215 : vector<1x16xf32> to vector<16xf32>
        %add3A_217 = arith.addf %add3A_210, %get3A_216 : vector<16xf32>
        %add3A_218 = arith.constant 4 : i32
        %add3A_219 = arith.addi %mul3A_62, %add3A_218 : i32
        %get3A_220 = arith.index_cast %add3A_219 : i32 to index
        %get3A_221 = arith.constant 48 : index
        %get3A_222 = tpu.vector_load %arg6[%get3A_220, %get3A_221] {strides = array<i32>} : memref<240x128xf32, #tpu.memory_space<vmem>>, vector<1x16xf32>,
        %get3A_223 = vector.shape_cast %get3A_222 : vector<1x16xf32> to vector<16xf32>
        %add3A_224 = arith.addf %add3A_217, %get3A_223 : vector<16xf32>
        %add3A_225 = arith.constant 5 : i32
        %add3A_226 = arith.addi %mul3A_62, %add3A_225 : i32
        %get3A_227 = arith.index_cast %add3A_226 : i32 to index
        %get3A_228 = arith.constant 48 : index
        %get3A_229 = tpu.vector_load %arg6[%get3A_227, %get3A_228] {strides = array<i32>} : memref<240x128xf32, #tpu.memory_space<vmem>>, vector<1x16xf32>,
        %get3A_230 = vector.shape_cast %get3A_229 : vector<1x16xf32> to vector<16xf32>
        %add3A_231 = arith.addf %add3A_224, %get3A_230 : vector<16xf32>
        %swap3A_232 = arith.index_cast %scan3A_60 : i32 to index
        %swap3A_233 = arith.constant 48 : index
        %swap3A_234 = tpu.vector_load %arg7[%swap3A_232, %swap3A_233] {strides = array<i32>} : memref<40x128xf32, #tpu.memory_space<vmem>>, vector<1x16xf32>,
        %swap3A_235 = vector.shape_cast %swap3A_234 : vector<1x16xf32> to vector<16xf32>
        %swap3A_236 = vector.shape_cast %add3A_231 : vector<16xf32> to vector<1x16xf32>
        tpu.vector_store %arg7[%swap3A_232, %swap3A_233], %swap3A_236 {strides = array<i32>} : memref<40x128xf32, #tpu.memory_space<vmem>>, vector<1x16xf32>,
        %get3A_237 = arith.index_cast %mul3A_62 : i32 to index
        %get3A_238 = arith.constant 64 : index
        %get3A_239 = tpu.vector_load %arg6[%get3A_237, %get3A_238] {strides = array<i32>} : memref<240x128xf32, #tpu.memory_space<vmem>>, vector<1x16xf32>,
        %get3A_240 = vector.shape_cast %get3A_239 : vector<1x16xf32> to vector<16xf32>
        %add3A_241 = arith.constant 1 : i32
        %add3A_242 = arith.addi %mul3A_62, %add3A_241 : i32
        %get3A_243 = arith.index_cast %add3A_242 : i32 to index
        %get3A_244 = arith.constant 64 : index
        %get3A_245 = tpu.vector_load %arg6[%get3A_243, %get3A_244] {strides = array<i32>} : memref<240x128xf32, #tpu.memory_space<vmem>>, vector<1x16xf32>,
        %get3A_246 = vector.shape_cast %get3A_245 : vector<1x16xf32> to vector<16xf32>
        %add3A_247 = arith.addf %get3A_240, %get3A_246 : vector<16xf32>
        %add3A_248 = arith.constant 2 : i32
        %add3A_249 = arith.addi %mul3A_62, %add3A_248 : i32
        %get3A_250 = arith.index_cast %add3A_249 : i32 to index
        %get3A_251 = arith.constant 64 : index
        %get3A_252 = tpu.vector_load %arg6[%get3A_250, %get3A_251] {strides = array<i32>} : memref<240x128xf32, #tpu.memory_space<vmem>>, vector<1x16xf32>,
        %get3A_253 = vector.shape_cast %get3A_252 : vector<1x16xf32> to vector<16xf32>
        %add3A_254 = arith.addf %add3A_247, %get3A_253 : vector<16xf32>
        %add3A_255 = arith.constant 3 : i32
        %add3A_256 = arith.addi %mul3A_62, %add3A_255 : i32
        %get3A_257 = arith.index_cast %add3A_256 : i32 to index
        %get3A_258 = arith.constant 64 : index
        %get3A_259 = tpu.vector_load %arg6[%get3A_257, %get3A_258] {strides = array<i32>} : memref<240x128xf32, #tpu.memory_space<vmem>>, vector<1x16xf32>,
        %get3A_260 = vector.shape_cast %get3A_259 : vector<1x16xf32> to vector<16xf32>
        %add3A_261 = arith.addf %add3A_254, %get3A_260 : vector<16xf32>
        %add3A_262 = arith.constant 4 : i32
        %add3A_263 = arith.addi %mul3A_62, %add3A_262 : i32
        %get3A_264 = arith.index_cast %add3A_263 : i32 to index
        %get3A_265 = arith.constant 64 : index
        %get3A_266 = tpu.vector_load %arg6[%get3A_264, %get3A_265] {strides = array<i32>} : memref<240x128xf32, #tpu.memory_space<vmem>>, vector<1x16xf32>,
        %get3A_267 = vector.shape_cast %get3A_266 : vector<1x16xf32> to vector<16xf32>
        %add3A_268 = arith.addf %add3A_261, %get3A_267 : vector<16xf32>
        %add3A_269 = arith.constant 5 : i32
        %add3A_270 = arith.addi %mul3A_62, %add3A_269 : i32
        %get3A_271 = arith.index_cast %add3A_270 : i32 to index
        %get3A_272 = arith.constant 64 : index
        %get3A_273 = tpu.vector_load %arg6[%get3A_271, %get3A_272] {strides = array<i32>} : memref<240x128xf32, #tpu.memory_space<vmem>>, vector<1x16xf32>,
        %get3A_274 = vector.shape_cast %get3A_273 : vector<1x16xf32> to vector<16xf32>
        %add3A_275 = arith.addf %add3A_268, %get3A_274 : vector<16xf32>
        %swap3A_276 = arith.index_cast %scan3A_60 : i32 to index
        %swap3A_277 = arith.constant 64 : index
        %swap3A_278 = tpu.vector_load %arg7[%swap3A_276, %swap3A_277] {strides = array<i32>} : memref<40x128xf32, #tpu.memory_space<vmem>>, vector<1x16xf32>,
        %swap3A_279 = vector.shape_cast %swap3A_278 : vector<1x16xf32> to vector<16xf32>
        %swap3A_280 = vector.shape_cast %add3A_275 : vector<16xf32> to vector<1x16xf32>
        tpu.vector_store %arg7[%swap3A_276, %swap3A_277], %swap3A_280 {strides = array<i32>} : memref<40x128xf32, #tpu.memory_space<vmem>>, vector<1x16xf32>,
        %get3A_281 = arith.index_cast %mul3A_62 : i32 to index
        %get3A_282 = arith.constant 80 : index
        %get3A_283 = tpu.vector_load %arg6[%get3A_281, %get3A_282] {strides = array<i32>} : memref<240x128xf32, #tpu.memory_space<vmem>>, vector<1x16xf32>,
        %get3A_284 = vector.shape_cast %get3A_283 : vector<1x16xf32> to vector<16xf32>
        %add3A_285 = arith.constant 1 : i32
        %add3A_286 = arith.addi %mul3A_62, %add3A_285 : i32
        %get3A_287 = arith.index_cast %add3A_286 : i32 to index
        %get3A_288 = arith.constant 80 : index
        %get3A_289 = tpu.vector_load %arg6[%get3A_287, %get3A_288] {strides = array<i32>} : memref<240x128xf32, #tpu.memory_space<vmem>>, vector<1x16xf32>,
        %get3A_290 = vector.shape_cast %get3A_289 : vector<1x16xf32> to vector<16xf32>
        %add3A_291 = arith.addf %get3A_284, %get3A_290 : vector<16xf32>
        %add3A_292 = arith.constant 2 : i32
        %add3A_293 = arith.addi %mul3A_62, %add3A_292 : i32
        %get3A_294 = arith.index_cast %add3A_293 : i32 to index
        %get3A_295 = arith.constant 80 : index
        %get3A_296 = tpu.vector_load %arg6[%get3A_294, %get3A_295] {strides = array<i32>} : memref<240x128xf32, #tpu.memory_space<vmem>>, vector<1x16xf32>,
        %get3A_297 = vector.shape_cast %get3A_296 : vector<1x16xf32> to vector<16xf32>
        %add3A_298 = arith.addf %add3A_291, %get3A_297 : vector<16xf32>
        %add3A_299 = arith.constant 3 : i32
        %add3A_300 = arith.addi %mul3A_62, %add3A_299 : i32
        %get3A_301 = arith.index_cast %add3A_300 : i32 to index
        %get3A_302 = arith.constant 80 : index
        %get3A_303 = tpu.vector_load %arg6[%get3A_301, %get3A_302] {strides = array<i32>} : memref<240x128xf32, #tpu.memory_space<vmem>>, vector<1x16xf32>,
        %get3A_304 = vector.shape_cast %get3A_303 : vector<1x16xf32> to vector<16xf32>
        %add3A_305 = arith.addf %add3A_298, %get3A_304 : vector<16xf32>
        %add3A_306 = arith.constant 4 : i32
        %add3A_307 = arith.addi %mul3A_62, %add3A_306 : i32
        %get3A_308 = arith.index_cast %add3A_307 : i32 to index
        %get3A_309 = arith.constant 80 : index
        %get3A_310 = tpu.vector_load %arg6[%get3A_308, %get3A_309] {strides = array<i32>} : memref<240x128xf32, #tpu.memory_space<vmem>>, vector<1x16xf32>,
        %get3A_311 = vector.shape_cast %get3A_310 : vector<1x16xf32> to vector<16xf32>
        %add3A_312 = arith.addf %add3A_305, %get3A_311 : vector<16xf32>
        %add3A_313 = arith.constant 5 : i32
        %add3A_314 = arith.addi %mul3A_62, %add3A_313 : i32
        %get3A_315 = arith.index_cast %add3A_314 : i32 to index
        %get3A_316 = arith.constant 80 : index
        %get3A_317 = tpu.vector_load %arg6[%get3A_315, %get3A_316] {strides = array<i32>} : memref<240x128xf32, #tpu.memory_space<vmem>>, vector<1x16xf32>,
        %get3A_318 = vector.shape_cast %get3A_317 : vector<1x16xf32> to vector<16xf32>
        %add3A_319 = arith.addf %add3A_312, %get3A_318 : vector<16xf32>
        %swap3A_320 = arith.index_cast %scan3A_60 : i32 to index
        %swap3A_321 = arith.constant 80 : index
        %swap3A_322 = tpu.vector_load %arg7[%swap3A_320, %swap3A_321] {strides = array<i32>} : memref<40x128xf32, #tpu.memory_space<vmem>>, vector<1x16xf32>,
        %swap3A_323 = vector.shape_cast %swap3A_322 : vector<1x16xf32> to vector<16xf32>
        %swap3A_324 = vector.shape_cast %add3A_319 : vector<16xf32> to vector<1x16xf32>
        tpu.vector_store %arg7[%swap3A_320, %swap3A_321], %swap3A_324 {strides = array<i32>} : memref<40x128xf32, #tpu.memory_space<vmem>>, vector<1x16xf32>,
        %get3A_325 = arith.index_cast %mul3A_62 : i32 to index
        %get3A_326 = arith.constant 96 : index
        %get3A_327 = tpu.vector_load %arg6[%get3A_325, %get3A_326] {strides = array<i32>} : memref<240x128xf32, #tpu.memory_space<vmem>>, vector<1x16xf32>,
        %get3A_328 = vector.shape_cast %get3A_327 : vector<1x16xf32> to vector<16xf32>
        %add3A_329 = arith.constant 1 : i32
        %add3A_330 = arith.addi %mul3A_62, %add3A_329 : i32
        %get3A_331 = arith.index_cast %add3A_330 : i32 to index
        %get3A_332 = arith.constant 96 : index
        %get3A_333 = tpu.vector_load %arg6[%get3A_331, %get3A_332] {strides = array<i32>} : memref<240x128xf32, #tpu.memory_space<vmem>>, vector<1x16xf32>,
        %get3A_334 = vector.shape_cast %get3A_333 : vector<1x16xf32> to vector<16xf32>
        %add3A_335 = arith.addf %get3A_328, %get3A_334 : vector<16xf32>
        %add3A_336 = arith.constant 2 : i32
        %add3A_337 = arith.addi %mul3A_62, %add3A_336 : i32
        %get3A_338 = arith.index_cast %add3A_337 : i32 to index
        %get3A_339 = arith.constant 96 : index
        %get3A_340 = tpu.vector_load %arg6[%get3A_338, %get3A_339] {strides = array<i32>} : memref<240x128xf32, #tpu.memory_space<vmem>>, vector<1x16xf32>,
        %get3A_341 = vector.shape_cast %get3A_340 : vector<1x16xf32> to vector<16xf32>
        %add3A_342 = arith.addf %add3A_335, %get3A_341 : vector<16xf32>
        %add3A_343 = arith.constant 3 : i32
        %add3A_344 = arith.addi %mul3A_62, %add3A_343 : i32
        %get3A_345 = arith.index_cast %add3A_344 : i32 to index
        %get3A_346 = arith.constant 96 : index
        %get3A_347 = tpu.vector_load %arg6[%get3A_345, %get3A_346] {strides = array<i32>} : memref<240x128xf32, #tpu.memory_space<vmem>>, vector<1x16xf32>,
        %get3A_348 = vector.shape_cast %get3A_347 : vector<1x16xf32> to vector<16xf32>
        %add3A_349 = arith.addf %add3A_342, %get3A_348 : vector<16xf32>
        %add3A_350 = arith.constant 4 : i32
        %add3A_351 = arith.addi %mul3A_62, %add3A_350 : i32
        %get3A_352 = arith.index_cast %add3A_351 : i32 to index
        %get3A_353 = arith.constant 96 : index
        %get3A_354 = tpu.vector_load %arg6[%get3A_352, %get3A_353] {strides = array<i32>} : memref<240x128xf32, #tpu.memory_space<vmem>>, vector<1x16xf32>,
        %get3A_355 = vector.shape_cast %get3A_354 : vector<1x16xf32> to vector<16xf32>
        %add3A_356 = arith.addf %add3A_349, %get3A_355 : vector<16xf32>
        %add3A_357 = arith.constant 5 : i32
        %add3A_358 = arith.addi %mul3A_62, %add3A_357 : i32
        %get3A_359 = arith.index_cast %add3A_358 : i32 to index
        %get3A_360 = arith.constant 96 : index
        %get3A_361 = tpu.vector_load %arg6[%get3A_359, %get3A_360] {strides = array<i32>} : memref<240x128xf32, #tpu.memory_space<vmem>>, vector<1x16xf32>,
        %get3A_362 = vector.shape_cast %get3A_361 : vector<1x16xf32> to vector<16xf32>
        %add3A_363 = arith.addf %add3A_356, %get3A_362 : vector<16xf32>
        %swap3A_364 = arith.index_cast %scan3A_60 : i32 to index
        %swap3A_365 = arith.constant 96 : index
        %swap3A_366 = tpu.vector_load %arg7[%swap3A_364, %swap3A_365] {strides = array<i32>} : memref<40x128xf32, #tpu.memory_space<vmem>>, vector<1x16xf32>,
        %swap3A_367 = vector.shape_cast %swap3A_366 : vector<1x16xf32> to vector<16xf32>
        %swap3A_368 = vector.shape_cast %add3A_363 : vector<16xf32> to vector<1x16xf32>
        tpu.vector_store %arg7[%swap3A_364, %swap3A_365], %swap3A_368 {strides = array<i32>} : memref<40x128xf32, #tpu.memory_space<vmem>>, vector<1x16xf32>,
        %get3A_369 = arith.index_cast %mul3A_62 : i32 to index
        %get3A_370 = arith.constant 112 : index
        %get3A_371 = tpu.vector_load %arg6[%get3A_369, %get3A_370] {strides = array<i32>} : memref<240x128xf32, #tpu.memory_space<vmem>>, vector<1x16xf32>,
        %get3A_372 = vector.shape_cast %get3A_371 : vector<1x16xf32> to vector<16xf32>
        %add3A_373 = arith.constant 1 : i32
        %add3A_374 = arith.addi %mul3A_62, %add3A_373 : i32
        %get3A_375 = arith.index_cast %add3A_374 : i32 to index
        %get3A_376 = arith.constant 112 : index
        %get3A_377 = tpu.vector_load %arg6[%get3A_375, %get3A_376] {strides = array<i32>} : memref<240x128xf32, #tpu.memory_space<vmem>>, vector<1x16xf32>,
        %get3A_378 = vector.shape_cast %get3A_377 : vector<1x16xf32> to vector<16xf32>
        %add3A_379 = arith.addf %get3A_372, %get3A_378 : vector<16xf32>
        %add3A_380 = arith.constant 2 : i32
        %add3A_381 = arith.addi %mul3A_62, %add3A_380 : i32
        %get3A_382 = arith.index_cast %add3A_381 : i32 to index
        %get3A_383 = arith.constant 112 : index
        %get3A_384 = tpu.vector_load %arg6[%get3A_382, %get3A_383] {strides = array<i32>} : memref<240x128xf32, #tpu.memory_space<vmem>>, vector<1x16xf32>,
        %get3A_385 = vector.shape_cast %get3A_384 : vector<1x16xf32> to vector<16xf32>
        %add3A_386 = arith.addf %add3A_379, %get3A_385 : vector<16xf32>
        %add3A_387 = arith.constant 3 : i32
        %add3A_388 = arith.addi %mul3A_62, %add3A_387 : i32
        %get3A_389 = arith.index_cast %add3A_388 : i32 to index
        %get3A_390 = arith.constant 112 : index
        %get3A_391 = tpu.vector_load %arg6[%get3A_389, %get3A_390] {strides = array<i32>} : memref<240x128xf32, #tpu.memory_space<vmem>>, vector<1x16xf32>,
        %get3A_392 = vector.shape_cast %get3A_391 : vector<1x16xf32> to vector<16xf32>
        %add3A_393 = arith.addf %add3A_386, %get3A_392 : vector<16xf32>
        %add3A_394 = arith.constant 4 : i32
        %add3A_395 = arith.addi %mul3A_62, %add3A_394 : i32
        %get3A_396 = arith.index_cast %add3A_395 : i32 to index
        %get3A_397 = arith.constant 112 : index
        %get3A_398 = tpu.vector_load %arg6[%get3A_396, %get3A_397] {strides = array<i32>} : memref<240x128xf32, #tpu.memory_space<vmem>>, vector<1x16xf32>,
        %get3A_399 = vector.shape_cast %get3A_398 : vector<1x16xf32> to vector<16xf32>
        %add3A_400 = arith.addf %add3A_393, %get3A_399 : vector<16xf32>
        %add3A_401 = arith.constant 5 : i32
        %add3A_402 = arith.addi %mul3A_62, %add3A_401 : i32
        %get3A_403 = arith.index_cast %add3A_402 : i32 to index
        %get3A_404 = arith.constant 112 : index
        %get3A_405 = tpu.vector_load %arg6[%get3A_403, %get3A_404] {strides = array<i32>} : memref<240x128xf32, #tpu.memory_space<vmem>>, vector<1x16xf32>,
        %get3A_406 = vector.shape_cast %get3A_405 : vector<1x16xf32> to vector<16xf32>
        %add3A_407 = arith.addf %add3A_400, %get3A_406 : vector<16xf32>
        %swap3A_408 = arith.index_cast %scan3A_60 : i32 to index
        %swap3A_409 = arith.constant 112 : index
        %swap3A_410 = tpu.vector_load %arg7[%swap3A_408, %swap3A_409] {strides = array<i32>} : memref<40x128xf32, #tpu.memory_space<vmem>>, vector<1x16xf32>,
        %swap3A_411 = vector.shape_cast %swap3A_410 : vector<1x16xf32> to vector<16xf32>
        %swap3A_412 = vector.shape_cast %add3A_407 : vector<16xf32> to vector<1x16xf32>
        tpu.vector_store %arg7[%swap3A_408, %swap3A_409], %swap3A_412 {strides = array<i32>} : memref<40x128xf32, #tpu.memory_space<vmem>>, vector<1x16xf32>,
      }
      %scan3A_56 = arith.constant 40 : i32
      %mul3A_57 = arith.constant 40 : i32
      %mul3A_58 = arith.muli %scan3A_8, %mul3A_57 : i32
      %add3A_59 = arith.addi %mul3A_2, %mul3A_58 : i32
      "tpu.region"() ({
        %run_scoped3A = tpu.sem_alloc : memref<!tpu.dma_semaphore, #tpu.memory_space<semaphore_mem>>
        %dma_start3A_60 = arith.constant 0 : i32
        %dma_start3A_61 = tpu.memref_slice %arg4[%add3A_59, %dma_start3A_60] : memref<160000x128xf32, #tpu.memory_space<hbm>> -> memref<40x128xf32, #tpu.memory_space<hbm>>
        %dma_start3A_62 = arith.constant 0 : i32
        %dma_start3A_63 = tpu.memref_slice %arg4[%add3A_59, %dma_start3A_62] : memref<160000x128xf32, #tpu.memory_space<hbm>> -> memref<40x128xf32, #tpu.memory_space<hbm>>
        tpu.enqueue_dma source(%arg7 : memref<40x128xf32, #tpu.memory_space<vmem>>) target(%dma_start3A_63 : memref<40x128xf32, #tpu.memory_space<hbm>>) target_semaphore(%run_scoped3A : memref<!tpu.dma_semaphore, #tpu.memory_space<semaphore_mem>>)
        %dma_wait3A_64 = arith.constant 0 : i32
        %dma_wait3A_65 = tpu.memref_slice %arg4[%add3A_59, %dma_wait3A_64] : memref<160000x128xf32, #tpu.memory_space<hbm>> -> memref<40x128xf32, #tpu.memory_space<hbm>>
        %dma_wait3A_66 = arith.constant 0 : i32
        %dma_wait3A_67 = tpu.memref_slice %arg4[%add3A_59, %dma_wait3A_66] : memref<160000x128xf32, #tpu.memory_space<hbm>> -> memref<40x128xf32, #tpu.memory_space<hbm>>
        tpu.wait_dma2 semaphore(%run_scoped3A : memref<!tpu.dma_semaphore, #tpu.memory_space<semaphore_mem>>) src(%arg7 : memref<40x128xf32, #tpu.memory_space<vmem>>) dst(%dma_wait3A_67 : memref<40x128xf32, #tpu.memory_space<hbm>>)
        tpu.yield
      }) : () -> ()
    }
    %scan3A_7 = arith.constant 125 : i32
    return
  }
}

#map = affine_map<(d0, d1) -> (0, 0)>
#map1 = affine_map<(d0, d1) -> (0, 0, 0)>
module attributes {stable_mosaic.version = 14 : i64} {
  func.func @sc_gather_sum_10240(%arg0: i32, %arg1: i32, %arg2: memref<160000x128xf32, #tpu.memory_space<hbm>>, %arg3: memref<32x16x120xi32, #tpu.memory_space<hbm>>, %arg4: memref<10240x128xf32, #tpu.memory_space<hbm>>, %arg5: memref<16x120xi32, #tpu.memory_space<vmem>>, %arg6: memref<480x128xf32, #tpu.memory_space<vmem>>, %arg7: memref<80x128xf32, #tpu.memory_space<vmem>>, %arg8: memref<!tpu.dma_semaphore, #tpu.memory_space<semaphore_mem>>) attributes {dimension_semantics = [#tpu.dimension_semantics<core_parallel>, #tpu.dimension_semantics<subcore_parallel>], iteration_bounds = array<i64: 2, 16>, scalar_prefetch = 0 : i64, scratch_operands = 4 : i64, tpu.core_type = #tpu.core_type<sc_vector_subcore>, window_params = [{transform_indices = #map}, {transform_indices = #map1}, {transform_indices = #map}]} {
    %mul3A = arith.constant 2 : i32
    %mul3A_0 = arith.muli %arg1, %mul3A : i32
    %add3A = arith.addi %mul3A_0, %arg0 : i32
    %mul3A_1 = arith.constant 320 : i32
    %mul3A_2 = arith.muli %add3A, %mul3A_1 : i32
    "tpu.region"() ({
      %run_scoped3A = tpu.sem_alloc : memref<!tpu.dma_semaphore, #tpu.memory_space<semaphore_mem>>
      %dma_start3A = arith.constant 0 : i32
      %dma_start3A_8 = arith.constant 0 : i32
      %dma_start3A_9 = tpu.memref_slice %arg3[%add3A, %dma_start3A, %dma_start3A_8] : memref<32x16x120xi32, #tpu.memory_space<hbm>> -> memref<1x16x120xi32, #tpu.memory_space<hbm>>
      %dma_start3A_10 = tpu.memref_squeeze %dma_start3A_9 : memref<1x16x120xi32, #tpu.memory_space<hbm>> -> memref<16x120xi32, #tpu.memory_space<hbm>>
      %dma_start3A_11 = arith.constant 0 : i32
      %dma_start3A_12 = arith.constant 0 : i32
      %dma_start3A_13 = tpu.memref_slice %arg3[%add3A, %dma_start3A_11, %dma_start3A_12] : memref<32x16x120xi32, #tpu.memory_space<hbm>> -> memref<1x16x120xi32, #tpu.memory_space<hbm>>
      %dma_start3A_14 = tpu.memref_squeeze %dma_start3A_13 : memref<1x16x120xi32, #tpu.memory_space<hbm>> -> memref<16x120xi32, #tpu.memory_space<hbm>>
      tpu.enqueue_dma source(%dma_start3A_14 : memref<16x120xi32, #tpu.memory_space<hbm>>) target(%arg5 : memref<16x120xi32, #tpu.memory_space<vmem>>) target_semaphore(%run_scoped3A : memref<!tpu.dma_semaphore, #tpu.memory_space<semaphore_mem>>)
      %dma_wait3A = arith.constant 0 : i32
      %dma_wait3A_15 = arith.constant 0 : i32
      %dma_wait3A_16 = tpu.memref_slice %arg3[%add3A, %dma_wait3A, %dma_wait3A_15] : memref<32x16x120xi32, #tpu.memory_space<hbm>> -> memref<1x16x120xi32, #tpu.memory_space<hbm>>
      %dma_wait3A_17 = tpu.memref_squeeze %dma_wait3A_16 : memref<1x16x120xi32, #tpu.memory_space<hbm>> -> memref<16x120xi32, #tpu.memory_space<hbm>>
      %dma_wait3A_18 = arith.constant 0 : i32
      %dma_wait3A_19 = arith.constant 0 : i32
      %dma_wait3A_20 = tpu.memref_slice %arg3[%add3A, %dma_wait3A_18, %dma_wait3A_19] : memref<32x16x120xi32, #tpu.memory_space<hbm>> -> memref<1x16x120xi32, #tpu.memory_space<hbm>>
      %dma_wait3A_21 = tpu.memref_squeeze %dma_wait3A_20 : memref<1x16x120xi32, #tpu.memory_space<hbm>> -> memref<16x120xi32, #tpu.memory_space<hbm>>
      tpu.wait_dma2 semaphore(%run_scoped3A : memref<!tpu.dma_semaphore, #tpu.memory_space<semaphore_mem>>) src(%dma_wait3A_21 : memref<16x120xi32, #tpu.memory_space<hbm>>) dst(%arg5 : memref<16x120xi32, #tpu.memory_space<vmem>>)
      tpu.yield
    }) : () -> ()
    %scan3A = arith.constant 0 : i32
    %scan3A_3 = arith.constant 0 : i32
    %scan3A_4 = arith.constant 4 : i32
    %scan3A_5 = arith.addi %scan3A_3, %scan3A_4 : i32
    %scan3A_6 = arith.constant 1 : i32
    scf.for %scan3A_8 = %scan3A_3 to %scan3A_5 step %scan3A_6  : i32 {
      %mul3A_9 = arith.constant 4 : i32
      %mul3A_10 = arith.muli %scan3A_8, %mul3A_9 : i32
      %add3A_11 = arith.constant 0 : i32
      %add3A_12 = arith.addi %mul3A_10, %add3A_11 : i32
      %dma_start3A = arith.constant 0 : i32
      %dma_start3A_13 = arith.constant 0 : i32
      %dma_start3A_14 = tpu.memref_slice %arg6[%dma_start3A, %dma_start3A_13] : memref<480x128xf32, #tpu.memory_space<vmem>> -> memref<120x128xf32, #tpu.memory_space<vmem>>
      %dma_start3A_15 = arith.constant 0 : i32
      %dma_start3A_16 = tpu.memref_slice %arg5[%add3A_12, %dma_start3A_15] : memref<16x120xi32, #tpu.memory_space<vmem>> -> memref<1x120xi32, #tpu.memory_space<vmem>>
      %dma_start3A_17 = tpu.memref_squeeze %dma_start3A_16 : memref<1x120xi32, #tpu.memory_space<vmem>> -> memref<120xi32, #tpu.memory_space<vmem>>
      %dma_start3A_18 = arith.constant 0 : i32
      %dma_start3A_19 = arith.constant 0 : i32
      %dma_start3A_20 = tpu.memref_slice %arg2[%dma_start3A_18, %dma_start3A_19] : memref<160000x128xf32, #tpu.memory_space<hbm>> -> memref<160000x128xf32, #tpu.memory_space<hbm>>
      tpu.enqueue_indirect_dma source(%dma_start3A_20 : memref<160000x128xf32, #tpu.memory_space<hbm>>) target(%dma_start3A_14 : memref<120x128xf32, #tpu.memory_space<vmem>>) offsets(%dma_start3A_17 : memref<120xi32, #tpu.memory_space<vmem>>) semaphore(%arg8 : memref<!tpu.dma_semaphore, #tpu.memory_space<semaphore_mem>>)
      %mul3A_21 = arith.constant 4 : i32
      %mul3A_22 = arith.muli %scan3A_8, %mul3A_21 : i32
      %add3A_23 = arith.constant 1 : i32
      %add3A_24 = arith.addi %mul3A_22, %add3A_23 : i32
      %dma_start3A_25 = arith.constant 120 : i32
      %dma_start3A_26 = arith.constant 0 : i32
      %dma_start3A_27 = tpu.memref_slice %arg6[%dma_start3A_25, %dma_start3A_26] : memref<480x128xf32, #tpu.memory_space<vmem>> -> memref<120x128xf32, #tpu.memory_space<vmem>>
      %dma_start3A_28 = arith.constant 0 : i32
      %dma_start3A_29 = tpu.memref_slice %arg5[%add3A_24, %dma_start3A_28] : memref<16x120xi32, #tpu.memory_space<vmem>> -> memref<1x120xi32, #tpu.memory_space<vmem>>
      %dma_start3A_30 = tpu.memref_squeeze %dma_start3A_29 : memref<1x120xi32, #tpu.memory_space<vmem>> -> memref<120xi32, #tpu.memory_space<vmem>>
      %dma_start3A_31 = arith.constant 0 : i32
      %dma_start3A_32 = arith.constant 0 : i32
      %dma_start3A_33 = tpu.memref_slice %arg2[%dma_start3A_31, %dma_start3A_32] : memref<160000x128xf32, #tpu.memory_space<hbm>> -> memref<160000x128xf32, #tpu.memory_space<hbm>>
      tpu.enqueue_indirect_dma source(%dma_start3A_33 : memref<160000x128xf32, #tpu.memory_space<hbm>>) target(%dma_start3A_27 : memref<120x128xf32, #tpu.memory_space<vmem>>) offsets(%dma_start3A_30 : memref<120xi32, #tpu.memory_space<vmem>>) semaphore(%arg8 : memref<!tpu.dma_semaphore, #tpu.memory_space<semaphore_mem>>)
      %mul3A_34 = arith.constant 4 : i32
      %mul3A_35 = arith.muli %scan3A_8, %mul3A_34 : i32
      %add3A_36 = arith.constant 2 : i32
      %add3A_37 = arith.addi %mul3A_35, %add3A_36 : i32
      %dma_start3A_38 = arith.constant 240 : i32
      %dma_start3A_39 = arith.constant 0 : i32
      %dma_start3A_40 = tpu.memref_slice %arg6[%dma_start3A_38, %dma_start3A_39] : memref<480x128xf32, #tpu.memory_space<vmem>> -> memref<120x128xf32, #tpu.memory_space<vmem>>
      %dma_start3A_41 = arith.constant 0 : i32
      %dma_start3A_42 = tpu.memref_slice %arg5[%add3A_37, %dma_start3A_41] : memref<16x120xi32, #tpu.memory_space<vmem>> -> memref<1x120xi32, #tpu.memory_space<vmem>>
      %dma_start3A_43 = tpu.memref_squeeze %dma_start3A_42 : memref<1x120xi32, #tpu.memory_space<vmem>> -> memref<120xi32, #tpu.memory_space<vmem>>
      %dma_start3A_44 = arith.constant 0 : i32
      %dma_start3A_45 = arith.constant 0 : i32
      %dma_start3A_46 = tpu.memref_slice %arg2[%dma_start3A_44, %dma_start3A_45] : memref<160000x128xf32, #tpu.memory_space<hbm>> -> memref<160000x128xf32, #tpu.memory_space<hbm>>
      tpu.enqueue_indirect_dma source(%dma_start3A_46 : memref<160000x128xf32, #tpu.memory_space<hbm>>) target(%dma_start3A_40 : memref<120x128xf32, #tpu.memory_space<vmem>>) offsets(%dma_start3A_43 : memref<120xi32, #tpu.memory_space<vmem>>) semaphore(%arg8 : memref<!tpu.dma_semaphore, #tpu.memory_space<semaphore_mem>>)
      %mul3A_47 = arith.constant 4 : i32
      %mul3A_48 = arith.muli %scan3A_8, %mul3A_47 : i32
      %add3A_49 = arith.constant 3 : i32
      %add3A_50 = arith.addi %mul3A_48, %add3A_49 : i32
      %dma_start3A_51 = arith.constant 360 : i32
      %dma_start3A_52 = arith.constant 0 : i32
      %dma_start3A_53 = tpu.memref_slice %arg6[%dma_start3A_51, %dma_start3A_52] : memref<480x128xf32, #tpu.memory_space<vmem>> -> memref<120x128xf32, #tpu.memory_space<vmem>>
      %dma_start3A_54 = arith.constant 0 : i32
      %dma_start3A_55 = tpu.memref_slice %arg5[%add3A_50, %dma_start3A_54] : memref<16x120xi32, #tpu.memory_space<vmem>> -> memref<1x120xi32, #tpu.memory_space<vmem>>
      %dma_start3A_56 = tpu.memref_squeeze %dma_start3A_55 : memref<1x120xi32, #tpu.memory_space<vmem>> -> memref<120xi32, #tpu.memory_space<vmem>>
      %dma_start3A_57 = arith.constant 0 : i32
      %dma_start3A_58 = arith.constant 0 : i32
      %dma_start3A_59 = tpu.memref_slice %arg2[%dma_start3A_57, %dma_start3A_58] : memref<160000x128xf32, #tpu.memory_space<hbm>> -> memref<160000x128xf32, #tpu.memory_space<hbm>>
      tpu.enqueue_indirect_dma source(%dma_start3A_59 : memref<160000x128xf32, #tpu.memory_space<hbm>>) target(%dma_start3A_53 : memref<120x128xf32, #tpu.memory_space<vmem>>) offsets(%dma_start3A_56 : memref<120xi32, #tpu.memory_space<vmem>>) semaphore(%arg8 : memref<!tpu.dma_semaphore, #tpu.memory_space<semaphore_mem>>)
      %dma_wait3A = arith.constant 0 : i32
      %dma_wait3A_60 = arith.constant 0 : i32
      %dma_wait3A_61 = tpu.memref_slice %arg6[%dma_wait3A, %dma_wait3A_60] : memref<480x128xf32, #tpu.memory_space<vmem>> -> memref<120x128xf32, #tpu.memory_space<vmem>>
      %dma_wait3A_62 = arith.constant 0 : i32
      %dma_wait3A_63 = tpu.memref_slice %arg5[%add3A_12, %dma_wait3A_62] : memref<16x120xi32, #tpu.memory_space<vmem>> -> memref<1x120xi32, #tpu.memory_space<vmem>>
      %dma_wait3A_64 = tpu.memref_squeeze %dma_wait3A_63 : memref<1x120xi32, #tpu.memory_space<vmem>> -> memref<120xi32, #tpu.memory_space<vmem>>
      %dma_wait3A_65 = arith.constant 0 : i32
      %dma_wait3A_66 = arith.constant 0 : i32
      %dma_wait3A_67 = tpu.memref_slice %arg2[%dma_wait3A_65, %dma_wait3A_66] : memref<160000x128xf32, #tpu.memory_space<hbm>> -> memref<160000x128xf32, #tpu.memory_space<hbm>>
      tpu.wait_indirect_dma semaphore(%arg8 : memref<!tpu.dma_semaphore, #tpu.memory_space<semaphore_mem>>) src(%dma_wait3A_67 : memref<160000x128xf32, #tpu.memory_space<hbm>>) dst(%dma_wait3A_61 : memref<120x128xf32, #tpu.memory_space<vmem>>)
      %dma_wait3A_68 = arith.constant 120 : i32
      %dma_wait3A_69 = arith.constant 0 : i32
      %dma_wait3A_70 = tpu.memref_slice %arg6[%dma_wait3A_68, %dma_wait3A_69] : memref<480x128xf32, #tpu.memory_space<vmem>> -> memref<120x128xf32, #tpu.memory_space<vmem>>
      %dma_wait3A_71 = arith.constant 0 : i32
      %dma_wait3A_72 = tpu.memref_slice %arg5[%add3A_24, %dma_wait3A_71] : memref<16x120xi32, #tpu.memory_space<vmem>> -> memref<1x120xi32, #tpu.memory_space<vmem>>
      %dma_wait3A_73 = tpu.memref_squeeze %dma_wait3A_72 : memref<1x120xi32, #tpu.memory_space<vmem>> -> memref<120xi32, #tpu.memory_space<vmem>>
      %dma_wait3A_74 = arith.constant 0 : i32
      %dma_wait3A_75 = arith.constant 0 : i32
      %dma_wait3A_76 = tpu.memref_slice %arg2[%dma_wait3A_74, %dma_wait3A_75] : memref<160000x128xf32, #tpu.memory_space<hbm>> -> memref<160000x128xf32, #tpu.memory_space<hbm>>
      tpu.wait_indirect_dma semaphore(%arg8 : memref<!tpu.dma_semaphore, #tpu.memory_space<semaphore_mem>>) src(%dma_wait3A_76 : memref<160000x128xf32, #tpu.memory_space<hbm>>) dst(%dma_wait3A_70 : memref<120x128xf32, #tpu.memory_space<vmem>>)
      %dma_wait3A_77 = arith.constant 240 : i32
      %dma_wait3A_78 = arith.constant 0 : i32
      %dma_wait3A_79 = tpu.memref_slice %arg6[%dma_wait3A_77, %dma_wait3A_78] : memref<480x128xf32, #tpu.memory_space<vmem>> -> memref<120x128xf32, #tpu.memory_space<vmem>>
      %dma_wait3A_80 = arith.constant 0 : i32
      %dma_wait3A_81 = tpu.memref_slice %arg5[%add3A_37, %dma_wait3A_80] : memref<16x120xi32, #tpu.memory_space<vmem>> -> memref<1x120xi32, #tpu.memory_space<vmem>>
      %dma_wait3A_82 = tpu.memref_squeeze %dma_wait3A_81 : memref<1x120xi32, #tpu.memory_space<vmem>> -> memref<120xi32, #tpu.memory_space<vmem>>
      %dma_wait3A_83 = arith.constant 0 : i32
      %dma_wait3A_84 = arith.constant 0 : i32
      %dma_wait3A_85 = tpu.memref_slice %arg2[%dma_wait3A_83, %dma_wait3A_84] : memref<160000x128xf32, #tpu.memory_space<hbm>> -> memref<160000x128xf32, #tpu.memory_space<hbm>>
      tpu.wait_indirect_dma semaphore(%arg8 : memref<!tpu.dma_semaphore, #tpu.memory_space<semaphore_mem>>) src(%dma_wait3A_85 : memref<160000x128xf32, #tpu.memory_space<hbm>>) dst(%dma_wait3A_79 : memref<120x128xf32, #tpu.memory_space<vmem>>)
      %dma_wait3A_86 = arith.constant 360 : i32
      %dma_wait3A_87 = arith.constant 0 : i32
      %dma_wait3A_88 = tpu.memref_slice %arg6[%dma_wait3A_86, %dma_wait3A_87] : memref<480x128xf32, #tpu.memory_space<vmem>> -> memref<120x128xf32, #tpu.memory_space<vmem>>
      %dma_wait3A_89 = arith.constant 0 : i32
      %dma_wait3A_90 = tpu.memref_slice %arg5[%add3A_50, %dma_wait3A_89] : memref<16x120xi32, #tpu.memory_space<vmem>> -> memref<1x120xi32, #tpu.memory_space<vmem>>
      %dma_wait3A_91 = tpu.memref_squeeze %dma_wait3A_90 : memref<1x120xi32, #tpu.memory_space<vmem>> -> memref<120xi32, #tpu.memory_space<vmem>>
      %dma_wait3A_92 = arith.constant 0 : i32
      %dma_wait3A_93 = arith.constant 0 : i32
      %dma_wait3A_94 = tpu.memref_slice %arg2[%dma_wait3A_92, %dma_wait3A_93] : memref<160000x128xf32, #tpu.memory_space<hbm>> -> memref<160000x128xf32, #tpu.memory_space<hbm>>
      tpu.wait_indirect_dma semaphore(%arg8 : memref<!tpu.dma_semaphore, #tpu.memory_space<semaphore_mem>>) src(%dma_wait3A_94 : memref<160000x128xf32, #tpu.memory_space<hbm>>) dst(%dma_wait3A_88 : memref<120x128xf32, #tpu.memory_space<vmem>>)
      %scan3A_95 = arith.constant 0 : i32
      %scan3A_96 = arith.constant 0 : i32
      %scan3A_97 = arith.constant 80 : i32
      %scan3A_98 = arith.addi %scan3A_96, %scan3A_97 : i32
      %scan3A_99 = arith.constant 1 : i32
      scf.for %scan3A_104 = %scan3A_96 to %scan3A_98 step %scan3A_99  : i32 {
        %mul3A_105 = arith.constant 6 : i32
        %mul3A_106 = arith.muli %scan3A_104, %mul3A_105 : i32
        %get3A = arith.index_cast %mul3A_106 : i32 to index
        %get3A_107 = arith.constant 0 : index
        %get3A_108 = tpu.vector_load %arg6[%get3A, %get3A_107] {strides = array<i32>} : memref<480x128xf32, #tpu.memory_space<vmem>>, vector<1x16xf32>,
        %get3A_109 = vector.shape_cast %get3A_108 : vector<1x16xf32> to vector<16xf32>
        %add3A_110 = arith.constant 1 : i32
        %add3A_111 = arith.addi %mul3A_106, %add3A_110 : i32
        %get3A_112 = arith.index_cast %add3A_111 : i32 to index
        %get3A_113 = arith.constant 0 : index
        %get3A_114 = tpu.vector_load %arg6[%get3A_112, %get3A_113] {strides = array<i32>} : memref<480x128xf32, #tpu.memory_space<vmem>>, vector<1x16xf32>,
        %get3A_115 = vector.shape_cast %get3A_114 : vector<1x16xf32> to vector<16xf32>
        %add3A_116 = arith.addf %get3A_109, %get3A_115 : vector<16xf32>
        %add3A_117 = arith.constant 2 : i32
        %add3A_118 = arith.addi %mul3A_106, %add3A_117 : i32
        %get3A_119 = arith.index_cast %add3A_118 : i32 to index
        %get3A_120 = arith.constant 0 : index
        %get3A_121 = tpu.vector_load %arg6[%get3A_119, %get3A_120] {strides = array<i32>} : memref<480x128xf32, #tpu.memory_space<vmem>>, vector<1x16xf32>,
        %get3A_122 = vector.shape_cast %get3A_121 : vector<1x16xf32> to vector<16xf32>
        %add3A_123 = arith.addf %add3A_116, %get3A_122 : vector<16xf32>
        %add3A_124 = arith.constant 3 : i32
        %add3A_125 = arith.addi %mul3A_106, %add3A_124 : i32
        %get3A_126 = arith.index_cast %add3A_125 : i32 to index
        %get3A_127 = arith.constant 0 : index
        %get3A_128 = tpu.vector_load %arg6[%get3A_126, %get3A_127] {strides = array<i32>} : memref<480x128xf32, #tpu.memory_space<vmem>>, vector<1x16xf32>,
        %get3A_129 = vector.shape_cast %get3A_128 : vector<1x16xf32> to vector<16xf32>
        %add3A_130 = arith.addf %add3A_123, %get3A_129 : vector<16xf32>
        %add3A_131 = arith.constant 4 : i32
        %add3A_132 = arith.addi %mul3A_106, %add3A_131 : i32
        %get3A_133 = arith.index_cast %add3A_132 : i32 to index
        %get3A_134 = arith.constant 0 : index
        %get3A_135 = tpu.vector_load %arg6[%get3A_133, %get3A_134] {strides = array<i32>} : memref<480x128xf32, #tpu.memory_space<vmem>>, vector<1x16xf32>,
        %get3A_136 = vector.shape_cast %get3A_135 : vector<1x16xf32> to vector<16xf32>
        %add3A_137 = arith.addf %add3A_130, %get3A_136 : vector<16xf32>
        %add3A_138 = arith.constant 5 : i32
        %add3A_139 = arith.addi %mul3A_106, %add3A_138 : i32
        %get3A_140 = arith.index_cast %add3A_139 : i32 to index
        %get3A_141 = arith.constant 0 : index
        %get3A_142 = tpu.vector_load %arg6[%get3A_140, %get3A_141] {strides = array<i32>} : memref<480x128xf32, #tpu.memory_space<vmem>>, vector<1x16xf32>,
        %get3A_143 = vector.shape_cast %get3A_142 : vector<1x16xf32> to vector<16xf32>
        %add3A_144 = arith.addf %add3A_137, %get3A_143 : vector<16xf32>
        %swap3A = arith.index_cast %scan3A_104 : i32 to index
        %swap3A_145 = arith.constant 0 : index
        %swap3A_146 = tpu.vector_load %arg7[%swap3A, %swap3A_145] {strides = array<i32>} : memref<80x128xf32, #tpu.memory_space<vmem>>, vector<1x16xf32>,
        %swap3A_147 = vector.shape_cast %swap3A_146 : vector<1x16xf32> to vector<16xf32>
        %swap3A_148 = vector.shape_cast %add3A_144 : vector<16xf32> to vector<1x16xf32>
        tpu.vector_store %arg7[%swap3A, %swap3A_145], %swap3A_148 {strides = array<i32>} : memref<80x128xf32, #tpu.memory_space<vmem>>, vector<1x16xf32>,
        %get3A_149 = arith.index_cast %mul3A_106 : i32 to index
        %get3A_150 = arith.constant 16 : index
        %get3A_151 = tpu.vector_load %arg6[%get3A_149, %get3A_150] {strides = array<i32>} : memref<480x128xf32, #tpu.memory_space<vmem>>, vector<1x16xf32>,
        %get3A_152 = vector.shape_cast %get3A_151 : vector<1x16xf32> to vector<16xf32>
        %add3A_153 = arith.constant 1 : i32
        %add3A_154 = arith.addi %mul3A_106, %add3A_153 : i32
        %get3A_155 = arith.index_cast %add3A_154 : i32 to index
        %get3A_156 = arith.constant 16 : index
        %get3A_157 = tpu.vector_load %arg6[%get3A_155, %get3A_156] {strides = array<i32>} : memref<480x128xf32, #tpu.memory_space<vmem>>, vector<1x16xf32>,
        %get3A_158 = vector.shape_cast %get3A_157 : vector<1x16xf32> to vector<16xf32>
        %add3A_159 = arith.addf %get3A_152, %get3A_158 : vector<16xf32>
        %add3A_160 = arith.constant 2 : i32
        %add3A_161 = arith.addi %mul3A_106, %add3A_160 : i32
        %get3A_162 = arith.index_cast %add3A_161 : i32 to index
        %get3A_163 = arith.constant 16 : index
        %get3A_164 = tpu.vector_load %arg6[%get3A_162, %get3A_163] {strides = array<i32>} : memref<480x128xf32, #tpu.memory_space<vmem>>, vector<1x16xf32>,
        %get3A_165 = vector.shape_cast %get3A_164 : vector<1x16xf32> to vector<16xf32>
        %add3A_166 = arith.addf %add3A_159, %get3A_165 : vector<16xf32>
        %add3A_167 = arith.constant 3 : i32
        %add3A_168 = arith.addi %mul3A_106, %add3A_167 : i32
        %get3A_169 = arith.index_cast %add3A_168 : i32 to index
        %get3A_170 = arith.constant 16 : index
        %get3A_171 = tpu.vector_load %arg6[%get3A_169, %get3A_170] {strides = array<i32>} : memref<480x128xf32, #tpu.memory_space<vmem>>, vector<1x16xf32>,
        %get3A_172 = vector.shape_cast %get3A_171 : vector<1x16xf32> to vector<16xf32>
        %add3A_173 = arith.addf %add3A_166, %get3A_172 : vector<16xf32>
        %add3A_174 = arith.constant 4 : i32
        %add3A_175 = arith.addi %mul3A_106, %add3A_174 : i32
        %get3A_176 = arith.index_cast %add3A_175 : i32 to index
        %get3A_177 = arith.constant 16 : index
        %get3A_178 = tpu.vector_load %arg6[%get3A_176, %get3A_177] {strides = array<i32>} : memref<480x128xf32, #tpu.memory_space<vmem>>, vector<1x16xf32>,
        %get3A_179 = vector.shape_cast %get3A_178 : vector<1x16xf32> to vector<16xf32>
        %add3A_180 = arith.addf %add3A_173, %get3A_179 : vector<16xf32>
        %add3A_181 = arith.constant 5 : i32
        %add3A_182 = arith.addi %mul3A_106, %add3A_181 : i32
        %get3A_183 = arith.index_cast %add3A_182 : i32 to index
        %get3A_184 = arith.constant 16 : index
        %get3A_185 = tpu.vector_load %arg6[%get3A_183, %get3A_184] {strides = array<i32>} : memref<480x128xf32, #tpu.memory_space<vmem>>, vector<1x16xf32>,
        %get3A_186 = vector.shape_cast %get3A_185 : vector<1x16xf32> to vector<16xf32>
        %add3A_187 = arith.addf %add3A_180, %get3A_186 : vector<16xf32>
        %swap3A_188 = arith.index_cast %scan3A_104 : i32 to index
        %swap3A_189 = arith.constant 16 : index
        %swap3A_190 = tpu.vector_load %arg7[%swap3A_188, %swap3A_189] {strides = array<i32>} : memref<80x128xf32, #tpu.memory_space<vmem>>, vector<1x16xf32>,
        %swap3A_191 = vector.shape_cast %swap3A_190 : vector<1x16xf32> to vector<16xf32>
        %swap3A_192 = vector.shape_cast %add3A_187 : vector<16xf32> to vector<1x16xf32>
        tpu.vector_store %arg7[%swap3A_188, %swap3A_189], %swap3A_192 {strides = array<i32>} : memref<80x128xf32, #tpu.memory_space<vmem>>, vector<1x16xf32>,
        %get3A_193 = arith.index_cast %mul3A_106 : i32 to index
        %get3A_194 = arith.constant 32 : index
        %get3A_195 = tpu.vector_load %arg6[%get3A_193, %get3A_194] {strides = array<i32>} : memref<480x128xf32, #tpu.memory_space<vmem>>, vector<1x16xf32>,
        %get3A_196 = vector.shape_cast %get3A_195 : vector<1x16xf32> to vector<16xf32>
        %add3A_197 = arith.constant 1 : i32
        %add3A_198 = arith.addi %mul3A_106, %add3A_197 : i32
        %get3A_199 = arith.index_cast %add3A_198 : i32 to index
        %get3A_200 = arith.constant 32 : index
        %get3A_201 = tpu.vector_load %arg6[%get3A_199, %get3A_200] {strides = array<i32>} : memref<480x128xf32, #tpu.memory_space<vmem>>, vector<1x16xf32>,
        %get3A_202 = vector.shape_cast %get3A_201 : vector<1x16xf32> to vector<16xf32>
        %add3A_203 = arith.addf %get3A_196, %get3A_202 : vector<16xf32>
        %add3A_204 = arith.constant 2 : i32
        %add3A_205 = arith.addi %mul3A_106, %add3A_204 : i32
        %get3A_206 = arith.index_cast %add3A_205 : i32 to index
        %get3A_207 = arith.constant 32 : index
        %get3A_208 = tpu.vector_load %arg6[%get3A_206, %get3A_207] {strides = array<i32>} : memref<480x128xf32, #tpu.memory_space<vmem>>, vector<1x16xf32>,
        %get3A_209 = vector.shape_cast %get3A_208 : vector<1x16xf32> to vector<16xf32>
        %add3A_210 = arith.addf %add3A_203, %get3A_209 : vector<16xf32>
        %add3A_211 = arith.constant 3 : i32
        %add3A_212 = arith.addi %mul3A_106, %add3A_211 : i32
        %get3A_213 = arith.index_cast %add3A_212 : i32 to index
        %get3A_214 = arith.constant 32 : index
        %get3A_215 = tpu.vector_load %arg6[%get3A_213, %get3A_214] {strides = array<i32>} : memref<480x128xf32, #tpu.memory_space<vmem>>, vector<1x16xf32>,
        %get3A_216 = vector.shape_cast %get3A_215 : vector<1x16xf32> to vector<16xf32>
        %add3A_217 = arith.addf %add3A_210, %get3A_216 : vector<16xf32>
        %add3A_218 = arith.constant 4 : i32
        %add3A_219 = arith.addi %mul3A_106, %add3A_218 : i32
        %get3A_220 = arith.index_cast %add3A_219 : i32 to index
        %get3A_221 = arith.constant 32 : index
        %get3A_222 = tpu.vector_load %arg6[%get3A_220, %get3A_221] {strides = array<i32>} : memref<480x128xf32, #tpu.memory_space<vmem>>, vector<1x16xf32>,
        %get3A_223 = vector.shape_cast %get3A_222 : vector<1x16xf32> to vector<16xf32>
        %add3A_224 = arith.addf %add3A_217, %get3A_223 : vector<16xf32>
        %add3A_225 = arith.constant 5 : i32
        %add3A_226 = arith.addi %mul3A_106, %add3A_225 : i32
        %get3A_227 = arith.index_cast %add3A_226 : i32 to index
        %get3A_228 = arith.constant 32 : index
        %get3A_229 = tpu.vector_load %arg6[%get3A_227, %get3A_228] {strides = array<i32>} : memref<480x128xf32, #tpu.memory_space<vmem>>, vector<1x16xf32>,
        %get3A_230 = vector.shape_cast %get3A_229 : vector<1x16xf32> to vector<16xf32>
        %add3A_231 = arith.addf %add3A_224, %get3A_230 : vector<16xf32>
        %swap3A_232 = arith.index_cast %scan3A_104 : i32 to index
        %swap3A_233 = arith.constant 32 : index
        %swap3A_234 = tpu.vector_load %arg7[%swap3A_232, %swap3A_233] {strides = array<i32>} : memref<80x128xf32, #tpu.memory_space<vmem>>, vector<1x16xf32>,
        %swap3A_235 = vector.shape_cast %swap3A_234 : vector<1x16xf32> to vector<16xf32>
        %swap3A_236 = vector.shape_cast %add3A_231 : vector<16xf32> to vector<1x16xf32>
        tpu.vector_store %arg7[%swap3A_232, %swap3A_233], %swap3A_236 {strides = array<i32>} : memref<80x128xf32, #tpu.memory_space<vmem>>, vector<1x16xf32>,
        %get3A_237 = arith.index_cast %mul3A_106 : i32 to index
        %get3A_238 = arith.constant 48 : index
        %get3A_239 = tpu.vector_load %arg6[%get3A_237, %get3A_238] {strides = array<i32>} : memref<480x128xf32, #tpu.memory_space<vmem>>, vector<1x16xf32>,
        %get3A_240 = vector.shape_cast %get3A_239 : vector<1x16xf32> to vector<16xf32>
        %add3A_241 = arith.constant 1 : i32
        %add3A_242 = arith.addi %mul3A_106, %add3A_241 : i32
        %get3A_243 = arith.index_cast %add3A_242 : i32 to index
        %get3A_244 = arith.constant 48 : index
        %get3A_245 = tpu.vector_load %arg6[%get3A_243, %get3A_244] {strides = array<i32>} : memref<480x128xf32, #tpu.memory_space<vmem>>, vector<1x16xf32>,
        %get3A_246 = vector.shape_cast %get3A_245 : vector<1x16xf32> to vector<16xf32>
        %add3A_247 = arith.addf %get3A_240, %get3A_246 : vector<16xf32>
        %add3A_248 = arith.constant 2 : i32
        %add3A_249 = arith.addi %mul3A_106, %add3A_248 : i32
        %get3A_250 = arith.index_cast %add3A_249 : i32 to index
        %get3A_251 = arith.constant 48 : index
        %get3A_252 = tpu.vector_load %arg6[%get3A_250, %get3A_251] {strides = array<i32>} : memref<480x128xf32, #tpu.memory_space<vmem>>, vector<1x16xf32>,
        %get3A_253 = vector.shape_cast %get3A_252 : vector<1x16xf32> to vector<16xf32>
        %add3A_254 = arith.addf %add3A_247, %get3A_253 : vector<16xf32>
        %add3A_255 = arith.constant 3 : i32
        %add3A_256 = arith.addi %mul3A_106, %add3A_255 : i32
        %get3A_257 = arith.index_cast %add3A_256 : i32 to index
        %get3A_258 = arith.constant 48 : index
        %get3A_259 = tpu.vector_load %arg6[%get3A_257, %get3A_258] {strides = array<i32>} : memref<480x128xf32, #tpu.memory_space<vmem>>, vector<1x16xf32>,
        %get3A_260 = vector.shape_cast %get3A_259 : vector<1x16xf32> to vector<16xf32>
        %add3A_261 = arith.addf %add3A_254, %get3A_260 : vector<16xf32>
        %add3A_262 = arith.constant 4 : i32
        %add3A_263 = arith.addi %mul3A_106, %add3A_262 : i32
        %get3A_264 = arith.index_cast %add3A_263 : i32 to index
        %get3A_265 = arith.constant 48 : index
        %get3A_266 = tpu.vector_load %arg6[%get3A_264, %get3A_265] {strides = array<i32>} : memref<480x128xf32, #tpu.memory_space<vmem>>, vector<1x16xf32>,
        %get3A_267 = vector.shape_cast %get3A_266 : vector<1x16xf32> to vector<16xf32>
        %add3A_268 = arith.addf %add3A_261, %get3A_267 : vector<16xf32>
        %add3A_269 = arith.constant 5 : i32
        %add3A_270 = arith.addi %mul3A_106, %add3A_269 : i32
        %get3A_271 = arith.index_cast %add3A_270 : i32 to index
        %get3A_272 = arith.constant 48 : index
        %get3A_273 = tpu.vector_load %arg6[%get3A_271, %get3A_272] {strides = array<i32>} : memref<480x128xf32, #tpu.memory_space<vmem>>, vector<1x16xf32>,
        %get3A_274 = vector.shape_cast %get3A_273 : vector<1x16xf32> to vector<16xf32>
        %add3A_275 = arith.addf %add3A_268, %get3A_274 : vector<16xf32>
        %swap3A_276 = arith.index_cast %scan3A_104 : i32 to index
        %swap3A_277 = arith.constant 48 : index
        %swap3A_278 = tpu.vector_load %arg7[%swap3A_276, %swap3A_277] {strides = array<i32>} : memref<80x128xf32, #tpu.memory_space<vmem>>, vector<1x16xf32>,
        %swap3A_279 = vector.shape_cast %swap3A_278 : vector<1x16xf32> to vector<16xf32>
        %swap3A_280 = vector.shape_cast %add3A_275 : vector<16xf32> to vector<1x16xf32>
        tpu.vector_store %arg7[%swap3A_276, %swap3A_277], %swap3A_280 {strides = array<i32>} : memref<80x128xf32, #tpu.memory_space<vmem>>, vector<1x16xf32>,
        %get3A_281 = arith.index_cast %mul3A_106 : i32 to index
        %get3A_282 = arith.constant 64 : index
        %get3A_283 = tpu.vector_load %arg6[%get3A_281, %get3A_282] {strides = array<i32>} : memref<480x128xf32, #tpu.memory_space<vmem>>, vector<1x16xf32>,
        %get3A_284 = vector.shape_cast %get3A_283 : vector<1x16xf32> to vector<16xf32>
        %add3A_285 = arith.constant 1 : i32
        %add3A_286 = arith.addi %mul3A_106, %add3A_285 : i32
        %get3A_287 = arith.index_cast %add3A_286 : i32 to index
        %get3A_288 = arith.constant 64 : index
        %get3A_289 = tpu.vector_load %arg6[%get3A_287, %get3A_288] {strides = array<i32>} : memref<480x128xf32, #tpu.memory_space<vmem>>, vector<1x16xf32>,
        %get3A_290 = vector.shape_cast %get3A_289 : vector<1x16xf32> to vector<16xf32>
        %add3A_291 = arith.addf %get3A_284, %get3A_290 : vector<16xf32>
        %add3A_292 = arith.constant 2 : i32
        %add3A_293 = arith.addi %mul3A_106, %add3A_292 : i32
        %get3A_294 = arith.index_cast %add3A_293 : i32 to index
        %get3A_295 = arith.constant 64 : index
        %get3A_296 = tpu.vector_load %arg6[%get3A_294, %get3A_295] {strides = array<i32>} : memref<480x128xf32, #tpu.memory_space<vmem>>, vector<1x16xf32>,
        %get3A_297 = vector.shape_cast %get3A_296 : vector<1x16xf32> to vector<16xf32>
        %add3A_298 = arith.addf %add3A_291, %get3A_297 : vector<16xf32>
        %add3A_299 = arith.constant 3 : i32
        %add3A_300 = arith.addi %mul3A_106, %add3A_299 : i32
        %get3A_301 = arith.index_cast %add3A_300 : i32 to index
        %get3A_302 = arith.constant 64 : index
        %get3A_303 = tpu.vector_load %arg6[%get3A_301, %get3A_302] {strides = array<i32>} : memref<480x128xf32, #tpu.memory_space<vmem>>, vector<1x16xf32>,
        %get3A_304 = vector.shape_cast %get3A_303 : vector<1x16xf32> to vector<16xf32>
        %add3A_305 = arith.addf %add3A_298, %get3A_304 : vector<16xf32>
        %add3A_306 = arith.constant 4 : i32
        %add3A_307 = arith.addi %mul3A_106, %add3A_306 : i32
        %get3A_308 = arith.index_cast %add3A_307 : i32 to index
        %get3A_309 = arith.constant 64 : index
        %get3A_310 = tpu.vector_load %arg6[%get3A_308, %get3A_309] {strides = array<i32>} : memref<480x128xf32, #tpu.memory_space<vmem>>, vector<1x16xf32>,
        %get3A_311 = vector.shape_cast %get3A_310 : vector<1x16xf32> to vector<16xf32>
        %add3A_312 = arith.addf %add3A_305, %get3A_311 : vector<16xf32>
        %add3A_313 = arith.constant 5 : i32
        %add3A_314 = arith.addi %mul3A_106, %add3A_313 : i32
        %get3A_315 = arith.index_cast %add3A_314 : i32 to index
        %get3A_316 = arith.constant 64 : index
        %get3A_317 = tpu.vector_load %arg6[%get3A_315, %get3A_316] {strides = array<i32>} : memref<480x128xf32, #tpu.memory_space<vmem>>, vector<1x16xf32>,
        %get3A_318 = vector.shape_cast %get3A_317 : vector<1x16xf32> to vector<16xf32>
        %add3A_319 = arith.addf %add3A_312, %get3A_318 : vector<16xf32>
        %swap3A_320 = arith.index_cast %scan3A_104 : i32 to index
        %swap3A_321 = arith.constant 64 : index
        %swap3A_322 = tpu.vector_load %arg7[%swap3A_320, %swap3A_321] {strides = array<i32>} : memref<80x128xf32, #tpu.memory_space<vmem>>, vector<1x16xf32>,
        %swap3A_323 = vector.shape_cast %swap3A_322 : vector<1x16xf32> to vector<16xf32>
        %swap3A_324 = vector.shape_cast %add3A_319 : vector<16xf32> to vector<1x16xf32>
        tpu.vector_store %arg7[%swap3A_320, %swap3A_321], %swap3A_324 {strides = array<i32>} : memref<80x128xf32, #tpu.memory_space<vmem>>, vector<1x16xf32>,
        %get3A_325 = arith.index_cast %mul3A_106 : i32 to index
        %get3A_326 = arith.constant 80 : index
        %get3A_327 = tpu.vector_load %arg6[%get3A_325, %get3A_326] {strides = array<i32>} : memref<480x128xf32, #tpu.memory_space<vmem>>, vector<1x16xf32>,
        %get3A_328 = vector.shape_cast %get3A_327 : vector<1x16xf32> to vector<16xf32>
        %add3A_329 = arith.constant 1 : i32
        %add3A_330 = arith.addi %mul3A_106, %add3A_329 : i32
        %get3A_331 = arith.index_cast %add3A_330 : i32 to index
        %get3A_332 = arith.constant 80 : index
        %get3A_333 = tpu.vector_load %arg6[%get3A_331, %get3A_332] {strides = array<i32>} : memref<480x128xf32, #tpu.memory_space<vmem>>, vector<1x16xf32>,
        %get3A_334 = vector.shape_cast %get3A_333 : vector<1x16xf32> to vector<16xf32>
        %add3A_335 = arith.addf %get3A_328, %get3A_334 : vector<16xf32>
        %add3A_336 = arith.constant 2 : i32
        %add3A_337 = arith.addi %mul3A_106, %add3A_336 : i32
        %get3A_338 = arith.index_cast %add3A_337 : i32 to index
        %get3A_339 = arith.constant 80 : index
        %get3A_340 = tpu.vector_load %arg6[%get3A_338, %get3A_339] {strides = array<i32>} : memref<480x128xf32, #tpu.memory_space<vmem>>, vector<1x16xf32>,
        %get3A_341 = vector.shape_cast %get3A_340 : vector<1x16xf32> to vector<16xf32>
        %add3A_342 = arith.addf %add3A_335, %get3A_341 : vector<16xf32>
        %add3A_343 = arith.constant 3 : i32
        %add3A_344 = arith.addi %mul3A_106, %add3A_343 : i32
        %get3A_345 = arith.index_cast %add3A_344 : i32 to index
        %get3A_346 = arith.constant 80 : index
        %get3A_347 = tpu.vector_load %arg6[%get3A_345, %get3A_346] {strides = array<i32>} : memref<480x128xf32, #tpu.memory_space<vmem>>, vector<1x16xf32>,
        %get3A_348 = vector.shape_cast %get3A_347 : vector<1x16xf32> to vector<16xf32>
        %add3A_349 = arith.addf %add3A_342, %get3A_348 : vector<16xf32>
        %add3A_350 = arith.constant 4 : i32
        %add3A_351 = arith.addi %mul3A_106, %add3A_350 : i32
        %get3A_352 = arith.index_cast %add3A_351 : i32 to index
        %get3A_353 = arith.constant 80 : index
        %get3A_354 = tpu.vector_load %arg6[%get3A_352, %get3A_353] {strides = array<i32>} : memref<480x128xf32, #tpu.memory_space<vmem>>, vector<1x16xf32>,
        %get3A_355 = vector.shape_cast %get3A_354 : vector<1x16xf32> to vector<16xf32>
        %add3A_356 = arith.addf %add3A_349, %get3A_355 : vector<16xf32>
        %add3A_357 = arith.constant 5 : i32
        %add3A_358 = arith.addi %mul3A_106, %add3A_357 : i32
        %get3A_359 = arith.index_cast %add3A_358 : i32 to index
        %get3A_360 = arith.constant 80 : index
        %get3A_361 = tpu.vector_load %arg6[%get3A_359, %get3A_360] {strides = array<i32>} : memref<480x128xf32, #tpu.memory_space<vmem>>, vector<1x16xf32>,
        %get3A_362 = vector.shape_cast %get3A_361 : vector<1x16xf32> to vector<16xf32>
        %add3A_363 = arith.addf %add3A_356, %get3A_362 : vector<16xf32>
        %swap3A_364 = arith.index_cast %scan3A_104 : i32 to index
        %swap3A_365 = arith.constant 80 : index
        %swap3A_366 = tpu.vector_load %arg7[%swap3A_364, %swap3A_365] {strides = array<i32>} : memref<80x128xf32, #tpu.memory_space<vmem>>, vector<1x16xf32>,
        %swap3A_367 = vector.shape_cast %swap3A_366 : vector<1x16xf32> to vector<16xf32>
        %swap3A_368 = vector.shape_cast %add3A_363 : vector<16xf32> to vector<1x16xf32>
        tpu.vector_store %arg7[%swap3A_364, %swap3A_365], %swap3A_368 {strides = array<i32>} : memref<80x128xf32, #tpu.memory_space<vmem>>, vector<1x16xf32>,
        %get3A_369 = arith.index_cast %mul3A_106 : i32 to index
        %get3A_370 = arith.constant 96 : index
        %get3A_371 = tpu.vector_load %arg6[%get3A_369, %get3A_370] {strides = array<i32>} : memref<480x128xf32, #tpu.memory_space<vmem>>, vector<1x16xf32>,
        %get3A_372 = vector.shape_cast %get3A_371 : vector<1x16xf32> to vector<16xf32>
        %add3A_373 = arith.constant 1 : i32
        %add3A_374 = arith.addi %mul3A_106, %add3A_373 : i32
        %get3A_375 = arith.index_cast %add3A_374 : i32 to index
        %get3A_376 = arith.constant 96 : index
        %get3A_377 = tpu.vector_load %arg6[%get3A_375, %get3A_376] {strides = array<i32>} : memref<480x128xf32, #tpu.memory_space<vmem>>, vector<1x16xf32>,
        %get3A_378 = vector.shape_cast %get3A_377 : vector<1x16xf32> to vector<16xf32>
        %add3A_379 = arith.addf %get3A_372, %get3A_378 : vector<16xf32>
        %add3A_380 = arith.constant 2 : i32
        %add3A_381 = arith.addi %mul3A_106, %add3A_380 : i32
        %get3A_382 = arith.index_cast %add3A_381 : i32 to index
        %get3A_383 = arith.constant 96 : index
        %get3A_384 = tpu.vector_load %arg6[%get3A_382, %get3A_383] {strides = array<i32>} : memref<480x128xf32, #tpu.memory_space<vmem>>, vector<1x16xf32>,
        %get3A_385 = vector.shape_cast %get3A_384 : vector<1x16xf32> to vector<16xf32>
        %add3A_386 = arith.addf %add3A_379, %get3A_385 : vector<16xf32>
        %add3A_387 = arith.constant 3 : i32
        %add3A_388 = arith.addi %mul3A_106, %add3A_387 : i32
        %get3A_389 = arith.index_cast %add3A_388 : i32 to index
        %get3A_390 = arith.constant 96 : index
        %get3A_391 = tpu.vector_load %arg6[%get3A_389, %get3A_390] {strides = array<i32>} : memref<480x128xf32, #tpu.memory_space<vmem>>, vector<1x16xf32>,
        %get3A_392 = vector.shape_cast %get3A_391 : vector<1x16xf32> to vector<16xf32>
        %add3A_393 = arith.addf %add3A_386, %get3A_392 : vector<16xf32>
        %add3A_394 = arith.constant 4 : i32
        %add3A_395 = arith.addi %mul3A_106, %add3A_394 : i32
        %get3A_396 = arith.index_cast %add3A_395 : i32 to index
        %get3A_397 = arith.constant 96 : index
        %get3A_398 = tpu.vector_load %arg6[%get3A_396, %get3A_397] {strides = array<i32>} : memref<480x128xf32, #tpu.memory_space<vmem>>, vector<1x16xf32>,
        %get3A_399 = vector.shape_cast %get3A_398 : vector<1x16xf32> to vector<16xf32>
        %add3A_400 = arith.addf %add3A_393, %get3A_399 : vector<16xf32>
        %add3A_401 = arith.constant 5 : i32
        %add3A_402 = arith.addi %mul3A_106, %add3A_401 : i32
        %get3A_403 = arith.index_cast %add3A_402 : i32 to index
        %get3A_404 = arith.constant 96 : index
        %get3A_405 = tpu.vector_load %arg6[%get3A_403, %get3A_404] {strides = array<i32>} : memref<480x128xf32, #tpu.memory_space<vmem>>, vector<1x16xf32>,
        %get3A_406 = vector.shape_cast %get3A_405 : vector<1x16xf32> to vector<16xf32>
        %add3A_407 = arith.addf %add3A_400, %get3A_406 : vector<16xf32>
        %swap3A_408 = arith.index_cast %scan3A_104 : i32 to index
        %swap3A_409 = arith.constant 96 : index
        %swap3A_410 = tpu.vector_load %arg7[%swap3A_408, %swap3A_409] {strides = array<i32>} : memref<80x128xf32, #tpu.memory_space<vmem>>, vector<1x16xf32>,
        %swap3A_411 = vector.shape_cast %swap3A_410 : vector<1x16xf32> to vector<16xf32>
        %swap3A_412 = vector.shape_cast %add3A_407 : vector<16xf32> to vector<1x16xf32>
        tpu.vector_store %arg7[%swap3A_408, %swap3A_409], %swap3A_412 {strides = array<i32>} : memref<80x128xf32, #tpu.memory_space<vmem>>, vector<1x16xf32>,
        %get3A_413 = arith.index_cast %mul3A_106 : i32 to index
        %get3A_414 = arith.constant 112 : index
        %get3A_415 = tpu.vector_load %arg6[%get3A_413, %get3A_414] {strides = array<i32>} : memref<480x128xf32, #tpu.memory_space<vmem>>, vector<1x16xf32>,
        %get3A_416 = vector.shape_cast %get3A_415 : vector<1x16xf32> to vector<16xf32>
        %add3A_417 = arith.constant 1 : i32
        %add3A_418 = arith.addi %mul3A_106, %add3A_417 : i32
        %get3A_419 = arith.index_cast %add3A_418 : i32 to index
        %get3A_420 = arith.constant 112 : index
        %get3A_421 = tpu.vector_load %arg6[%get3A_419, %get3A_420] {strides = array<i32>} : memref<480x128xf32, #tpu.memory_space<vmem>>, vector<1x16xf32>,
        %get3A_422 = vector.shape_cast %get3A_421 : vector<1x16xf32> to vector<16xf32>
        %add3A_423 = arith.addf %get3A_416, %get3A_422 : vector<16xf32>
        %add3A_424 = arith.constant 2 : i32
        %add3A_425 = arith.addi %mul3A_106, %add3A_424 : i32
        %get3A_426 = arith.index_cast %add3A_425 : i32 to index
        %get3A_427 = arith.constant 112 : index
        %get3A_428 = tpu.vector_load %arg6[%get3A_426, %get3A_427] {strides = array<i32>} : memref<480x128xf32, #tpu.memory_space<vmem>>, vector<1x16xf32>,
        %get3A_429 = vector.shape_cast %get3A_428 : vector<1x16xf32> to vector<16xf32>
        %add3A_430 = arith.addf %add3A_423, %get3A_429 : vector<16xf32>
        %add3A_431 = arith.constant 3 : i32
        %add3A_432 = arith.addi %mul3A_106, %add3A_431 : i32
        %get3A_433 = arith.index_cast %add3A_432 : i32 to index
        %get3A_434 = arith.constant 112 : index
        %get3A_435 = tpu.vector_load %arg6[%get3A_433, %get3A_434] {strides = array<i32>} : memref<480x128xf32, #tpu.memory_space<vmem>>, vector<1x16xf32>,
        %get3A_436 = vector.shape_cast %get3A_435 : vector<1x16xf32> to vector<16xf32>
        %add3A_437 = arith.addf %add3A_430, %get3A_436 : vector<16xf32>
        %add3A_438 = arith.constant 4 : i32
        %add3A_439 = arith.addi %mul3A_106, %add3A_438 : i32
        %get3A_440 = arith.index_cast %add3A_439 : i32 to index
        %get3A_441 = arith.constant 112 : index
        %get3A_442 = tpu.vector_load %arg6[%get3A_440, %get3A_441] {strides = array<i32>} : memref<480x128xf32, #tpu.memory_space<vmem>>, vector<1x16xf32>,
        %get3A_443 = vector.shape_cast %get3A_442 : vector<1x16xf32> to vector<16xf32>
        %add3A_444 = arith.addf %add3A_437, %get3A_443 : vector<16xf32>
        %add3A_445 = arith.constant 5 : i32
        %add3A_446 = arith.addi %mul3A_106, %add3A_445 : i32
        %get3A_447 = arith.index_cast %add3A_446 : i32 to index
        %get3A_448 = arith.constant 112 : index
        %get3A_449 = tpu.vector_load %arg6[%get3A_447, %get3A_448] {strides = array<i32>} : memref<480x128xf32, #tpu.memory_space<vmem>>, vector<1x16xf32>,
        %get3A_450 = vector.shape_cast %get3A_449 : vector<1x16xf32> to vector<16xf32>
        %add3A_451 = arith.addf %add3A_444, %get3A_450 : vector<16xf32>
        %swap3A_452 = arith.index_cast %scan3A_104 : i32 to index
        %swap3A_453 = arith.constant 112 : index
        %swap3A_454 = tpu.vector_load %arg7[%swap3A_452, %swap3A_453] {strides = array<i32>} : memref<80x128xf32, #tpu.memory_space<vmem>>, vector<1x16xf32>,
        %swap3A_455 = vector.shape_cast %swap3A_454 : vector<1x16xf32> to vector<16xf32>
        %swap3A_456 = vector.shape_cast %add3A_451 : vector<16xf32> to vector<1x16xf32>
        tpu.vector_store %arg7[%swap3A_452, %swap3A_453], %swap3A_456 {strides = array<i32>} : memref<80x128xf32, #tpu.memory_space<vmem>>, vector<1x16xf32>,
      }
      %scan3A_100 = arith.constant 80 : i32
      %mul3A_101 = arith.constant 80 : i32
      %mul3A_102 = arith.muli %scan3A_8, %mul3A_101 : i32
      %add3A_103 = arith.addi %mul3A_2, %mul3A_102 : i32
      "tpu.region"() ({
        %run_scoped3A = tpu.sem_alloc : memref<!tpu.dma_semaphore, #tpu.memory_space<semaphore_mem>>
        %dma_start3A_104 = arith.constant 0 : i32
        %dma_start3A_105 = tpu.memref_slice %arg4[%add3A_103, %dma_start3A_104] : memref<10240x128xf32, #tpu.memory_space<hbm>> -> memref<80x128xf32, #tpu.memory_space<hbm>>
        %dma_start3A_106 = arith.constant 0 : i32
        %dma_start3A_107 = tpu.memref_slice %arg4[%add3A_103, %dma_start3A_106] : memref<10240x128xf32, #tpu.memory_space<hbm>> -> memref<80x128xf32, #tpu.memory_space<hbm>>
        tpu.enqueue_dma source(%arg7 : memref<80x128xf32, #tpu.memory_space<vmem>>) target(%dma_start3A_107 : memref<80x128xf32, #tpu.memory_space<hbm>>) target_semaphore(%run_scoped3A : memref<!tpu.dma_semaphore, #tpu.memory_space<semaphore_mem>>)
        %dma_wait3A_108 = arith.constant 0 : i32
        %dma_wait3A_109 = tpu.memref_slice %arg4[%add3A_103, %dma_wait3A_108] : memref<10240x128xf32, #tpu.memory_space<hbm>> -> memref<80x128xf32, #tpu.memory_space<hbm>>
        %dma_wait3A_110 = arith.constant 0 : i32
        %dma_wait3A_111 = tpu.memref_slice %arg4[%add3A_103, %dma_wait3A_110] : memref<10240x128xf32, #tpu.memory_space<hbm>> -> memref<80x128xf32, #tpu.memory_space<hbm>>
        tpu.wait_dma2 semaphore(%run_scoped3A : memref<!tpu.dma_semaphore, #tpu.memory_space<semaphore_mem>>) src(%arg7 : memref<80x128xf32, #tpu.memory_space<vmem>>) dst(%dma_wait3A_111 : memref<80x128xf32, #tpu.memory_space<hbm>>)
        tpu.yield
      }) : () -> ()
    }
    %scan3A_7 = arith.constant 4 : i32
    return
  }
}

module attributes {stable_mosaic.version = 14 : i64} {
  func.func @tc_input_proj(%arg0: i32, %arg1: memref<2000x144xf32, #tpu.memory_space<vmem>>, %arg2: memref<144x128xf32, #tpu.memory_space<vmem>>, %arg3: memref<2000x128xf32, #tpu.memory_space<vmem>>, %arg4: memref<2000x128xf32, #tpu.memory_space<vmem>>) attributes {dimension_semantics = [#tpu.dimension_semantics<arbitrary>], iteration_bounds = array<i64: 80>, scalar_prefetch = 0 : i64, scratch_operands = 0 : i64, tpu.core_type = #tpu.core_type<tc>, window_params = [{transform_indices = @transform_0, window_bounds = array<i64: 2000, 144>}, {pipeline_mode = #tpu.pipeline_mode<synchronous>, transform_indices = @transform_1, window_bounds = array<i64: 144, 128>}, {transform_indices = @transform_2, window_bounds = array<i64: 2000, 128>}, {transform_indices = @transform_3, window_bounds = array<i64: 2000, 128>}]} {
    %get3A = arith.constant 0 : index
    %get3A_0 = arith.constant 0 : index
    %get3A_1 = vector.load %arg1[%get3A, %get3A_0] : memref<2000x144xf32, #tpu.memory_space<vmem>>, vector<2000x144xf32>
    %get3A_2 = arith.constant 0 : index
    %get3A_3 = arith.constant 0 : index
    %get3A_4 = vector.load %arg2[%get3A_2, %get3A_3] : memref<144x128xf32, #tpu.memory_space<vmem>>, vector<144x128xf32>
    %dot_general3A = arith.constant dense<0.000000e+00> : vector<2000x128xf32>
    %dot_general3A_5 = tpu.matmul %get3A_1, %get3A_4, %dot_general3A {dimension_numbers = #tpu.dot_dimension_numbers<[1], [0], [0], [1], [0, 0, 1, 1], [], []>, transpose_lhs_hint = false} : vector<2000x144xf32>, vector<144x128xf32>, vector<2000x128xf32> -> vector<2000x128xf32>
    %swap3A = arith.constant 0 : index
    %swap3A_6 = arith.constant 0 : index
    %swap3A_7 = vector.load %arg3[%swap3A, %swap3A_6] : memref<2000x128xf32, #tpu.memory_space<vmem>>, vector<2000x128xf32>
    tpu.vector_store %arg3[%swap3A, %swap3A_6], %dot_general3A_5 {strides = array<i32>} : memref<2000x128xf32, #tpu.memory_space<vmem>>, vector<2000x128xf32>,
    %max3A = arith.constant 0.000000e+00 : f32
    %max3A_8 = vector.broadcast %max3A : f32 to vector<2000x128xf32>
    %max3A_9 = arith.maximumf %dot_general3A_5, %max3A_8 : vector<2000x128xf32>
    %swap3A_10 = arith.constant 0 : index
    %swap3A_11 = arith.constant 0 : index
    %swap3A_12 = vector.load %arg4[%swap3A_10, %swap3A_11] : memref<2000x128xf32, #tpu.memory_space<vmem>>, vector<2000x128xf32>
    tpu.vector_store %arg4[%swap3A_10, %swap3A_11], %max3A_9 {strides = array<i32>} : memref<2000x128xf32, #tpu.memory_space<vmem>>, vector<2000x128xf32>,
    return
  }
  func.func @transform_0(%arg0: i32) -> (i32, i32) {
    %c0_i32 = arith.constant 0 : i32
    %c0_i32_0 = arith.constant 0 : i32
    return %arg0, %c0_i32 : i32, i32
  }
  func.func @transform_1(%arg0: i32) -> (i32, i32) {
    %c0_i32 = arith.constant 0 : i32
    %c0_i32_0 = arith.constant 0 : i32
    %c0_i32_1 = arith.constant 0 : i32
    return %c0_i32, %c0_i32_0 : i32, i32
  }
  func.func @transform_2(%arg0: i32) -> (i32, i32) {
    %c0_i32 = arith.constant 0 : i32
    %c0_i32_0 = arith.constant 0 : i32
    return %arg0, %c0_i32 : i32, i32
  }
  func.func @transform_3(%arg0: i32) -> (i32, i32) {
    %c0_i32 = arith.constant 0 : i32
    %c0_i32_0 = arith.constant 0 : i32
    return %arg0, %c0_i32 : i32, i32
  }
}

module attributes {stable_mosaic.version = 14 : i64} {
  func.func @tc_layer_update(%arg0: i32, %arg1: memref<2000x128xf32, #tpu.memory_space<vmem>>, %arg2: memref<2000x128xf32, #tpu.memory_space<vmem>>, %arg3: memref<128x128xf32, #tpu.memory_space<vmem>>, %arg4: memref<2000x128xf32, #tpu.memory_space<vmem>>) attributes {dimension_semantics = [#tpu.dimension_semantics<arbitrary>], iteration_bounds = array<i64: 80>, scalar_prefetch = 0 : i64, scratch_operands = 0 : i64, tpu.core_type = #tpu.core_type<tc>, window_params = [{transform_indices = @transform_0, window_bounds = array<i64: 2000, 128>}, {transform_indices = @transform_1, window_bounds = array<i64: 2000, 128>}, {pipeline_mode = #tpu.pipeline_mode<synchronous>, transform_indices = @transform_2, window_bounds = array<i64: 128, 128>}, {transform_indices = @transform_3, window_bounds = array<i64: 2000, 128>}]} {
    %get3A = arith.constant 0 : index
    %get3A_0 = arith.constant 0 : index
    %get3A_1 = vector.load %arg1[%get3A, %get3A_0] : memref<2000x128xf32, #tpu.memory_space<vmem>>, vector<2000x128xf32>
    %get3A_2 = arith.constant 0 : index
    %get3A_3 = arith.constant 0 : index
    %get3A_4 = vector.load %arg3[%get3A_2, %get3A_3] : memref<128x128xf32, #tpu.memory_space<vmem>>, vector<128x128xf32>
    %dot_general3A = arith.constant dense<0.000000e+00> : vector<2000x128xf32>
    %dot_general3A_5 = tpu.matmul %get3A_1, %get3A_4, %dot_general3A {dimension_numbers = #tpu.dot_dimension_numbers<[1], [0], [0], [1], [0, 0, 1, 1], [], []>, transpose_lhs_hint = false} : vector<2000x128xf32>, vector<128x128xf32>, vector<2000x128xf32> -> vector<2000x128xf32>
    %get3A_6 = arith.constant 0 : index
    %get3A_7 = arith.constant 0 : index
    %get3A_8 = vector.load %arg2[%get3A_6, %get3A_7] : memref<2000x128xf32, #tpu.memory_space<vmem>>, vector<2000x128xf32>
    %add3A = arith.addf %get3A_8, %dot_general3A_5 : vector<2000x128xf32>
    %max3A = arith.constant 0.000000e+00 : f32
    %max3A_9 = vector.broadcast %max3A : f32 to vector<2000x128xf32>
    %max3A_10 = arith.maximumf %add3A, %max3A_9 : vector<2000x128xf32>
    %swap3A = arith.constant 0 : index
    %swap3A_11 = arith.constant 0 : index
    %swap3A_12 = vector.load %arg4[%swap3A, %swap3A_11] : memref<2000x128xf32, #tpu.memory_space<vmem>>, vector<2000x128xf32>
    tpu.vector_store %arg4[%swap3A, %swap3A_11], %max3A_10 {strides = array<i32>} : memref<2000x128xf32, #tpu.memory_space<vmem>>, vector<2000x128xf32>,
    return
  }
  func.func @transform_0(%arg0: i32) -> (i32, i32) {
    %c0_i32 = arith.constant 0 : i32
    %c0_i32_0 = arith.constant 0 : i32
    return %arg0, %c0_i32 : i32, i32
  }
  func.func @transform_1(%arg0: i32) -> (i32, i32) {
    %c0_i32 = arith.constant 0 : i32
    %c0_i32_0 = arith.constant 0 : i32
    return %arg0, %c0_i32 : i32, i32
  }
  func.func @transform_2(%arg0: i32) -> (i32, i32) {
    %c0_i32 = arith.constant 0 : i32
    %c0_i32_0 = arith.constant 0 : i32
    %c0_i32_1 = arith.constant 0 : i32
    return %c0_i32, %c0_i32_0 : i32, i32
  }
  func.func @transform_3(%arg0: i32) -> (i32, i32) {
    %c0_i32 = arith.constant 0 : i32
    %c0_i32_0 = arith.constant 0 : i32
    return %arg0, %c0_i32 : i32, i32
  }
}

module attributes {stable_mosaic.version = 14 : i64} {
  func.func @tc_readout(%arg0: i32, %arg1: memref<1000x128xf32, #tpu.memory_space<vmem>>, %arg2: memref<1000x128xf32, #tpu.memory_space<vmem>>, %arg3: memref<128x128xf32, #tpu.memory_space<vmem>>, %arg4: memref<128x128xf32, #tpu.memory_space<vmem>>, %arg5: memref<1x128xf32, #tpu.memory_space<vmem>>, %arg6: memref<1000x128xf32, #tpu.memory_space<vmem>>) attributes {dimension_semantics = [#tpu.dimension_semantics<arbitrary>], iteration_bounds = array<i64: 10>, scalar_prefetch = 0 : i64, scratch_operands = 0 : i64, tpu.core_type = #tpu.core_type<tc>, window_params = [{transform_indices = @transform_0, window_bounds = array<i64: 1000, 128>}, {transform_indices = @transform_1, window_bounds = array<i64: 1000, 128>}, {pipeline_mode = #tpu.pipeline_mode<synchronous>, transform_indices = @transform_2, window_bounds = array<i64: 128, 128>}, {pipeline_mode = #tpu.pipeline_mode<synchronous>, transform_indices = @transform_3, window_bounds = array<i64: 128, 128>}, {pipeline_mode = #tpu.pipeline_mode<synchronous>, transform_indices = @transform_4, window_bounds = array<i64: 1, 128>}, {transform_indices = @transform_5, window_bounds = array<i64: 1000, 128>}]} {
    %get3A = arith.constant 0 : index
    %get3A_0 = arith.constant 0 : index
    %get3A_1 = vector.load %arg1[%get3A, %get3A_0] : memref<1000x128xf32, #tpu.memory_space<vmem>>, vector<1000x128xf32>
    %get3A_2 = arith.constant 0 : index
    %get3A_3 = arith.constant 0 : index
    %get3A_4 = vector.load %arg3[%get3A_2, %get3A_3] : memref<128x128xf32, #tpu.memory_space<vmem>>, vector<128x128xf32>
    %dot_general3A = arith.constant dense<0.000000e+00> : vector<1000x128xf32>
    %dot_general3A_5 = tpu.matmul %get3A_1, %get3A_4, %dot_general3A {dimension_numbers = #tpu.dot_dimension_numbers<[1], [0], [0], [1], [0, 0, 1, 1], [], []>, transpose_lhs_hint = false} : vector<1000x128xf32>, vector<128x128xf32>, vector<1000x128xf32> -> vector<1000x128xf32>
    %get3A_6 = arith.constant 0 : index
    %get3A_7 = arith.constant 0 : index
    %get3A_8 = vector.load %arg2[%get3A_6, %get3A_7] : memref<1000x128xf32, #tpu.memory_space<vmem>>, vector<1000x128xf32>
    %get3A_9 = arith.constant 0 : index
    %get3A_10 = arith.constant 0 : index
    %get3A_11 = vector.load %arg4[%get3A_9, %get3A_10] : memref<128x128xf32, #tpu.memory_space<vmem>>, vector<128x128xf32>
    %dot_general3A_12 = arith.constant dense<0.000000e+00> : vector<1000x128xf32>
    %dot_general3A_13 = tpu.matmul %get3A_8, %get3A_11, %dot_general3A_12 {dimension_numbers = #tpu.dot_dimension_numbers<[1], [0], [0], [1], [0, 0, 1, 1], [], []>, transpose_lhs_hint = false} : vector<1000x128xf32>, vector<128x128xf32>, vector<1000x128xf32> -> vector<1000x128xf32>
    %add3A = arith.addf %dot_general3A_5, %dot_general3A_13 : vector<1000x128xf32>
    %get3A_14 = arith.constant 0 : index
    %get3A_15 = arith.constant 0 : index
    %get3A_16 = vector.load %arg5[%get3A_14, %get3A_15] : memref<1x128xf32, #tpu.memory_space<vmem>>, vector<1x128xf32>
    %add3A_17 = vector.broadcast %get3A_16 : vector<1x128xf32> to vector<1000x128xf32>
    %add3A_18 = arith.addf %add3A, %add3A_17 : vector<1000x128xf32>
    %swap3A = arith.constant 0 : index
    %swap3A_19 = arith.constant 0 : index
    %swap3A_20 = vector.load %arg6[%swap3A, %swap3A_19] : memref<1000x128xf32, #tpu.memory_space<vmem>>, vector<1000x128xf32>
    tpu.vector_store %arg6[%swap3A, %swap3A_19], %add3A_18 {strides = array<i32>} : memref<1000x128xf32, #tpu.memory_space<vmem>>, vector<1000x128xf32>,
    return
  }
  func.func @transform_0(%arg0: i32) -> (i32, i32) {
    %c0_i32 = arith.constant 0 : i32
    %c0_i32_0 = arith.constant 0 : i32
    return %arg0, %c0_i32 : i32, i32
  }
  func.func @transform_1(%arg0: i32) -> (i32, i32) {
    %c0_i32 = arith.constant 0 : i32
    %c0_i32_0 = arith.constant 0 : i32
    return %arg0, %c0_i32 : i32, i32
  }
  func.func @transform_2(%arg0: i32) -> (i32, i32) {
    %c0_i32 = arith.constant 0 : i32
    %c0_i32_0 = arith.constant 0 : i32
    %c0_i32_1 = arith.constant 0 : i32
    return %c0_i32, %c0_i32_0 : i32, i32
  }
  func.func @transform_3(%arg0: i32) -> (i32, i32) {
    %c0_i32 = arith.constant 0 : i32
    %c0_i32_0 = arith.constant 0 : i32
    %c0_i32_1 = arith.constant 0 : i32
    return %c0_i32, %c0_i32_0 : i32, i32
  }
  func.func @transform_4(%arg0: i32) -> (i32, i32) {
    %c0_i32 = arith.constant 0 : i32
    %c0_i32_0 = arith.constant 0 : i32
    %c0_i32_1 = arith.constant 0 : i32
    return %c0_i32, %c0_i32_0 : i32, i32
  }
  func.func @transform_5(%arg0: i32) -> (i32, i32) {
    %c0_i32 = arith.constant 0 : i32
    %c0_i32_0 = arith.constant 0 : i32
    return %arg0, %c0_i32 : i32, i32
  }
}

module attributes {stable_mosaic.version = 14 : i64} {
  func.func @tc_mol_head(%arg0: memref<200x50x128xf32, #tpu.memory_space<vmem>>, %arg1: memref<128x256xf32, #tpu.memory_space<vmem>>, %arg2: memref<1x256xf32, #tpu.memory_space<vmem>>, %arg3: memref<1x256xf32, #tpu.memory_space<vmem>>, %arg4: memref<1x1xf32, #tpu.memory_space<vmem>>, %arg5: memref<200x1xf32, #tpu.memory_space<vmem>>) attributes {dimension_semantics = [], scalar_prefetch = 0 : i64, scratch_operands = 0 : i64, tpu.core_type = #tpu.core_type<tc>} {
    %get3A = arith.constant 0 : index
    %get3A_0 = arith.constant 0 : index
    %get3A_1 = arith.constant 0 : index
    %get3A_2 = vector.load %arg0[%get3A, %get3A_0, %get3A_1] : memref<200x50x128xf32, #tpu.memory_space<vmem>>, vector<200x50x128xf32>
    %reduce_sum3A = arith.constant dense<0.000000e+00> : vector<200x128xf32>
    %reduce_sum3A_3 = vector.multi_reduction <add>, %get3A_2, %reduce_sum3A [1] : vector<200x50x128xf32> to vector<200x128xf32>
    %mul3A = arith.constant 2.000000e-02 : f32
    %mul3A_4 = vector.broadcast %mul3A : f32 to vector<200x128xf32>
    %mul3A_5 = arith.mulf %reduce_sum3A_3, %mul3A_4 : vector<200x128xf32>
    %get3A_6 = arith.constant 0 : index
    %get3A_7 = arith.constant 0 : index
    %get3A_8 = vector.load %arg1[%get3A_6, %get3A_7] : memref<128x256xf32, #tpu.memory_space<vmem>>, vector<128x256xf32>
    %dot_general3A = arith.constant dense<0.000000e+00> : vector<200x256xf32>
    %dot_general3A_9 = tpu.matmul %mul3A_5, %get3A_8, %dot_general3A {dimension_numbers = #tpu.dot_dimension_numbers<[1], [0], [0], [1], [0, 0, 1, 1], [], []>, transpose_lhs_hint = false} : vector<200x128xf32>, vector<128x256xf32>, vector<200x256xf32> -> vector<200x256xf32>
    %get3A_10 = arith.constant 0 : index
    %get3A_11 = arith.constant 0 : index
    %get3A_12 = vector.load %arg2[%get3A_10, %get3A_11] : memref<1x256xf32, #tpu.memory_space<vmem>>, vector<1x256xf32>
    %add3A = vector.broadcast %get3A_12 : vector<1x256xf32> to vector<200x256xf32>
    %add3A_13 = arith.addf %dot_general3A_9, %add3A : vector<200x256xf32>
    %max3A = arith.constant 0.000000e+00 : f32
    %max3A_14 = vector.broadcast %max3A : f32 to vector<200x256xf32>
    %max3A_15 = arith.maximumf %add3A_13, %max3A_14 : vector<200x256xf32>
    %get3A_16 = arith.constant 0 : index
    %get3A_17 = arith.constant 0 : index
    %get3A_18 = vector.load %arg3[%get3A_16, %get3A_17] : memref<1x256xf32, #tpu.memory_space<vmem>>, vector<1x256xf32>
    %mul3A_19 = vector.broadcast %get3A_18 : vector<1x256xf32> to vector<200x256xf32>
    %mul3A_20 = arith.mulf %max3A_15, %mul3A_19 : vector<200x256xf32>
    %reduce_sum3A_21 = arith.constant dense<0.000000e+00> : vector<200xf32>
    %reduce_sum3A_22 = vector.multi_reduction <add>, %mul3A_20, %reduce_sum3A_21 [1] : vector<200x256xf32> to vector<200xf32>
    %broadcast_in_dim3A = vector.shape_cast %reduce_sum3A_22 : vector<200xf32> to vector<200x1xf32>
    %get3A_23 = arith.constant 0 : index
    %get3A_24 = arith.constant 0 : index
    %get3A_25 = vector.load %arg4[%get3A_23, %get3A_24] : memref<1x1xf32, #tpu.memory_space<vmem>>, vector<1x1xf32>
    %add3A_26 = vector.broadcast %get3A_25 : vector<1x1xf32> to vector<200x1xf32>
    %add3A_27 = arith.addf %broadcast_in_dim3A, %add3A_26 : vector<200x1xf32>
    %swap3A = arith.constant 0 : index
    %swap3A_28 = arith.constant 0 : index
    %swap3A_29 = vector.load %arg5[%swap3A, %swap3A_28] : memref<200x1xf32, #tpu.memory_space<vmem>>, vector<200x1xf32>
    tpu.vector_store %arg5[%swap3A, %swap3A_28], %add3A_27 {strides = array<i32>} : memref<200x1xf32, #tpu.memory_space<vmem>>, vector<200x1xf32>,
    return
  }
}

</mosaic_0001>

<sc_bundles>
// kernel: sc_gather_sum_10240.3.cloned.1.call-start
scs
__scs_entry_jumppad:
0x0: {  	(pc) =	sbr.rel $0x88, $3  }
0x1: {  	(tag) =	ssettag $0x0;
	lr =	simm.s32 $0x1  }
0x2: {  	[smem:$0x3F95] =	sst lr;
	_ =	strace $0xD0000000  }
0x3: {  	_ = 	snop  }
0x4: {  	_ = 	snop  }
0x5: {  	_ = 	snop  }
0x6: {  	_ = 	snop  }
0x7: {  	_ = 	snop  }
__scs_overlays_trampoline_lowered:
0x8: {  	[smem:$0x3FA4] =	sst s0  }
0x9: {  	[smem:$0x3FA5] =	sst s1  }
0xa: {  	[smem:$0x3FA6] =	sst s2  }
0xb: {  	[smem:$0x3FA7] =	sst s3  }
0xc: {  	[smem:$0x3FA8] =	sst s4  }
0xd: {  	[smem:$0x3FA9] =	sst s5  }
0xe: {  	[smem:$0x3FAA] =	sst s6  }
0xf: {  	[smem:$0x3FAB] =	sst s7  }
0x10: {  	[smem:$0x3FAC] =	sst s8  }
0x11: {  	[smem:$0x3FAD] =	sst s9;
	s0 =	simm.s32 @!p0 $0x0  }
0x12: {  	s1 =	sld [smem:$0x3F93];
	s0 =	simm.s32 @p0 $0x1  }
0x13: {  	[smem:$0x3FAE] =	sst s0;
	s0 =	simm.s32 @!p1 $0x0  }
0x14: {  	s2 =	sld [smem:$0x3F92];
	s0 =	simm.s32 @p1 $0x1  }
0x15: {  	[smem:$0x3FAF] =	sst s0;
	s0 =	simm.s32 @!p2 $0x0  }
0x16: {  	s3 =	sld [smem:$0x3FDB];
	s0 =	simm.s32 @p2 $0x1  }
0x17: {  	s4 =	simm.s32 $0x1BF5;
	[smem:$0x3FB1] =	sst s0  }
0x18: {  	s0 =	sld [smem:$0x3F94];
	_ =	swait.ge [sflag:s4], $0x0  }
0x19: {  	s7 =	sld [smem:$0x3F95]  }
0x1a: {  	s8 =	sadd.s32 $0xFFFFE003, lr  }
0x1b: {  	s9 =	sadd.s32 $0xFFFFFEF7, lr;
	s5 =	simm.s32 $0xFFFFFFFF;
	p2 =	slt.u32 s8, $0xFFFFF086  }
0x1c: {  	p1 =	slt.u32 s9, $0xF7A;
	s5 =	simm.s32 @!p2 $0x0  }
0x1d: {  	s5 =	simm.s32 @p1 $0x1;
	p0 =	seq.s32 s7, s2  }
0x1e: {  	s7 =	smul.u32 @!p0 $0xF7A, s2;
	p2 =	seq.s32 @!p0 s5, $0x0  }
0x1f: {  	s9 =	smul.u32 $0xF7A, s1;
	s8 =	simm.s32 @!p0 $0x1BF5;
	p2 =	por !p2, p0  }
0x20: {  	[sflag:s8] =	ssyncset.s32 @!p0 $0xFFFFF086;
	s6 =	sadd.s32 @!p0 s3, s7;
	s7 =	simm.s32 @!p0 $0x108  }
0x21: {  	s3 =	sadd.s32 s3, s9;
	s6 =	sadd.s32 @!p0 $0x88, s6;
	s7 =	simm.s32 @p2 $0x1082  }
0x22: {  	[simem:s7], [sflag:s8] =	dma.local @!p0 [hbm:s6], $0xF7A  }
0x23: {  	s9 =	sor.u32 $0xD0000000, s2;
	s6 =	simm.s32 $0x108;
	_ =	swait.ge @!p0 [sflag:s8], $0x0  }
0x24: {  	s3 =	sadd.s32 $0x88, s3;
	s6 =	simm.s32 @!p1 $0x1082;
	[sflag:s4] =	ssyncset.s32 $0xFFFFF086  }
0x25: {  	[simem:s6], [sflag:s4] =	dma.local [hbm:s3], $0xF7A  }
0x26: {  	[smem:$0x3F95] =	sst s1;
	(tag) =	ssettag s2;
	_ =	strace s9  }
0x27: {  	s1 =	sld [smem:$0x3FA5]  }
0x28: {  	s2 =	sld [smem:$0x3FA6]  }
0x29: {  	s4 =	sld [smem:$0x3FA8]  }
0x2a: {  	p0 =	seq.s32 s5, $0x0;
	s5 =	sld [smem:$0x3FA9]  }
0x2b: {  	s6 =	sld [smem:$0x3FAA]  }
0x2c: {  	s7 =	sld [smem:$0x3FAB]  }
0x2d: {  	s3 =	simm.s32 $0x108;
	s8 =	sld [smem:$0x3FAC]  }
0x2e: {  	s3 =	simm.s32 @!p0 $0x1082;
	s9 =	sld [smem:$0x3FAD]  }
0x2f: {  	lr =	sadd.s32 s0, s3;
	s0 =	sld [smem:$0x3FA4]  }
0x30: {  	s3 =	sld [smem:$0x3FA7]  }
0x31: {  	[smem:$0x3FB0] =	sst s10  }
0x32: {  	s10 =	sld [smem:$0x3FAE];
	_ =	sdelay $0x3  }
0x33: {  	p0 =	seq.s32 s10, $0x1;
	s10 =	sld [smem:$0x3FB0];
	_ =	sdelay $0x3  }
0x34: {  	[smem:$0x3FB0] =	sst s10  }
0x35: {  	s10 =	sld [smem:$0x3FAF];
	_ =	sdelay $0x3  }
0x36: {  	p1 =	seq.s32 s10, $0x1;
	s10 =	sld [smem:$0x3FB0];
	_ =	sdelay $0x3  }
0x37: {  	[smem:$0x3FB0] =	sst s10  }
0x38: {  	s10 =	sld [smem:$0x3FB1]  }
0x39: {  	_ = 	snop;
	(pc) =	sbr.ind lr, $3  }
0x3a: {  	_ = 	snop  }
0x3b: {  	_ = 	snop  }
0x3c: {  	p2 =	seq.s32 s10, $0x1;
	s10 =	sld [smem:$0x3FB0]  }
0x3d: {  	_ =	shalt  }
0x3e: {  	_ =	shalt  }
0x3f: {  	_ =	shalt  }
0x40: {  	_ =	shalt  }
0x41: {  	_ =	shalt  }
0x42: {  	_ =	shalt  }
0x43: {  	_ =	shalt  }
0x44: {  	_ =	shalt  }
0x45: {  	_ =	shalt  }
0x46: {  	_ =	shalt  }
0x47: {  	_ =	shalt  }
0x48: {  	_ =	shalt  }
0x49: {  	_ =	shalt  }
0x4a: {  	_ =	shalt  }
0x4b: {  	_ =	shalt  }
0x4c: {  	_ =	shalt  }
0x4d: {  	_ =	shalt  }
0x4e: {  	_ =	shalt  }
0x4f: {  	_ =	shalt  }
0x50: {  	_ =	shalt  }
0x51: {  	_ =	shalt  }
0x52: {  	_ =	shalt  }
0x53: {  	_ =	shalt  }
0x54: {  	_ =	shalt  }
0x55: {  	_ =	shalt  }
0x56: {  	_ =	shalt  }
0x57: {  	_ =	shalt  }
0x58: {  	_ =	shalt  }
0x59: {  	_ =	shalt  }
0x5a: {  	_ =	shalt  }
0x5b: {  	_ =	shalt  }
0x5c: {  	_ =	shalt  }
0x5d: {  	_ =	shalt  }
0x5e: {  	_ =	shalt  }
0x5f: {  	_ =	shalt  }
0x60: {  	_ =	shalt  }
0x61: {  	_ =	shalt  }
0x62: {  	_ =	shalt  }
0x63: {  	_ =	shalt  }
0x64: {  	_ =	shalt  }
0x65: {  	_ =	shalt  }
0x66: {  	_ =	shalt  }
0x67: {  	_ =	shalt  }
0x68: {  	_ =	shalt  }
0x69: {  	_ =	shalt  }
0x6a: {  	_ =	shalt  }
0x6b: {  	_ =	shalt  }
0x6c: {  	_ =	shalt  }
0x6d: {  	_ =	shalt  }
0x6e: {  	_ =	shalt  }
0x6f: {  	_ =	shalt  }
0x70: {  	_ =	shalt  }
0x71: {  	_ =	shalt  }
0x72: {  	_ =	shalt  }
0x73: {  	_ =	shalt  }
0x74: {  	_ =	shalt  }
0x75: {  	_ =	shalt  }
0x76: {  	_ =	shalt  }
0x77: {  	_ =	shalt  }
0x78: {  	_ =	shalt  }
0x79: {  	_ =	shalt  }
0x7a: {  	_ =	shalt  }
0x7b: {  	_ =	shalt  }
0x7c: {  	_ =	shalt  }
0x7d: {  	_ =	shalt  }
0x7e: {  	_ =	shalt  }
0x7f: {  	_ =	shalt  }
0x80: {  	_ =	shalt  }
0x81: {  	_ =	shalt  }
0x82: {  	_ =	shalt  }
0x83: {  	_ =	shalt  }
0x84: {  	_ =	shalt  }
0x85: {  	_ =	shalt  }
0x86: {  	_ =	shalt  }
0x87: {  	_ =	shalt  }
.Lfunc_end0:
.L_simem_size_0:
called_computation.4_lowered:
.L_overlay_start_0:
0x88: {  	s2 =	sld [smem:$0x3FD9]  }
0x89: {  	s3 =	sld [smem:$0x3FFE];
	_ =	sdelay $0x1  }
0x8a: {  	s1 =	srdreg.scid  }
0x8b: {  	s0 =	sand.u32 $0x1, s1  }
0x8c: {  	s16 =	sshll.u32 s0, $0xA;
	s2 =	sadd.s32 s3, s2  }
0x8d: {  	s2 =	sadd.s32 s2, s16  }
0x8e: {  	[smem:$0x3FBC] =	sst s2  }
0x8f: {  	_ = 	snop  }
0x90: {  	(tm) =	ssettm $0x1  }
0x91: {  	s17 =	sld [smem:$0x3FFB];
	_ =	sdelay $0x3  }
0x92: {  	_ =	strace s17  }
0x93: {  	s2 =	sld [smem:$0x3FFC];
	_ =	sdelay $0x3  }
0x94: {  	_ =	strace s2  }
0x95: {  	s2 =	sld [smem:$0x3FFD];
	_ =	sdelay $0x3  }
0x96: {  	_ =	strace s2  }
0x97: {  	_ =	strace $0x8FFFFFFF  }
0x98: {  	s18 =	sld [smem:$0x3FDB];
	_ =	sdelay $0x1  }
0x99: {  	s19 =	simm.s32 $_scs_section_size  }
0x9a: {  	s4 =	simm.s32 $_size__tile_overlayer_lowered;
	s5 =	simm.s32 $_tile_overlayer_lowered  }
0x9b: {  	s22 =	simm.s32 $0x1BFF;
	s21 =	sshll.u32 s5, $0x1;
	s2 =	sadd.s32 s19, s18  }
0x9c: {  	s6 =	simm.s32 $0x0;
	s20 =	sshll.u32 s4, $0x1;
	s4 =	sadd.s32 s21, s2  }
0x9d: {  	[timem:s6], [sflag:s22] =	dma.local [hbm:s4], s20  }
0x9e: {  	_ =	swait.ge [sflag:s22], s20  }
0x9f: {  	s3 =	ssub.s32 $0x0, s20;
	[sflag:s22] =	ssyncset.done $0x0  }
0xa0: {  	[sflag:s22] =	ssyncadd.s32 s3;
	_ =	sdelay $0x1  }
0xa1: {  	s23 =	simm.s32 $0x1B8B  }
0xa2: {  	_ =	swait.ge [sflag:s23], $0x1  }
0xa3: {  	[sflag:s23] =	ssyncset.done $0x0  }
0xa4: {  	s25 =	simm.s32 $0x1B8E;
	s24 =	sld [smem:$0x3FFE];
	[sflag:s23] =	ssyncadd.s32 $0xFFFFFFFF  }
0xa5: {  	s26 =	simm.s32 $execute0_lowered;
	[smem:$0x3FD2] =	sst s25  }
0xa6: {  	s4 =	sshll.u32 s26, $0x1;
	_ =	strace $0x80000052;
	[dreg:$0x1] =	wrdreg $0xFFFFFFFF  }
0xa7: {  	s28 =	simm.s32 $_size_execute0_lowered;
	s2 =	sadd.s32 s2, s4;
	[dreg:$0x0] =	wrdreg $0x0  }
0xa8: {  	s4 =	sshll.u32 s28, $0x1;
	[dreg:$0x2] =	wrdreg s2  }
0xa9: {  	[dreg:$0x3] =	wrdreg s4  }
0xaa: {  	[dreg:$0x4] =	wrdreg $0xC0  }
0xab: {  	_ =	task [dreg:s6], $0x5FFFF  }
0xac: {  	[dreg:$0x1] =	wrdreg $0xFFFFFFFF  }
0xad: {  	[dreg:$0x0] =	wrdreg $0x60  }
0xae: {  	[dreg:$0x2] =	wrdreg s24  }
0xaf: {  	[dreg:$0x3] =	wrdreg $0x9  }
0xb0: {  	_ =	task.clear_ibuf [dreg:s6], $0x4FFFF;
	_ =	strace $0x90000052  }
0xb1: {  	s29 =	simm.s32 $0x9;
	_ =	strace $0x80000054  }
0xb2: {  	_ =	swait.ge [sflag:s29], $0x1  }
0xb3: {  	[sflag:s29] =	ssyncadd.s32 $0xFFFFFFFF  }
0xb4: {  	_ =	strace $0x90000054  }
0xb5: {  	_ =	sfence  }
0xb6: {  	s30 =	sld [smem:$0x0];
	_ =	sdelay $0x2  }
0xb7: {  	s31 =	sshll.u32 s1, $0xD;
	s1 =	sshrl.u32 s1, $0x2  }
0xb8: {  	s3 =	sand.u32 $0x4000, s31;
	s1 =	sadd.s32 s1, s30  }
0xb9: {  	s0 =	sor.u32 s3, s0;
	s1 =	sshll.u32 s1, $0x11  }
0xba: {  	s0 =	sor.u32 s1, s0  }
0xbb: {  	s0 =	sadd.s32 $0x8F2B, s0  }
0xbc: {  	[sflag:s0] =	ssyncadd.remote.s32 $0x1  }
0xbd: {  	_ =	sfence.sel $0xFFFF  }
0xbe: {  	[dreg:$0x0] =	wrdreg $0xFFFFFFFF;
	(pc) =	sbr.abs _section_cstart, $3  }
0xbf: {  	[dreg:$0x1] =	wrdreg $0xFFFFFFFF  }
0xc0: {  	_ =	task.clear_ibuf [dreg:s6], $0x2FFFF;
	_ =	strace $0x9FFFFFFF  }
0xc1: {  	(tm) =	ssettm $0x7FFFFFFF  }
tec
execute0_lowered:
.L_overlay_start_1:
0x0: {  	(tag) =	ssettag $0x1  }
0x1: {  	s4 =	rddreg [dreg:$0x0]  }
0x2: {  	s0 =	rddreg [dreg:$0x1]  }
0x3: {  	s2 =	simm.s32 $0x0;
	s3 =	srdreg.scid;
	s1 =	stileid.u32  }
0x4: {  	s9 =	simm.s32 $0x78;
	s10 =	simm.s32 $0x800;
	s11 =	simm.s32 $0x4400  }
0x5: {  	s12 =	simm.s32 $0x8000;
	s13 =	simm.s32 $0xBC00;
	s14 =	simm.s32 $0x1  }
0x6: {  	s15 =	simm.s32 $0xF800;
	s16 =	simm.s32 $0x0;
	[smem:$0x7FF] =	sst s2  }
0x7: {  	s3 =	sand.u32 $0x1, s3;
	s5 =	sshll.u32 s1, $0x1;
	_ =	strace $0x80000053  }
0x8: {  	s5 =	sor.u32 s3, s5;
	s6 =	ssub.s32 $0x2, s3;
	s3 =	sadd.s32 $0x274800, s4  }
0x9: {  	s7 =	sshll.u32 s5, $0x8;
	s8 =	sshrl.u32 s6, $0x1;
	s5 =	smul.u32 $0x140, s5  }
0xa: {  	s7 =	sadd.s32 s7, s4;
	s4 =	sadd.s32 $0x3800, s4;
	s8 =	ssub.s32 s6, s8  }
0xb: {  	s6 =	sadd.s32 $0x4E5800, s7;
	s7 =	smax.u32 s8, $0x1;
	s8 =	simm.s32 $0x2  }
.LBB2_1:
0xc: {  	[tilespmem:s2], [sflag:$0x2] =	stream.linear.gather [hbm4b:s6+s2], $0x800, $0x38;
	[tilespmem:$0x12000] =	vst v63  }
0xd: {  	_ =	swait.ge [sflag:s8], $0x800  }
0xe: {  	[sflag:s8] =	ssyncset.done $0x0  }
0xf: {  	s17 =	simm.s32 $0x0;
	[sflag:s8] =	ssyncadd.s32 $0xFFFFF800  }
.LBB2_2:
0x10: {  	s18 =	sshll.u32 s17, $0x9  }
0x11: {  	s18 =	sand.u32 $0x3FFFFE00, s18  }
0x12: {  	[tilespmem:s10], [sflag:$0x1] =	stream.indirect.gather [hbm4b:s3+s9], $0x80, s18, s9, $0xb8;
	[tilespmem:$0x12000] =	vst v63  }
0x13: {  	s19 =	sor.u32 $0x80, s18  }
0x14: {  	[tilespmem:s11], [sflag:$0x1] =	stream.indirect.gather [hbm4b:s3+s9], $0x80, s19, s9, $0xb8;
	[tilespmem:$0x12000] =	vst v63  }
0x15: {  	s31 =	sor.u32 $0x100, s18  }
0x16: {  	[tilespmem:s12], [sflag:$0x1] =	stream.indirect.gather [hbm4b:s3+s9], $0x80, s31, s9, $0xb8;
	[tilespmem:$0x12000] =	vst v63  }
0x17: {  	s18 =	sor.u32 $0x180, s18  }
0x18: {  	[tilespmem:s13], [sflag:$0x1] =	stream.indirect.gather [hbm4b:s3+s9], $0x80, s18, s9, $0xb8;
	[tilespmem:$0x12000] =	vst v63  }
0x19: {  	_ =	swait.ge [sflag:s14], $0x3C00  }
0x1a: {  	[sflag:s14] =	ssyncset.done $0x0  }
0x1b: {  	[sflag:s14] =	ssyncadd.s32 $0xFFFFC400  }
0x1c: {  	_ =	swait.ge [sflag:s14], $0x3C00  }
0x1d: {  	[sflag:s14] =	ssyncset.done $0x0  }
0x1e: {  	[sflag:s14] =	ssyncadd.s32 $0xFFFFC400  }
0x1f: {  	_ =	swait.ge [sflag:s14], $0x3C00  }
0x20: {  	[sflag:s14] =	ssyncset.done $0x0  }
0x21: {  	[sflag:s14] =	ssyncadd.s32 $0xFFFFC400  }
0x22: {  	_ =	swait.ge [sflag:s14], $0x3C00  }
0x23: {  	[sflag:s14] =	ssyncset.done $0x0  }
0x24: {  	s18 =	simm.s32 $0x980;
	[sflag:s14] =	ssyncadd.s32 $0xFFFFC400  }
0x25: {  	v0 =	vld [tilespmem:s18+$0xFFFFFF00]  }
0x26: {  	v1 =	vld [tilespmem:s18+$0xFFFFFE80];
	_ =	sdelay $0x1  }
0x27: {  	v2 =	vld [tilespmem:s18+$0xFFFFFF80];
	_ =	sdelay $0x1  }
0x28: {  	v3 =	vld [tilespmem:s18+$0x0]  }
0x29: {  	v0 =	vadd.f32 v0, v1  }
0x2a: {  	v1 =	vld [tilespmem:s18+$0x80]  }
0x2b: {  	v0 =	vadd.f32 v2, v0  }
0x2c: {  	v2 =	vld [tilespmem:s18+$0x100]  }
0x2d: {  	v0 =	vadd.f32 v3, v0;
	_ =	sdelay $0x1  }
0x2e: {  	v0 =	vadd.f32 v1, v0;
	_ =	sdelay $0x1  }
0x2f: {  	v0 =	vadd.f32 v2, v0  }
0x30: {  	s19 =	simm.s32 $0x0  }
0x31: {  	[tilespmem:s19+$0xF800] =	vst v0  }
0x32: {  	v0 =	vld [tilespmem:s18+$0xFFFFFE90]  }
0x33: {  	v1 =	vld [tilespmem:s18+$0xFFFFFF10];
	_ =	sdelay $0x1  }
0x34: {  	v2 =	vld [tilespmem:s18+$0xFFFFFF90];
	_ =	sdelay $0x1  }
0x35: {  	v3 =	vld [tilespmem:s18+$0x10]  }
0x36: {  	v0 =	vadd.f32 v1, v0  }
0x37: {  	v1 =	vld [tilespmem:s18+$0x90]  }
0x38: {  	v0 =	vadd.f32 v2, v0  }
0x39: {  	v2 =	vld [tilespmem:s18+$0x110]  }
0x3a: {  	v0 =	vadd.f32 v3, v0;
	_ =	sdelay $0x1  }
0x3b: {  	v0 =	vadd.f32 v1, v0;
	_ =	sdelay $0x1  }
0x3c: {  	v0 =	vadd.f32 v2, v0;
	_ =	sdelay $0x1  }
0x3d: {  	[tilespmem:s19+$0xF810] =	vst v0  }
0x3e: {  	v0 =	vld [tilespmem:s18+$0xFFFFFEA0]  }
0x3f: {  	v1 =	vld [tilespmem:s18+$0xFFFFFF20];
	_ =	sdelay $0x1  }
0x40: {  	v2 =	vld [tilespmem:s18+$0xFFFFFFA0];
	_ =	sdelay $0x1  }
0x41: {  	v3 =	vld [tilespmem:s18+$0x20]  }
0x42: {  	v0 =	vadd.f32 v1, v0  }
0x43: {  	v1 =	vld [tilespmem:s18+$0xA0]  }
0x44: {  	v0 =	vadd.f32 v2, v0  }
0x45: {  	v2 =	vld [tilespmem:s18+$0x120]  }
0x46: {  	v0 =	vadd.f32 v3, v0;
	_ =	sdelay $0x1  }
0x47: {  	v0 =	vadd.f32 v1, v0;
	_ =	sdelay $0x1  }
0x48: {  	v0 =	vadd.f32 v2, v0;
	_ =	sdelay $0x1  }
0x49: {  	[tilespmem:s19+$0xF820] =	vst v0  }
0x4a: {  	v0 =	vld [tilespmem:s18+$0xFFFFFEB0]  }
0x4b: {  	v1 =	vld [tilespmem:s18+$0xFFFFFF30];
	_ =	sdelay $0x1  }
0x4c: {  	v2 =	vld [tilespmem:s18+$0xFFFFFFB0];
	_ =	sdelay $0x1  }
0x4d: {  	v3 =	vld [tilespmem:s18+$0x30]  }
0x4e: {  	v0 =	vadd.f32 v1, v0  }
0x4f: {  	v1 =	vld [tilespmem:s18+$0xB0]  }
0x50: {  	v0 =	vadd.f32 v2, v0  }
0x51: {  	v2 =	vld [tilespmem:s18+$0x130]  }
0x52: {  	v0 =	vadd.f32 v3, v0;
	_ =	sdelay $0x1  }
0x53: {  	v0 =	vadd.f32 v1, v0;
	_ =	sdelay $0x1  }
0x54: {  	v0 =	vadd.f32 v2, v0;
	_ =	sdelay $0x1  }
0x55: {  	[tilespmem:s19+$0xF830] =	vst v0  }
0x56: {  	v0 =	vld [tilespmem:s18+$0xFFFFFEC0]  }
0x57: {  	v1 =	vld [tilespmem:s18+$0xFFFFFF40];
	_ =	sdelay $0x1  }
0x58: {  	v2 =	vld [tilespmem:s18+$0xFFFFFFC0];
	_ =	sdelay $0x1  }
0x59: {  	v3 =	vld [tilespmem:s18+$0x40]  }
0x5a: {  	v0 =	vadd.f32 v1, v0  }
0x5b: {  	v1 =	vld [tilespmem:s18+$0xC0]  }
0x5c: {  	v0 =	vadd.f32 v2, v0  }
0x5d: {  	v2 =	vld [tilespmem:s18+$0x140]  }
0x5e: {  	v0 =	vadd.f32 v3, v0;
	_ =	sdelay $0x1  }
0x5f: {  	v0 =	vadd.f32 v1, v0;
	_ =	sdelay $0x1  }
0x60: {  	v0 =	vadd.f32 v2, v0;
	_ =	sdelay $0x1  }
0x61: {  	[tilespmem:s19+$0xF840] =	vst v0  }
0x62: {  	v0 =	vld [tilespmem:s18+$0xFFFFFED0]  }
0x63: {  	v1 =	vld [tilespmem:s18+$0xFFFFFF50];
	_ =	sdelay $0x1  }
0x64: {  	v2 =	vld [tilespmem:s18+$0xFFFFFFD0];
	_ =	sdelay $0x1  }
0x65: {  	v3 =	vld [tilespmem:s18+$0x50]  }
0x66: {  	v0 =	vadd.f32 v1, v0  }
0x67: {  	v1 =	vld [tilespmem:s18+$0xD0]  }
0x68: {  	v0 =	vadd.f32 v2, v0  }
0x69: {  	v2 =	vld [tilespmem:s18+$0x150]  }
0x6a: {  	v0 =	vadd.f32 v3, v0;
	_ =	sdelay $0x1  }
0x6b: {  	v0 =	vadd.f32 v1, v0;
	_ =	sdelay $0x1  }
0x6c: {  	v0 =	vadd.f32 v2, v0;
	_ =	sdelay $0x1  }
0x6d: {  	[tilespmem:s19+$0xF850] =	vst v0  }
0x6e: {  	v0 =	vld [tilespmem:s18+$0xFFFFFEE0]  }
0x6f: {  	v1 =	vld [tilespmem:s18+$0xFFFFFF60];
	_ =	sdelay $0x1  }
0x70: {  	v2 =	vld [tilespmem:s18+$0xFFFFFFE0];
	_ =	sdelay $0x1  }
0x71: {  	v3 =	vld [tilespmem:s18+$0x60]  }
0x72: {  	v0 =	vadd.f32 v1, v0  }
0x73: {  	v1 =	vld [tilespmem:s18+$0xE0]  }
0x74: {  	v0 =	vadd.f32 v2, v0  }
0x75: {  	v2 =	vld [tilespmem:s18+$0x160]  }
0x76: {  	v0 =	vadd.f32 v3, v0;
	_ =	sdelay $0x1  }
0x77: {  	v0 =	vadd.f32 v1, v0;
	_ =	sdelay $0x1  }
0x78: {  	v0 =	vadd.f32 v2, v0;
	_ =	sdelay $0x1  }
0x79: {  	[tilespmem:s19+$0xF860] =	vst v0  }
0x7a: {  	v4 =	vld [tilespmem:s18+$0xFFFFFEF0]  }
0x7b: {  	v5 =	vld [tilespmem:s18+$0xFFFFFF70];
	_ =	sdelay $0x1  }
0x7c: {  	v3 =	vld [tilespmem:s18+$0xFFFFFFF0]  }
0x7d: {  	v2 =	vld [tilespmem:s18+$0x70]  }
0x7e: {  	v1 =	vld [tilespmem:s18+$0xF0]  }
0x7f: {  	s20 =	simm.s32 $0x200;
	v0 =	vld [tilespmem:s18+$0x170];
	v4 =	vadd.f32 v5, v4  }
.LBB2_3:
0x80: {  	p0 =	sne.s32 s20, $0x9E00  }
0x81: {  	s18 =	sadd.s32 $0x300, s18;
	s21 =	smov.u32 s20;
	s20 =	sadd.s32 $0x200, s20  }
0x82: {  	v3 =	vadd.f32 v3, v4;
	_ =	sdelay $0x1  }
0x83: {  	v2 =	vadd.f32 v2, v3;
	_ =	sdelay $0x1  }
0x84: {  	v1 =	vadd.f32 v1, v2;
	_ =	sdelay $0x1  }
0x85: {  	v0 =	vadd.f32 v0, v1;
	_ =	sdelay $0x1  }
0x86: {  	[tilespmem:s19+$0xF870] =	vst v0  }
0x87: {  	v0 =	vld [tilespmem:s18+$0xFFFFFF00]  }
0x88: {  	v1 =	vld [tilespmem:s18+$0xFFFFFE80];
	_ =	sdelay $0x1  }
0x89: {  	v2 =	vld [tilespmem:s18+$0xFFFFFF80]  }
0x8a: {  	v3 =	vld [tilespmem:s18+$0x0];
	_ =	sdelay $0x1  }
0x8b: {  	v0 =	vadd.f32 v0, v1  }
0x8c: {  	v1 =	vld [tilespmem:s18+$0x80]  }
0x8d: {  	v0 =	vadd.f32 v2, v0  }
0x8e: {  	v2 =	vld [tilespmem:s18+$0x100]  }
0x8f: {  	v0 =	vadd.f32 v3, v0;
	_ =	sdelay $0x1  }
0x90: {  	v0 =	vadd.f32 v1, v0;
	_ =	sdelay $0x1  }
0x91: {  	v0 =	vadd.f32 v2, v0  }
0x92: {  	s19 =	sshra.s32 s21, $0x2  }
0x93: {  	[tilespmem:s19+$0xF800] =	vst v0  }
0x94: {  	v0 =	vld [tilespmem:s18+$0xFFFFFE90]  }
0x95: {  	v1 =	vld [tilespmem:s18+$0xFFFFFF10];
	_ =	sdelay $0x1  }
0x96: {  	v2 =	vld [tilespmem:s18+$0xFFFFFF90];
	_ =	sdelay $0x1  }
0x97: {  	v3 =	vld [tilespmem:s18+$0x10]  }
0x98: {  	v0 =	vadd.f32 v1, v0  }
0x99: {  	v1 =	vld [tilespmem:s18+$0x90]  }
0x9a: {  	v0 =	vadd.f32 v2, v0  }
0x9b: {  	v2 =	vld [tilespmem:s18+$0x110]  }
0x9c: {  	v0 =	vadd.f32 v3, v0;
	_ =	sdelay $0x1  }
0x9d: {  	v0 =	vadd.f32 v1, v0;
	_ =	sdelay $0x1  }
0x9e: {  	v0 =	vadd.f32 v2, v0;
	_ =	sdelay $0x1  }
0x9f: {  	[tilespmem:s19+$0xF810] =	vst v0  }
0xa0: {  	v0 =	vld [tilespmem:s18+$0xFFFFFEA0]  }
0xa1: {  	v1 =	vld [tilespmem:s18+$0xFFFFFF20];
	_ =	sdelay $0x1  }
0xa2: {  	v2 =	vld [tilespmem:s18+$0xFFFFFFA0];
	_ =	sdelay $0x1  }
0xa3: {  	v3 =	vld [tilespmem:s18+$0x20]  }
0xa4: {  	v0 =	vadd.f32 v1, v0  }
0xa5: {  	v1 =	vld [tilespmem:s18+$0xA0]  }
0xa6: {  	v0 =	vadd.f32 v2, v0  }
0xa7: {  	v2 =	vld [tilespmem:s18+$0x120]  }
0xa8: {  	v0 =	vadd.f32 v3, v0;
	_ =	sdelay $0x1  }
0xa9: {  	v0 =	vadd.f32 v1, v0;
	_ =	sdelay $0x1  }
0xaa: {  	v0 =	vadd.f32 v2, v0;
	_ =	sdelay $0x1  }
0xab: {  	[tilespmem:s19+$0xF820] =	vst v0  }
0xac: {  	v0 =	vld [tilespmem:s18+$0xFFFFFEB0]  }
0xad: {  	v1 =	vld [tilespmem:s18+$0xFFFFFF30];
	_ =	sdelay $0x1  }
0xae: {  	v2 =	vld [tilespmem:s18+$0xFFFFFFB0];
	_ =	sdelay $0x1  }
0xaf: {  	v3 =	vld [tilespmem:s18+$0x30]  }
0xb0: {  	v0 =	vadd.f32 v1, v0  }
0xb1: {  	v1 =	vld [tilespmem:s18+$0xB0]  }
0xb2: {  	v0 =	vadd.f32 v2, v0  }
0xb3: {  	v2 =	vld [tilespmem:s18+$0x130]  }
0xb4: {  	v0 =	vadd.f32 v3, v0;
	_ =	sdelay $0x1  }
0xb5: {  	v0 =	vadd.f32 v1, v0;
	_ =	sdelay $0x1  }
0xb6: {  	v0 =	vadd.f32 v2, v0;
	_ =	sdelay $0x1  }
0xb7: {  	[tilespmem:s19+$0xF830] =	vst v0  }
0xb8: {  	v0 =	vld [tilespmem:s18+$0xFFFFFEC0]  }
0xb9: {  	v1 =	vld [tilespmem:s18+$0xFFFFFF40];
	_ =	sdelay $0x1  }
0xba: {  	v2 =	vld [tilespmem:s18+$0xFFFFFFC0];
	_ =	sdelay $0x1  }
0xbb: {  	v3 =	vld [tilespmem:s18+$0x40]  }
0xbc: {  	v0 =	vadd.f32 v1, v0  }
0xbd: {  	v1 =	vld [tilespmem:s18+$0xC0]  }
0xbe: {  	v0 =	vadd.f32 v2, v0  }
0xbf: {  	v2 =	vld [tilespmem:s18+$0x140]  }
0xc0: {  	v0 =	vadd.f32 v3, v0;
	_ =	sdelay $0x1  }
0xc1: {  	v0 =	vadd.f32 v1, v0;
	_ =	sdelay $0x1  }
0xc2: {  	v0 =	vadd.f32 v2, v0;
	_ =	sdelay $0x1  }
0xc3: {  	[tilespmem:s19+$0xF840] =	vst v0  }
0xc4: {  	v0 =	vld [tilespmem:s18+$0xFFFFFED0]  }
0xc5: {  	v1 =	vld [tilespmem:s18+$0xFFFFFF50]  }
0xc6: {  	v2 =	vld [tilespmem:s18+$0xFFFFFFD0]  }
0xc7: {  	v3 =	vld [tilespmem:s18+$0x50]  }
0xc8: {  	v4 =	vld [tilespmem:s18+$0xD0]  }
0xc9: {  	v5 =	vld [tilespmem:s18+$0x150]  }
0xca: {  	v0 =	vadd.f32 v1, v0;
	_ =	sdelay $0x1  }
0xcb: {  	v0 =	vadd.f32 v2, v0;
	_ =	sdelay $0x1  }
0xcc: {  	v0 =	vadd.f32 v3, v0;
	_ =	sdelay $0x1  }
0xcd: {  	v0 =	vadd.f32 v4, v0;
	_ =	sdelay $0x1  }
0xce: {  	v0 =	vadd.f32 v5, v0;
	_ =	sdelay $0x1  }
0xcf: {  	[tilespmem:s19+$0xF850] =	vst v0  }
0xd0: {  	v0 =	vld [tilespmem:s18+$0xFFFFFEE0]  }
0xd1: {  	v1 =	vld [tilespmem:s18+$0xFFFFFF60]  }
0xd2: {  	v2 =	vld [tilespmem:s18+$0xFFFFFFE0]  }
0xd3: {  	v3 =	vld [tilespmem:s18+$0x60]  }
0xd4: {  	v4 =	vld [tilespmem:s18+$0xE0]  }
0xd5: {  	v5 =	vld [tilespmem:s18+$0x160]  }
0xd6: {  	v0 =	vadd.f32 v1, v0;
	_ =	sdelay $0x1  }
0xd7: {  	v0 =	vadd.f32 v2, v0;
	_ =	sdelay $0x1  }
0xd8: {  	v0 =	vadd.f32 v3, v0;
	_ =	sdelay $0x1  }
0xd9: {  	v0 =	vadd.f32 v4, v0;
	_ =	sdelay $0x1  }
0xda: {  	v0 =	vadd.f32 v5, v0;
	_ =	sdelay $0x1  }
0xdb: {  	[tilespmem:s19+$0xF860] =	vst v0  }
0xdc: {  	v4 =	vld [tilespmem:s18+$0xFFFFFEF0]  }
0xdd: {  	v5 =	vld [tilespmem:s18+$0xFFFFFF70]  }
.Ltmp0:
0xde: {  	v3 =	vld [tilespmem:s18+$0xFFFFFFF0];
	(pc) =	sbr.rel @p0 .LBB2_3-.Ltmp0, $4  }
0xdf: {  	v2 =	vld [tilespmem:s18+$0x70]  }
0xe0: {  	v1 =	vld [tilespmem:s18+$0xF0]  }
0xe1: {  	v0 =	vld [tilespmem:s18+$0x170]  }
0xe2: {  	v4 =	vadd.f32 v5, v4  }
0xe3: {  	_ = 	snop  }
0xe4: {  	v3 =	vadd.f32 v3, v4;
	_ =	sdelay $0x1  }
0xe5: {  	v2 =	vadd.f32 v2, v3;
	_ =	sdelay $0x1  }
0xe6: {  	s18 =	smul.u32 $0x50, s17;
	v1 =	vadd.f32 v1, v2;
	_ =	sdelay $0x1  }
0xe7: {  	s17 =	sadd.s32 $0x1, s17;
	s18 =	sadd.s32 s5, s18;
	v0 =	vadd.f32 v0, v1  }
0xe8: {  	p0 =	sne.s32 s17, $0x4;
	s18 =	sshll.u32 s18, $0x4  }
.Ltmp1:
0xe9: {  	s18 =	sadd.s32 s4, s18;
	[tilespmem:s19+$0xF870] =	vst v0;
	(pc) =	sbr.rel @p0 .LBB2_2-.Ltmp1, $4  }
0xea: {  	[hbm4b:s18+s2] =	stream.linear.scatter [tilespmem:s15], [sflag:$0x2], $0x2800, $0x38;
	[tilespmem:$0x12000] =	vst v63  }
0xeb: {  	_ =	swait.ge [sflag:s8], $0x2800  }
0xec: {  	[sflag:s8] =	ssyncset.done $0x0  }
0xed: {  	[sflag:s8] =	ssyncadd.s32 $0xFFFFD800  }
0xee: {  	s16 =	sadd.s32 $0x1, s16  }
0xef: {  	p0 =	sne.s32 s16, s7  }
.Ltmp2:
0xf0: {  	_ = 	snop;
	(pc) =	sbr.rel @p0 .LBB2_1-.Ltmp2, $1  }
0xf1: {  	_ =	sdelay $0x3  }
0xf2: {  	_ =	sfence.sel $0x180000  }
0xf3: {  	[bflag:$0x0] =	sbarrier.arrive $0xFFFF  }
0xf4: {  	p0 =	sne.s32 s1, $0x0;
	_ =	strace $0x90000053  }
0xf5: {  	s0 =	sadd.s32 @!p0 $0x100000, s0;
	[bflag:$0x2] =	sbarrier.arrive $0xFFFF  }
0xf6: {  	[sflag:s0] =	ssyncadd.tile.s32 @!p0 $0x1;
	_ =	shalt  }
.Lfunc_end2:
_tile_overlayer_lowered:
.L_overlay_start_2:
0xf7: {  	(tag) =	ssettag $0x2  }
0xf8: {  	s0 =	rddreg [dreg:$0x0];
	s2 =	stileid.u32  }
0xf9: {  	s1 =	rddreg [dreg:$0x1];
	p0 =	sne.s32 s2, $0x0  }
0xfa: {  	s3 =	rddreg [dreg:$0x2];
	[bflag:$0x3] =	sbarrier.arrive $0xFFFF;
	s2 =	simm.s32 @!p0 $0x1C02  }
0xfb: {  	[timem:s3], [sflag:s2] =	dma.local @!p0 [hbm:s0], s1  }
0xfc: {  	s0 =	simm.s32 @!p0 $0x2  }
0xfd: {  	_ =	swait.ge @!p0 [sflag:s0], s1  }
0xfe: {  	s1 =	ssub.s32 @!p0 $0x0, s1;
	[sflag:s0] =	ssyncset.done @!p0 $0x0  }
0xff: {  	[sflag:s0] =	ssyncadd.s32 @!p0 s1  }
0x100: {  	[bflag:$0x3] =	sbarrier.arrive $0xFFFF  }
0x101: {  	_ =	shalt  }

// kernel: sc_gather_sum_160000.12.cloned.1.call-start
scs
__scs_entry_jumppad:
0x0: {  	(pc) =	sbr.rel $0x88, $3  }
0x1: {  	(tag) =	ssettag $0x0;
	lr =	simm.s32 $0x1  }
0x2: {  	[smem:$0x3F95] =	sst lr;
	_ =	strace $0xD0000000  }
0x3: {  	_ = 	snop  }
0x4: {  	_ = 	snop  }
0x5: {  	_ = 	snop  }
0x6: {  	_ = 	snop  }
0x7: {  	_ = 	snop  }
__scs_overlays_trampoline_lowered:
0x8: {  	[smem:$0x3FA4] =	sst s0  }
0x9: {  	[smem:$0x3FA5] =	sst s1  }
0xa: {  	[smem:$0x3FA6] =	sst s2  }
0xb: {  	[smem:$0x3FA7] =	sst s3  }
0xc: {  	[smem:$0x3FA8] =	sst s4  }
0xd: {  	[smem:$0x3FA9] =	sst s5  }
0xe: {  	[smem:$0x3FAA] =	sst s6  }
0xf: {  	[smem:$0x3FAB] =	sst s7  }
0x10: {  	[smem:$0x3FAC] =	sst s8  }
0x11: {  	[smem:$0x3FAD] =	sst s9;
	s0 =	simm.s32 @!p0 $0x0  }
0x12: {  	s1 =	sld [smem:$0x3F93];
	s0 =	simm.s32 @p0 $0x1  }
0x13: {  	[smem:$0x3FAE] =	sst s0;
	s0 =	simm.s32 @!p1 $0x0  }
0x14: {  	s2 =	sld [smem:$0x3F92];
	s0 =	simm.s32 @p1 $0x1  }
0x15: {  	[smem:$0x3FAF] =	sst s0;
	s0 =	simm.s32 @!p2 $0x0  }
0x16: {  	s3 =	sld [smem:$0x3FDB];
	s0 =	simm.s32 @p2 $0x1  }
0x17: {  	s4 =	simm.s32 $0x1BF5;
	[smem:$0x3FB1] =	sst s0  }
0x18: {  	s0 =	sld [smem:$0x3F94];
	_ =	swait.ge [sflag:s4], $0x0  }
0x19: {  	s7 =	sld [smem:$0x3F95]  }
0x1a: {  	s8 =	sadd.s32 $0xFFFFE003, lr  }
0x1b: {  	s9 =	sadd.s32 $0xFFFFFEF7, lr;
	s5 =	simm.s32 $0xFFFFFFFF;
	p2 =	slt.u32 s8, $0xFFFFF086  }
0x1c: {  	p1 =	slt.u32 s9, $0xF7A;
	s5 =	simm.s32 @!p2 $0x0  }
0x1d: {  	s5 =	simm.s32 @p1 $0x1;
	p0 =	seq.s32 s7, s2  }
0x1e: {  	s7 =	smul.u32 @!p0 $0xF7A, s2;
	p2 =	seq.s32 @!p0 s5, $0x0  }
0x1f: {  	s9 =	smul.u32 $0xF7A, s1;
	s8 =	simm.s32 @!p0 $0x1BF5;
	p2 =	por !p2, p0  }
0x20: {  	[sflag:s8] =	ssyncset.s32 @!p0 $0xFFFFF086;
	s6 =	sadd.s32 @!p0 s3, s7;
	s7 =	simm.s32 @!p0 $0x108  }
0x21: {  	s3 =	sadd.s32 s3, s9;
	s6 =	sadd.s32 @!p0 $0x88, s6;
	s7 =	simm.s32 @p2 $0x1082  }
0x22: {  	[simem:s7], [sflag:s8] =	dma.local @!p0 [hbm:s6], $0xF7A  }
0x23: {  	s9 =	sor.u32 $0xD0000000, s2;
	s6 =	simm.s32 $0x108;
	_ =	swait.ge @!p0 [sflag:s8], $0x0  }
0x24: {  	s3 =	sadd.s32 $0x88, s3;
	s6 =	simm.s32 @!p1 $0x1082;
	[sflag:s4] =	ssyncset.s32 $0xFFFFF086  }
0x25: {  	[simem:s6], [sflag:s4] =	dma.local [hbm:s3], $0xF7A  }
0x26: {  	[smem:$0x3F95] =	sst s1;
	(tag) =	ssettag s2;
	_ =	strace s9  }
0x27: {  	s1 =	sld [smem:$0x3FA5]  }
0x28: {  	s2 =	sld [smem:$0x3FA6]  }
0x29: {  	s4 =	sld [smem:$0x3FA8]  }
0x2a: {  	p0 =	seq.s32 s5, $0x0;
	s5 =	sld [smem:$0x3FA9]  }
0x2b: {  	s6 =	sld [smem:$0x3FAA]  }
0x2c: {  	s7 =	sld [smem:$0x3FAB]  }
0x2d: {  	s3 =	simm.s32 $0x108;
	s8 =	sld [smem:$0x3FAC]  }
0x2e: {  	s3 =	simm.s32 @!p0 $0x1082;
	s9 =	sld [smem:$0x3FAD]  }
0x2f: {  	lr =	sadd.s32 s0, s3;
	s0 =	sld [smem:$0x3FA4]  }
0x30: {  	s3 =	sld [smem:$0x3FA7]  }
0x31: {  	[smem:$0x3FB0] =	sst s10  }
0x32: {  	s10 =	sld [smem:$0x3FAE];
	_ =	sdelay $0x3  }
0x33: {  	p0 =	seq.s32 s10, $0x1;
	s10 =	sld [smem:$0x3FB0];
	_ =	sdelay $0x3  }
0x34: {  	[smem:$0x3FB0] =	sst s10  }
0x35: {  	s10 =	sld [smem:$0x3FAF];
	_ =	sdelay $0x3  }
0x36: {  	p1 =	seq.s32 s10, $0x1;
	s10 =	sld [smem:$0x3FB0];
	_ =	sdelay $0x3  }
0x37: {  	[smem:$0x3FB0] =	sst s10  }
0x38: {  	s10 =	sld [smem:$0x3FB1]  }
0x39: {  	_ = 	snop;
	(pc) =	sbr.ind lr, $3  }
0x3a: {  	_ = 	snop  }
0x3b: {  	_ = 	snop  }
0x3c: {  	p2 =	seq.s32 s10, $0x1;
	s10 =	sld [smem:$0x3FB0]  }
0x3d: {  	_ =	shalt  }
0x3e: {  	_ =	shalt  }
0x3f: {  	_ =	shalt  }
0x40: {  	_ =	shalt  }
0x41: {  	_ =	shalt  }
0x42: {  	_ =	shalt  }
0x43: {  	_ =	shalt  }
0x44: {  	_ =	shalt  }
0x45: {  	_ =	shalt  }
0x46: {  	_ =	shalt  }
0x47: {  	_ =	shalt  }
0x48: {  	_ =	shalt  }
0x49: {  	_ =	shalt  }
0x4a: {  	_ =	shalt  }
0x4b: {  	_ =	shalt  }
0x4c: {  	_ =	shalt  }
0x4d: {  	_ =	shalt  }
0x4e: {  	_ =	shalt  }
0x4f: {  	_ =	shalt  }
0x50: {  	_ =	shalt  }
0x51: {  	_ =	shalt  }
0x52: {  	_ =	shalt  }
0x53: {  	_ =	shalt  }
0x54: {  	_ =	shalt  }
0x55: {  	_ =	shalt  }
0x56: {  	_ =	shalt  }
0x57: {  	_ =	shalt  }
0x58: {  	_ =	shalt  }
0x59: {  	_ =	shalt  }
0x5a: {  	_ =	shalt  }
0x5b: {  	_ =	shalt  }
0x5c: {  	_ =	shalt  }
0x5d: {  	_ =	shalt  }
0x5e: {  	_ =	shalt  }
0x5f: {  	_ =	shalt  }
0x60: {  	_ =	shalt  }
0x61: {  	_ =	shalt  }
0x62: {  	_ =	shalt  }
0x63: {  	_ =	shalt  }
0x64: {  	_ =	shalt  }
0x65: {  	_ =	shalt  }
0x66: {  	_ =	shalt  }
0x67: {  	_ =	shalt  }
0x68: {  	_ =	shalt  }
0x69: {  	_ =	shalt  }
0x6a: {  	_ =	shalt  }
0x6b: {  	_ =	shalt  }
0x6c: {  	_ =	shalt  }
0x6d: {  	_ =	shalt  }
0x6e: {  	_ =	shalt  }
0x6f: {  	_ =	shalt  }
0x70: {  	_ =	shalt  }
0x71: {  	_ =	shalt  }
0x72: {  	_ =	shalt  }
0x73: {  	_ =	shalt  }
0x74: {  	_ =	shalt  }
0x75: {  	_ =	shalt  }
0x76: {  	_ =	shalt  }
0x77: {  	_ =	shalt  }
0x78: {  	_ =	shalt  }
0x79: {  	_ =	shalt  }
0x7a: {  	_ =	shalt  }
0x7b: {  	_ =	shalt  }
0x7c: {  	_ =	shalt  }
0x7d: {  	_ =	shalt  }
0x7e: {  	_ =	shalt  }
0x7f: {  	_ =	shalt  }
0x80: {  	_ =	shalt  }
0x81: {  	_ =	shalt  }
0x82: {  	_ =	shalt  }
0x83: {  	_ =	shalt  }
0x84: {  	_ =	shalt  }
0x85: {  	_ =	shalt  }
0x86: {  	_ =	shalt  }
0x87: {  	_ =	shalt  }
.Lfunc_end0:
.L_simem_size_0:
called_computation.2_lowered:
.L_overlay_start_0:
0x88: {  	s2 =	sld [smem:$0x3FD9]  }
0x89: {  	s3 =	sld [smem:$0x3FFE];
	_ =	sdelay $0x1  }
0x8a: {  	s1 =	srdreg.scid  }
0x8b: {  	s0 =	sand.u32 $0x1, s1  }
0x8c: {  	s14 =	sshll.u32 s0, $0xA;
	s2 =	sadd.s32 s3, s2  }
0x8d: {  	s2 =	sadd.s32 s2, s14  }
0x8e: {  	[smem:$0x3FBC] =	sst s2  }
0x8f: {  	_ = 	snop  }
0x90: {  	s2 =	sld [smem:$0x3FD0];
	_ =	sdelay $0x2  }
0x91: {  	s15 =	simm.s32 $0xA;
	s4 =	simm.s32 $0x10  }
0x92: {  	[smem:s4], [sflag:s15] =	dma.local [hbm:s2], $0x1  }
0x93: {  	_ =	swait.eq [sflag:s15], $0x1  }
0x94: {  	[sflag:s15] =	ssyncset.done $0x0  }
0x95: {  	[sflag:s15] =	ssyncadd.s32 $0xFFFFFFFF  }
0x96: {  	s16 =	sld [smem:$0x10];
	(tm) =	ssettm $0x1  }
0x97: {  	s17 =	sld [smem:$0x3FFB];
	_ =	sdelay $0x3  }
0x98: {  	_ =	strace s17  }
0x99: {  	s3 =	sld [smem:$0x3FFC];
	_ =	sdelay $0x3  }
0x9a: {  	_ =	strace s3  }
0x9b: {  	s3 =	sld [smem:$0x3FFD];
	_ =	sdelay $0x3  }
0x9c: {  	_ =	strace s3  }
0x9d: {  	_ =	strace $0x8FFFFFFF  }
0x9e: {  	s18 =	sld [smem:$0x3FDB];
	_ =	sdelay $0x1  }
0x9f: {  	s19 =	simm.s32 $_scs_section_size  }
0xa0: {  	s5 =	simm.s32 $_size__tile_overlayer_lowered;
	s6 =	simm.s32 $_tile_overlayer_lowered  }
0xa1: {  	s22 =	simm.s32 $0x1BFF;
	s21 =	sshll.u32 s6, $0x1;
	s3 =	sadd.s32 s19, s18  }
0xa2: {  	s7 =	simm.s32 $0x0;
	s20 =	sshll.u32 s5, $0x1;
	s5 =	sadd.s32 s21, s3  }
0xa3: {  	[timem:s7], [sflag:s22] =	dma.local [hbm:s5], s20  }
0xa4: {  	_ =	swait.ge [sflag:s22], s20  }
0xa5: {  	s4 =	ssub.s32 $0x0, s20;
	[sflag:s22] =	ssyncset.done $0x0  }
0xa6: {  	[sflag:s22] =	ssyncadd.s32 s4;
	_ =	sdelay $0x1  }
0xa7: {  	s23 =	simm.s32 $0x1B8B  }
0xa8: {  	_ =	swait.ge [sflag:s23], $0x1  }
0xa9: {  	[sflag:s23] =	ssyncset.done $0x0  }
0xaa: {  	s25 =	simm.s32 $0x1B8E;
	s24 =	sld [smem:$0x3FFE];
	[sflag:s23] =	ssyncadd.s32 $0xFFFFFFFF  }
0xab: {  	s26 =	simm.s32 $execute0_lowered;
	[smem:$0x3FD2] =	sst s25  }
0xac: {  	s5 =	sshll.u32 s26, $0x1;
	_ =	strace $0x8000004C;
	[dreg:$0x1] =	wrdreg $0xFFFFFFFF  }
0xad: {  	s28 =	simm.s32 $_size_execute0_lowered;
	s3 =	sadd.s32 s3, s5;
	[dreg:$0x0] =	wrdreg $0x0  }
0xae: {  	s5 =	sshll.u32 s28, $0x1;
	[dreg:$0x2] =	wrdreg s3  }
0xaf: {  	[dreg:$0x3] =	wrdreg s5  }
0xb0: {  	[dreg:$0x4] =	wrdreg $0xC0  }
0xb1: {  	_ =	task [dreg:s7], $0x5FFFF  }
0xb2: {  	[dreg:$0x1] =	wrdreg $0xFFFFFFFF  }
0xb3: {  	[dreg:$0x0] =	wrdreg $0x60  }
0xb4: {  	[dreg:$0x2] =	wrdreg s24  }
0xb5: {  	[dreg:$0x3] =	wrdreg s16  }
0xb6: {  	[dreg:$0x4] =	wrdreg $0x9  }
0xb7: {  	_ =	task.clear_ibuf [dreg:s7], $0x5FFFF;
	_ =	strace $0x9000004C  }
0xb8: {  	s29 =	simm.s32 $0x9;
	_ =	strace $0x8000004E  }
0xb9: {  	_ =	swait.ge [sflag:s29], $0x1  }
0xba: {  	[sflag:s29] =	ssyncadd.s32 $0xFFFFFFFF  }
0xbb: {  	_ =	strace $0x9000004E  }
0xbc: {  	_ =	sfence  }
0xbd: {  	s30 =	sld [smem:$0x0];
	_ =	sdelay $0x2  }
0xbe: {  	s31 =	sshll.u32 s1, $0xD;
	s1 =	sshrl.u32 s1, $0x2  }
0xbf: {  	s3 =	sand.u32 $0x4000, s31;
	s1 =	sadd.s32 s1, s30  }
0xc0: {  	s0 =	sor.u32 s3, s0;
	s1 =	sshll.u32 s1, $0x11  }
0xc1: {  	s0 =	sor.u32 s1, s0  }
0xc2: {  	s0 =	sadd.s32 $0x8F2B, s0  }
0xc3: {  	[sflag:s0] =	ssyncadd.remote.s32 $0x1  }
0xc4: {  	_ =	sfence.sel $0xFFFF  }
0xc5: {  	[dreg:$0x0] =	wrdreg $0xFFFFFFFF;
	(pc) =	sbr.abs _section_cstart, $3  }
0xc6: {  	[dreg:$0x1] =	wrdreg $0xFFFFFFFF  }
0xc7: {  	_ =	task.clear_ibuf [dreg:s7], $0x2FFFF;
	_ =	strace $0x9FFFFFFF  }
0xc8: {  	(tm) =	ssettm $0x7FFFFFFF  }
0xc9: {  	_ =	shalt  }
tec
execute0_lowered:
.L_overlay_start_1:
0x0: {  	(tag) =	ssettag $0x1  }
0x1: {  	s4 =	rddreg [dreg:$0x0]  }
0x2: {  	s6 =	rddreg [dreg:$0x1]  }
0x3: {  	s0 =	rddreg [dreg:$0x2]  }
0x4: {  	s2 =	simm.s32 $0x0;
	s3 =	srdreg.scid;
	s1 =	stileid.u32  }
0x5: {  	s10 =	simm.s32 $0x8000;
	s11 =	simm.s32 $0xBC00;
	s12 =	simm.s32 $0x1  }
0x6: {  	s13 =	simm.s32 $0xF800;
	s14 =	simm.s32 $0x0;
	[smem:$0x7FF] =	sst s2  }
0x7: {  	s5 =	sand.u32 $0x1, s3;
	s3 =	sadd.s32 $0x274800, s4;
	s8 =	sshll.u32 s1, $0x1  }
0x8: {  	s4 =	sadd.s32 $0x3800, s4;
	s7 =	ssub.s32 $0x2, s5;
	s8 =	sor.u32 s5, s8  }
0x9: {  	s9 =	sshrl.u32 s7, $0x1;
	s5 =	smul.u32 $0x1388, s8;
	s8 =	sshll.u32 s8, $0xC  }
0xa: {  	_ =	strace $0x8000004D;
	s7 =	ssub.s32 s7, s9;
	s6 =	sadd.s32 s6, s8  }
0xb: {  	s8 =	simm.s32 $0x2;
	s9 =	simm.s32 $0x78;
	s7 =	smax.u32 s7, $0x1  }
.LBB2_1:
0xc: {  	[tilespmem:s2], [sflag:$0x2] =	stream.linear.gather [hbm4b:s6+s2], $0x7D00, $0x38;
	[tilespmem:$0x10C00] =	vst v63  }
0xd: {  	_ =	swait.ge [sflag:s8], $0x7D00  }
0xe: {  	[sflag:s8] =	ssyncset.done $0x0  }
0xf: {  	s15 =	simm.s32 $0x0;
	[sflag:s8] =	ssyncadd.s32 $0xFFFF8300  }
.LBB2_2:
0x10: {  	s16 =	sshll.u32 s15, $0x8  }
0x11: {  	s16 =	sand.u32 $0x3FFFFF00, s16  }
0x12: {  	[tilespmem:s10], [sflag:$0x1] =	stream.indirect.gather [hbm4b:s3+s9], $0x80, s16, s9, $0xb8;
	[tilespmem:$0x10C00] =	vst v63  }
0x13: {  	s16 =	sor.u32 $0x80, s16  }
0x14: {  	[tilespmem:s11], [sflag:$0x1] =	stream.indirect.gather [hbm4b:s3+s9], $0x80, s16, s9, $0xb8;
	[tilespmem:$0x10C00] =	vst v63  }
0x15: {  	_ =	swait.ge [sflag:s12], $0x3C00  }
0x16: {  	[sflag:s12] =	ssyncset.done $0x0  }
0x17: {  	[sflag:s12] =	ssyncadd.s32 $0xFFFFC400  }
0x18: {  	_ =	swait.ge [sflag:s12], $0x3C00  }
0x19: {  	[sflag:s12] =	ssyncset.done $0x0  }
0x1a: {  	s16 =	simm.s32 $0x8180;
	[sflag:s12] =	ssyncadd.s32 $0xFFFFC400  }
0x1b: {  	v0 =	vld [tilespmem:s16+$0xFFFFFF00]  }
0x1c: {  	v1 =	vld [tilespmem:s16+$0xFFFFFE80];
	_ =	sdelay $0x1  }
0x1d: {  	v2 =	vld [tilespmem:s16+$0xFFFFFF80];
	_ =	sdelay $0x1  }
0x1e: {  	v3 =	vld [tilespmem:s16+$0x0]  }
0x1f: {  	v0 =	vadd.f32 v0, v1  }
0x20: {  	v1 =	vld [tilespmem:s16+$0x80]  }
0x21: {  	v0 =	vadd.f32 v2, v0  }
0x22: {  	v2 =	vld [tilespmem:s16+$0x100]  }
0x23: {  	v0 =	vadd.f32 v3, v0;
	_ =	sdelay $0x1  }
0x24: {  	v0 =	vadd.f32 v1, v0;
	_ =	sdelay $0x1  }
0x25: {  	v0 =	vadd.f32 v2, v0  }
0x26: {  	s17 =	simm.s32 $0x0  }
0x27: {  	[tilespmem:s17+$0xF800] =	vst v0  }
0x28: {  	v0 =	vld [tilespmem:s16+$0xFFFFFE90]  }
0x29: {  	v1 =	vld [tilespmem:s16+$0xFFFFFF10];
	_ =	sdelay $0x1  }
0x2a: {  	v2 =	vld [tilespmem:s16+$0xFFFFFF90];
	_ =	sdelay $0x1  }
0x2b: {  	v3 =	vld [tilespmem:s16+$0x10]  }
0x2c: {  	v0 =	vadd.f32 v1, v0  }
0x2d: {  	v1 =	vld [tilespmem:s16+$0x90]  }
0x2e: {  	v0 =	vadd.f32 v2, v0  }
0x2f: {  	v2 =	vld [tilespmem:s16+$0x110]  }
0x30: {  	v0 =	vadd.f32 v3, v0;
	_ =	sdelay $0x1  }
0x31: {  	v0 =	vadd.f32 v1, v0;
	_ =	sdelay $0x1  }
0x32: {  	v0 =	vadd.f32 v2, v0;
	_ =	sdelay $0x1  }
0x33: {  	[tilespmem:s17+$0xF810] =	vst v0  }
0x34: {  	v0 =	vld [tilespmem:s16+$0xFFFFFEA0]  }
0x35: {  	v1 =	vld [tilespmem:s16+$0xFFFFFF20];
	_ =	sdelay $0x1  }
0x36: {  	v2 =	vld [tilespmem:s16+$0xFFFFFFA0];
	_ =	sdelay $0x1  }
0x37: {  	v3 =	vld [tilespmem:s16+$0x20]  }
0x38: {  	v0 =	vadd.f32 v1, v0  }
0x39: {  	v1 =	vld [tilespmem:s16+$0xA0]  }
0x3a: {  	v0 =	vadd.f32 v2, v0  }
0x3b: {  	v2 =	vld [tilespmem:s16+$0x120]  }
0x3c: {  	v0 =	vadd.f32 v3, v0;
	_ =	sdelay $0x1  }
0x3d: {  	v0 =	vadd.f32 v1, v0;
	_ =	sdelay $0x1  }
0x3e: {  	v0 =	vadd.f32 v2, v0;
	_ =	sdelay $0x1  }
0x3f: {  	[tilespmem:s17+$0xF820] =	vst v0  }
0x40: {  	v0 =	vld [tilespmem:s16+$0xFFFFFEB0]  }
0x41: {  	v1 =	vld [tilespmem:s16+$0xFFFFFF30];
	_ =	sdelay $0x1  }
0x42: {  	v2 =	vld [tilespmem:s16+$0xFFFFFFB0];
	_ =	sdelay $0x1  }
0x43: {  	v3 =	vld [tilespmem:s16+$0x30]  }
0x44: {  	v0 =	vadd.f32 v1, v0  }
0x45: {  	v1 =	vld [tilespmem:s16+$0xB0]  }
0x46: {  	v0 =	vadd.f32 v2, v0  }
0x47: {  	v2 =	vld [tilespmem:s16+$0x130]  }
0x48: {  	v0 =	vadd.f32 v3, v0;
	_ =	sdelay $0x1  }
0x49: {  	v0 =	vadd.f32 v1, v0;
	_ =	sdelay $0x1  }
0x4a: {  	v0 =	vadd.f32 v2, v0;
	_ =	sdelay $0x1  }
0x4b: {  	[tilespmem:s17+$0xF830] =	vst v0  }
0x4c: {  	v0 =	vld [tilespmem:s16+$0xFFFFFEC0]  }
0x4d: {  	v1 =	vld [tilespmem:s16+$0xFFFFFF40];
	_ =	sdelay $0x1  }
0x4e: {  	v2 =	vld [tilespmem:s16+$0xFFFFFFC0];
	_ =	sdelay $0x1  }
0x4f: {  	v3 =	vld [tilespmem:s16+$0x40]  }
0x50: {  	v0 =	vadd.f32 v1, v0  }
0x51: {  	v1 =	vld [tilespmem:s16+$0xC0]  }
0x52: {  	v0 =	vadd.f32 v2, v0  }
0x53: {  	v2 =	vld [tilespmem:s16+$0x140]  }
0x54: {  	v0 =	vadd.f32 v3, v0;
	_ =	sdelay $0x1  }
0x55: {  	v0 =	vadd.f32 v1, v0;
	_ =	sdelay $0x1  }
0x56: {  	v0 =	vadd.f32 v2, v0;
	_ =	sdelay $0x1  }
0x57: {  	[tilespmem:s17+$0xF840] =	vst v0  }
0x58: {  	v0 =	vld [tilespmem:s16+$0xFFFFFED0]  }
0x59: {  	v1 =	vld [tilespmem:s16+$0xFFFFFF50];
	_ =	sdelay $0x1  }
0x5a: {  	v2 =	vld [tilespmem:s16+$0xFFFFFFD0];
	_ =	sdelay $0x1  }
0x5b: {  	v3 =	vld [tilespmem:s16+$0x50]  }
0x5c: {  	v0 =	vadd.f32 v1, v0  }
0x5d: {  	v1 =	vld [tilespmem:s16+$0xD0]  }
0x5e: {  	v0 =	vadd.f32 v2, v0  }
0x5f: {  	v2 =	vld [tilespmem:s16+$0x150]  }
0x60: {  	v0 =	vadd.f32 v3, v0;
	_ =	sdelay $0x1  }
0x61: {  	v0 =	vadd.f32 v1, v0;
	_ =	sdelay $0x1  }
0x62: {  	v0 =	vadd.f32 v2, v0;
	_ =	sdelay $0x1  }
0x63: {  	[tilespmem:s17+$0xF850] =	vst v0  }
0x64: {  	v0 =	vld [tilespmem:s16+$0xFFFFFEE0]  }
0x65: {  	v1 =	vld [tilespmem:s16+$0xFFFFFF60];
	_ =	sdelay $0x1  }
0x66: {  	v2 =	vld [tilespmem:s16+$0xFFFFFFE0];
	_ =	sdelay $0x1  }
0x67: {  	v3 =	vld [tilespmem:s16+$0x60]  }
0x68: {  	v0 =	vadd.f32 v1, v0  }
0x69: {  	v1 =	vld [tilespmem:s16+$0xE0]  }
0x6a: {  	v0 =	vadd.f32 v2, v0  }
0x6b: {  	v2 =	vld [tilespmem:s16+$0x160]  }
0x6c: {  	v0 =	vadd.f32 v3, v0;
	_ =	sdelay $0x1  }
0x6d: {  	v0 =	vadd.f32 v1, v0;
	_ =	sdelay $0x1  }
0x6e: {  	v0 =	vadd.f32 v2, v0;
	_ =	sdelay $0x1  }
0x6f: {  	[tilespmem:s17+$0xF860] =	vst v0  }
0x70: {  	v4 =	vld [tilespmem:s16+$0xFFFFFEF0]  }
0x71: {  	v5 =	vld [tilespmem:s16+$0xFFFFFF70];
	_ =	sdelay $0x1  }
0x72: {  	v3 =	vld [tilespmem:s16+$0xFFFFFFF0]  }
0x73: {  	v2 =	vld [tilespmem:s16+$0x70]  }
0x74: {  	v1 =	vld [tilespmem:s16+$0xF0]  }
0x75: {  	s18 =	simm.s32 $0x200;
	v0 =	vld [tilespmem:s16+$0x170];
	v4 =	vadd.f32 v5, v4  }
.LBB2_3:
0x76: {  	p0 =	sne.s32 s18, $0x4E00  }
0x77: {  	s16 =	sadd.s32 $0x300, s16;
	s19 =	smov.u32 s18;
	s18 =	sadd.s32 $0x200, s18  }
0x78: {  	v3 =	vadd.f32 v3, v4;
	_ =	sdelay $0x1  }
0x79: {  	v2 =	vadd.f32 v2, v3;
	_ =	sdelay $0x1  }
0x7a: {  	v1 =	vadd.f32 v1, v2;
	_ =	sdelay $0x1  }
0x7b: {  	v0 =	vadd.f32 v0, v1;
	_ =	sdelay $0x1  }
0x7c: {  	[tilespmem:s17+$0xF870] =	vst v0  }
0x7d: {  	v0 =	vld [tilespmem:s16+$0xFFFFFF00]  }
0x7e: {  	v1 =	vld [tilespmem:s16+$0xFFFFFE80];
	_ =	sdelay $0x1  }
0x7f: {  	v2 =	vld [tilespmem:s16+$0xFFFFFF80]  }
0x80: {  	v3 =	vld [tilespmem:s16+$0x0];
	_ =	sdelay $0x1  }
0x81: {  	v0 =	vadd.f32 v0, v1  }
0x82: {  	v1 =	vld [tilespmem:s16+$0x80]  }
0x83: {  	v0 =	vadd.f32 v2, v0  }
0x84: {  	v2 =	vld [tilespmem:s16+$0x100]  }
0x85: {  	v0 =	vadd.f32 v3, v0;
	_ =	sdelay $0x1  }
0x86: {  	v0 =	vadd.f32 v1, v0;
	_ =	sdelay $0x1  }
0x87: {  	v0 =	vadd.f32 v2, v0  }
0x88: {  	s17 =	sshra.s32 s19, $0x2  }
0x89: {  	[tilespmem:s17+$0xF800] =	vst v0  }
0x8a: {  	v0 =	vld [tilespmem:s16+$0xFFFFFE90]  }
0x8b: {  	v1 =	vld [tilespmem:s16+$0xFFFFFF10];
	_ =	sdelay $0x1  }
0x8c: {  	v2 =	vld [tilespmem:s16+$0xFFFFFF90];
	_ =	sdelay $0x1  }
0x8d: {  	v3 =	vld [tilespmem:s16+$0x10]  }
0x8e: {  	v0 =	vadd.f32 v1, v0  }
0x8f: {  	v1 =	vld [tilespmem:s16+$0x90]  }
0x90: {  	v0 =	vadd.f32 v2, v0  }
0x91: {  	v2 =	vld [tilespmem:s16+$0x110]  }
0x92: {  	v0 =	vadd.f32 v3, v0;
	_ =	sdelay $0x1  }
0x93: {  	v0 =	vadd.f32 v1, v0;
	_ =	sdelay $0x1  }
0x94: {  	v0 =	vadd.f32 v2, v0;
	_ =	sdelay $0x1  }
0x95: {  	[tilespmem:s17+$0xF810] =	vst v0  }
0x96: {  	v0 =	vld [tilespmem:s16+$0xFFFFFEA0]  }
0x97: {  	v1 =	vld [tilespmem:s16+$0xFFFFFF20];
	_ =	sdelay $0x1  }
0x98: {  	v2 =	vld [tilespmem:s16+$0xFFFFFFA0];
	_ =	sdelay $0x1  }
0x99: {  	v3 =	vld [tilespmem:s16+$0x20]  }
0x9a: {  	v0 =	vadd.f32 v1, v0  }
0x9b: {  	v1 =	vld [tilespmem:s16+$0xA0]  }
0x9c: {  	v0 =	vadd.f32 v2, v0  }
0x9d: {  	v2 =	vld [tilespmem:s16+$0x120]  }
0x9e: {  	v0 =	vadd.f32 v3, v0;
	_ =	sdelay $0x1  }
0x9f: {  	v0 =	vadd.f32 v1, v0;
	_ =	sdelay $0x1  }
0xa0: {  	v0 =	vadd.f32 v2, v0;
	_ =	sdelay $0x1  }
0xa1: {  	[tilespmem:s17+$0xF820] =	vst v0  }
0xa2: {  	v0 =	vld [tilespmem:s16+$0xFFFFFEB0]  }
0xa3: {  	v1 =	vld [tilespmem:s16+$0xFFFFFF30];
	_ =	sdelay $0x1  }
0xa4: {  	v2 =	vld [tilespmem:s16+$0xFFFFFFB0];
	_ =	sdelay $0x1  }
0xa5: {  	v3 =	vld [tilespmem:s16+$0x30]  }
0xa6: {  	v0 =	vadd.f32 v1, v0  }
0xa7: {  	v1 =	vld [tilespmem:s16+$0xB0]  }
0xa8: {  	v0 =	vadd.f32 v2, v0  }
0xa9: {  	v2 =	vld [tilespmem:s16+$0x130]  }
0xaa: {  	v0 =	vadd.f32 v3, v0;
	_ =	sdelay $0x1  }
0xab: {  	v0 =	vadd.f32 v1, v0;
	_ =	sdelay $0x1  }
0xac: {  	v0 =	vadd.f32 v2, v0;
	_ =	sdelay $0x1  }
0xad: {  	[tilespmem:s17+$0xF830] =	vst v0  }
0xae: {  	v0 =	vld [tilespmem:s16+$0xFFFFFEC0]  }
0xaf: {  	v1 =	vld [tilespmem:s16+$0xFFFFFF40];
	_ =	sdelay $0x1  }
0xb0: {  	v2 =	vld [tilespmem:s16+$0xFFFFFFC0];
	_ =	sdelay $0x1  }
0xb1: {  	v3 =	vld [tilespmem:s16+$0x40]  }
0xb2: {  	v0 =	vadd.f32 v1, v0  }
0xb3: {  	v1 =	vld [tilespmem:s16+$0xC0]  }
0xb4: {  	v0 =	vadd.f32 v2, v0  }
0xb5: {  	v2 =	vld [tilespmem:s16+$0x140]  }
0xb6: {  	v0 =	vadd.f32 v3, v0;
	_ =	sdelay $0x1  }
0xb7: {  	v0 =	vadd.f32 v1, v0;
	_ =	sdelay $0x1  }
0xb8: {  	v0 =	vadd.f32 v2, v0;
	_ =	sdelay $0x1  }
0xb9: {  	[tilespmem:s17+$0xF840] =	vst v0  }
0xba: {  	v0 =	vld [tilespmem:s16+$0xFFFFFED0]  }
0xbb: {  	v1 =	vld [tilespmem:s16+$0xFFFFFF50]  }
0xbc: {  	v2 =	vld [tilespmem:s16+$0xFFFFFFD0]  }
0xbd: {  	v3 =	vld [tilespmem:s16+$0x50]  }
0xbe: {  	v4 =	vld [tilespmem:s16+$0xD0]  }
0xbf: {  	v5 =	vld [tilespmem:s16+$0x150]  }
0xc0: {  	v0 =	vadd.f32 v1, v0;
	_ =	sdelay $0x1  }
0xc1: {  	v0 =	vadd.f32 v2, v0;
	_ =	sdelay $0x1  }
0xc2: {  	v0 =	vadd.f32 v3, v0;
	_ =	sdelay $0x1  }
0xc3: {  	v0 =	vadd.f32 v4, v0;
	_ =	sdelay $0x1  }
0xc4: {  	v0 =	vadd.f32 v5, v0;
	_ =	sdelay $0x1  }
0xc5: {  	[tilespmem:s17+$0xF850] =	vst v0  }
0xc6: {  	v0 =	vld [tilespmem:s16+$0xFFFFFEE0]  }
0xc7: {  	v1 =	vld [tilespmem:s16+$0xFFFFFF60]  }
0xc8: {  	v2 =	vld [tilespmem:s16+$0xFFFFFFE0]  }
0xc9: {  	v3 =	vld [tilespmem:s16+$0x60]  }
0xca: {  	v4 =	vld [tilespmem:s16+$0xE0]  }
0xcb: {  	v5 =	vld [tilespmem:s16+$0x160]  }
0xcc: {  	v0 =	vadd.f32 v1, v0;
	_ =	sdelay $0x1  }
0xcd: {  	v0 =	vadd.f32 v2, v0;
	_ =	sdelay $0x1  }
0xce: {  	v0 =	vadd.f32 v3, v0;
	_ =	sdelay $0x1  }
0xcf: {  	v0 =	vadd.f32 v4, v0;
	_ =	sdelay $0x1  }
0xd0: {  	v0 =	vadd.f32 v5, v0;
	_ =	sdelay $0x1  }
0xd1: {  	[tilespmem:s17+$0xF860] =	vst v0  }
0xd2: {  	v4 =	vld [tilespmem:s16+$0xFFFFFEF0]  }
0xd3: {  	v5 =	vld [tilespmem:s16+$0xFFFFFF70]  }
.Ltmp0:
0xd4: {  	v3 =	vld [tilespmem:s16+$0xFFFFFFF0];
	(pc) =	sbr.rel @p0 .LBB2_3-.Ltmp0, $4  }
0xd5: {  	v2 =	vld [tilespmem:s16+$0x70]  }
0xd6: {  	v1 =	vld [tilespmem:s16+$0xF0]  }
0xd7: {  	v0 =	vld [tilespmem:s16+$0x170]  }
0xd8: {  	v4 =	vadd.f32 v5, v4  }
0xd9: {  	_ = 	snop  }
0xda: {  	v3 =	vadd.f32 v3, v4;
	_ =	sdelay $0x1  }
0xdb: {  	v2 =	vadd.f32 v2, v3;
	_ =	sdelay $0x1  }
0xdc: {  	s16 =	smul.u32 $0x28, s15;
	v1 =	vadd.f32 v1, v2;
	_ =	sdelay $0x1  }
0xdd: {  	s15 =	sadd.s32 $0x1, s15;
	s16 =	sadd.s32 s5, s16;
	v0 =	vadd.f32 v0, v1  }
0xde: {  	p0 =	sne.s32 s15, $0x7D;
	s16 =	sshll.u32 s16, $0x4  }
.Ltmp1:
0xdf: {  	s16 =	sadd.s32 s4, s16;
	[tilespmem:s17+$0xF870] =	vst v0;
	(pc) =	sbr.rel @p0 .LBB2_2-.Ltmp1, $4  }
0xe0: {  	[hbm4b:s16+s2] =	stream.linear.scatter [tilespmem:s13], [sflag:$0x2], $0x1400, $0x38;
	[tilespmem:$0x10C00] =	vst v63  }
0xe1: {  	_ =	swait.ge [sflag:s8], $0x1400  }
0xe2: {  	[sflag:s8] =	ssyncset.done $0x0  }
0xe3: {  	[sflag:s8] =	ssyncadd.s32 $0xFFFFEC00  }
0xe4: {  	s14 =	sadd.s32 $0x1, s14  }
0xe5: {  	p0 =	sne.s32 s14, s7  }
.Ltmp2:
0xe6: {  	_ = 	snop;
	(pc) =	sbr.rel @p0 .LBB2_1-.Ltmp2, $1  }
0xe7: {  	_ =	sdelay $0x3  }
0xe8: {  	_ =	sfence.sel $0x180000  }
0xe9: {  	[bflag:$0x0] =	sbarrier.arrive $0xFFFF  }
0xea: {  	p0 =	sne.s32 s1, $0x0;
	_ =	strace $0x9000004D  }
0xeb: {  	s0 =	sadd.s32 @!p0 $0x100000, s0;
	[bflag:$0x2] =	sbarrier.arrive $0xFFFF  }
0xec: {  	[sflag:s0] =	ssyncadd.tile.s32 @!p0 $0x1;
	_ =	shalt  }
.Lfunc_end2:
_tile_overlayer_lowered:
.L_overlay_start_2:
0xed: {  	(tag) =	ssettag $0x2  }
0xee: {  	s0 =	rddreg [dreg:$0x0];
	s2 =	stileid.u32  }
0xef: {  	s1 =	rddreg [dreg:$0x1];
	p0 =	sne.s32 s2, $0x0  }
0xf0: {  	s3 =	rddreg [dreg:$0x2];
	[bflag:$0x3] =	sbarrier.arrive $0xFFFF;
	s2 =	simm.s32 @!p0 $0x1C02  }
0xf1: {  	[timem:s3], [sflag:s2] =	dma.local @!p0 [hbm:s0], s1  }
0xf2: {  	s0 =	simm.s32 @!p0 $0x2  }
0xf3: {  	_ =	swait.ge @!p0 [sflag:s0], s1  }
0xf4: {  	s1 =	ssub.s32 @!p0 $0x0, s1;
	[sflag:s0] =	ssyncset.done @!p0 $0x0  }
0xf5: {  	[sflag:s0] =	ssyncadd.s32 @!p0 s1  }
0xf6: {  	[bflag:$0x3] =	sbarrier.arrive $0xFFFF  }
0xf7: {  	_ =	shalt  }

// kernel: sc_gather_sum_160000.15.cloned.1.call-start
scs
__scs_entry_jumppad:
0x0: {  	(pc) =	sbr.rel $0x88, $3  }
0x1: {  	(tag) =	ssettag $0x0;
	lr =	simm.s32 $0x1  }
0x2: {  	[smem:$0x3F95] =	sst lr;
	_ =	strace $0xD0000000  }
0x3: {  	_ = 	snop  }
0x4: {  	_ = 	snop  }
0x5: {  	_ = 	snop  }
0x6: {  	_ = 	snop  }
0x7: {  	_ = 	snop  }
__scs_overlays_trampoline_lowered:
0x8: {  	[smem:$0x3FA4] =	sst s0  }
0x9: {  	[smem:$0x3FA5] =	sst s1  }
0xa: {  	[smem:$0x3FA6] =	sst s2  }
0xb: {  	[smem:$0x3FA7] =	sst s3  }
0xc: {  	[smem:$0x3FA8] =	sst s4  }
0xd: {  	[smem:$0x3FA9] =	sst s5  }
0xe: {  	[smem:$0x3FAA] =	sst s6  }
0xf: {  	[smem:$0x3FAB] =	sst s7  }
0x10: {  	[smem:$0x3FAC] =	sst s8  }
0x11: {  	[smem:$0x3FAD] =	sst s9;
	s0 =	simm.s32 @!p0 $0x0  }
0x12: {  	s1 =	sld [smem:$0x3F93];
	s0 =	simm.s32 @p0 $0x1  }
0x13: {  	[smem:$0x3FAE] =	sst s0;
	s0 =	simm.s32 @!p1 $0x0  }
0x14: {  	s2 =	sld [smem:$0x3F92];
	s0 =	simm.s32 @p1 $0x1  }
0x15: {  	[smem:$0x3FAF] =	sst s0;
	s0 =	simm.s32 @!p2 $0x0  }
0x16: {  	s3 =	sld [smem:$0x3FDB];
	s0 =	simm.s32 @p2 $0x1  }
0x17: {  	s4 =	simm.s32 $0x1BF5;
	[smem:$0x3FB1] =	sst s0  }
0x18: {  	s0 =	sld [smem:$0x3F94];
	_ =	swait.ge [sflag:s4], $0x0  }
0x19: {  	s7 =	sld [smem:$0x3F95]  }
0x1a: {  	s8 =	sadd.s32 $0xFFFFE003, lr  }
0x1b: {  	s9 =	sadd.s32 $0xFFFFFEF7, lr;
	s5 =	simm.s32 $0xFFFFFFFF;
	p2 =	slt.u32 s8, $0xFFFFF086  }
0x1c: {  	p1 =	slt.u32 s9, $0xF7A;
	s5 =	simm.s32 @!p2 $0x0  }
0x1d: {  	s5 =	simm.s32 @p1 $0x1;
	p0 =	seq.s32 s7, s2  }
0x1e: {  	s7 =	smul.u32 @!p0 $0xF7A, s2;
	p2 =	seq.s32 @!p0 s5, $0x0  }
0x1f: {  	s9 =	smul.u32 $0xF7A, s1;
	s8 =	simm.s32 @!p0 $0x1BF5;
	p2 =	por !p2, p0  }
0x20: {  	[sflag:s8] =	ssyncset.s32 @!p0 $0xFFFFF086;
	s6 =	sadd.s32 @!p0 s3, s7;
	s7 =	simm.s32 @!p0 $0x108  }
0x21: {  	s3 =	sadd.s32 s3, s9;
	s6 =	sadd.s32 @!p0 $0x88, s6;
	s7 =	simm.s32 @p2 $0x1082  }
0x22: {  	[simem:s7], [sflag:s8] =	dma.local @!p0 [hbm:s6], $0xF7A  }
0x23: {  	s9 =	sor.u32 $0xD0000000, s2;
	s6 =	simm.s32 $0x108;
	_ =	swait.ge @!p0 [sflag:s8], $0x0  }
0x24: {  	s3 =	sadd.s32 $0x88, s3;
	s6 =	simm.s32 @!p1 $0x1082;
	[sflag:s4] =	ssyncset.s32 $0xFFFFF086  }
0x25: {  	[simem:s6], [sflag:s4] =	dma.local [hbm:s3], $0xF7A  }
0x26: {  	[smem:$0x3F95] =	sst s1;
	(tag) =	ssettag s2;
	_ =	strace s9  }
0x27: {  	s1 =	sld [smem:$0x3FA5]  }
0x28: {  	s2 =	sld [smem:$0x3FA6]  }
0x29: {  	s4 =	sld [smem:$0x3FA8]  }
0x2a: {  	p0 =	seq.s32 s5, $0x0;
	s5 =	sld [smem:$0x3FA9]  }
0x2b: {  	s6 =	sld [smem:$0x3FAA]  }
0x2c: {  	s7 =	sld [smem:$0x3FAB]  }
0x2d: {  	s3 =	simm.s32 $0x108;
	s8 =	sld [smem:$0x3FAC]  }
0x2e: {  	s3 =	simm.s32 @!p0 $0x1082;
	s9 =	sld [smem:$0x3FAD]  }
0x2f: {  	lr =	sadd.s32 s0, s3;
	s0 =	sld [smem:$0x3FA4]  }
0x30: {  	s3 =	sld [smem:$0x3FA7]  }
0x31: {  	[smem:$0x3FB0] =	sst s10  }
0x32: {  	s10 =	sld [smem:$0x3FAE];
	_ =	sdelay $0x3  }
0x33: {  	p0 =	seq.s32 s10, $0x1;
	s10 =	sld [smem:$0x3FB0];
	_ =	sdelay $0x3  }
0x34: {  	[smem:$0x3FB0] =	sst s10  }
0x35: {  	s10 =	sld [smem:$0x3FAF];
	_ =	sdelay $0x3  }
0x36: {  	p1 =	seq.s32 s10, $0x1;
	s10 =	sld [smem:$0x3FB0];
	_ =	sdelay $0x3  }
0x37: {  	[smem:$0x3FB0] =	sst s10  }
0x38: {  	s10 =	sld [smem:$0x3FB1]  }
0x39: {  	_ = 	snop;
	(pc) =	sbr.ind lr, $3  }
0x3a: {  	_ = 	snop  }
0x3b: {  	_ = 	snop  }
0x3c: {  	p2 =	seq.s32 s10, $0x1;
	s10 =	sld [smem:$0x3FB0]  }
0x3d: {  	_ =	shalt  }
0x3e: {  	_ =	shalt  }
0x3f: {  	_ =	shalt  }
0x40: {  	_ =	shalt  }
0x41: {  	_ =	shalt  }
0x42: {  	_ =	shalt  }
0x43: {  	_ =	shalt  }
0x44: {  	_ =	shalt  }
0x45: {  	_ =	shalt  }
0x46: {  	_ =	shalt  }
0x47: {  	_ =	shalt  }
0x48: {  	_ =	shalt  }
0x49: {  	_ =	shalt  }
0x4a: {  	_ =	shalt  }
0x4b: {  	_ =	shalt  }
0x4c: {  	_ =	shalt  }
0x4d: {  	_ =	shalt  }
0x4e: {  	_ =	shalt  }
0x4f: {  	_ =	shalt  }
0x50: {  	_ =	shalt  }
0x51: {  	_ =	shalt  }
0x52: {  	_ =	shalt  }
0x53: {  	_ =	shalt  }
0x54: {  	_ =	shalt  }
0x55: {  	_ =	shalt  }
0x56: {  	_ =	shalt  }
0x57: {  	_ =	shalt  }
0x58: {  	_ =	shalt  }
0x59: {  	_ =	shalt  }
0x5a: {  	_ =	shalt  }
0x5b: {  	_ =	shalt  }
0x5c: {  	_ =	shalt  }
0x5d: {  	_ =	shalt  }
0x5e: {  	_ =	shalt  }
0x5f: {  	_ =	shalt  }
0x60: {  	_ =	shalt  }
0x61: {  	_ =	shalt  }
0x62: {  	_ =	shalt  }
0x63: {  	_ =	shalt  }
0x64: {  	_ =	shalt  }
0x65: {  	_ =	shalt  }
0x66: {  	_ =	shalt  }
0x67: {  	_ =	shalt  }
0x68: {  	_ =	shalt  }
0x69: {  	_ =	shalt  }
0x6a: {  	_ =	shalt  }
0x6b: {  	_ =	shalt  }
0x6c: {  	_ =	shalt  }
0x6d: {  	_ =	shalt  }
0x6e: {  	_ =	shalt  }
0x6f: {  	_ =	shalt  }
0x70: {  	_ =	shalt  }
0x71: {  	_ =	shalt  }
0x72: {  	_ =	shalt  }
0x73: {  	_ =	shalt  }
0x74: {  	_ =	shalt  }
0x75: {  	_ =	shalt  }
0x76: {  	_ =	shalt  }
0x77: {  	_ =	shalt  }
0x78: {  	_ =	shalt  }
0x79: {  	_ =	shalt  }
0x7a: {  	_ =	shalt  }
0x7b: {  	_ =	shalt  }
0x7c: {  	_ =	shalt  }
0x7d: {  	_ =	shalt  }
0x7e: {  	_ =	shalt  }
0x7f: {  	_ =	shalt  }
0x80: {  	_ =	shalt  }
0x81: {  	_ =	shalt  }
0x82: {  	_ =	shalt  }
0x83: {  	_ =	shalt  }
0x84: {  	_ =	shalt  }
0x85: {  	_ =	shalt  }
0x86: {  	_ =	shalt  }
0x87: {  	_ =	shalt  }
.Lfunc_end0:
.L_simem_size_0:
called_computation.3_lowered:
.L_overlay_start_0:
0x88: {  	s2 =	sld [smem:$0x3FD9]  }
0x89: {  	s3 =	sld [smem:$0x3FFE];
	_ =	sdelay $0x1  }
0x8a: {  	s1 =	srdreg.scid  }
0x8b: {  	s0 =	sand.u32 $0x1, s1  }
0x8c: {  	s14 =	sshll.u32 s0, $0xA;
	s2 =	sadd.s32 s3, s2  }
0x8d: {  	s2 =	sadd.s32 s2, s14  }
0x8e: {  	[smem:$0x3FBC] =	sst s2  }
0x8f: {  	_ = 	snop  }
0x90: {  	s2 =	sld [smem:$0x3FD0];
	_ =	sdelay $0x2  }
0x91: {  	s15 =	simm.s32 $0xA;
	s4 =	simm.s32 $0x10  }
0x92: {  	[smem:s4], [sflag:s15] =	dma.local [hbm:s2], $0x1  }
0x93: {  	_ =	swait.eq [sflag:s15], $0x1  }
0x94: {  	[sflag:s15] =	ssyncset.done $0x0  }
0x95: {  	[sflag:s15] =	ssyncadd.s32 $0xFFFFFFFF  }
0x96: {  	s16 =	sld [smem:$0x10];
	(tm) =	ssettm $0x1  }
0x97: {  	s17 =	sld [smem:$0x3FFB];
	_ =	sdelay $0x3  }
0x98: {  	_ =	strace s17  }
0x99: {  	s3 =	sld [smem:$0x3FFC];
	_ =	sdelay $0x3  }
0x9a: {  	_ =	strace s3  }
0x9b: {  	s3 =	sld [smem:$0x3FFD];
	_ =	sdelay $0x3  }
0x9c: {  	_ =	strace s3  }
0x9d: {  	_ =	strace $0x8FFFFFFF  }
0x9e: {  	s18 =	sld [smem:$0x3FDB];
	_ =	sdelay $0x1  }
0x9f: {  	s19 =	simm.s32 $_scs_section_size  }
0xa0: {  	s5 =	simm.s32 $_size__tile_overlayer_lowered;
	s6 =	simm.s32 $_tile_overlayer_lowered  }
0xa1: {  	s22 =	simm.s32 $0x1BFF;
	s21 =	sshll.u32 s6, $0x1;
	s3 =	sadd.s32 s19, s18  }
0xa2: {  	s7 =	simm.s32 $0x0;
	s20 =	sshll.u32 s5, $0x1;
	s5 =	sadd.s32 s21, s3  }
0xa3: {  	[timem:s7], [sflag:s22] =	dma.local [hbm:s5], s20  }
0xa4: {  	_ =	swait.ge [sflag:s22], s20  }
0xa5: {  	s4 =	ssub.s32 $0x0, s20;
	[sflag:s22] =	ssyncset.done $0x0  }
0xa6: {  	[sflag:s22] =	ssyncadd.s32 s4;
	_ =	sdelay $0x1  }
0xa7: {  	s23 =	simm.s32 $0x1B8B  }
0xa8: {  	_ =	swait.ge [sflag:s23], $0x1  }
0xa9: {  	[sflag:s23] =	ssyncset.done $0x0  }
0xaa: {  	s25 =	simm.s32 $0x1B8E;
	s24 =	sld [smem:$0x3FFE];
	[sflag:s23] =	ssyncadd.s32 $0xFFFFFFFF  }
0xab: {  	s26 =	simm.s32 $execute0_lowered;
	[smem:$0x3FD2] =	sst s25  }
0xac: {  	s5 =	sshll.u32 s26, $0x1;
	_ =	strace $0x8000004F;
	[dreg:$0x1] =	wrdreg $0xFFFFFFFF  }
0xad: {  	s28 =	simm.s32 $_size_execute0_lowered;
	s3 =	sadd.s32 s3, s5;
	[dreg:$0x0] =	wrdreg $0x0  }
0xae: {  	s5 =	sshll.u32 s28, $0x1;
	[dreg:$0x2] =	wrdreg s3  }
0xaf: {  	[dreg:$0x3] =	wrdreg s5  }
0xb0: {  	[dreg:$0x4] =	wrdreg $0xC0  }
0xb1: {  	_ =	task [dreg:s7], $0x5FFFF  }
0xb2: {  	[dreg:$0x1] =	wrdreg $0xFFFFFFFF  }
0xb3: {  	[dreg:$0x0] =	wrdreg $0x60  }
0xb4: {  	[dreg:$0x2] =	wrdreg s24  }
0xb5: {  	[dreg:$0x3] =	wrdreg s16  }
0xb6: {  	[dreg:$0x4] =	wrdreg $0x9  }
0xb7: {  	_ =	task.clear_ibuf [dreg:s7], $0x5FFFF;
	_ =	strace $0x9000004F  }
0xb8: {  	s29 =	simm.s32 $0x9;
	_ =	strace $0x80000051  }
0xb9: {  	_ =	swait.ge [sflag:s29], $0x1  }
0xba: {  	[sflag:s29] =	ssyncadd.s32 $0xFFFFFFFF  }
0xbb: {  	_ =	strace $0x90000051  }
0xbc: {  	_ =	sfence  }
0xbd: {  	s30 =	sld [smem:$0x0];
	_ =	sdelay $0x2  }
0xbe: {  	s31 =	sshll.u32 s1, $0xD;
	s1 =	sshrl.u32 s1, $0x2  }
0xbf: {  	s3 =	sand.u32 $0x4000, s31;
	s1 =	sadd.s32 s1, s30  }
0xc0: {  	s0 =	sor.u32 s3, s0;
	s1 =	sshll.u32 s1, $0x11  }
0xc1: {  	s0 =	sor.u32 s1, s0  }
0xc2: {  	s0 =	sadd.s32 $0x8F2B, s0  }
0xc3: {  	[sflag:s0] =	ssyncadd.remote.s32 $0x1  }
0xc4: {  	_ =	sfence.sel $0xFFFF  }
0xc5: {  	[dreg:$0x0] =	wrdreg $0xFFFFFFFF;
	(pc) =	sbr.abs _section_cstart, $3  }
0xc6: {  	[dreg:$0x1] =	wrdreg $0xFFFFFFFF  }
0xc7: {  	_ =	task.clear_ibuf [dreg:s7], $0x2FFFF;
	_ =	strace $0x9FFFFFFF  }
0xc8: {  	(tm) =	ssettm $0x7FFFFFFF  }
0xc9: {  	_ =	shalt  }
tec
execute0_lowered:
.L_overlay_start_1:
0x0: {  	(tag) =	ssettag $0x1  }
0x1: {  	s4 =	rddreg [dreg:$0x0]  }
0x2: {  	s6 =	rddreg [dreg:$0x1]  }
0x3: {  	s0 =	rddreg [dreg:$0x2]  }
0x4: {  	s2 =	simm.s32 $0x0;
	s3 =	srdreg.scid;
	s1 =	stileid.u32  }
0x5: {  	s10 =	simm.s32 $0x8000;
	s11 =	simm.s32 $0xBC00;
	s12 =	simm.s32 $0x1  }
0x6: {  	s13 =	simm.s32 $0xF800;
	s14 =	simm.s32 $0x0;
	[smem:$0x7FF] =	sst s2  }
0x7: {  	s5 =	sand.u32 $0x1, s3;
	s3 =	sadd.s32 $0x274800, s4;
	s8 =	sshll.u32 s1, $0x1  }
0x8: {  	s4 =	sadd.s32 $0x3800, s4;
	s7 =	ssub.s32 $0x2, s5;
	s8 =	sor.u32 s5, s8  }
0x9: {  	s9 =	sshrl.u32 s7, $0x1;
	s5 =	smul.u32 $0x1388, s8;
	s8 =	sshll.u32 s8, $0xC  }
0xa: {  	_ =	strace $0x80000050;
	s7 =	ssub.s32 s7, s9;
	s6 =	sadd.s32 s6, s8  }
0xb: {  	s8 =	simm.s32 $0x2;
	s9 =	simm.s32 $0x78;
	s7 =	smax.u32 s7, $0x1  }
.LBB2_1:
0xc: {  	[tilespmem:s2], [sflag:$0x2] =	stream.linear.gather [hbm4b:s6+s2], $0x7D00, $0x38;
	[tilespmem:$0x10C00] =	vst v63  }
0xd: {  	_ =	swait.ge [sflag:s8], $0x7D00  }
0xe: {  	[sflag:s8] =	ssyncset.done $0x0  }
0xf: {  	s15 =	simm.s32 $0x0;
	[sflag:s8] =	ssyncadd.s32 $0xFFFF8300  }
.LBB2_2:
0x10: {  	s16 =	sshll.u32 s15, $0x8  }
0x11: {  	s16 =	sand.u32 $0x3FFFFF00, s16  }
0x12: {  	[tilespmem:s10], [sflag:$0x1] =	stream.indirect.gather [hbm4b:s3+s9], $0x80, s16, s9, $0xb8;
	[tilespmem:$0x10C00] =	vst v63  }
0x13: {  	s16 =	sor.u32 $0x80, s16  }
0x14: {  	[tilespmem:s11], [sflag:$0x1] =	stream.indirect.gather [hbm4b:s3+s9], $0x80, s16, s9, $0xb8;
	[tilespmem:$0x10C00] =	vst v63  }
0x15: {  	_ =	swait.ge [sflag:s12], $0x3C00  }
0x16: {  	[sflag:s12] =	ssyncset.done $0x0  }
0x17: {  	[sflag:s12] =	ssyncadd.s32 $0xFFFFC400  }
0x18: {  	_ =	swait.ge [sflag:s12], $0x3C00  }
0x19: {  	[sflag:s12] =	ssyncset.done $0x0  }
0x1a: {  	s16 =	simm.s32 $0x8180;
	[sflag:s12] =	ssyncadd.s32 $0xFFFFC400  }
0x1b: {  	v0 =	vld [tilespmem:s16+$0xFFFFFF00]  }
0x1c: {  	v1 =	vld [tilespmem:s16+$0xFFFFFE80];
	_ =	sdelay $0x1  }
0x1d: {  	v2 =	vld [tilespmem:s16+$0xFFFFFF80];
	_ =	sdelay $0x1  }
0x1e: {  	v3 =	vld [tilespmem:s16+$0x0]  }
0x1f: {  	v0 =	vadd.f32 v0, v1  }
0x20: {  	v1 =	vld [tilespmem:s16+$0x80]  }
0x21: {  	v0 =	vadd.f32 v2, v0  }
0x22: {  	v2 =	vld [tilespmem:s16+$0x100]  }
0x23: {  	v0 =	vadd.f32 v3, v0;
	_ =	sdelay $0x1  }
0x24: {  	v0 =	vadd.f32 v1, v0;
	_ =	sdelay $0x1  }
0x25: {  	v0 =	vadd.f32 v2, v0  }
0x26: {  	s17 =	simm.s32 $0x0  }
0x27: {  	[tilespmem:s17+$0xF800] =	vst v0  }
0x28: {  	v0 =	vld [tilespmem:s16+$0xFFFFFE90]  }
0x29: {  	v1 =	vld [tilespmem:s16+$0xFFFFFF10];
	_ =	sdelay $0x1  }
0x2a: {  	v2 =	vld [tilespmem:s16+$0xFFFFFF90];
	_ =	sdelay $0x1  }
0x2b: {  	v3 =	vld [tilespmem:s16+$0x10]  }
0x2c: {  	v0 =	vadd.f32 v1, v0  }
0x2d: {  	v1 =	vld [tilespmem:s16+$0x90]  }
0x2e: {  	v0 =	vadd.f32 v2, v0  }
0x2f: {  	v2 =	vld [tilespmem:s16+$0x110]  }
0x30: {  	v0 =	vadd.f32 v3, v0;
	_ =	sdelay $0x1  }
0x31: {  	v0 =	vadd.f32 v1, v0;
	_ =	sdelay $0x1  }
0x32: {  	v0 =	vadd.f32 v2, v0;
	_ =	sdelay $0x1  }
0x33: {  	[tilespmem:s17+$0xF810] =	vst v0  }
0x34: {  	v0 =	vld [tilespmem:s16+$0xFFFFFEA0]  }
0x35: {  	v1 =	vld [tilespmem:s16+$0xFFFFFF20];
	_ =	sdelay $0x1  }
0x36: {  	v2 =	vld [tilespmem:s16+$0xFFFFFFA0];
	_ =	sdelay $0x1  }
0x37: {  	v3 =	vld [tilespmem:s16+$0x20]  }
0x38: {  	v0 =	vadd.f32 v1, v0  }
0x39: {  	v1 =	vld [tilespmem:s16+$0xA0]  }
0x3a: {  	v0 =	vadd.f32 v2, v0  }
0x3b: {  	v2 =	vld [tilespmem:s16+$0x120]  }
0x3c: {  	v0 =	vadd.f32 v3, v0;
	_ =	sdelay $0x1  }
0x3d: {  	v0 =	vadd.f32 v1, v0;
	_ =	sdelay $0x1  }
0x3e: {  	v0 =	vadd.f32 v2, v0;
	_ =	sdelay $0x1  }
0x3f: {  	[tilespmem:s17+$0xF820] =	vst v0  }
0x40: {  	v0 =	vld [tilespmem:s16+$0xFFFFFEB0]  }
0x41: {  	v1 =	vld [tilespmem:s16+$0xFFFFFF30];
	_ =	sdelay $0x1  }
0x42: {  	v2 =	vld [tilespmem:s16+$0xFFFFFFB0];
	_ =	sdelay $0x1  }
0x43: {  	v3 =	vld [tilespmem:s16+$0x30]  }
0x44: {  	v0 =	vadd.f32 v1, v0  }
0x45: {  	v1 =	vld [tilespmem:s16+$0xB0]  }
0x46: {  	v0 =	vadd.f32 v2, v0  }
0x47: {  	v2 =	vld [tilespmem:s16+$0x130]  }
0x48: {  	v0 =	vadd.f32 v3, v0;
	_ =	sdelay $0x1  }
0x49: {  	v0 =	vadd.f32 v1, v0;
	_ =	sdelay $0x1  }
0x4a: {  	v0 =	vadd.f32 v2, v0;
	_ =	sdelay $0x1  }
0x4b: {  	[tilespmem:s17+$0xF830] =	vst v0  }
0x4c: {  	v0 =	vld [tilespmem:s16+$0xFFFFFEC0]  }
0x4d: {  	v1 =	vld [tilespmem:s16+$0xFFFFFF40];
	_ =	sdelay $0x1  }
0x4e: {  	v2 =	vld [tilespmem:s16+$0xFFFFFFC0];
	_ =	sdelay $0x1  }
0x4f: {  	v3 =	vld [tilespmem:s16+$0x40]  }
0x50: {  	v0 =	vadd.f32 v1, v0  }
0x51: {  	v1 =	vld [tilespmem:s16+$0xC0]  }
0x52: {  	v0 =	vadd.f32 v2, v0  }
0x53: {  	v2 =	vld [tilespmem:s16+$0x140]  }
0x54: {  	v0 =	vadd.f32 v3, v0;
	_ =	sdelay $0x1  }
0x55: {  	v0 =	vadd.f32 v1, v0;
	_ =	sdelay $0x1  }
0x56: {  	v0 =	vadd.f32 v2, v0;
	_ =	sdelay $0x1  }
0x57: {  	[tilespmem:s17+$0xF840] =	vst v0  }
0x58: {  	v0 =	vld [tilespmem:s16+$0xFFFFFED0]  }
0x59: {  	v1 =	vld [tilespmem:s16+$0xFFFFFF50];
	_ =	sdelay $0x1  }
0x5a: {  	v2 =	vld [tilespmem:s16+$0xFFFFFFD0];
	_ =	sdelay $0x1  }
0x5b: {  	v3 =	vld [tilespmem:s16+$0x50]  }
0x5c: {  	v0 =	vadd.f32 v1, v0  }
0x5d: {  	v1 =	vld [tilespmem:s16+$0xD0]  }
0x5e: {  	v0 =	vadd.f32 v2, v0  }
0x5f: {  	v2 =	vld [tilespmem:s16+$0x150]  }
0x60: {  	v0 =	vadd.f32 v3, v0;
	_ =	sdelay $0x1  }
0x61: {  	v0 =	vadd.f32 v1, v0;
	_ =	sdelay $0x1  }
0x62: {  	v0 =	vadd.f32 v2, v0;
	_ =	sdelay $0x1  }
0x63: {  	[tilespmem:s17+$0xF850] =	vst v0  }
0x64: {  	v0 =	vld [tilespmem:s16+$0xFFFFFEE0]  }
0x65: {  	v1 =	vld [tilespmem:s16+$0xFFFFFF60];
	_ =	sdelay $0x1  }
0x66: {  	v2 =	vld [tilespmem:s16+$0xFFFFFFE0];
	_ =	sdelay $0x1  }
0x67: {  	v3 =	vld [tilespmem:s16+$0x60]  }
0x68: {  	v0 =	vadd.f32 v1, v0  }
0x69: {  	v1 =	vld [tilespmem:s16+$0xE0]  }
0x6a: {  	v0 =	vadd.f32 v2, v0  }
0x6b: {  	v2 =	vld [tilespmem:s16+$0x160]  }
0x6c: {  	v0 =	vadd.f32 v3, v0;
	_ =	sdelay $0x1  }
0x6d: {  	v0 =	vadd.f32 v1, v0;
	_ =	sdelay $0x1  }
0x6e: {  	v0 =	vadd.f32 v2, v0;
	_ =	sdelay $0x1  }
0x6f: {  	[tilespmem:s17+$0xF860] =	vst v0  }
0x70: {  	v4 =	vld [tilespmem:s16+$0xFFFFFEF0]  }
0x71: {  	v5 =	vld [tilespmem:s16+$0xFFFFFF70];
	_ =	sdelay $0x1  }
0x72: {  	v3 =	vld [tilespmem:s16+$0xFFFFFFF0]  }
0x73: {  	v2 =	vld [tilespmem:s16+$0x70]  }
0x74: {  	v1 =	vld [tilespmem:s16+$0xF0]  }
0x75: {  	s18 =	simm.s32 $0x200;
	v0 =	vld [tilespmem:s16+$0x170];
	v4 =	vadd.f32 v5, v4  }
.LBB2_3:
0x76: {  	p0 =	sne.s32 s18, $0x4E00  }
0x77: {  	s16 =	sadd.s32 $0x300, s16;
	s19 =	smov.u32 s18;
	s18 =	sadd.s32 $0x200, s18  }
0x78: {  	v3 =	vadd.f32 v3, v4;
	_ =	sdelay $0x1  }
0x79: {  	v2 =	vadd.f32 v2, v3;
	_ =	sdelay $0x1  }
0x7a: {  	v1 =	vadd.f32 v1, v2;
	_ =	sdelay $0x1  }
0x7b: {  	v0 =	vadd.f32 v0, v1;
	_ =	sdelay $0x1  }
0x7c: {  	[tilespmem:s17+$0xF870] =	vst v0  }
0x7d: {  	v0 =	vld [tilespmem:s16+$0xFFFFFF00]  }
0x7e: {  	v1 =	vld [tilespmem:s16+$0xFFFFFE80];
	_ =	sdelay $0x1  }
0x7f: {  	v2 =	vld [tilespmem:s16+$0xFFFFFF80]  }
0x80: {  	v3 =	vld [tilespmem:s16+$0x0];
	_ =	sdelay $0x1  }
0x81: {  	v0 =	vadd.f32 v0, v1  }
0x82: {  	v1 =	vld [tilespmem:s16+$0x80]  }
0x83: {  	v0 =	vadd.f32 v2, v0  }
0x84: {  	v2 =	vld [tilespmem:s16+$0x100]  }
0x85: {  	v0 =	vadd.f32 v3, v0;
	_ =	sdelay $0x1  }
0x86: {  	v0 =	vadd.f32 v1, v0;
	_ =	sdelay $0x1  }
0x87: {  	v0 =	vadd.f32 v2, v0  }
0x88: {  	s17 =	sshra.s32 s19, $0x2  }
0x89: {  	[tilespmem:s17+$0xF800] =	vst v0  }
0x8a: {  	v0 =	vld [tilespmem:s16+$0xFFFFFE90]  }
0x8b: {  	v1 =	vld [tilespmem:s16+$0xFFFFFF10];
	_ =	sdelay $0x1  }
0x8c: {  	v2 =	vld [tilespmem:s16+$0xFFFFFF90];
	_ =	sdelay $0x1  }
0x8d: {  	v3 =	vld [tilespmem:s16+$0x10]  }
0x8e: {  	v0 =	vadd.f32 v1, v0  }
0x8f: {  	v1 =	vld [tilespmem:s16+$0x90]  }
0x90: {  	v0 =	vadd.f32 v2, v0  }
0x91: {  	v2 =	vld [tilespmem:s16+$0x110]  }
0x92: {  	v0 =	vadd.f32 v3, v0;
	_ =	sdelay $0x1  }
0x93: {  	v0 =	vadd.f32 v1, v0;
	_ =	sdelay $0x1  }
0x94: {  	v0 =	vadd.f32 v2, v0;
	_ =	sdelay $0x1  }
0x95: {  	[tilespmem:s17+$0xF810] =	vst v0  }
0x96: {  	v0 =	vld [tilespmem:s16+$0xFFFFFEA0]  }
0x97: {  	v1 =	vld [tilespmem:s16+$0xFFFFFF20];
	_ =	sdelay $0x1  }
0x98: {  	v2 =	vld [tilespmem:s16+$0xFFFFFFA0];
	_ =	sdelay $0x1  }
0x99: {  	v3 =	vld [tilespmem:s16+$0x20]  }
0x9a: {  	v0 =	vadd.f32 v1, v0  }
0x9b: {  	v1 =	vld [tilespmem:s16+$0xA0]  }
0x9c: {  	v0 =	vadd.f32 v2, v0  }
0x9d: {  	v2 =	vld [tilespmem:s16+$0x120]  }
0x9e: {  	v0 =	vadd.f32 v3, v0;
	_ =	sdelay $0x1  }
0x9f: {  	v0 =	vadd.f32 v1, v0;
	_ =	sdelay $0x1  }
0xa0: {  	v0 =	vadd.f32 v2, v0;
	_ =	sdelay $0x1  }
0xa1: {  	[tilespmem:s17+$0xF820] =	vst v0  }
0xa2: {  	v0 =	vld [tilespmem:s16+$0xFFFFFEB0]  }
0xa3: {  	v1 =	vld [tilespmem:s16+$0xFFFFFF30];
	_ =	sdelay $0x1  }
0xa4: {  	v2 =	vld [tilespmem:s16+$0xFFFFFFB0];
	_ =	sdelay $0x1  }
0xa5: {  	v3 =	vld [tilespmem:s16+$0x30]  }
0xa6: {  	v0 =	vadd.f32 v1, v0  }
0xa7: {  	v1 =	vld [tilespmem:s16+$0xB0]  }
0xa8: {  	v0 =	vadd.f32 v2, v0  }
0xa9: {  	v2 =	vld [tilespmem:s16+$0x130]  }
0xaa: {  	v0 =	vadd.f32 v3, v0;
	_ =	sdelay $0x1  }
0xab: {  	v0 =	vadd.f32 v1, v0;
	_ =	sdelay $0x1  }
0xac: {  	v0 =	vadd.f32 v2, v0;
	_ =	sdelay $0x1  }
0xad: {  	[tilespmem:s17+$0xF830] =	vst v0  }
0xae: {  	v0 =	vld [tilespmem:s16+$0xFFFFFEC0]  }
0xaf: {  	v1 =	vld [tilespmem:s16+$0xFFFFFF40];
	_ =	sdelay $0x1  }
0xb0: {  	v2 =	vld [tilespmem:s16+$0xFFFFFFC0];
	_ =	sdelay $0x1  }
0xb1: {  	v3 =	vld [tilespmem:s16+$0x40]  }
0xb2: {  	v0 =	vadd.f32 v1, v0  }
0xb3: {  	v1 =	vld [tilespmem:s16+$0xC0]  }
0xb4: {  	v0 =	vadd.f32 v2, v0  }
0xb5: {  	v2 =	vld [tilespmem:s16+$0x140]  }
0xb6: {  	v0 =	vadd.f32 v3, v0;
	_ =	sdelay $0x1  }
0xb7: {  	v0 =	vadd.f32 v1, v0;
	_ =	sdelay $0x1  }
0xb8: {  	v0 =	vadd.f32 v2, v0;
	_ =	sdelay $0x1  }
0xb9: {  	[tilespmem:s17+$0xF840] =	vst v0  }
0xba: {  	v0 =	vld [tilespmem:s16+$0xFFFFFED0]  }
0xbb: {  	v1 =	vld [tilespmem:s16+$0xFFFFFF50]  }
0xbc: {  	v2 =	vld [tilespmem:s16+$0xFFFFFFD0]  }
0xbd: {  	v3 =	vld [tilespmem:s16+$0x50]  }
0xbe: {  	v4 =	vld [tilespmem:s16+$0xD0]  }
0xbf: {  	v5 =	vld [tilespmem:s16+$0x150]  }
0xc0: {  	v0 =	vadd.f32 v1, v0;
	_ =	sdelay $0x1  }
0xc1: {  	v0 =	vadd.f32 v2, v0;
	_ =	sdelay $0x1  }
0xc2: {  	v0 =	vadd.f32 v3, v0;
	_ =	sdelay $0x1  }
0xc3: {  	v0 =	vadd.f32 v4, v0;
	_ =	sdelay $0x1  }
0xc4: {  	v0 =	vadd.f32 v5, v0;
	_ =	sdelay $0x1  }
0xc5: {  	[tilespmem:s17+$0xF850] =	vst v0  }
0xc6: {  	v0 =	vld [tilespmem:s16+$0xFFFFFEE0]  }
0xc7: {  	v1 =	vld [tilespmem:s16+$0xFFFFFF60]  }
0xc8: {  	v2 =	vld [tilespmem:s16+$0xFFFFFFE0]  }
0xc9: {  	v3 =	vld [tilespmem:s16+$0x60]  }
0xca: {  	v4 =	vld [tilespmem:s16+$0xE0]  }
0xcb: {  	v5 =	vld [tilespmem:s16+$0x160]  }
0xcc: {  	v0 =	vadd.f32 v1, v0;
	_ =	sdelay $0x1  }
0xcd: {  	v0 =	vadd.f32 v2, v0;
	_ =	sdelay $0x1  }
0xce: {  	v0 =	vadd.f32 v3, v0;
	_ =	sdelay $0x1  }
0xcf: {  	v0 =	vadd.f32 v4, v0;
	_ =	sdelay $0x1  }
0xd0: {  	v0 =	vadd.f32 v5, v0;
	_ =	sdelay $0x1  }
0xd1: {  	[tilespmem:s17+$0xF860] =	vst v0  }
0xd2: {  	v4 =	vld [tilespmem:s16+$0xFFFFFEF0]  }
0xd3: {  	v5 =	vld [tilespmem:s16+$0xFFFFFF70]  }
.Ltmp0:
0xd4: {  	v3 =	vld [tilespmem:s16+$0xFFFFFFF0];
	(pc) =	sbr.rel @p0 .LBB2_3-.Ltmp0, $4  }
0xd5: {  	v2 =	vld [tilespmem:s16+$0x70]  }
0xd6: {  	v1 =	vld [tilespmem:s16+$0xF0]  }
0xd7: {  	v0 =	vld [tilespmem:s16+$0x170]  }
0xd8: {  	v4 =	vadd.f32 v5, v4  }
0xd9: {  	_ = 	snop  }
0xda: {  	v3 =	vadd.f32 v3, v4;
	_ =	sdelay $0x1  }
0xdb: {  	v2 =	vadd.f32 v2, v3;
	_ =	sdelay $0x1  }
0xdc: {  	s16 =	smul.u32 $0x28, s15;
	v1 =	vadd.f32 v1, v2;
	_ =	sdelay $0x1  }
0xdd: {  	s15 =	sadd.s32 $0x1, s15;
	s16 =	sadd.s32 s5, s16;
	v0 =	vadd.f32 v0, v1  }
0xde: {  	p0 =	sne.s32 s15, $0x7D;
	s16 =	sshll.u32 s16, $0x4  }
.Ltmp1:
0xdf: {  	s16 =	sadd.s32 s4, s16;
	[tilespmem:s17+$0xF870] =	vst v0;
	(pc) =	sbr.rel @p0 .LBB2_2-.Ltmp1, $4  }
0xe0: {  	[hbm4b:s16+s2] =	stream.linear.scatter [tilespmem:s13], [sflag:$0x2], $0x1400, $0x38;
	[tilespmem:$0x10C00] =	vst v63  }
0xe1: {  	_ =	swait.ge [sflag:s8], $0x1400  }
0xe2: {  	[sflag:s8] =	ssyncset.done $0x0  }
0xe3: {  	[sflag:s8] =	ssyncadd.s32 $0xFFFFEC00  }
0xe4: {  	s14 =	sadd.s32 $0x1, s14  }
0xe5: {  	p0 =	sne.s32 s14, s7  }
.Ltmp2:
0xe6: {  	_ = 	snop;
	(pc) =	sbr.rel @p0 .LBB2_1-.Ltmp2, $1  }
0xe7: {  	_ =	sdelay $0x3  }
0xe8: {  	_ =	sfence.sel $0x180000  }
0xe9: {  	[bflag:$0x0] =	sbarrier.arrive $0xFFFF  }
0xea: {  	p0 =	sne.s32 s1, $0x0;
	_ =	strace $0x90000050  }
0xeb: {  	s0 =	sadd.s32 @!p0 $0x100000, s0;
	[bflag:$0x2] =	sbarrier.arrive $0xFFFF  }
0xec: {  	[sflag:s0] =	ssyncadd.tile.s32 @!p0 $0x1;
	_ =	shalt  }
.Lfunc_end2:
_tile_overlayer_lowered:
.L_overlay_start_2:
0xed: {  	(tag) =	ssettag $0x2  }
0xee: {  	s0 =	rddreg [dreg:$0x0];
	s2 =	stileid.u32  }
0xef: {  	s1 =	rddreg [dreg:$0x1];
	p0 =	sne.s32 s2, $0x0  }
0xf0: {  	s3 =	rddreg [dreg:$0x2];
	[bflag:$0x3] =	sbarrier.arrive $0xFFFF;
	s2 =	simm.s32 @!p0 $0x1C02  }
0xf1: {  	[timem:s3], [sflag:s2] =	dma.local @!p0 [hbm:s0], s1  }
0xf2: {  	s0 =	simm.s32 @!p0 $0x2  }
0xf3: {  	_ =	swait.ge @!p0 [sflag:s0], s1  }
0xf4: {  	s1 =	ssub.s32 @!p0 $0x0, s1;
	[sflag:s0] =	ssyncset.done @!p0 $0x0  }
0xf5: {  	[sflag:s0] =	ssyncadd.s32 @!p0 s1  }
0xf6: {  	[bflag:$0x3] =	sbarrier.arrive $0xFFFF  }
0xf7: {  	_ =	shalt  }

// kernel: sc_gather_sum_160000.6.cloned.1.call-start
scs
__scs_entry_jumppad:
0x0: {  	(pc) =	sbr.rel $0x88, $3  }
0x1: {  	(tag) =	ssettag $0x0;
	lr =	simm.s32 $0x1  }
0x2: {  	[smem:$0x3F95] =	sst lr;
	_ =	strace $0xD0000000  }
0x3: {  	_ = 	snop  }
0x4: {  	_ = 	snop  }
0x5: {  	_ = 	snop  }
0x6: {  	_ = 	snop  }
0x7: {  	_ = 	snop  }
__scs_overlays_trampoline_lowered:
0x8: {  	[smem:$0x3FA4] =	sst s0  }
0x9: {  	[smem:$0x3FA5] =	sst s1  }
0xa: {  	[smem:$0x3FA6] =	sst s2  }
0xb: {  	[smem:$0x3FA7] =	sst s3  }
0xc: {  	[smem:$0x3FA8] =	sst s4  }
0xd: {  	[smem:$0x3FA9] =	sst s5  }
0xe: {  	[smem:$0x3FAA] =	sst s6  }
0xf: {  	[smem:$0x3FAB] =	sst s7  }
0x10: {  	[smem:$0x3FAC] =	sst s8  }
0x11: {  	[smem:$0x3FAD] =	sst s9;
	s0 =	simm.s32 @!p0 $0x0  }
0x12: {  	s1 =	sld [smem:$0x3F93];
	s0 =	simm.s32 @p0 $0x1  }
0x13: {  	[smem:$0x3FAE] =	sst s0;
	s0 =	simm.s32 @!p1 $0x0  }
0x14: {  	s2 =	sld [smem:$0x3F92];
	s0 =	simm.s32 @p1 $0x1  }
0x15: {  	[smem:$0x3FAF] =	sst s0;
	s0 =	simm.s32 @!p2 $0x0  }
0x16: {  	s3 =	sld [smem:$0x3FDB];
	s0 =	simm.s32 @p2 $0x1  }
0x17: {  	s4 =	simm.s32 $0x1BF5;
	[smem:$0x3FB1] =	sst s0  }
0x18: {  	s0 =	sld [smem:$0x3F94];
	_ =	swait.ge [sflag:s4], $0x0  }
0x19: {  	s7 =	sld [smem:$0x3F95]  }
0x1a: {  	s8 =	sadd.s32 $0xFFFFE003, lr  }
0x1b: {  	s9 =	sadd.s32 $0xFFFFFEF7, lr;
	s5 =	simm.s32 $0xFFFFFFFF;
	p2 =	slt.u32 s8, $0xFFFFF086  }
0x1c: {  	p1 =	slt.u32 s9, $0xF7A;
	s5 =	simm.s32 @!p2 $0x0  }
0x1d: {  	s5 =	simm.s32 @p1 $0x1;
	p0 =	seq.s32 s7, s2  }
0x1e: {  	s7 =	smul.u32 @!p0 $0xF7A, s2;
	p2 =	seq.s32 @!p0 s5, $0x0  }
0x1f: {  	s9 =	smul.u32 $0xF7A, s1;
	s8 =	simm.s32 @!p0 $0x1BF5;
	p2 =	por !p2, p0  }
0x20: {  	[sflag:s8] =	ssyncset.s32 @!p0 $0xFFFFF086;
	s6 =	sadd.s32 @!p0 s3, s7;
	s7 =	simm.s32 @!p0 $0x108  }
0x21: {  	s3 =	sadd.s32 s3, s9;
	s6 =	sadd.s32 @!p0 $0x88, s6;
	s7 =	simm.s32 @p2 $0x1082  }
0x22: {  	[simem:s7], [sflag:s8] =	dma.local @!p0 [hbm:s6], $0xF7A  }
0x23: {  	s9 =	sor.u32 $0xD0000000, s2;
	s6 =	simm.s32 $0x108;
	_ =	swait.ge @!p0 [sflag:s8], $0x0  }
0x24: {  	s3 =	sadd.s32 $0x88, s3;
	s6 =	simm.s32 @!p1 $0x1082;
	[sflag:s4] =	ssyncset.s32 $0xFFFFF086  }
0x25: {  	[simem:s6], [sflag:s4] =	dma.local [hbm:s3], $0xF7A  }
0x26: {  	[smem:$0x3F95] =	sst s1;
	(tag) =	ssettag s2;
	_ =	strace s9  }
0x27: {  	s1 =	sld [smem:$0x3FA5]  }
0x28: {  	s2 =	sld [smem:$0x3FA6]  }
0x29: {  	s4 =	sld [smem:$0x3FA8]  }
0x2a: {  	p0 =	seq.s32 s5, $0x0;
	s5 =	sld [smem:$0x3FA9]  }
0x2b: {  	s6 =	sld [smem:$0x3FAA]  }
0x2c: {  	s7 =	sld [smem:$0x3FAB]  }
0x2d: {  	s3 =	simm.s32 $0x108;
	s8 =	sld [smem:$0x3FAC]  }
0x2e: {  	s3 =	simm.s32 @!p0 $0x1082;
	s9 =	sld [smem:$0x3FAD]  }
0x2f: {  	lr =	sadd.s32 s0, s3;
	s0 =	sld [smem:$0x3FA4]  }
0x30: {  	s3 =	sld [smem:$0x3FA7]  }
0x31: {  	[smem:$0x3FB0] =	sst s10  }
0x32: {  	s10 =	sld [smem:$0x3FAE];
	_ =	sdelay $0x3  }
0x33: {  	p0 =	seq.s32 s10, $0x1;
	s10 =	sld [smem:$0x3FB0];
	_ =	sdelay $0x3  }
0x34: {  	[smem:$0x3FB0] =	sst s10  }
0x35: {  	s10 =	sld [smem:$0x3FAF];
	_ =	sdelay $0x3  }
0x36: {  	p1 =	seq.s32 s10, $0x1;
	s10 =	sld [smem:$0x3FB0];
	_ =	sdelay $0x3  }
0x37: {  	[smem:$0x3FB0] =	sst s10  }
0x38: {  	s10 =	sld [smem:$0x3FB1]  }
0x39: {  	_ = 	snop;
	(pc) =	sbr.ind lr, $3  }
0x3a: {  	_ = 	snop  }
0x3b: {  	_ = 	snop  }
0x3c: {  	p2 =	seq.s32 s10, $0x1;
	s10 =	sld [smem:$0x3FB0]  }
0x3d: {  	_ =	shalt  }
0x3e: {  	_ =	shalt  }
0x3f: {  	_ =	shalt  }
0x40: {  	_ =	shalt  }
0x41: {  	_ =	shalt  }
0x42: {  	_ =	shalt  }
0x43: {  	_ =	shalt  }
0x44: {  	_ =	shalt  }
0x45: {  	_ =	shalt  }
0x46: {  	_ =	shalt  }
0x47: {  	_ =	shalt  }
0x48: {  	_ =	shalt  }
0x49: {  	_ =	shalt  }
0x4a: {  	_ =	shalt  }
0x4b: {  	_ =	shalt  }
0x4c: {  	_ =	shalt  }
0x4d: {  	_ =	shalt  }
0x4e: {  	_ =	shalt  }
0x4f: {  	_ =	shalt  }
0x50: {  	_ =	shalt  }
0x51: {  	_ =	shalt  }
0x52: {  	_ =	shalt  }
0x53: {  	_ =	shalt  }
0x54: {  	_ =	shalt  }
0x55: {  	_ =	shalt  }
0x56: {  	_ =	shalt  }
0x57: {  	_ =	shalt  }
0x58: {  	_ =	shalt  }
0x59: {  	_ =	shalt  }
0x5a: {  	_ =	shalt  }
0x5b: {  	_ =	shalt  }
0x5c: {  	_ =	shalt  }
0x5d: {  	_ =	shalt  }
0x5e: {  	_ =	shalt  }
0x5f: {  	_ =	shalt  }
0x60: {  	_ =	shalt  }
0x61: {  	_ =	shalt  }
0x62: {  	_ =	shalt  }
0x63: {  	_ =	shalt  }
0x64: {  	_ =	shalt  }
0x65: {  	_ =	shalt  }
0x66: {  	_ =	shalt  }
0x67: {  	_ =	shalt  }
0x68: {  	_ =	shalt  }
0x69: {  	_ =	shalt  }
0x6a: {  	_ =	shalt  }
0x6b: {  	_ =	shalt  }
0x6c: {  	_ =	shalt  }
0x6d: {  	_ =	shalt  }
0x6e: {  	_ =	shalt  }
0x6f: {  	_ =	shalt  }
0x70: {  	_ =	shalt  }
0x71: {  	_ =	shalt  }
0x72: {  	_ =	shalt  }
0x73: {  	_ =	shalt  }
0x74: {  	_ =	shalt  }
0x75: {  	_ =	shalt  }
0x76: {  	_ =	shalt  }
0x77: {  	_ =	shalt  }
0x78: {  	_ =	shalt  }
0x79: {  	_ =	shalt  }
0x7a: {  	_ =	shalt  }
0x7b: {  	_ =	shalt  }
0x7c: {  	_ =	shalt  }
0x7d: {  	_ =	shalt  }
0x7e: {  	_ =	shalt  }
0x7f: {  	_ =	shalt  }
0x80: {  	_ =	shalt  }
0x81: {  	_ =	shalt  }
0x82: {  	_ =	shalt  }
0x83: {  	_ =	shalt  }
0x84: {  	_ =	shalt  }
0x85: {  	_ =	shalt  }
0x86: {  	_ =	shalt  }
0x87: {  	_ =	shalt  }
.Lfunc_end0:
.L_simem_size_0:
called_computation_lowered:
.L_overlay_start_0:
0x88: {  	s2 =	sld [smem:$0x3FD9]  }
0x89: {  	s3 =	sld [smem:$0x3FFE];
	_ =	sdelay $0x1  }
0x8a: {  	s1 =	srdreg.scid  }
0x8b: {  	s0 =	sand.u32 $0x1, s1  }
0x8c: {  	s14 =	sshll.u32 s0, $0xA;
	s2 =	sadd.s32 s3, s2  }
0x8d: {  	s2 =	sadd.s32 s2, s14  }
0x8e: {  	[smem:$0x3FBC] =	sst s2  }
0x8f: {  	_ = 	snop  }
0x90: {  	s2 =	sld [smem:$0x3FD0];
	_ =	sdelay $0x2  }
0x91: {  	s15 =	simm.s32 $0xA;
	s4 =	simm.s32 $0x10  }
0x92: {  	[smem:s4], [sflag:s15] =	dma.local [hbm:s2], $0x1  }
0x93: {  	_ =	swait.eq [sflag:s15], $0x1  }
0x94: {  	[sflag:s15] =	ssyncset.done $0x0  }
0x95: {  	[sflag:s15] =	ssyncadd.s32 $0xFFFFFFFF  }
0x96: {  	s16 =	sld [smem:$0x10];
	(tm) =	ssettm $0x1  }
0x97: {  	s17 =	sld [smem:$0x3FFB];
	_ =	sdelay $0x3  }
0x98: {  	_ =	strace s17  }
0x99: {  	s3 =	sld [smem:$0x3FFC];
	_ =	sdelay $0x3  }
0x9a: {  	_ =	strace s3  }
0x9b: {  	s3 =	sld [smem:$0x3FFD];
	_ =	sdelay $0x3  }
0x9c: {  	_ =	strace s3  }
0x9d: {  	_ =	strace $0x8FFFFFFF  }
0x9e: {  	s18 =	sld [smem:$0x3FDB];
	_ =	sdelay $0x1  }
0x9f: {  	s19 =	simm.s32 $_scs_section_size  }
0xa0: {  	s5 =	simm.s32 $_size__tile_overlayer_lowered;
	s6 =	simm.s32 $_tile_overlayer_lowered  }
0xa1: {  	s22 =	simm.s32 $0x1BFF;
	s21 =	sshll.u32 s6, $0x1;
	s3 =	sadd.s32 s19, s18  }
0xa2: {  	s7 =	simm.s32 $0x0;
	s20 =	sshll.u32 s5, $0x1;
	s5 =	sadd.s32 s21, s3  }
0xa3: {  	[timem:s7], [sflag:s22] =	dma.local [hbm:s5], s20  }
0xa4: {  	_ =	swait.ge [sflag:s22], s20  }
0xa5: {  	s4 =	ssub.s32 $0x0, s20;
	[sflag:s22] =	ssyncset.done $0x0  }
0xa6: {  	[sflag:s22] =	ssyncadd.s32 s4;
	_ =	sdelay $0x1  }
0xa7: {  	s23 =	simm.s32 $0x1B8B  }
0xa8: {  	_ =	swait.ge [sflag:s23], $0x1  }
0xa9: {  	[sflag:s23] =	ssyncset.done $0x0  }
0xaa: {  	s25 =	simm.s32 $0x1B8E;
	s24 =	sld [smem:$0x3FFE];
	[sflag:s23] =	ssyncadd.s32 $0xFFFFFFFF  }
0xab: {  	s26 =	simm.s32 $execute0_lowered;
	[smem:$0x3FD2] =	sst s25  }
0xac: {  	s5 =	sshll.u32 s26, $0x1;
	_ =	strace $0x80000046;
	[dreg:$0x1] =	wrdreg $0xFFFFFFFF  }
0xad: {  	s28 =	simm.s32 $_size_execute0_lowered;
	s3 =	sadd.s32 s3, s5;
	[dreg:$0x0] =	wrdreg $0x0  }
0xae: {  	s5 =	sshll.u32 s28, $0x1;
	[dreg:$0x2] =	wrdreg s3  }
0xaf: {  	[dreg:$0x3] =	wrdreg s5  }
0xb0: {  	[dreg:$0x4] =	wrdreg $0xC0  }
0xb1: {  	_ =	task [dreg:s7], $0x5FFFF  }
0xb2: {  	[dreg:$0x1] =	wrdreg $0xFFFFFFFF  }
0xb3: {  	[dreg:$0x0] =	wrdreg $0x60  }
0xb4: {  	[dreg:$0x2] =	wrdreg s24  }
0xb5: {  	[dreg:$0x3] =	wrdreg s16  }
0xb6: {  	[dreg:$0x4] =	wrdreg $0x9  }
0xb7: {  	_ =	task.clear_ibuf [dreg:s7], $0x5FFFF;
	_ =	strace $0x90000046  }
0xb8: {  	s29 =	simm.s32 $0x9;
	_ =	strace $0x80000048  }
0xb9: {  	_ =	swait.ge [sflag:s29], $0x1  }
0xba: {  	[sflag:s29] =	ssyncadd.s32 $0xFFFFFFFF  }
0xbb: {  	_ =	strace $0x90000048  }
0xbc: {  	_ =	sfence  }
0xbd: {  	s30 =	sld [smem:$0x0];
	_ =	sdelay $0x2  }
0xbe: {  	s31 =	sshll.u32 s1, $0xD;
	s1 =	sshrl.u32 s1, $0x2  }
0xbf: {  	s3 =	sand.u32 $0x4000, s31;
	s1 =	sadd.s32 s1, s30  }
0xc0: {  	s0 =	sor.u32 s3, s0;
	s1 =	sshll.u32 s1, $0x11  }
0xc1: {  	s0 =	sor.u32 s1, s0  }
0xc2: {  	s0 =	sadd.s32 $0x8F2B, s0  }
0xc3: {  	[sflag:s0] =	ssyncadd.remote.s32 $0x1  }
0xc4: {  	_ =	sfence.sel $0xFFFF  }
0xc5: {  	[dreg:$0x0] =	wrdreg $0xFFFFFFFF;
	(pc) =	sbr.abs _section_cstart, $3  }
0xc6: {  	[dreg:$0x1] =	wrdreg $0xFFFFFFFF  }
0xc7: {  	_ =	task.clear_ibuf [dreg:s7], $0x2FFFF;
	_ =	strace $0x9FFFFFFF  }
0xc8: {  	(tm) =	ssettm $0x7FFFFFFF  }
0xc9: {  	_ =	shalt  }
tec
execute0_lowered:
.L_overlay_start_1:
0x0: {  	(tag) =	ssettag $0x1  }
0x1: {  	s4 =	rddreg [dreg:$0x0]  }
0x2: {  	s6 =	rddreg [dreg:$0x1]  }
0x3: {  	s0 =	rddreg [dreg:$0x2]  }
0x4: {  	s2 =	simm.s32 $0x0;
	s3 =	srdreg.scid;
	s1 =	stileid.u32  }
0x5: {  	s10 =	simm.s32 $0x8000;
	s11 =	simm.s32 $0xBC00;
	s12 =	simm.s32 $0x1  }
0x6: {  	s13 =	simm.s32 $0xF800;
	s14 =	simm.s32 $0x0;
	[smem:$0x7FF] =	sst s2  }
0x7: {  	s5 =	sand.u32 $0x1, s3;
	s3 =	sadd.s32 $0x4E5800, s4;
	s8 =	sshll.u32 s1, $0x1  }
0x8: {  	s4 =	sadd.s32 $0x3800, s4;
	s7 =	ssub.s32 $0x2, s5;
	s8 =	sor.u32 s5, s8  }
0x9: {  	s9 =	sshrl.u32 s7, $0x1;
	s5 =	smul.u32 $0x1388, s8;
	s8 =	sshll.u32 s8, $0xC  }
0xa: {  	_ =	strace $0x80000047;
	s7 =	ssub.s32 s7, s9;
	s6 =	sadd.s32 s6, s8  }
0xb: {  	s8 =	simm.s32 $0x2;
	s9 =	simm.s32 $0x78;
	s7 =	smax.u32 s7, $0x1  }
.LBB2_1:
0xc: {  	[tilespmem:s2], [sflag:$0x2] =	stream.linear.gather [hbm4b:s6+s2], $0x7D00, $0x38;
	[tilespmem:$0x10C00] =	vst v63  }
0xd: {  	_ =	swait.ge [sflag:s8], $0x7D00  }
0xe: {  	[sflag:s8] =	ssyncset.done $0x0  }
0xf: {  	s15 =	simm.s32 $0x0;
	[sflag:s8] =	ssyncadd.s32 $0xFFFF8300  }
.LBB2_2:
0x10: {  	s16 =	sshll.u32 s15, $0x8  }
0x11: {  	s16 =	sand.u32 $0x3FFFFF00, s16  }
0x12: {  	[tilespmem:s10], [sflag:$0x1] =	stream.indirect.gather [hbm4b:s3+s9], $0x80, s16, s9, $0xb8;
	[tilespmem:$0x10C00] =	vst v63  }
0x13: {  	s16 =	sor.u32 $0x80, s16  }
0x14: {  	[tilespmem:s11], [sflag:$0x1] =	stream.indirect.gather [hbm4b:s3+s9], $0x80, s16, s9, $0xb8;
	[tilespmem:$0x10C00] =	vst v63  }
0x15: {  	_ =	swait.ge [sflag:s12], $0x3C00  }
0x16: {  	[sflag:s12] =	ssyncset.done $0x0  }
0x17: {  	[sflag:s12] =	ssyncadd.s32 $0xFFFFC400  }
0x18: {  	_ =	swait.ge [sflag:s12], $0x3C00  }
0x19: {  	[sflag:s12] =	ssyncset.done $0x0  }
0x1a: {  	s16 =	simm.s32 $0x8180;
	[sflag:s12] =	ssyncadd.s32 $0xFFFFC400  }
0x1b: {  	v0 =	vld [tilespmem:s16+$0xFFFFFF00]  }
0x1c: {  	v1 =	vld [tilespmem:s16+$0xFFFFFE80];
	_ =	sdelay $0x1  }
0x1d: {  	v2 =	vld [tilespmem:s16+$0xFFFFFF80];
	_ =	sdelay $0x1  }
0x1e: {  	v3 =	vld [tilespmem:s16+$0x0]  }
0x1f: {  	v0 =	vadd.f32 v0, v1  }
0x20: {  	v1 =	vld [tilespmem:s16+$0x80]  }
0x21: {  	v0 =	vadd.f32 v2, v0  }
0x22: {  	v2 =	vld [tilespmem:s16+$0x100]  }
0x23: {  	v0 =	vadd.f32 v3, v0;
	_ =	sdelay $0x1  }
0x24: {  	v0 =	vadd.f32 v1, v0;
	_ =	sdelay $0x1  }
0x25: {  	v0 =	vadd.f32 v2, v0  }
0x26: {  	s17 =	simm.s32 $0x0  }
0x27: {  	[tilespmem:s17+$0xF800] =	vst v0  }
0x28: {  	v0 =	vld [tilespmem:s16+$0xFFFFFE90]  }
0x29: {  	v1 =	vld [tilespmem:s16+$0xFFFFFF10];
	_ =	sdelay $0x1  }
0x2a: {  	v2 =	vld [tilespmem:s16+$0xFFFFFF90];
	_ =	sdelay $0x1  }
0x2b: {  	v3 =	vld [tilespmem:s16+$0x10]  }
0x2c: {  	v0 =	vadd.f32 v1, v0  }
0x2d: {  	v1 =	vld [tilespmem:s16+$0x90]  }
0x2e: {  	v0 =	vadd.f32 v2, v0  }
0x2f: {  	v2 =	vld [tilespmem:s16+$0x110]  }
0x30: {  	v0 =	vadd.f32 v3, v0;
	_ =	sdelay $0x1  }
0x31: {  	v0 =	vadd.f32 v1, v0;
	_ =	sdelay $0x1  }
0x32: {  	v0 =	vadd.f32 v2, v0;
	_ =	sdelay $0x1  }
0x33: {  	[tilespmem:s17+$0xF810] =	vst v0  }
0x34: {  	v0 =	vld [tilespmem:s16+$0xFFFFFEA0]  }
0x35: {  	v1 =	vld [tilespmem:s16+$0xFFFFFF20];
	_ =	sdelay $0x1  }
0x36: {  	v2 =	vld [tilespmem:s16+$0xFFFFFFA0];
	_ =	sdelay $0x1  }
0x37: {  	v3 =	vld [tilespmem:s16+$0x20]  }
0x38: {  	v0 =	vadd.f32 v1, v0  }
0x39: {  	v1 =	vld [tilespmem:s16+$0xA0]  }
0x3a: {  	v0 =	vadd.f32 v2, v0  }
0x3b: {  	v2 =	vld [tilespmem:s16+$0x120]  }
0x3c: {  	v0 =	vadd.f32 v3, v0;
	_ =	sdelay $0x1  }
0x3d: {  	v0 =	vadd.f32 v1, v0;
	_ =	sdelay $0x1  }
0x3e: {  	v0 =	vadd.f32 v2, v0;
	_ =	sdelay $0x1  }
0x3f: {  	[tilespmem:s17+$0xF820] =	vst v0  }
0x40: {  	v0 =	vld [tilespmem:s16+$0xFFFFFEB0]  }
0x41: {  	v1 =	vld [tilespmem:s16+$0xFFFFFF30];
	_ =	sdelay $0x1  }
0x42: {  	v2 =	vld [tilespmem:s16+$0xFFFFFFB0];
	_ =	sdelay $0x1  }
0x43: {  	v3 =	vld [tilespmem:s16+$0x30]  }
0x44: {  	v0 =	vadd.f32 v1, v0  }
0x45: {  	v1 =	vld [tilespmem:s16+$0xB0]  }
0x46: {  	v0 =	vadd.f32 v2, v0  }
0x47: {  	v2 =	vld [tilespmem:s16+$0x130]  }
0x48: {  	v0 =	vadd.f32 v3, v0;
	_ =	sdelay $0x1  }
0x49: {  	v0 =	vadd.f32 v1, v0;
	_ =	sdelay $0x1  }
0x4a: {  	v0 =	vadd.f32 v2, v0;
	_ =	sdelay $0x1  }
0x4b: {  	[tilespmem:s17+$0xF830] =	vst v0  }
0x4c: {  	v0 =	vld [tilespmem:s16+$0xFFFFFEC0]  }
0x4d: {  	v1 =	vld [tilespmem:s16+$0xFFFFFF40];
	_ =	sdelay $0x1  }
0x4e: {  	v2 =	vld [tilespmem:s16+$0xFFFFFFC0];
	_ =	sdelay $0x1  }
0x4f: {  	v3 =	vld [tilespmem:s16+$0x40]  }
0x50: {  	v0 =	vadd.f32 v1, v0  }
0x51: {  	v1 =	vld [tilespmem:s16+$0xC0]  }
0x52: {  	v0 =	vadd.f32 v2, v0  }
0x53: {  	v2 =	vld [tilespmem:s16+$0x140]  }
0x54: {  	v0 =	vadd.f32 v3, v0;
	_ =	sdelay $0x1  }
0x55: {  	v0 =	vadd.f32 v1, v0;
	_ =	sdelay $0x1  }
0x56: {  	v0 =	vadd.f32 v2, v0;
	_ =	sdelay $0x1  }
0x57: {  	[tilespmem:s17+$0xF840] =	vst v0  }
0x58: {  	v0 =	vld [tilespmem:s16+$0xFFFFFED0]  }
0x59: {  	v1 =	vld [tilespmem:s16+$0xFFFFFF50];
	_ =	sdelay $0x1  }
0x5a: {  	v2 =	vld [tilespmem:s16+$0xFFFFFFD0];
	_ =	sdelay $0x1  }
0x5b: {  	v3 =	vld [tilespmem:s16+$0x50]  }
0x5c: {  	v0 =	vadd.f32 v1, v0  }
0x5d: {  	v1 =	vld [tilespmem:s16+$0xD0]  }
0x5e: {  	v0 =	vadd.f32 v2, v0  }
0x5f: {  	v2 =	vld [tilespmem:s16+$0x150]  }
0x60: {  	v0 =	vadd.f32 v3, v0;
	_ =	sdelay $0x1  }
0x61: {  	v0 =	vadd.f32 v1, v0;
	_ =	sdelay $0x1  }
0x62: {  	v0 =	vadd.f32 v2, v0;
	_ =	sdelay $0x1  }
0x63: {  	[tilespmem:s17+$0xF850] =	vst v0  }
0x64: {  	v0 =	vld [tilespmem:s16+$0xFFFFFEE0]  }
0x65: {  	v1 =	vld [tilespmem:s16+$0xFFFFFF60];
	_ =	sdelay $0x1  }
0x66: {  	v2 =	vld [tilespmem:s16+$0xFFFFFFE0];
	_ =	sdelay $0x1  }
0x67: {  	v3 =	vld [tilespmem:s16+$0x60]  }
0x68: {  	v0 =	vadd.f32 v1, v0  }
0x69: {  	v1 =	vld [tilespmem:s16+$0xE0]  }
0x6a: {  	v0 =	vadd.f32 v2, v0  }
0x6b: {  	v2 =	vld [tilespmem:s16+$0x160]  }
0x6c: {  	v0 =	vadd.f32 v3, v0;
	_ =	sdelay $0x1  }
0x6d: {  	v0 =	vadd.f32 v1, v0;
	_ =	sdelay $0x1  }
0x6e: {  	v0 =	vadd.f32 v2, v0;
	_ =	sdelay $0x1  }
0x6f: {  	[tilespmem:s17+$0xF860] =	vst v0  }
0x70: {  	v4 =	vld [tilespmem:s16+$0xFFFFFEF0]  }
0x71: {  	v5 =	vld [tilespmem:s16+$0xFFFFFF70];
	_ =	sdelay $0x1  }
0x72: {  	v3 =	vld [tilespmem:s16+$0xFFFFFFF0]  }
0x73: {  	v2 =	vld [tilespmem:s16+$0x70]  }
0x74: {  	v1 =	vld [tilespmem:s16+$0xF0]  }
0x75: {  	s18 =	simm.s32 $0x200;
	v0 =	vld [tilespmem:s16+$0x170];
	v4 =	vadd.f32 v5, v4  }
.LBB2_3:
0x76: {  	p0 =	sne.s32 s18, $0x4E00  }
0x77: {  	s16 =	sadd.s32 $0x300, s16;
	s19 =	smov.u32 s18;
	s18 =	sadd.s32 $0x200, s18  }
0x78: {  	v3 =	vadd.f32 v3, v4;
	_ =	sdelay $0x1  }
0x79: {  	v2 =	vadd.f32 v2, v3;
	_ =	sdelay $0x1  }
0x7a: {  	v1 =	vadd.f32 v1, v2;
	_ =	sdelay $0x1  }
0x7b: {  	v0 =	vadd.f32 v0, v1;
	_ =	sdelay $0x1  }
0x7c: {  	[tilespmem:s17+$0xF870] =	vst v0  }
0x7d: {  	v0 =	vld [tilespmem:s16+$0xFFFFFF00]  }
0x7e: {  	v1 =	vld [tilespmem:s16+$0xFFFFFE80];
	_ =	sdelay $0x1  }
0x7f: {  	v2 =	vld [tilespmem:s16+$0xFFFFFF80]  }
0x80: {  	v3 =	vld [tilespmem:s16+$0x0];
	_ =	sdelay $0x1  }
0x81: {  	v0 =	vadd.f32 v0, v1  }
0x82: {  	v1 =	vld [tilespmem:s16+$0x80]  }
0x83: {  	v0 =	vadd.f32 v2, v0  }
0x84: {  	v2 =	vld [tilespmem:s16+$0x100]  }
0x85: {  	v0 =	vadd.f32 v3, v0;
	_ =	sdelay $0x1  }
0x86: {  	v0 =	vadd.f32 v1, v0;
	_ =	sdelay $0x1  }
0x87: {  	v0 =	vadd.f32 v2, v0  }
0x88: {  	s17 =	sshra.s32 s19, $0x2  }
0x89: {  	[tilespmem:s17+$0xF800] =	vst v0  }
0x8a: {  	v0 =	vld [tilespmem:s16+$0xFFFFFE90]  }
0x8b: {  	v1 =	vld [tilespmem:s16+$0xFFFFFF10];
	_ =	sdelay $0x1  }
0x8c: {  	v2 =	vld [tilespmem:s16+$0xFFFFFF90];
	_ =	sdelay $0x1  }
0x8d: {  	v3 =	vld [tilespmem:s16+$0x10]  }
0x8e: {  	v0 =	vadd.f32 v1, v0  }
0x8f: {  	v1 =	vld [tilespmem:s16+$0x90]  }
0x90: {  	v0 =	vadd.f32 v2, v0  }
0x91: {  	v2 =	vld [tilespmem:s16+$0x110]  }
0x92: {  	v0 =	vadd.f32 v3, v0;
	_ =	sdelay $0x1  }
0x93: {  	v0 =	vadd.f32 v1, v0;
	_ =	sdelay $0x1  }
0x94: {  	v0 =	vadd.f32 v2, v0;
	_ =	sdelay $0x1  }
0x95: {  	[tilespmem:s17+$0xF810] =	vst v0  }
0x96: {  	v0 =	vld [tilespmem:s16+$0xFFFFFEA0]  }
0x97: {  	v1 =	vld [tilespmem:s16+$0xFFFFFF20];
	_ =	sdelay $0x1  }
0x98: {  	v2 =	vld [tilespmem:s16+$0xFFFFFFA0];
	_ =	sdelay $0x1  }
0x99: {  	v3 =	vld [tilespmem:s16+$0x20]  }
0x9a: {  	v0 =	vadd.f32 v1, v0  }
0x9b: {  	v1 =	vld [tilespmem:s16+$0xA0]  }
0x9c: {  	v0 =	vadd.f32 v2, v0  }
0x9d: {  	v2 =	vld [tilespmem:s16+$0x120]  }
0x9e: {  	v0 =	vadd.f32 v3, v0;
	_ =	sdelay $0x1  }
0x9f: {  	v0 =	vadd.f32 v1, v0;
	_ =	sdelay $0x1  }
0xa0: {  	v0 =	vadd.f32 v2, v0;
	_ =	sdelay $0x1  }
0xa1: {  	[tilespmem:s17+$0xF820] =	vst v0  }
0xa2: {  	v0 =	vld [tilespmem:s16+$0xFFFFFEB0]  }
0xa3: {  	v1 =	vld [tilespmem:s16+$0xFFFFFF30];
	_ =	sdelay $0x1  }
0xa4: {  	v2 =	vld [tilespmem:s16+$0xFFFFFFB0];
	_ =	sdelay $0x1  }
0xa5: {  	v3 =	vld [tilespmem:s16+$0x30]  }
0xa6: {  	v0 =	vadd.f32 v1, v0  }
0xa7: {  	v1 =	vld [tilespmem:s16+$0xB0]  }
0xa8: {  	v0 =	vadd.f32 v2, v0  }
0xa9: {  	v2 =	vld [tilespmem:s16+$0x130]  }
0xaa: {  	v0 =	vadd.f32 v3, v0;
	_ =	sdelay $0x1  }
0xab: {  	v0 =	vadd.f32 v1, v0;
	_ =	sdelay $0x1  }
0xac: {  	v0 =	vadd.f32 v2, v0;
	_ =	sdelay $0x1  }
0xad: {  	[tilespmem:s17+$0xF830] =	vst v0  }
0xae: {  	v0 =	vld [tilespmem:s16+$0xFFFFFEC0]  }
0xaf: {  	v1 =	vld [tilespmem:s16+$0xFFFFFF40];
	_ =	sdelay $0x1  }
0xb0: {  	v2 =	vld [tilespmem:s16+$0xFFFFFFC0];
	_ =	sdelay $0x1  }
0xb1: {  	v3 =	vld [tilespmem:s16+$0x40]  }
0xb2: {  	v0 =	vadd.f32 v1, v0  }
0xb3: {  	v1 =	vld [tilespmem:s16+$0xC0]  }
0xb4: {  	v0 =	vadd.f32 v2, v0  }
0xb5: {  	v2 =	vld [tilespmem:s16+$0x140]  }
0xb6: {  	v0 =	vadd.f32 v3, v0;
	_ =	sdelay $0x1  }
0xb7: {  	v0 =	vadd.f32 v1, v0;
	_ =	sdelay $0x1  }
0xb8: {  	v0 =	vadd.f32 v2, v0;
	_ =	sdelay $0x1  }
0xb9: {  	[tilespmem:s17+$0xF840] =	vst v0  }
0xba: {  	v0 =	vld [tilespmem:s16+$0xFFFFFED0]  }
0xbb: {  	v1 =	vld [tilespmem:s16+$0xFFFFFF50]  }
0xbc: {  	v2 =	vld [tilespmem:s16+$0xFFFFFFD0]  }
0xbd: {  	v3 =	vld [tilespmem:s16+$0x50]  }
0xbe: {  	v4 =	vld [tilespmem:s16+$0xD0]  }
0xbf: {  	v5 =	vld [tilespmem:s16+$0x150]  }
0xc0: {  	v0 =	vadd.f32 v1, v0;
	_ =	sdelay $0x1  }
0xc1: {  	v0 =	vadd.f32 v2, v0;
	_ =	sdelay $0x1  }
0xc2: {  	v0 =	vadd.f32 v3, v0;
	_ =	sdelay $0x1  }
0xc3: {  	v0 =	vadd.f32 v4, v0;
	_ =	sdelay $0x1  }
0xc4: {  	v0 =	vadd.f32 v5, v0;
	_ =	sdelay $0x1  }
0xc5: {  	[tilespmem:s17+$0xF850] =	vst v0  }
0xc6: {  	v0 =	vld [tilespmem:s16+$0xFFFFFEE0]  }
0xc7: {  	v1 =	vld [tilespmem:s16+$0xFFFFFF60]  }
0xc8: {  	v2 =	vld [tilespmem:s16+$0xFFFFFFE0]  }
0xc9: {  	v3 =	vld [tilespmem:s16+$0x60]  }
0xca: {  	v4 =	vld [tilespmem:s16+$0xE0]  }
0xcb: {  	v5 =	vld [tilespmem:s16+$0x160]  }
0xcc: {  	v0 =	vadd.f32 v1, v0;
	_ =	sdelay $0x1  }
0xcd: {  	v0 =	vadd.f32 v2, v0;
	_ =	sdelay $0x1  }
0xce: {  	v0 =	vadd.f32 v3, v0;
	_ =	sdelay $0x1  }
0xcf: {  	v0 =	vadd.f32 v4, v0;
	_ =	sdelay $0x1  }
0xd0: {  	v0 =	vadd.f32 v5, v0;
	_ =	sdelay $0x1  }
0xd1: {  	[tilespmem:s17+$0xF860] =	vst v0  }
0xd2: {  	v4 =	vld [tilespmem:s16+$0xFFFFFEF0]  }
0xd3: {  	v5 =	vld [tilespmem:s16+$0xFFFFFF70]  }
.Ltmp0:
0xd4: {  	v3 =	vld [tilespmem:s16+$0xFFFFFFF0];
	(pc) =	sbr.rel @p0 .LBB2_3-.Ltmp0, $4  }
0xd5: {  	v2 =	vld [tilespmem:s16+$0x70]  }
0xd6: {  	v1 =	vld [tilespmem:s16+$0xF0]  }
0xd7: {  	v0 =	vld [tilespmem:s16+$0x170]  }
0xd8: {  	v4 =	vadd.f32 v5, v4  }
0xd9: {  	_ = 	snop  }
0xda: {  	v3 =	vadd.f32 v3, v4;
	_ =	sdelay $0x1  }
0xdb: {  	v2 =	vadd.f32 v2, v3;
	_ =	sdelay $0x1  }
0xdc: {  	s16 =	smul.u32 $0x28, s15;
	v1 =	vadd.f32 v1, v2;
	_ =	sdelay $0x1  }
0xdd: {  	s15 =	sadd.s32 $0x1, s15;
	s16 =	sadd.s32 s5, s16;
	v0 =	vadd.f32 v0, v1  }
0xde: {  	p0 =	sne.s32 s15, $0x7D;
	s16 =	sshll.u32 s16, $0x4  }
.Ltmp1:
0xdf: {  	s16 =	sadd.s32 s4, s16;
	[tilespmem:s17+$0xF870] =	vst v0;
	(pc) =	sbr.rel @p0 .LBB2_2-.Ltmp1, $4  }
0xe0: {  	[hbm4b:s16+s2] =	stream.linear.scatter [tilespmem:s13], [sflag:$0x2], $0x1400, $0x38;
	[tilespmem:$0x10C00] =	vst v63  }
0xe1: {  	_ =	swait.ge [sflag:s8], $0x1400  }
0xe2: {  	[sflag:s8] =	ssyncset.done $0x0  }
0xe3: {  	[sflag:s8] =	ssyncadd.s32 $0xFFFFEC00  }
0xe4: {  	s14 =	sadd.s32 $0x1, s14  }
0xe5: {  	p0 =	sne.s32 s14, s7  }
.Ltmp2:
0xe6: {  	_ = 	snop;
	(pc) =	sbr.rel @p0 .LBB2_1-.Ltmp2, $1  }
0xe7: {  	_ =	sdelay $0x3  }
0xe8: {  	_ =	sfence.sel $0x180000  }
0xe9: {  	[bflag:$0x0] =	sbarrier.arrive $0xFFFF  }
0xea: {  	p0 =	sne.s32 s1, $0x0;
	_ =	strace $0x90000047  }
0xeb: {  	s0 =	sadd.s32 @!p0 $0x100000, s0;
	[bflag:$0x2] =	sbarrier.arrive $0xFFFF  }
0xec: {  	[sflag:s0] =	ssyncadd.tile.s32 @!p0 $0x1;
	_ =	shalt  }
.Lfunc_end2:
_tile_overlayer_lowered:
.L_overlay_start_2:
0xed: {  	(tag) =	ssettag $0x2  }
0xee: {  	s0 =	rddreg [dreg:$0x0];
	s2 =	stileid.u32  }
0xef: {  	s1 =	rddreg [dreg:$0x1];
	p0 =	sne.s32 s2, $0x0  }
0xf0: {  	s3 =	rddreg [dreg:$0x2];
	[bflag:$0x3] =	sbarrier.arrive $0xFFFF;
	s2 =	simm.s32 @!p0 $0x1C02  }
0xf1: {  	[timem:s3], [sflag:s2] =	dma.local @!p0 [hbm:s0], s1  }
0xf2: {  	s0 =	simm.s32 @!p0 $0x2  }
0xf3: {  	_ =	swait.ge @!p0 [sflag:s0], s1  }
0xf4: {  	s1 =	ssub.s32 @!p0 $0x0, s1;
	[sflag:s0] =	ssyncset.done @!p0 $0x0  }
0xf5: {  	[sflag:s0] =	ssyncadd.s32 @!p0 s1  }
0xf6: {  	[bflag:$0x3] =	sbarrier.arrive $0xFFFF  }
0xf7: {  	_ =	shalt  }

// kernel: sc_gather_sum_160000.9.cloned.1.call-start
scs
__scs_entry_jumppad:
0x0: {  	(pc) =	sbr.rel $0x88, $3  }
0x1: {  	(tag) =	ssettag $0x0;
	lr =	simm.s32 $0x1  }
0x2: {  	[smem:$0x3F95] =	sst lr;
	_ =	strace $0xD0000000  }
0x3: {  	_ = 	snop  }
0x4: {  	_ = 	snop  }
0x5: {  	_ = 	snop  }
0x6: {  	_ = 	snop  }
0x7: {  	_ = 	snop  }
__scs_overlays_trampoline_lowered:
0x8: {  	[smem:$0x3FA4] =	sst s0  }
0x9: {  	[smem:$0x3FA5] =	sst s1  }
0xa: {  	[smem:$0x3FA6] =	sst s2  }
0xb: {  	[smem:$0x3FA7] =	sst s3  }
0xc: {  	[smem:$0x3FA8] =	sst s4  }
0xd: {  	[smem:$0x3FA9] =	sst s5  }
0xe: {  	[smem:$0x3FAA] =	sst s6  }
0xf: {  	[smem:$0x3FAB] =	sst s7  }
0x10: {  	[smem:$0x3FAC] =	sst s8  }
0x11: {  	[smem:$0x3FAD] =	sst s9;
	s0 =	simm.s32 @!p0 $0x0  }
0x12: {  	s1 =	sld [smem:$0x3F93];
	s0 =	simm.s32 @p0 $0x1  }
0x13: {  	[smem:$0x3FAE] =	sst s0;
	s0 =	simm.s32 @!p1 $0x0  }
0x14: {  	s2 =	sld [smem:$0x3F92];
	s0 =	simm.s32 @p1 $0x1  }
0x15: {  	[smem:$0x3FAF] =	sst s0;
	s0 =	simm.s32 @!p2 $0x0  }
0x16: {  	s3 =	sld [smem:$0x3FDB];
	s0 =	simm.s32 @p2 $0x1  }
0x17: {  	s4 =	simm.s32 $0x1BF5;
	[smem:$0x3FB1] =	sst s0  }
0x18: {  	s0 =	sld [smem:$0x3F94];
	_ =	swait.ge [sflag:s4], $0x0  }
0x19: {  	s7 =	sld [smem:$0x3F95]  }
0x1a: {  	s8 =	sadd.s32 $0xFFFFE003, lr  }
0x1b: {  	s9 =	sadd.s32 $0xFFFFFEF7, lr;
	s5 =	simm.s32 $0xFFFFFFFF;
	p2 =	slt.u32 s8, $0xFFFFF086  }
0x1c: {  	p1 =	slt.u32 s9, $0xF7A;
	s5 =	simm.s32 @!p2 $0x0  }
0x1d: {  	s5 =	simm.s32 @p1 $0x1;
	p0 =	seq.s32 s7, s2  }
0x1e: {  	s7 =	smul.u32 @!p0 $0xF7A, s2;
	p2 =	seq.s32 @!p0 s5, $0x0  }
0x1f: {  	s9 =	smul.u32 $0xF7A, s1;
	s8 =	simm.s32 @!p0 $0x1BF5;
	p2 =	por !p2, p0  }
0x20: {  	[sflag:s8] =	ssyncset.s32 @!p0 $0xFFFFF086;
	s6 =	sadd.s32 @!p0 s3, s7;
	s7 =	simm.s32 @!p0 $0x108  }
0x21: {  	s3 =	sadd.s32 s3, s9;
	s6 =	sadd.s32 @!p0 $0x88, s6;
	s7 =	simm.s32 @p2 $0x1082  }
0x22: {  	[simem:s7], [sflag:s8] =	dma.local @!p0 [hbm:s6], $0xF7A  }
0x23: {  	s9 =	sor.u32 $0xD0000000, s2;
	s6 =	simm.s32 $0x108;
	_ =	swait.ge @!p0 [sflag:s8], $0x0  }
0x24: {  	s3 =	sadd.s32 $0x88, s3;
	s6 =	simm.s32 @!p1 $0x1082;
	[sflag:s4] =	ssyncset.s32 $0xFFFFF086  }
0x25: {  	[simem:s6], [sflag:s4] =	dma.local [hbm:s3], $0xF7A  }
0x26: {  	[smem:$0x3F95] =	sst s1;
	(tag) =	ssettag s2;
	_ =	strace s9  }
0x27: {  	s1 =	sld [smem:$0x3FA5]  }
0x28: {  	s2 =	sld [smem:$0x3FA6]  }
0x29: {  	s4 =	sld [smem:$0x3FA8]  }
0x2a: {  	p0 =	seq.s32 s5, $0x0;
	s5 =	sld [smem:$0x3FA9]  }
0x2b: {  	s6 =	sld [smem:$0x3FAA]  }
0x2c: {  	s7 =	sld [smem:$0x3FAB]  }
0x2d: {  	s3 =	simm.s32 $0x108;
	s8 =	sld [smem:$0x3FAC]  }
0x2e: {  	s3 =	simm.s32 @!p0 $0x1082;
	s9 =	sld [smem:$0x3FAD]  }
0x2f: {  	lr =	sadd.s32 s0, s3;
	s0 =	sld [smem:$0x3FA4]  }
0x30: {  	s3 =	sld [smem:$0x3FA7]  }
0x31: {  	[smem:$0x3FB0] =	sst s10  }
0x32: {  	s10 =	sld [smem:$0x3FAE];
	_ =	sdelay $0x3  }
0x33: {  	p0 =	seq.s32 s10, $0x1;
	s10 =	sld [smem:$0x3FB0];
	_ =	sdelay $0x3  }
0x34: {  	[smem:$0x3FB0] =	sst s10  }
0x35: {  	s10 =	sld [smem:$0x3FAF];
	_ =	sdelay $0x3  }
0x36: {  	p1 =	seq.s32 s10, $0x1;
	s10 =	sld [smem:$0x3FB0];
	_ =	sdelay $0x3  }
0x37: {  	[smem:$0x3FB0] =	sst s10  }
0x38: {  	s10 =	sld [smem:$0x3FB1]  }
0x39: {  	_ = 	snop;
	(pc) =	sbr.ind lr, $3  }
0x3a: {  	_ = 	snop  }
0x3b: {  	_ = 	snop  }
0x3c: {  	p2 =	seq.s32 s10, $0x1;
	s10 =	sld [smem:$0x3FB0]  }
0x3d: {  	_ =	shalt  }
0x3e: {  	_ =	shalt  }
0x3f: {  	_ =	shalt  }
0x40: {  	_ =	shalt  }
0x41: {  	_ =	shalt  }
0x42: {  	_ =	shalt  }
0x43: {  	_ =	shalt  }
0x44: {  	_ =	shalt  }
0x45: {  	_ =	shalt  }
0x46: {  	_ =	shalt  }
0x47: {  	_ =	shalt  }
0x48: {  	_ =	shalt  }
0x49: {  	_ =	shalt  }
0x4a: {  	_ =	shalt  }
0x4b: {  	_ =	shalt  }
0x4c: {  	_ =	shalt  }
0x4d: {  	_ =	shalt  }
0x4e: {  	_ =	shalt  }
0x4f: {  	_ =	shalt  }
0x50: {  	_ =	shalt  }
0x51: {  	_ =	shalt  }
0x52: {  	_ =	shalt  }
0x53: {  	_ =	shalt  }
0x54: {  	_ =	shalt  }
0x55: {  	_ =	shalt  }
0x56: {  	_ =	shalt  }
0x57: {  	_ =	shalt  }
0x58: {  	_ =	shalt  }
0x59: {  	_ =	shalt  }
0x5a: {  	_ =	shalt  }
0x5b: {  	_ =	shalt  }
0x5c: {  	_ =	shalt  }
0x5d: {  	_ =	shalt  }
0x5e: {  	_ =	shalt  }
0x5f: {  	_ =	shalt  }
0x60: {  	_ =	shalt  }
0x61: {  	_ =	shalt  }
0x62: {  	_ =	shalt  }
0x63: {  	_ =	shalt  }
0x64: {  	_ =	shalt  }
0x65: {  	_ =	shalt  }
0x66: {  	_ =	shalt  }
0x67: {  	_ =	shalt  }
0x68: {  	_ =	shalt  }
0x69: {  	_ =	shalt  }
0x6a: {  	_ =	shalt  }
0x6b: {  	_ =	shalt  }
0x6c: {  	_ =	shalt  }
0x6d: {  	_ =	shalt  }
0x6e: {  	_ =	shalt  }
0x6f: {  	_ =	shalt  }
0x70: {  	_ =	shalt  }
0x71: {  	_ =	shalt  }
0x72: {  	_ =	shalt  }
0x73: {  	_ =	shalt  }
0x74: {  	_ =	shalt  }
0x75: {  	_ =	shalt  }
0x76: {  	_ =	shalt  }
0x77: {  	_ =	shalt  }
0x78: {  	_ =	shalt  }
0x79: {  	_ =	shalt  }
0x7a: {  	_ =	shalt  }
0x7b: {  	_ =	shalt  }
0x7c: {  	_ =	shalt  }
0x7d: {  	_ =	shalt  }
0x7e: {  	_ =	shalt  }
0x7f: {  	_ =	shalt  }
0x80: {  	_ =	shalt  }
0x81: {  	_ =	shalt  }
0x82: {  	_ =	shalt  }
0x83: {  	_ =	shalt  }
0x84: {  	_ =	shalt  }
0x85: {  	_ =	shalt  }
0x86: {  	_ =	shalt  }
0x87: {  	_ =	shalt  }
.Lfunc_end0:
.L_simem_size_0:
called_computation.1_lowered:
.L_overlay_start_0:
0x88: {  	s2 =	sld [smem:$0x3FD9]  }
0x89: {  	s3 =	sld [smem:$0x3FFE];
	_ =	sdelay $0x1  }
0x8a: {  	s1 =	srdreg.scid  }
0x8b: {  	s0 =	sand.u32 $0x1, s1  }
0x8c: {  	s14 =	sshll.u32 s0, $0xA;
	s2 =	sadd.s32 s3, s2  }
0x8d: {  	s2 =	sadd.s32 s2, s14  }
0x8e: {  	[smem:$0x3FBC] =	sst s2  }
0x8f: {  	_ = 	snop  }
0x90: {  	s2 =	sld [smem:$0x3FD0];
	_ =	sdelay $0x2  }
0x91: {  	s15 =	simm.s32 $0xA;
	s4 =	simm.s32 $0x10  }
0x92: {  	[smem:s4], [sflag:s15] =	dma.local [hbm:s2], $0x1  }
0x93: {  	_ =	swait.eq [sflag:s15], $0x1  }
0x94: {  	[sflag:s15] =	ssyncset.done $0x0  }
0x95: {  	[sflag:s15] =	ssyncadd.s32 $0xFFFFFFFF  }
0x96: {  	s16 =	sld [smem:$0x10];
	(tm) =	ssettm $0x1  }
0x97: {  	s17 =	sld [smem:$0x3FFB];
	_ =	sdelay $0x3  }
0x98: {  	_ =	strace s17  }
0x99: {  	s3 =	sld [smem:$0x3FFC];
	_ =	sdelay $0x3  }
0x9a: {  	_ =	strace s3  }
0x9b: {  	s3 =	sld [smem:$0x3FFD];
	_ =	sdelay $0x3  }
0x9c: {  	_ =	strace s3  }
0x9d: {  	_ =	strace $0x8FFFFFFF  }
0x9e: {  	s18 =	sld [smem:$0x3FDB];
	_ =	sdelay $0x1  }
0x9f: {  	s19 =	simm.s32 $_scs_section_size  }
0xa0: {  	s5 =	simm.s32 $_size__tile_overlayer_lowered;
	s6 =	simm.s32 $_tile_overlayer_lowered  }
0xa1: {  	s22 =	simm.s32 $0x1BFF;
	s21 =	sshll.u32 s6, $0x1;
	s3 =	sadd.s32 s19, s18  }
0xa2: {  	s7 =	simm.s32 $0x0;
	s20 =	sshll.u32 s5, $0x1;
	s5 =	sadd.s32 s21, s3  }
0xa3: {  	[timem:s7], [sflag:s22] =	dma.local [hbm:s5], s20  }
0xa4: {  	_ =	swait.ge [sflag:s22], s20  }
0xa5: {  	s4 =	ssub.s32 $0x0, s20;
	[sflag:s22] =	ssyncset.done $0x0  }
0xa6: {  	[sflag:s22] =	ssyncadd.s32 s4;
	_ =	sdelay $0x1  }
0xa7: {  	s23 =	simm.s32 $0x1B8B  }
0xa8: {  	_ =	swait.ge [sflag:s23], $0x1  }
0xa9: {  	[sflag:s23] =	ssyncset.done $0x0  }
0xaa: {  	s25 =	simm.s32 $0x1B8E;
	s24 =	sld [smem:$0x3FFE];
	[sflag:s23] =	ssyncadd.s32 $0xFFFFFFFF  }
0xab: {  	s26 =	simm.s32 $execute0_lowered;
	[smem:$0x3FD2] =	sst s25  }
0xac: {  	s5 =	sshll.u32 s26, $0x1;
	_ =	strace $0x80000049;
	[dreg:$0x1] =	wrdreg $0xFFFFFFFF  }
0xad: {  	s28 =	simm.s32 $_size_execute0_lowered;
	s3 =	sadd.s32 s3, s5;
	[dreg:$0x0] =	wrdreg $0x0  }
0xae: {  	s5 =	sshll.u32 s28, $0x1;
	[dreg:$0x2] =	wrdreg s3  }
0xaf: {  	[dreg:$0x3] =	wrdreg s5  }
0xb0: {  	[dreg:$0x4] =	wrdreg $0xC0  }
0xb1: {  	_ =	task [dreg:s7], $0x5FFFF  }
0xb2: {  	[dreg:$0x1] =	wrdreg $0xFFFFFFFF  }
0xb3: {  	[dreg:$0x0] =	wrdreg $0x60  }
0xb4: {  	[dreg:$0x2] =	wrdreg s24  }
0xb5: {  	[dreg:$0x3] =	wrdreg s16  }
0xb6: {  	[dreg:$0x4] =	wrdreg $0x9  }
0xb7: {  	_ =	task.clear_ibuf [dreg:s7], $0x5FFFF;
	_ =	strace $0x90000049  }
0xb8: {  	s29 =	simm.s32 $0x9;
	_ =	strace $0x8000004B  }
0xb9: {  	_ =	swait.ge [sflag:s29], $0x1  }
0xba: {  	[sflag:s29] =	ssyncadd.s32 $0xFFFFFFFF  }
0xbb: {  	_ =	strace $0x9000004B  }
0xbc: {  	_ =	sfence  }
0xbd: {  	s30 =	sld [smem:$0x0];
	_ =	sdelay $0x2  }
0xbe: {  	s31 =	sshll.u32 s1, $0xD;
	s1 =	sshrl.u32 s1, $0x2  }
0xbf: {  	s3 =	sand.u32 $0x4000, s31;
	s1 =	sadd.s32 s1, s30  }
0xc0: {  	s0 =	sor.u32 s3, s0;
	s1 =	sshll.u32 s1, $0x11  }
0xc1: {  	s0 =	sor.u32 s1, s0  }
0xc2: {  	s0 =	sadd.s32 $0x8F2B, s0  }
0xc3: {  	[sflag:s0] =	ssyncadd.remote.s32 $0x1  }
0xc4: {  	_ =	sfence.sel $0xFFFF  }
0xc5: {  	[dreg:$0x0] =	wrdreg $0xFFFFFFFF;
	(pc) =	sbr.abs _section_cstart, $3  }
0xc6: {  	[dreg:$0x1] =	wrdreg $0xFFFFFFFF  }
0xc7: {  	_ =	task.clear_ibuf [dreg:s7], $0x2FFFF;
	_ =	strace $0x9FFFFFFF  }
0xc8: {  	(tm) =	ssettm $0x7FFFFFFF  }
0xc9: {  	_ =	shalt  }
tec
execute0_lowered:
.L_overlay_start_1:
0x0: {  	(tag) =	ssettag $0x1  }
0x1: {  	s4 =	rddreg [dreg:$0x0]  }
0x2: {  	s6 =	rddreg [dreg:$0x1]  }
0x3: {  	s0 =	rddreg [dreg:$0x2]  }
0x4: {  	s2 =	simm.s32 $0x0;
	s3 =	srdreg.scid;
	s1 =	stileid.u32  }
0x5: {  	s10 =	simm.s32 $0x8000;
	s11 =	simm.s32 $0xBC00;
	s12 =	simm.s32 $0x1  }
0x6: {  	s13 =	simm.s32 $0xF800;
	s14 =	simm.s32 $0x0;
	[smem:$0x7FF] =	sst s2  }
0x7: {  	s5 =	sand.u32 $0x1, s3;
	s3 =	sadd.s32 $0x274800, s4;
	s8 =	sshll.u32 s1, $0x1  }
0x8: {  	s4 =	sadd.s32 $0x3800, s4;
	s7 =	ssub.s32 $0x2, s5;
	s8 =	sor.u32 s5, s8  }
0x9: {  	s9 =	sshrl.u32 s7, $0x1;
	s5 =	smul.u32 $0x1388, s8;
	s8 =	sshll.u32 s8, $0xC  }
0xa: {  	_ =	strace $0x8000004A;
	s7 =	ssub.s32 s7, s9;
	s6 =	sadd.s32 s6, s8  }
0xb: {  	s8 =	simm.s32 $0x2;
	s9 =	simm.s32 $0x78;
	s7 =	smax.u32 s7, $0x1  }
.LBB2_1:
0xc: {  	[tilespmem:s2], [sflag:$0x2] =	stream.linear.gather [hbm4b:s6+s2], $0x7D00, $0x38;
	[tilespmem:$0x10C00] =	vst v63  }
0xd: {  	_ =	swait.ge [sflag:s8], $0x7D00  }
0xe: {  	[sflag:s8] =	ssyncset.done $0x0  }
0xf: {  	s15 =	simm.s32 $0x0;
	[sflag:s8] =	ssyncadd.s32 $0xFFFF8300  }
.LBB2_2:
0x10: {  	s16 =	sshll.u32 s15, $0x8  }
0x11: {  	s16 =	sand.u32 $0x3FFFFF00, s16  }
0x12: {  	[tilespmem:s10], [sflag:$0x1] =	stream.indirect.gather [hbm4b:s3+s9], $0x80, s16, s9, $0xb8;
	[tilespmem:$0x10C00] =	vst v63  }
0x13: {  	s16 =	sor.u32 $0x80, s16  }
0x14: {  	[tilespmem:s11], [sflag:$0x1] =	stream.indirect.gather [hbm4b:s3+s9], $0x80, s16, s9, $0xb8;
	[tilespmem:$0x10C00] =	vst v63  }
0x15: {  	_ =	swait.ge [sflag:s12], $0x3C00  }
0x16: {  	[sflag:s12] =	ssyncset.done $0x0  }
0x17: {  	[sflag:s12] =	ssyncadd.s32 $0xFFFFC400  }
0x18: {  	_ =	swait.ge [sflag:s12], $0x3C00  }
0x19: {  	[sflag:s12] =	ssyncset.done $0x0  }
0x1a: {  	s16 =	simm.s32 $0x8180;
	[sflag:s12] =	ssyncadd.s32 $0xFFFFC400  }
0x1b: {  	v0 =	vld [tilespmem:s16+$0xFFFFFF00]  }
0x1c: {  	v1 =	vld [tilespmem:s16+$0xFFFFFE80];
	_ =	sdelay $0x1  }
0x1d: {  	v2 =	vld [tilespmem:s16+$0xFFFFFF80];
	_ =	sdelay $0x1  }
0x1e: {  	v3 =	vld [tilespmem:s16+$0x0]  }
0x1f: {  	v0 =	vadd.f32 v0, v1  }
0x20: {  	v1 =	vld [tilespmem:s16+$0x80]  }
0x21: {  	v0 =	vadd.f32 v2, v0  }
0x22: {  	v2 =	vld [tilespmem:s16+$0x100]  }
0x23: {  	v0 =	vadd.f32 v3, v0;
	_ =	sdelay $0x1  }
0x24: {  	v0 =	vadd.f32 v1, v0;
	_ =	sdelay $0x1  }
0x25: {  	v0 =	vadd.f32 v2, v0  }
0x26: {  	s17 =	simm.s32 $0x0  }
0x27: {  	[tilespmem:s17+$0xF800] =	vst v0  }
0x28: {  	v0 =	vld [tilespmem:s16+$0xFFFFFE90]  }
0x29: {  	v1 =	vld [tilespmem:s16+$0xFFFFFF10];
	_ =	sdelay $0x1  }
0x2a: {  	v2 =	vld [tilespmem:s16+$0xFFFFFF90];
	_ =	sdelay $0x1  }
0x2b: {  	v3 =	vld [tilespmem:s16+$0x10]  }
0x2c: {  	v0 =	vadd.f32 v1, v0  }
0x2d: {  	v1 =	vld [tilespmem:s16+$0x90]  }
0x2e: {  	v0 =	vadd.f32 v2, v0  }
0x2f: {  	v2 =	vld [tilespmem:s16+$0x110]  }
0x30: {  	v0 =	vadd.f32 v3, v0;
	_ =	sdelay $0x1  }
0x31: {  	v0 =	vadd.f32 v1, v0;
	_ =	sdelay $0x1  }
0x32: {  	v0 =	vadd.f32 v2, v0;
	_ =	sdelay $0x1  }
0x33: {  	[tilespmem:s17+$0xF810] =	vst v0  }
0x34: {  	v0 =	vld [tilespmem:s16+$0xFFFFFEA0]  }
0x35: {  	v1 =	vld [tilespmem:s16+$0xFFFFFF20];
	_ =	sdelay $0x1  }
0x36: {  	v2 =	vld [tilespmem:s16+$0xFFFFFFA0];
	_ =	sdelay $0x1  }
0x37: {  	v3 =	vld [tilespmem:s16+$0x20]  }
0x38: {  	v0 =	vadd.f32 v1, v0  }
0x39: {  	v1 =	vld [tilespmem:s16+$0xA0]  }
0x3a: {  	v0 =	vadd.f32 v2, v0  }
0x3b: {  	v2 =	vld [tilespmem:s16+$0x120]  }
0x3c: {  	v0 =	vadd.f32 v3, v0;
	_ =	sdelay $0x1  }
0x3d: {  	v0 =	vadd.f32 v1, v0;
	_ =	sdelay $0x1  }
0x3e: {  	v0 =	vadd.f32 v2, v0;
	_ =	sdelay $0x1  }
0x3f: {  	[tilespmem:s17+$0xF820] =	vst v0  }
0x40: {  	v0 =	vld [tilespmem:s16+$0xFFFFFEB0]  }
0x41: {  	v1 =	vld [tilespmem:s16+$0xFFFFFF30];
	_ =	sdelay $0x1  }
0x42: {  	v2 =	vld [tilespmem:s16+$0xFFFFFFB0];
	_ =	sdelay $0x1  }
0x43: {  	v3 =	vld [tilespmem:s16+$0x30]  }
0x44: {  	v0 =	vadd.f32 v1, v0  }
0x45: {  	v1 =	vld [tilespmem:s16+$0xB0]  }
0x46: {  	v0 =	vadd.f32 v2, v0  }
0x47: {  	v2 =	vld [tilespmem:s16+$0x130]  }
0x48: {  	v0 =	vadd.f32 v3, v0;
	_ =	sdelay $0x1  }
0x49: {  	v0 =	vadd.f32 v1, v0;
	_ =	sdelay $0x1  }
0x4a: {  	v0 =	vadd.f32 v2, v0;
	_ =	sdelay $0x1  }
0x4b: {  	[tilespmem:s17+$0xF830] =	vst v0  }
0x4c: {  	v0 =	vld [tilespmem:s16+$0xFFFFFEC0]  }
0x4d: {  	v1 =	vld [tilespmem:s16+$0xFFFFFF40];
	_ =	sdelay $0x1  }
0x4e: {  	v2 =	vld [tilespmem:s16+$0xFFFFFFC0];
	_ =	sdelay $0x1  }
0x4f: {  	v3 =	vld [tilespmem:s16+$0x40]  }
0x50: {  	v0 =	vadd.f32 v1, v0  }
0x51: {  	v1 =	vld [tilespmem:s16+$0xC0]  }
0x52: {  	v0 =	vadd.f32 v2, v0  }
0x53: {  	v2 =	vld [tilespmem:s16+$0x140]  }
0x54: {  	v0 =	vadd.f32 v3, v0;
	_ =	sdelay $0x1  }
0x55: {  	v0 =	vadd.f32 v1, v0;
	_ =	sdelay $0x1  }
0x56: {  	v0 =	vadd.f32 v2, v0;
	_ =	sdelay $0x1  }
0x57: {  	[tilespmem:s17+$0xF840] =	vst v0  }
0x58: {  	v0 =	vld [tilespmem:s16+$0xFFFFFED0]  }
0x59: {  	v1 =	vld [tilespmem:s16+$0xFFFFFF50];
	_ =	sdelay $0x1  }
0x5a: {  	v2 =	vld [tilespmem:s16+$0xFFFFFFD0];
	_ =	sdelay $0x1  }
0x5b: {  	v3 =	vld [tilespmem:s16+$0x50]  }
0x5c: {  	v0 =	vadd.f32 v1, v0  }
0x5d: {  	v1 =	vld [tilespmem:s16+$0xD0]  }
0x5e: {  	v0 =	vadd.f32 v2, v0  }
0x5f: {  	v2 =	vld [tilespmem:s16+$0x150]  }
0x60: {  	v0 =	vadd.f32 v3, v0;
	_ =	sdelay $0x1  }
0x61: {  	v0 =	vadd.f32 v1, v0;
	_ =	sdelay $0x1  }
0x62: {  	v0 =	vadd.f32 v2, v0;
	_ =	sdelay $0x1  }
0x63: {  	[tilespmem:s17+$0xF850] =	vst v0  }
0x64: {  	v0 =	vld [tilespmem:s16+$0xFFFFFEE0]  }
0x65: {  	v1 =	vld [tilespmem:s16+$0xFFFFFF60];
	_ =	sdelay $0x1  }
0x66: {  	v2 =	vld [tilespmem:s16+$0xFFFFFFE0];
	_ =	sdelay $0x1  }
0x67: {  	v3 =	vld [tilespmem:s16+$0x60]  }
0x68: {  	v0 =	vadd.f32 v1, v0  }
0x69: {  	v1 =	vld [tilespmem:s16+$0xE0]  }
0x6a: {  	v0 =	vadd.f32 v2, v0  }
0x6b: {  	v2 =	vld [tilespmem:s16+$0x160]  }
0x6c: {  	v0 =	vadd.f32 v3, v0;
	_ =	sdelay $0x1  }
0x6d: {  	v0 =	vadd.f32 v1, v0;
	_ =	sdelay $0x1  }
0x6e: {  	v0 =	vadd.f32 v2, v0;
	_ =	sdelay $0x1  }
0x6f: {  	[tilespmem:s17+$0xF860] =	vst v0  }
0x70: {  	v4 =	vld [tilespmem:s16+$0xFFFFFEF0]  }
0x71: {  	v5 =	vld [tilespmem:s16+$0xFFFFFF70];
	_ =	sdelay $0x1  }
0x72: {  	v3 =	vld [tilespmem:s16+$0xFFFFFFF0]  }
0x73: {  	v2 =	vld [tilespmem:s16+$0x70]  }
0x74: {  	v1 =	vld [tilespmem:s16+$0xF0]  }
0x75: {  	s18 =	simm.s32 $0x200;
	v0 =	vld [tilespmem:s16+$0x170];
	v4 =	vadd.f32 v5, v4  }
.LBB2_3:
0x76: {  	p0 =	sne.s32 s18, $0x4E00  }
0x77: {  	s16 =	sadd.s32 $0x300, s16;
	s19 =	smov.u32 s18;
	s18 =	sadd.s32 $0x200, s18  }
0x78: {  	v3 =	vadd.f32 v3, v4;
	_ =	sdelay $0x1  }
0x79: {  	v2 =	vadd.f32 v2, v3;
	_ =	sdelay $0x1  }
0x7a: {  	v1 =	vadd.f32 v1, v2;
	_ =	sdelay $0x1  }
0x7b: {  	v0 =	vadd.f32 v0, v1;
	_ =	sdelay $0x1  }
0x7c: {  	[tilespmem:s17+$0xF870] =	vst v0  }
0x7d: {  	v0 =	vld [tilespmem:s16+$0xFFFFFF00]  }
0x7e: {  	v1 =	vld [tilespmem:s16+$0xFFFFFE80];
	_ =	sdelay $0x1  }
0x7f: {  	v2 =	vld [tilespmem:s16+$0xFFFFFF80]  }
0x80: {  	v3 =	vld [tilespmem:s16+$0x0];
	_ =	sdelay $0x1  }
0x81: {  	v0 =	vadd.f32 v0, v1  }
0x82: {  	v1 =	vld [tilespmem:s16+$0x80]  }
0x83: {  	v0 =	vadd.f32 v2, v0  }
0x84: {  	v2 =	vld [tilespmem:s16+$0x100]  }
0x85: {  	v0 =	vadd.f32 v3, v0;
	_ =	sdelay $0x1  }
0x86: {  	v0 =	vadd.f32 v1, v0;
	_ =	sdelay $0x1  }
0x87: {  	v0 =	vadd.f32 v2, v0  }
0x88: {  	s17 =	sshra.s32 s19, $0x2  }
0x89: {  	[tilespmem:s17+$0xF800] =	vst v0  }
0x8a: {  	v0 =	vld [tilespmem:s16+$0xFFFFFE90]  }
0x8b: {  	v1 =	vld [tilespmem:s16+$0xFFFFFF10];
	_ =	sdelay $0x1  }
0x8c: {  	v2 =	vld [tilespmem:s16+$0xFFFFFF90];
	_ =	sdelay $0x1  }
0x8d: {  	v3 =	vld [tilespmem:s16+$0x10]  }
0x8e: {  	v0 =	vadd.f32 v1, v0  }
0x8f: {  	v1 =	vld [tilespmem:s16+$0x90]  }
0x90: {  	v0 =	vadd.f32 v2, v0  }
0x91: {  	v2 =	vld [tilespmem:s16+$0x110]  }
0x92: {  	v0 =	vadd.f32 v3, v0;
	_ =	sdelay $0x1  }
0x93: {  	v0 =	vadd.f32 v1, v0;
	_ =	sdelay $0x1  }
0x94: {  	v0 =	vadd.f32 v2, v0;
	_ =	sdelay $0x1  }
0x95: {  	[tilespmem:s17+$0xF810] =	vst v0  }
0x96: {  	v0 =	vld [tilespmem:s16+$0xFFFFFEA0]  }
0x97: {  	v1 =	vld [tilespmem:s16+$0xFFFFFF20];
	_ =	sdelay $0x1  }
0x98: {  	v2 =	vld [tilespmem:s16+$0xFFFFFFA0];
	_ =	sdelay $0x1  }
0x99: {  	v3 =	vld [tilespmem:s16+$0x20]  }
0x9a: {  	v0 =	vadd.f32 v1, v0  }
0x9b: {  	v1 =	vld [tilespmem:s16+$0xA0]  }
0x9c: {  	v0 =	vadd.f32 v2, v0  }
0x9d: {  	v2 =	vld [tilespmem:s16+$0x120]  }
0x9e: {  	v0 =	vadd.f32 v3, v0;
	_ =	sdelay $0x1  }
0x9f: {  	v0 =	vadd.f32 v1, v0;
	_ =	sdelay $0x1  }
0xa0: {  	v0 =	vadd.f32 v2, v0;
	_ =	sdelay $0x1  }
0xa1: {  	[tilespmem:s17+$0xF820] =	vst v0  }
0xa2: {  	v0 =	vld [tilespmem:s16+$0xFFFFFEB0]  }
0xa3: {  	v1 =	vld [tilespmem:s16+$0xFFFFFF30];
	_ =	sdelay $0x1  }
0xa4: {  	v2 =	vld [tilespmem:s16+$0xFFFFFFB0];
	_ =	sdelay $0x1  }
0xa5: {  	v3 =	vld [tilespmem:s16+$0x30]  }
0xa6: {  	v0 =	vadd.f32 v1, v0  }
0xa7: {  	v1 =	vld [tilespmem:s16+$0xB0]  }
0xa8: {  	v0 =	vadd.f32 v2, v0  }
0xa9: {  	v2 =	vld [tilespmem:s16+$0x130]  }
0xaa: {  	v0 =	vadd.f32 v3, v0;
	_ =	sdelay $0x1  }
0xab: {  	v0 =	vadd.f32 v1, v0;
	_ =	sdelay $0x1  }
0xac: {  	v0 =	vadd.f32 v2, v0;
	_ =	sdelay $0x1  }
0xad: {  	[tilespmem:s17+$0xF830] =	vst v0  }
0xae: {  	v0 =	vld [tilespmem:s16+$0xFFFFFEC0]  }
0xaf: {  	v1 =	vld [tilespmem:s16+$0xFFFFFF40];
	_ =	sdelay $0x1  }
0xb0: {  	v2 =	vld [tilespmem:s16+$0xFFFFFFC0];
	_ =	sdelay $0x1  }
0xb1: {  	v3 =	vld [tilespmem:s16+$0x40]  }
0xb2: {  	v0 =	vadd.f32 v1, v0  }
0xb3: {  	v1 =	vld [tilespmem:s16+$0xC0]  }
0xb4: {  	v0 =	vadd.f32 v2, v0  }
0xb5: {  	v2 =	vld [tilespmem:s16+$0x140]  }
0xb6: {  	v0 =	vadd.f32 v3, v0;
	_ =	sdelay $0x1  }
0xb7: {  	v0 =	vadd.f32 v1, v0;
	_ =	sdelay $0x1  }
0xb8: {  	v0 =	vadd.f32 v2, v0;
	_ =	sdelay $0x1  }
0xb9: {  	[tilespmem:s17+$0xF840] =	vst v0  }
0xba: {  	v0 =	vld [tilespmem:s16+$0xFFFFFED0]  }
0xbb: {  	v1 =	vld [tilespmem:s16+$0xFFFFFF50]  }
0xbc: {  	v2 =	vld [tilespmem:s16+$0xFFFFFFD0]  }
0xbd: {  	v3 =	vld [tilespmem:s16+$0x50]  }
0xbe: {  	v4 =	vld [tilespmem:s16+$0xD0]  }
0xbf: {  	v5 =	vld [tilespmem:s16+$0x150]  }
0xc0: {  	v0 =	vadd.f32 v1, v0;
	_ =	sdelay $0x1  }
0xc1: {  	v0 =	vadd.f32 v2, v0;
	_ =	sdelay $0x1  }
0xc2: {  	v0 =	vadd.f32 v3, v0;
	_ =	sdelay $0x1  }
0xc3: {  	v0 =	vadd.f32 v4, v0;
	_ =	sdelay $0x1  }
0xc4: {  	v0 =	vadd.f32 v5, v0;
	_ =	sdelay $0x1  }
0xc5: {  	[tilespmem:s17+$0xF850] =	vst v0  }
0xc6: {  	v0 =	vld [tilespmem:s16+$0xFFFFFEE0]  }
0xc7: {  	v1 =	vld [tilespmem:s16+$0xFFFFFF60]  }
0xc8: {  	v2 =	vld [tilespmem:s16+$0xFFFFFFE0]  }
0xc9: {  	v3 =	vld [tilespmem:s16+$0x60]  }
0xca: {  	v4 =	vld [tilespmem:s16+$0xE0]  }
0xcb: {  	v5 =	vld [tilespmem:s16+$0x160]  }
0xcc: {  	v0 =	vadd.f32 v1, v0;
	_ =	sdelay $0x1  }
0xcd: {  	v0 =	vadd.f32 v2, v0;
	_ =	sdelay $0x1  }
0xce: {  	v0 =	vadd.f32 v3, v0;
	_ =	sdelay $0x1  }
0xcf: {  	v0 =	vadd.f32 v4, v0;
	_ =	sdelay $0x1  }
0xd0: {  	v0 =	vadd.f32 v5, v0;
	_ =	sdelay $0x1  }
0xd1: {  	[tilespmem:s17+$0xF860] =	vst v0  }
0xd2: {  	v4 =	vld [tilespmem:s16+$0xFFFFFEF0]  }
0xd3: {  	v5 =	vld [tilespmem:s16+$0xFFFFFF70]  }
.Ltmp0:
0xd4: {  	v3 =	vld [tilespmem:s16+$0xFFFFFFF0];
	(pc) =	sbr.rel @p0 .LBB2_3-.Ltmp0, $4  }
0xd5: {  	v2 =	vld [tilespmem:s16+$0x70]  }
0xd6: {  	v1 =	vld [tilespmem:s16+$0xF0]  }
0xd7: {  	v0 =	vld [tilespmem:s16+$0x170]  }
0xd8: {  	v4 =	vadd.f32 v5, v4  }
0xd9: {  	_ = 	snop  }
0xda: {  	v3 =	vadd.f32 v3, v4;
	_ =	sdelay $0x1  }
0xdb: {  	v2 =	vadd.f32 v2, v3;
	_ =	sdelay $0x1  }
0xdc: {  	s16 =	smul.u32 $0x28, s15;
	v1 =	vadd.f32 v1, v2;
	_ =	sdelay $0x1  }
0xdd: {  	s15 =	sadd.s32 $0x1, s15;
	s16 =	sadd.s32 s5, s16;
	v0 =	vadd.f32 v0, v1  }
0xde: {  	p0 =	sne.s32 s15, $0x7D;
	s16 =	sshll.u32 s16, $0x4  }
.Ltmp1:
0xdf: {  	s16 =	sadd.s32 s4, s16;
	[tilespmem:s17+$0xF870] =	vst v0;
	(pc) =	sbr.rel @p0 .LBB2_2-.Ltmp1, $4  }
0xe0: {  	[hbm4b:s16+s2] =	stream.linear.scatter [tilespmem:s13], [sflag:$0x2], $0x1400, $0x38;
	[tilespmem:$0x10C00] =	vst v63  }
0xe1: {  	_ =	swait.ge [sflag:s8], $0x1400  }
0xe2: {  	[sflag:s8] =	ssyncset.done $0x0  }
0xe3: {  	[sflag:s8] =	ssyncadd.s32 $0xFFFFEC00  }
0xe4: {  	s14 =	sadd.s32 $0x1, s14  }
0xe5: {  	p0 =	sne.s32 s14, s7  }
.Ltmp2:
0xe6: {  	_ = 	snop;
	(pc) =	sbr.rel @p0 .LBB2_1-.Ltmp2, $1  }
0xe7: {  	_ =	sdelay $0x3  }
0xe8: {  	_ =	sfence.sel $0x180000  }
0xe9: {  	[bflag:$0x0] =	sbarrier.arrive $0xFFFF  }
0xea: {  	p0 =	sne.s32 s1, $0x0;
	_ =	strace $0x9000004A  }
0xeb: {  	s0 =	sadd.s32 @!p0 $0x100000, s0;
	[bflag:$0x2] =	sbarrier.arrive $0xFFFF  }
0xec: {  	[sflag:s0] =	ssyncadd.tile.s32 @!p0 $0x1;
	_ =	shalt  }
.Lfunc_end2:
_tile_overlayer_lowered:
.L_overlay_start_2:
0xed: {  	(tag) =	ssettag $0x2  }
0xee: {  	s0 =	rddreg [dreg:$0x0];
	s2 =	stileid.u32  }
0xef: {  	s1 =	rddreg [dreg:$0x1];
	p0 =	sne.s32 s2, $0x0  }
0xf0: {  	s3 =	rddreg [dreg:$0x2];
	[bflag:$0x3] =	sbarrier.arrive $0xFFFF;
	s2 =	simm.s32 @!p0 $0x1C02  }
0xf1: {  	[timem:s3], [sflag:s2] =	dma.local @!p0 [hbm:s0], s1  }
0xf2: {  	s0 =	simm.s32 @!p0 $0x2  }
0xf3: {  	_ =	swait.ge @!p0 [sflag:s0], s1  }
0xf4: {  	s1 =	ssub.s32 @!p0 $0x0, s1;
	[sflag:s0] =	ssyncset.done @!p0 $0x0  }
0xf5: {  	[sflag:s0] =	ssyncadd.s32 @!p0 s1  }
0xf6: {  	[bflag:$0x3] =	sbarrier.arrive $0xFFFF  }
0xf7: {  	_ =	shalt  }

</sc_bundles>
